<compile_context>
chip_gen: v7x
topology: tpu7x:2x2x1
jax: 0.10.2.dev20260603
libtpu: 0.0.44.dev20260713+nightly
codegen_flags: <defaults>
</compile_context>

<pallas_src>
import functools

import jax
import jax.numpy as jnp
from jax import lax
from jax.experimental import pallas as pl
from jax.experimental.pallas import tpu as pltpu
from jax.experimental.pallas import tpu_sc as plsc

N_NODES = 10000
N_EDGES = 320000
D_IN = 128
D_HID = 256
N_CLASSES = 64

NC = 2
NS = 16
N_PAD = 10240
BLK = 128
SUB = 8
EDGE_ROWS = 2500
EDGE_ROWS_PAD = 2560
BLKS_PER_TILE = EDGE_ROWS_PAD // (NC * NS)
NCHUNK = BLKS_PER_TILE // SUB
HALF_CHUNKS = NCHUNK // 2
NODES_PER_TILE = N_PAD // NS


def _seg_sum_body(d, with_count, x_hbm, src_hbm, dst_hbm, *refs):
    if with_count:
        (out_hbm, cnt_hbm, src_idx, dst_idx, rows, rows1, ones,
         acc, cnt_acc, gsem, gsem1, isem, csem) = refs
    else:
        (out_hbm, src_idx, dst_idx, rows, rows1, acc,
         gsem, gsem1, isem) = refs
        cnt_hbm = cnt_acc = ones = csem = None

    cid = lax.axis_index("c")
    sid = lax.axis_index("s")
    wid = cid * NS + sid
    base_c = wid * NCHUNK

    pltpu.async_copy(src_hbm.at[pl.ds(base_c, HALF_CHUNKS)], src_idx, isem)
    pltpu.async_copy(dst_hbm.at[pl.ds(base_c, HALF_CHUNKS)], dst_idx, isem)

    def zero_rows(i, _):
        for k in range(d // 16):
            rows[i, pl.ds(k * 16, 16)] = jnp.zeros((16,), jnp.float32)
        return _
    lax.fori_loop(0, BLK, zero_rows, None)
    if with_count:
        def fill_cnt(i, _):
            ones[pl.ds(i * 16, 16)] = jnp.full((16,), 1.0, jnp.float32)
            return _
        lax.fori_loop(0, BLK // 16, fill_cnt, None)

    base_n = sid * NODES_PER_TILE
    for k in range(NODES_PER_TILE // BLK):
        pltpu.sync_copy(rows, acc.at[pl.ds(base_n + k * BLK, BLK)])
        if with_count:
            pltpu.sync_copy(rows.at[0],
                            cnt_acc.at[pl.ds(base_n + k * BLK, BLK)])
    plsc.subcore_barrier()

    nblk = jnp.where(wid == NC * NS - 1,
                     BLKS_PER_TILE - (EDGE_ROWS_PAD - EDGE_ROWS),
                     BLKS_PER_TILE)
    HALF = HALF_CHUNKS * SUB

    def fire(j, buf, sem):
        pltpu.async_copy(x_hbm.at[src_idx.at[j // SUB, j % SUB]], buf, sem)

    def wait(buf, sem):
        pltpu.make_async_copy(x_hbm.at[src_idx.at[0, 0]], buf, sem).wait()

    def scat(j, buf):
        pltpu.sync_copy(buf, acc.at[dst_idx.at[j // SUB, j % SUB]], add=True)
        if with_count:
            pltpu.async_copy(ones, cnt_acc.at[dst_idx.at[j // SUB, j % SUB]],
                             csem, add=True)

    for h in range(BLKS_PER_TILE // HALF):
        if h == 0:
            pltpu.make_async_copy(src_hbm.at[pl.ds(base_c, HALF_CHUNKS)],
                                  src_idx, isem).wait()
            pltpu.make_async_copy(dst_hbm.at[pl.ds(base_c, HALF_CHUNKS)],
                                  dst_idx, isem).wait()
        else:
            pltpu.sync_copy(src_hbm.at[pl.ds(base_c + h * HALF_CHUNKS,
                                             HALF_CHUNKS)], src_idx)
            pltpu.sync_copy(dst_hbm.at[pl.ds(base_c + h * HALF_CHUNKS,
                                             HALF_CHUNKS)], dst_idx)
        t = jnp.clip(nblk - h * HALF, 0, HALF)

        @pl.when(t > 0)
        def _prime():
            fire(0, rows, gsem)

        def pair(j2, _):
            j0 = 2 * j2
            j1 = j0 + 1
            fire(j1, rows1, gsem1)
            wait(rows, gsem)
            scat(j0, rows)

            @pl.when(j1 + 1 < t)
            def _next():
                fire(j1 + 1, rows, gsem)
            wait(rows1, gsem1)
            scat(j1, rows1)
            return _
        lax.fori_loop(0, t // 2, pair, None)
        if with_count:
            def drain_cnt(j, _):
                pltpu.make_async_copy(ones, cnt_acc.at[dst_idx.at[0, 0]],
                                      csem).wait()
                return _
            lax.fori_loop(0, t, drain_cnt, None)
    plsc.subcore_barrier()

    pltpu.sync_copy(acc.at[pl.ds(base_n, NODES_PER_TILE)],
                    out_hbm.at[cid, pl.ds(base_n, NODES_PER_TILE)])
    if with_count:
        pltpu.sync_copy(cnt_acc.at[pl.ds(base_n, NODES_PER_TILE)],
                        cnt_hbm.at[cid, pl.ds(base_n, NODES_PER_TILE)])


def _make_seg_sum(d, with_count):
    mesh = plsc.VectorSubcoreMesh(core_axis_name="c", subcore_axis_name="s",
                                  num_cores=NC, num_subcores=NS)
    out_type = [jax.ShapeDtypeStruct((NC, N_PAD, d), jnp.float32)]
    scratch = [
        pltpu.VMEM((HALF_CHUNKS, SUB, BLK), jnp.int32),
        pltpu.VMEM((HALF_CHUNKS, SUB, BLK), jnp.int32),
        pltpu.VMEM((BLK, d), jnp.float32),
        pltpu.VMEM((BLK, d), jnp.float32),
    ]
    if with_count:
        out_type.append(jax.ShapeDtypeStruct((NC, N_PAD), jnp.float32))
        scratch += [pltpu.VMEM((BLK,), jnp.float32)]
    scratch += [pltpu.VMEM_SHARED((N_PAD, d), jnp.float32)]
    if with_count:
        scratch += [pltpu.VMEM_SHARED((N_PAD,), jnp.float32)]
    scratch += [pltpu.SemaphoreType.DMA] * (4 if with_count else 3)
    cp = (None if with_count else
          pltpu.CompilerParams(use_tc_tiling_on_sc=False))
    return pl.kernel(functools.partial(_seg_sum_body, d, with_count),
                     out_type=out_type, mesh=mesh, scratch_types=scratch,
                     compiler_params=cp, name=f"sage_seg_sum_d{d}")


def _layer1_tc(P_ref, cnt_ref, x_ref, Wl1_ref, bl1_ref, Wr1_ref,
               Wl2_ref, bl2_ref, Wr2_ref, p_ref, q_ref):
    c = cnt_ref[0] + cnt_ref[1]
    mean = (P_ref[0] + P_ref[1]) * (1.0 / jnp.maximum(c, 1.0))
    h = jnp.dot(mean, Wl1_ref[...], preferred_element_type=jnp.float32)
    h = h + jnp.dot(x_ref[...], Wr1_ref[...],
                    preferred_element_type=jnp.float32)
    h = jnp.maximum(h + bl1_ref[...], 0.0)
    p_ref[...] = jnp.dot(h, Wl2_ref[...], preferred_element_type=jnp.float32)
    q_ref[...] = (jnp.dot(h, Wr2_ref[...], preferred_element_type=jnp.float32)
                  + bl2_ref[...])


def _layer2_tc(P2_ref, cnt_ref, q_ref, o_ref):
    c = cnt_ref[0] + cnt_ref[1]
    agg = P2_ref[0] + P2_ref[1]
    z = agg * (1.0 / jnp.maximum(c, 1.0)) + q_ref[...]
    m = jnp.max(z, axis=1, keepdims=True)
    e = jnp.exp(z - m)
    s = jnp.sum(e, axis=1, keepdims=True)
    o_ref[...] = z - m - jnp.log(s)


_ROWS_B = 2000


def kernel(x, edge_index, batch, Wl1, bl1, Wr1, Wl2, bl2, Wr2):
    del batch
    pad = EDGE_ROWS_PAD * BLK - N_EDGES
    ep = jnp.pad(edge_index.astype(jnp.int32), ((0, 0), (0, pad)))
    src3d = ep[0].reshape(EDGE_ROWS_PAD // SUB, SUB, BLK)
    dst3d = ep[1].reshape(EDGE_ROWS_PAD // SUB, SUB, BLK)

    P1, cnt = _make_seg_sum(D_IN, True)(x, src3d, dst3d)
    cnt3 = cnt.reshape(NC, N_PAD, 1)

    grid = (N_NODES // _ROWS_B,)
    p, q = pl.pallas_call(
        _layer1_tc,
        grid=grid,
        in_specs=[
            pl.BlockSpec((NC, _ROWS_B, D_IN), lambda i: (0, i, 0)),
            pl.BlockSpec((NC, _ROWS_B, 1), lambda i: (0, i, 0)),
            pl.BlockSpec((_ROWS_B, D_IN), lambda i: (i, 0)),
            pl.BlockSpec((D_IN, D_HID), lambda i: (0, 0)),
            pl.BlockSpec((1, D_HID), lambda i: (0, 0)),
            pl.BlockSpec((D_IN, D_HID), lambda i: (0, 0)),
            pl.BlockSpec((D_HID, N_CLASSES), lambda i: (0, 0)),
            pl.BlockSpec((1, N_CLASSES), lambda i: (0, 0)),
            pl.BlockSpec((D_HID, N_CLASSES), lambda i: (0, 0)),
        ],
        out_specs=[
            pl.BlockSpec((_ROWS_B, N_CLASSES), lambda i: (i, 0)),
            pl.BlockSpec((_ROWS_B, N_CLASSES), lambda i: (i, 0)),
        ],
        out_shape=[
            jax.ShapeDtypeStruct((N_NODES, N_CLASSES), jnp.float32),
            jax.ShapeDtypeStruct((N_NODES, N_CLASSES), jnp.float32),
        ],
    )(P1, cnt3, x, Wl1, bl1.reshape(1, D_HID), Wr1,
      Wl2, bl2.reshape(1, N_CLASSES), Wr2)

    (P2,) = _make_seg_sum(N_CLASSES, False)(p, src3d, dst3d)

    out = pl.pallas_call(
        _layer2_tc,
        grid=grid,
        in_specs=[
            pl.BlockSpec((NC, _ROWS_B, N_CLASSES), lambda i: (0, i, 0)),
            pl.BlockSpec((NC, _ROWS_B, 1), lambda i: (0, i, 0)),
            pl.BlockSpec((_ROWS_B, N_CLASSES), lambda i: (i, 0)),
        ],
        out_specs=pl.BlockSpec((_ROWS_B, N_CLASSES), lambda i: (i, 0)),
        out_shape=jax.ShapeDtypeStruct((N_NODES, N_CLASSES), jnp.float32),
    )(P2, cnt3, q)
    return out

# --- scband reference (transcript-rebuilt; emitter-appended) ---
"""Pipeline reference for scband-graph-sage-5222680232344 (READ-ONLY COPY).

The authoritative reference and input builder live on the scoring server;
editing this copy changes nothing except your own understanding.
"""

import jax, jax.numpy as jnp
import numpy as np

N_NODES = 10000
N_EDGES = 320000
D_IN = 128
D_HID = 256
N_CLASSES = 64


def setup_inputs(seed: int = 0) -> dict:
    key = jax.random.key(seed)
    ks = jax.random.split(key, 9)
    x = jax.random.normal(ks[0], (N_NODES, D_IN), dtype=jnp.float32)
    edge_index = jax.random.randint(ks[1], (2, N_EDGES), 0, N_NODES)
    batch = jnp.zeros((N_NODES,), dtype=jnp.int32)
    # SAGEConv layer 1 params: lin_l (neighbor agg, with bias), lin_r (root)
    s1 = 1.0 / np.sqrt(D_IN)
    Wl1 = jax.random.uniform(ks[2], (D_IN, D_HID), jnp.float32, -s1, s1)
    bl1 = jax.random.uniform(ks[3], (D_HID,), jnp.float32, -s1, s1)
    Wr1 = jax.random.uniform(ks[4], (D_IN, D_HID), jnp.float32, -s1, s1)
    # SAGEConv layer 2 params
    s2 = 1.0 / np.sqrt(D_HID)
    Wl2 = jax.random.uniform(ks[5], (D_HID, N_CLASSES), jnp.float32, -s2, s2)
    bl2 = jax.random.uniform(ks[6], (N_CLASSES,), jnp.float32, -s2, s2)
    Wr2 = jax.random.uniform(ks[7], (D_HID, N_CLASSES), jnp.float32, -s2, s2)
    return {"x": x, "edge_index": edge_index, "batch": batch,
            "Wl1": Wl1, "bl1": bl1, "Wr1": Wr1,
            "Wl2": Wl2, "bl2": bl2, "Wr2": Wr2}


def _sage_conv(x, edge_index, Wl, bl, Wr):
    # PyG SAGEConv with mean aggregation:
    # out = lin_l(mean_{j in N(i)} x_j) + lin_r(x_i)
    src = edge_index[0]
    dst = edge_index[1]
    msg = jnp.take(x, src, axis=0)
    agg = jax.ops.segment_sum(msg, dst, num_segments=N_NODES)
    cnt = jax.ops.segment_sum(jnp.ones((msg.shape[0],), x.dtype), dst, num_segments=N_NODES)
    mean = agg / jnp.maximum(cnt, 1.0)[:, None]
    return mean @ Wl + bl + x @ Wr


def reference(x, edge_index, batch, Wl1, bl1, Wr1, Wl2, bl2, Wr2):
    h = jax.nn.relu(_sage_conv(x, edge_index, Wl1, bl1, Wr1))
    # F.dropout with training=False (eval mode) is identity
    out = _sage_conv(h, edge_index, Wl2, bl2, Wr2)
    return jax.nn.log_softmax(out, axis=1)

if __name__ == "__main__":
    import jax
    _d = setup_inputs()
    print(jax.jit(kernel)(*tuple(_d.values())))

</pallas_src>

<mosaic_0001>
#map = affine_map<(d0, d1) -> (0, 0)>
#map1 = affine_map<(d0, d1) -> (0, 0, 0)>
module attributes {stable_mosaic.version = 14 : i64} {
  func.func @sage_seg_sum_d128(%arg0: i32, %arg1: i32, %arg2: memref<10000x128xf32, #tpu.memory_space<hbm>>, %arg3: memref<320x8x128xi32, #tpu.memory_space<hbm>>, %arg4: memref<320x8x128xi32, #tpu.memory_space<hbm>>, %arg5: memref<2x10240x128xf32, #tpu.memory_space<hbm>>, %arg6: memref<2x10240xf32, #tpu.memory_space<hbm>>, %arg7: memref<5x8x128xi32, #tpu.memory_space<vmem>>, %arg8: memref<5x8x128xi32, #tpu.memory_space<vmem>>, %arg9: memref<128x128xf32, #tpu.memory_space<vmem>>, %arg10: memref<128x128xf32, #tpu.memory_space<vmem>>, %arg11: memref<128xf32, #tpu.memory_space<vmem>>, %arg12: memref<10240x128xf32, #tpu.memory_space<vmem_shared>>, %arg13: memref<10240xf32, #tpu.memory_space<vmem_shared>>, %arg14: memref<!tpu.dma_semaphore, #tpu.memory_space<semaphore_mem>>, %arg15: memref<!tpu.dma_semaphore, #tpu.memory_space<semaphore_mem>>, %arg16: memref<!tpu.dma_semaphore, #tpu.memory_space<semaphore_mem>>, %arg17: memref<!tpu.dma_semaphore, #tpu.memory_space<semaphore_mem>>) attributes {dimension_semantics = [#tpu.dimension_semantics<core_parallel>, #tpu.dimension_semantics<subcore_parallel>], iteration_bounds = array<i64: 2, 16>, scalar_prefetch = 0 : i64, scratch_operands = 11 : i64, tpu.core_type = #tpu.core_type<sc_vector_subcore>, window_params = [{transform_indices = #map}, {transform_indices = #map1}, {transform_indices = #map1}, {transform_indices = #map1}, {transform_indices = #map}]} {
    %mul3A = arith.constant 16 : i32
    %mul3A_0 = arith.muli %arg0, %mul3A : i32
    %add3A = arith.addi %mul3A_0, %arg1 : i32
    %mul3A_1 = arith.constant 10 : i32
    %mul3A_2 = arith.muli %add3A, %mul3A_1 : i32
    %dma_start3A = arith.constant 0 : i32
    %dma_start3A_3 = arith.constant 0 : i32
    %dma_start3A_4 = tpu.memref_slice %arg3[%mul3A_2, %dma_start3A, %dma_start3A_3] : memref<320x8x128xi32, #tpu.memory_space<hbm>> -> memref<5x8x128xi32, #tpu.memory_space<hbm>>
    %dma_start3A_5 = arith.constant 0 : i32
    %dma_start3A_6 = arith.constant 0 : i32
    %dma_start3A_7 = tpu.memref_slice %arg3[%mul3A_2, %dma_start3A_5, %dma_start3A_6] : memref<320x8x128xi32, #tpu.memory_space<hbm>> -> memref<5x8x128xi32, #tpu.memory_space<hbm>>
    tpu.enqueue_dma source(%dma_start3A_7 : memref<5x8x128xi32, #tpu.memory_space<hbm>>) target(%arg7 : memref<5x8x128xi32, #tpu.memory_space<vmem>>) target_semaphore(%arg16 : memref<!tpu.dma_semaphore, #tpu.memory_space<semaphore_mem>>)
    %dma_start3A_8 = arith.constant 0 : i32
    %dma_start3A_9 = arith.constant 0 : i32
    %dma_start3A_10 = tpu.memref_slice %arg4[%mul3A_2, %dma_start3A_8, %dma_start3A_9] : memref<320x8x128xi32, #tpu.memory_space<hbm>> -> memref<5x8x128xi32, #tpu.memory_space<hbm>>
    %dma_start3A_11 = arith.constant 0 : i32
    %dma_start3A_12 = arith.constant 0 : i32
    %dma_start3A_13 = tpu.memref_slice %arg4[%mul3A_2, %dma_start3A_11, %dma_start3A_12] : memref<320x8x128xi32, #tpu.memory_space<hbm>> -> memref<5x8x128xi32, #tpu.memory_space<hbm>>
    tpu.enqueue_dma source(%dma_start3A_13 : memref<5x8x128xi32, #tpu.memory_space<hbm>>) target(%arg8 : memref<5x8x128xi32, #tpu.memory_space<vmem>>) target_semaphore(%arg16 : memref<!tpu.dma_semaphore, #tpu.memory_space<semaphore_mem>>)
    %scan3A = arith.constant 0 : i32
    %scan3A_14 = arith.constant 128 : i32
    %scan3A_15 = arith.addi %scan3A, %scan3A_14 : i32
    %scan3A_16 = arith.constant 1 : i32
    scf.for %scan3A_161 = %scan3A to %scan3A_15 step %scan3A_16  : i32 {
      %broadcast_in_dim3A = arith.constant 0.000000e+00 : f32
      %broadcast_in_dim3A_162 = vector.broadcast %broadcast_in_dim3A : f32 to vector<16xf32>
      %swap3A = arith.index_cast %scan3A_161 : i32 to index
      %swap3A_163 = arith.constant 0 : index
      %swap3A_164 = tpu.vector_load %arg9[%swap3A, %swap3A_163] {strides = array<i32>} : memref<128x128xf32, #tpu.memory_space<vmem>>, vector<1x16xf32>,
      %swap3A_165 = vector.shape_cast %swap3A_164 : vector<1x16xf32> to vector<16xf32>
      %swap3A_166 = vector.shape_cast %broadcast_in_dim3A_162 : vector<16xf32> to vector<1x16xf32>
      tpu.vector_store %arg9[%swap3A, %swap3A_163], %swap3A_166 {strides = array<i32>} : memref<128x128xf32, #tpu.memory_space<vmem>>, vector<1x16xf32>,
      %broadcast_in_dim3A_167 = arith.constant 0.000000e+00 : f32
      %broadcast_in_dim3A_168 = vector.broadcast %broadcast_in_dim3A_167 : f32 to vector<16xf32>
      %swap3A_169 = arith.index_cast %scan3A_161 : i32 to index
      %swap3A_170 = arith.constant 16 : index
      %swap3A_171 = tpu.vector_load %arg9[%swap3A_169, %swap3A_170] {strides = array<i32>} : memref<128x128xf32, #tpu.memory_space<vmem>>, vector<1x16xf32>,
      %swap3A_172 = vector.shape_cast %swap3A_171 : vector<1x16xf32> to vector<16xf32>
      %swap3A_173 = vector.shape_cast %broadcast_in_dim3A_168 : vector<16xf32> to vector<1x16xf32>
      tpu.vector_store %arg9[%swap3A_169, %swap3A_170], %swap3A_173 {strides = array<i32>} : memref<128x128xf32, #tpu.memory_space<vmem>>, vector<1x16xf32>,
      %broadcast_in_dim3A_174 = arith.constant 0.000000e+00 : f32
      %broadcast_in_dim3A_175 = vector.broadcast %broadcast_in_dim3A_174 : f32 to vector<16xf32>
      %swap3A_176 = arith.index_cast %scan3A_161 : i32 to index
      %swap3A_177 = arith.constant 32 : index
      %swap3A_178 = tpu.vector_load %arg9[%swap3A_176, %swap3A_177] {strides = array<i32>} : memref<128x128xf32, #tpu.memory_space<vmem>>, vector<1x16xf32>,
      %swap3A_179 = vector.shape_cast %swap3A_178 : vector<1x16xf32> to vector<16xf32>
      %swap3A_180 = vector.shape_cast %broadcast_in_dim3A_175 : vector<16xf32> to vector<1x16xf32>
      tpu.vector_store %arg9[%swap3A_176, %swap3A_177], %swap3A_180 {strides = array<i32>} : memref<128x128xf32, #tpu.memory_space<vmem>>, vector<1x16xf32>,
      %broadcast_in_dim3A_181 = arith.constant 0.000000e+00 : f32
      %broadcast_in_dim3A_182 = vector.broadcast %broadcast_in_dim3A_181 : f32 to vector<16xf32>
      %swap3A_183 = arith.index_cast %scan3A_161 : i32 to index
      %swap3A_184 = arith.constant 48 : index
      %swap3A_185 = tpu.vector_load %arg9[%swap3A_183, %swap3A_184] {strides = array<i32>} : memref<128x128xf32, #tpu.memory_space<vmem>>, vector<1x16xf32>,
      %swap3A_186 = vector.shape_cast %swap3A_185 : vector<1x16xf32> to vector<16xf32>
      %swap3A_187 = vector.shape_cast %broadcast_in_dim3A_182 : vector<16xf32> to vector<1x16xf32>
      tpu.vector_store %arg9[%swap3A_183, %swap3A_184], %swap3A_187 {strides = array<i32>} : memref<128x128xf32, #tpu.memory_space<vmem>>, vector<1x16xf32>,
      %broadcast_in_dim3A_188 = arith.constant 0.000000e+00 : f32
      %broadcast_in_dim3A_189 = vector.broadcast %broadcast_in_dim3A_188 : f32 to vector<16xf32>
      %swap3A_190 = arith.index_cast %scan3A_161 : i32 to index
      %swap3A_191 = arith.constant 64 : index
      %swap3A_192 = tpu.vector_load %arg9[%swap3A_190, %swap3A_191] {strides = array<i32>} : memref<128x128xf32, #tpu.memory_space<vmem>>, vector<1x16xf32>,
      %swap3A_193 = vector.shape_cast %swap3A_192 : vector<1x16xf32> to vector<16xf32>
      %swap3A_194 = vector.shape_cast %broadcast_in_dim3A_189 : vector<16xf32> to vector<1x16xf32>
      tpu.vector_store %arg9[%swap3A_190, %swap3A_191], %swap3A_194 {strides = array<i32>} : memref<128x128xf32, #tpu.memory_space<vmem>>, vector<1x16xf32>,
      %broadcast_in_dim3A_195 = arith.constant 0.000000e+00 : f32
      %broadcast_in_dim3A_196 = vector.broadcast %broadcast_in_dim3A_195 : f32 to vector<16xf32>
      %swap3A_197 = arith.index_cast %scan3A_161 : i32 to index
      %swap3A_198 = arith.constant 80 : index
      %swap3A_199 = tpu.vector_load %arg9[%swap3A_197, %swap3A_198] {strides = array<i32>} : memref<128x128xf32, #tpu.memory_space<vmem>>, vector<1x16xf32>,
      %swap3A_200 = vector.shape_cast %swap3A_199 : vector<1x16xf32> to vector<16xf32>
      %swap3A_201 = vector.shape_cast %broadcast_in_dim3A_196 : vector<16xf32> to vector<1x16xf32>
      tpu.vector_store %arg9[%swap3A_197, %swap3A_198], %swap3A_201 {strides = array<i32>} : memref<128x128xf32, #tpu.memory_space<vmem>>, vector<1x16xf32>,
      %broadcast_in_dim3A_202 = arith.constant 0.000000e+00 : f32
      %broadcast_in_dim3A_203 = vector.broadcast %broadcast_in_dim3A_202 : f32 to vector<16xf32>
      %swap3A_204 = arith.index_cast %scan3A_161 : i32 to index
      %swap3A_205 = arith.constant 96 : index
      %swap3A_206 = tpu.vector_load %arg9[%swap3A_204, %swap3A_205] {strides = array<i32>} : memref<128x128xf32, #tpu.memory_space<vmem>>, vector<1x16xf32>,
      %swap3A_207 = vector.shape_cast %swap3A_206 : vector<1x16xf32> to vector<16xf32>
      %swap3A_208 = vector.shape_cast %broadcast_in_dim3A_203 : vector<16xf32> to vector<1x16xf32>
      tpu.vector_store %arg9[%swap3A_204, %swap3A_205], %swap3A_208 {strides = array<i32>} : memref<128x128xf32, #tpu.memory_space<vmem>>, vector<1x16xf32>,
      %broadcast_in_dim3A_209 = arith.constant 0.000000e+00 : f32
      %broadcast_in_dim3A_210 = vector.broadcast %broadcast_in_dim3A_209 : f32 to vector<16xf32>
      %swap3A_211 = arith.index_cast %scan3A_161 : i32 to index
      %swap3A_212 = arith.constant 112 : index
      %swap3A_213 = tpu.vector_load %arg9[%swap3A_211, %swap3A_212] {strides = array<i32>} : memref<128x128xf32, #tpu.memory_space<vmem>>, vector<1x16xf32>,
      %swap3A_214 = vector.shape_cast %swap3A_213 : vector<1x16xf32> to vector<16xf32>
      %swap3A_215 = vector.shape_cast %broadcast_in_dim3A_210 : vector<16xf32> to vector<1x16xf32>
      tpu.vector_store %arg9[%swap3A_211, %swap3A_212], %swap3A_215 {strides = array<i32>} : memref<128x128xf32, #tpu.memory_space<vmem>>, vector<1x16xf32>,
    }
    %scan3A_17 = arith.constant 128 : i32
    %scan3A_18 = arith.constant 0 : i32
    %scan3A_19 = arith.constant 8 : i32
    %scan3A_20 = arith.addi %scan3A_18, %scan3A_19 : i32
    %scan3A_21 = arith.constant 1 : i32
    scf.for %scan3A_161 = %scan3A_18 to %scan3A_20 step %scan3A_21  : i32 {
      %broadcast_in_dim3A = arith.constant 1.000000e+00 : f32
      %broadcast_in_dim3A_162 = vector.broadcast %broadcast_in_dim3A : f32 to vector<16xf32>
      %mul3A_163 = arith.constant 16 : i32
      %mul3A_164 = arith.muli %scan3A_161, %mul3A_163 : i32
      %swap3A = arith.index_cast %mul3A_164 : i32 to index
      %swap3A_165 = tpu.vector_load %arg11[%swap3A] {strides = array<i32>} : memref<128xf32, #tpu.memory_space<vmem>>, vector<16xf32>,
      %swap3A_166 = vector.shape_cast %swap3A_165 : vector<16xf32> to vector<16xf32>
      %swap3A_167 = vector.shape_cast %broadcast_in_dim3A_162 : vector<16xf32> to vector<16xf32>
      tpu.vector_store %arg11[%swap3A], %swap3A_167 {strides = array<i32>} : memref<128xf32, #tpu.memory_space<vmem>>, vector<16xf32>,
    }
    %scan3A_22 = arith.constant 8 : i32
    %mul3A_23 = arith.constant 640 : i32
    %mul3A_24 = arith.muli %arg1, %mul3A_23 : i32
    %add3A_25 = arith.constant 0 : i32
    %add3A_26 = arith.addi %mul3A_24, %add3A_25 : i32
    "tpu.region"() ({
      %run_scoped3A_161 = tpu.sem_alloc : memref<!tpu.dma_semaphore, #tpu.memory_space<semaphore_mem>>
      %dma_start3A_162 = arith.constant 0 : i32
      %dma_start3A_163 = tpu.memref_slice %arg12[%add3A_26, %dma_start3A_162] : memref<10240x128xf32, #tpu.memory_space<vmem_shared>> -> memref<128x128xf32, #tpu.memory_space<vmem_shared>>
      %dma_start3A_164 = arith.constant 0 : i32
      %dma_start3A_165 = tpu.memref_slice %arg12[%add3A_26, %dma_start3A_164] : memref<10240x128xf32, #tpu.memory_space<vmem_shared>> -> memref<128x128xf32, #tpu.memory_space<vmem_shared>>
      tpu.enqueue_dma source(%arg9 : memref<128x128xf32, #tpu.memory_space<vmem>>) target(%dma_start3A_165 : memref<128x128xf32, #tpu.memory_space<vmem_shared>>) target_semaphore(%run_scoped3A_161 : memref<!tpu.dma_semaphore, #tpu.memory_space<semaphore_mem>>)
      %dma_wait3A_166 = arith.constant 0 : i32
      %dma_wait3A_167 = tpu.memref_slice %arg12[%add3A_26, %dma_wait3A_166] : memref<10240x128xf32, #tpu.memory_space<vmem_shared>> -> memref<128x128xf32, #tpu.memory_space<vmem_shared>>
      %dma_wait3A_168 = arith.constant 0 : i32
      %dma_wait3A_169 = tpu.memref_slice %arg12[%add3A_26, %dma_wait3A_168] : memref<10240x128xf32, #tpu.memory_space<vmem_shared>> -> memref<128x128xf32, #tpu.memory_space<vmem_shared>>
      tpu.wait_dma2 semaphore(%run_scoped3A_161 : memref<!tpu.dma_semaphore, #tpu.memory_space<semaphore_mem>>) src(%arg9 : memref<128x128xf32, #tpu.memory_space<vmem>>) dst(%dma_wait3A_169 : memref<128x128xf32, #tpu.memory_space<vmem_shared>>)
      tpu.yield
    }) : () -> ()
    %add3A_27 = arith.constant 0 : i32
    %add3A_28 = arith.addi %mul3A_24, %add3A_27 : i32
    %run_scoped3A = arith.constant 0 : i32
    "tpu.region"() ({
      %run_scoped3A_161 = tpu.sem_alloc : memref<!tpu.dma_semaphore, #tpu.memory_space<semaphore_mem>>
      %dma_start3A_162 = arith.constant 0 : i32
      %dma_start3A_163 = tpu.memref_slice %arg9[%run_scoped3A, %dma_start3A_162] : memref<128x128xf32, #tpu.memory_space<vmem>> -> memref<1x128xf32, #tpu.memory_space<vmem>>
      %dma_start3A_164 = tpu.memref_squeeze %dma_start3A_163 : memref<1x128xf32, #tpu.memory_space<vmem>> -> memref<128xf32, #tpu.memory_space<vmem>>
      %dma_start3A_165 = tpu.memref_slice %arg13[%add3A_28] : memref<10240xf32, #tpu.memory_space<vmem_shared>> -> memref<128xf32, #tpu.memory_space<vmem_shared>>
      %dma_start3A_166 = tpu.memref_slice %arg13[%add3A_28] : memref<10240xf32, #tpu.memory_space<vmem_shared>> -> memref<128xf32, #tpu.memory_space<vmem_shared>>
      %dma_start3A_167 = arith.constant 0 : i32
      %dma_start3A_168 = tpu.memref_slice %arg9[%run_scoped3A, %dma_start3A_167] : memref<128x128xf32, #tpu.memory_space<vmem>> -> memref<1x128xf32, #tpu.memory_space<vmem>>
      %dma_start3A_169 = tpu.memref_squeeze %dma_start3A_168 : memref<1x128xf32, #tpu.memory_space<vmem>> -> memref<128xf32, #tpu.memory_space<vmem>>
      tpu.enqueue_dma source(%dma_start3A_169 : memref<128xf32, #tpu.memory_space<vmem>>) target(%dma_start3A_166 : memref<128xf32, #tpu.memory_space<vmem_shared>>) target_semaphore(%run_scoped3A_161 : memref<!tpu.dma_semaphore, #tpu.memory_space<semaphore_mem>>)
      %dma_wait3A_170 = arith.constant 0 : i32
      %dma_wait3A_171 = tpu.memref_slice %arg9[%run_scoped3A, %dma_wait3A_170] : memref<128x128xf32, #tpu.memory_space<vmem>> -> memref<1x128xf32, #tpu.memory_space<vmem>>
      %dma_wait3A_172 = tpu.memref_squeeze %dma_wait3A_171 : memref<1x128xf32, #tpu.memory_space<vmem>> -> memref<128xf32, #tpu.memory_space<vmem>>
      %dma_wait3A_173 = tpu.memref_slice %arg13[%add3A_28] : memref<10240xf32, #tpu.memory_space<vmem_shared>> -> memref<128xf32, #tpu.memory_space<vmem_shared>>
      %dma_wait3A_174 = tpu.memref_slice %arg13[%add3A_28] : memref<10240xf32, #tpu.memory_space<vmem_shared>> -> memref<128xf32, #tpu.memory_space<vmem_shared>>
      %dma_wait3A_175 = arith.constant 0 : i32
      %dma_wait3A_176 = tpu.memref_slice %arg9[%run_scoped3A, %dma_wait3A_175] : memref<128x128xf32, #tpu.memory_space<vmem>> -> memref<1x128xf32, #tpu.memory_space<vmem>>
      %dma_wait3A_177 = tpu.memref_squeeze %dma_wait3A_176 : memref<1x128xf32, #tpu.memory_space<vmem>> -> memref<128xf32, #tpu.memory_space<vmem>>
      tpu.wait_dma2 semaphore(%run_scoped3A_161 : memref<!tpu.dma_semaphore, #tpu.memory_space<semaphore_mem>>) src(%dma_wait3A_177 : memref<128xf32, #tpu.memory_space<vmem>>) dst(%dma_wait3A_174 : memref<128xf32, #tpu.memory_space<vmem_shared>>)
      tpu.yield
    }) : () -> ()
    %add3A_29 = arith.constant 128 : i32
    %add3A_30 = arith.addi %mul3A_24, %add3A_29 : i32
    "tpu.region"() ({
      %run_scoped3A_161 = tpu.sem_alloc : memref<!tpu.dma_semaphore, #tpu.memory_space<semaphore_mem>>
      %dma_start3A_162 = arith.constant 0 : i32
      %dma_start3A_163 = tpu.memref_slice %arg12[%add3A_30, %dma_start3A_162] : memref<10240x128xf32, #tpu.memory_space<vmem_shared>> -> memref<128x128xf32, #tpu.memory_space<vmem_shared>>
      %dma_start3A_164 = arith.constant 0 : i32
      %dma_start3A_165 = tpu.memref_slice %arg12[%add3A_30, %dma_start3A_164] : memref<10240x128xf32, #tpu.memory_space<vmem_shared>> -> memref<128x128xf32, #tpu.memory_space<vmem_shared>>
      tpu.enqueue_dma source(%arg9 : memref<128x128xf32, #tpu.memory_space<vmem>>) target(%dma_start3A_165 : memref<128x128xf32, #tpu.memory_space<vmem_shared>>) target_semaphore(%run_scoped3A_161 : memref<!tpu.dma_semaphore, #tpu.memory_space<semaphore_mem>>)
      %dma_wait3A_166 = arith.constant 0 : i32
      %dma_wait3A_167 = tpu.memref_slice %arg12[%add3A_30, %dma_wait3A_166] : memref<10240x128xf32, #tpu.memory_space<vmem_shared>> -> memref<128x128xf32, #tpu.memory_space<vmem_shared>>
      %dma_wait3A_168 = arith.constant 0 : i32
      %dma_wait3A_169 = tpu.memref_slice %arg12[%add3A_30, %dma_wait3A_168] : memref<10240x128xf32, #tpu.memory_space<vmem_shared>> -> memref<128x128xf32, #tpu.memory_space<vmem_shared>>
      tpu.wait_dma2 semaphore(%run_scoped3A_161 : memref<!tpu.dma_semaphore, #tpu.memory_space<semaphore_mem>>) src(%arg9 : memref<128x128xf32, #tpu.memory_space<vmem>>) dst(%dma_wait3A_169 : memref<128x128xf32, #tpu.memory_space<vmem_shared>>)
      tpu.yield
    }) : () -> ()
    %add3A_31 = arith.constant 128 : i32
    %add3A_32 = arith.addi %mul3A_24, %add3A_31 : i32
    %run_scoped3A_33 = arith.constant 0 : i32
    "tpu.region"() ({
      %run_scoped3A_161 = tpu.sem_alloc : memref<!tpu.dma_semaphore, #tpu.memory_space<semaphore_mem>>
      %dma_start3A_162 = arith.constant 0 : i32
      %dma_start3A_163 = tpu.memref_slice %arg9[%run_scoped3A_33, %dma_start3A_162] : memref<128x128xf32, #tpu.memory_space<vmem>> -> memref<1x128xf32, #tpu.memory_space<vmem>>
      %dma_start3A_164 = tpu.memref_squeeze %dma_start3A_163 : memref<1x128xf32, #tpu.memory_space<vmem>> -> memref<128xf32, #tpu.memory_space<vmem>>
      %dma_start3A_165 = tpu.memref_slice %arg13[%add3A_32] : memref<10240xf32, #tpu.memory_space<vmem_shared>> -> memref<128xf32, #tpu.memory_space<vmem_shared>>
      %dma_start3A_166 = tpu.memref_slice %arg13[%add3A_32] : memref<10240xf32, #tpu.memory_space<vmem_shared>> -> memref<128xf32, #tpu.memory_space<vmem_shared>>
      %dma_start3A_167 = arith.constant 0 : i32
      %dma_start3A_168 = tpu.memref_slice %arg9[%run_scoped3A_33, %dma_start3A_167] : memref<128x128xf32, #tpu.memory_space<vmem>> -> memref<1x128xf32, #tpu.memory_space<vmem>>
      %dma_start3A_169 = tpu.memref_squeeze %dma_start3A_168 : memref<1x128xf32, #tpu.memory_space<vmem>> -> memref<128xf32, #tpu.memory_space<vmem>>
      tpu.enqueue_dma source(%dma_start3A_169 : memref<128xf32, #tpu.memory_space<vmem>>) target(%dma_start3A_166 : memref<128xf32, #tpu.memory_space<vmem_shared>>) target_semaphore(%run_scoped3A_161 : memref<!tpu.dma_semaphore, #tpu.memory_space<semaphore_mem>>)
      %dma_wait3A_170 = arith.constant 0 : i32
      %dma_wait3A_171 = tpu.memref_slice %arg9[%run_scoped3A_33, %dma_wait3A_170] : memref<128x128xf32, #tpu.memory_space<vmem>> -> memref<1x128xf32, #tpu.memory_space<vmem>>
      %dma_wait3A_172 = tpu.memref_squeeze %dma_wait3A_171 : memref<1x128xf32, #tpu.memory_space<vmem>> -> memref<128xf32, #tpu.memory_space<vmem>>
      %dma_wait3A_173 = tpu.memref_slice %arg13[%add3A_32] : memref<10240xf32, #tpu.memory_space<vmem_shared>> -> memref<128xf32, #tpu.memory_space<vmem_shared>>
      %dma_wait3A_174 = tpu.memref_slice %arg13[%add3A_32] : memref<10240xf32, #tpu.memory_space<vmem_shared>> -> memref<128xf32, #tpu.memory_space<vmem_shared>>
      %dma_wait3A_175 = arith.constant 0 : i32
      %dma_wait3A_176 = tpu.memref_slice %arg9[%run_scoped3A_33, %dma_wait3A_175] : memref<128x128xf32, #tpu.memory_space<vmem>> -> memref<1x128xf32, #tpu.memory_space<vmem>>
      %dma_wait3A_177 = tpu.memref_squeeze %dma_wait3A_176 : memref<1x128xf32, #tpu.memory_space<vmem>> -> memref<128xf32, #tpu.memory_space<vmem>>
      tpu.wait_dma2 semaphore(%run_scoped3A_161 : memref<!tpu.dma_semaphore, #tpu.memory_space<semaphore_mem>>) src(%dma_wait3A_177 : memref<128xf32, #tpu.memory_space<vmem>>) dst(%dma_wait3A_174 : memref<128xf32, #tpu.memory_space<vmem_shared>>)
      tpu.yield
    }) : () -> ()
    %add3A_34 = arith.constant 256 : i32
    %add3A_35 = arith.addi %mul3A_24, %add3A_34 : i32
    "tpu.region"() ({
      %run_scoped3A_161 = tpu.sem_alloc : memref<!tpu.dma_semaphore, #tpu.memory_space<semaphore_mem>>
      %dma_start3A_162 = arith.constant 0 : i32
      %dma_start3A_163 = tpu.memref_slice %arg12[%add3A_35, %dma_start3A_162] : memref<10240x128xf32, #tpu.memory_space<vmem_shared>> -> memref<128x128xf32, #tpu.memory_space<vmem_shared>>
      %dma_start3A_164 = arith.constant 0 : i32
      %dma_start3A_165 = tpu.memref_slice %arg12[%add3A_35, %dma_start3A_164] : memref<10240x128xf32, #tpu.memory_space<vmem_shared>> -> memref<128x128xf32, #tpu.memory_space<vmem_shared>>
      tpu.enqueue_dma source(%arg9 : memref<128x128xf32, #tpu.memory_space<vmem>>) target(%dma_start3A_165 : memref<128x128xf32, #tpu.memory_space<vmem_shared>>) target_semaphore(%run_scoped3A_161 : memref<!tpu.dma_semaphore, #tpu.memory_space<semaphore_mem>>)
      %dma_wait3A_166 = arith.constant 0 : i32
      %dma_wait3A_167 = tpu.memref_slice %arg12[%add3A_35, %dma_wait3A_166] : memref<10240x128xf32, #tpu.memory_space<vmem_shared>> -> memref<128x128xf32, #tpu.memory_space<vmem_shared>>
      %dma_wait3A_168 = arith.constant 0 : i32
      %dma_wait3A_169 = tpu.memref_slice %arg12[%add3A_35, %dma_wait3A_168] : memref<10240x128xf32, #tpu.memory_space<vmem_shared>> -> memref<128x128xf32, #tpu.memory_space<vmem_shared>>
      tpu.wait_dma2 semaphore(%run_scoped3A_161 : memref<!tpu.dma_semaphore, #tpu.memory_space<semaphore_mem>>) src(%arg9 : memref<128x128xf32, #tpu.memory_space<vmem>>) dst(%dma_wait3A_169 : memref<128x128xf32, #tpu.memory_space<vmem_shared>>)
      tpu.yield
    }) : () -> ()
    %add3A_36 = arith.constant 256 : i32
    %add3A_37 = arith.addi %mul3A_24, %add3A_36 : i32
    %run_scoped3A_38 = arith.constant 0 : i32
    "tpu.region"() ({
      %run_scoped3A_161 = tpu.sem_alloc : memref<!tpu.dma_semaphore, #tpu.memory_space<semaphore_mem>>
      %dma_start3A_162 = arith.constant 0 : i32
      %dma_start3A_163 = tpu.memref_slice %arg9[%run_scoped3A_38, %dma_start3A_162] : memref<128x128xf32, #tpu.memory_space<vmem>> -> memref<1x128xf32, #tpu.memory_space<vmem>>
      %dma_start3A_164 = tpu.memref_squeeze %dma_start3A_163 : memref<1x128xf32, #tpu.memory_space<vmem>> -> memref<128xf32, #tpu.memory_space<vmem>>
      %dma_start3A_165 = tpu.memref_slice %arg13[%add3A_37] : memref<10240xf32, #tpu.memory_space<vmem_shared>> -> memref<128xf32, #tpu.memory_space<vmem_shared>>
      %dma_start3A_166 = tpu.memref_slice %arg13[%add3A_37] : memref<10240xf32, #tpu.memory_space<vmem_shared>> -> memref<128xf32, #tpu.memory_space<vmem_shared>>
      %dma_start3A_167 = arith.constant 0 : i32
      %dma_start3A_168 = tpu.memref_slice %arg9[%run_scoped3A_38, %dma_start3A_167] : memref<128x128xf32, #tpu.memory_space<vmem>> -> memref<1x128xf32, #tpu.memory_space<vmem>>
      %dma_start3A_169 = tpu.memref_squeeze %dma_start3A_168 : memref<1x128xf32, #tpu.memory_space<vmem>> -> memref<128xf32, #tpu.memory_space<vmem>>
      tpu.enqueue_dma source(%dma_start3A_169 : memref<128xf32, #tpu.memory_space<vmem>>) target(%dma_start3A_166 : memref<128xf32, #tpu.memory_space<vmem_shared>>) target_semaphore(%run_scoped3A_161 : memref<!tpu.dma_semaphore, #tpu.memory_space<semaphore_mem>>)
      %dma_wait3A_170 = arith.constant 0 : i32
      %dma_wait3A_171 = tpu.memref_slice %arg9[%run_scoped3A_38, %dma_wait3A_170] : memref<128x128xf32, #tpu.memory_space<vmem>> -> memref<1x128xf32, #tpu.memory_space<vmem>>
      %dma_wait3A_172 = tpu.memref_squeeze %dma_wait3A_171 : memref<1x128xf32, #tpu.memory_space<vmem>> -> memref<128xf32, #tpu.memory_space<vmem>>
      %dma_wait3A_173 = tpu.memref_slice %arg13[%add3A_37] : memref<10240xf32, #tpu.memory_space<vmem_shared>> -> memref<128xf32, #tpu.memory_space<vmem_shared>>
      %dma_wait3A_174 = tpu.memref_slice %arg13[%add3A_37] : memref<10240xf32, #tpu.memory_space<vmem_shared>> -> memref<128xf32, #tpu.memory_space<vmem_shared>>
      %dma_wait3A_175 = arith.constant 0 : i32
      %dma_wait3A_176 = tpu.memref_slice %arg9[%run_scoped3A_38, %dma_wait3A_175] : memref<128x128xf32, #tpu.memory_space<vmem>> -> memref<1x128xf32, #tpu.memory_space<vmem>>
      %dma_wait3A_177 = tpu.memref_squeeze %dma_wait3A_176 : memref<1x128xf32, #tpu.memory_space<vmem>> -> memref<128xf32, #tpu.memory_space<vmem>>
      tpu.wait_dma2 semaphore(%run_scoped3A_161 : memref<!tpu.dma_semaphore, #tpu.memory_space<semaphore_mem>>) src(%dma_wait3A_177 : memref<128xf32, #tpu.memory_space<vmem>>) dst(%dma_wait3A_174 : memref<128xf32, #tpu.memory_space<vmem_shared>>)
      tpu.yield
    }) : () -> ()
    %add3A_39 = arith.constant 384 : i32
    %add3A_40 = arith.addi %mul3A_24, %add3A_39 : i32
    "tpu.region"() ({
      %run_scoped3A_161 = tpu.sem_alloc : memref<!tpu.dma_semaphore, #tpu.memory_space<semaphore_mem>>
      %dma_start3A_162 = arith.constant 0 : i32
      %dma_start3A_163 = tpu.memref_slice %arg12[%add3A_40, %dma_start3A_162] : memref<10240x128xf32, #tpu.memory_space<vmem_shared>> -> memref<128x128xf32, #tpu.memory_space<vmem_shared>>
      %dma_start3A_164 = arith.constant 0 : i32
      %dma_start3A_165 = tpu.memref_slice %arg12[%add3A_40, %dma_start3A_164] : memref<10240x128xf32, #tpu.memory_space<vmem_shared>> -> memref<128x128xf32, #tpu.memory_space<vmem_shared>>
      tpu.enqueue_dma source(%arg9 : memref<128x128xf32, #tpu.memory_space<vmem>>) target(%dma_start3A_165 : memref<128x128xf32, #tpu.memory_space<vmem_shared>>) target_semaphore(%run_scoped3A_161 : memref<!tpu.dma_semaphore, #tpu.memory_space<semaphore_mem>>)
      %dma_wait3A_166 = arith.constant 0 : i32
      %dma_wait3A_167 = tpu.memref_slice %arg12[%add3A_40, %dma_wait3A_166] : memref<10240x128xf32, #tpu.memory_space<vmem_shared>> -> memref<128x128xf32, #tpu.memory_space<vmem_shared>>
      %dma_wait3A_168 = arith.constant 0 : i32
      %dma_wait3A_169 = tpu.memref_slice %arg12[%add3A_40, %dma_wait3A_168] : memref<10240x128xf32, #tpu.memory_space<vmem_shared>> -> memref<128x128xf32, #tpu.memory_space<vmem_shared>>
      tpu.wait_dma2 semaphore(%run_scoped3A_161 : memref<!tpu.dma_semaphore, #tpu.memory_space<semaphore_mem>>) src(%arg9 : memref<128x128xf32, #tpu.memory_space<vmem>>) dst(%dma_wait3A_169 : memref<128x128xf32, #tpu.memory_space<vmem_shared>>)
      tpu.yield
    }) : () -> ()
    %add3A_41 = arith.constant 384 : i32
    %add3A_42 = arith.addi %mul3A_24, %add3A_41 : i32
    %run_scoped3A_43 = arith.constant 0 : i32
    "tpu.region"() ({
      %run_scoped3A_161 = tpu.sem_alloc : memref<!tpu.dma_semaphore, #tpu.memory_space<semaphore_mem>>
      %dma_start3A_162 = arith.constant 0 : i32
      %dma_start3A_163 = tpu.memref_slice %arg9[%run_scoped3A_43, %dma_start3A_162] : memref<128x128xf32, #tpu.memory_space<vmem>> -> memref<1x128xf32, #tpu.memory_space<vmem>>
      %dma_start3A_164 = tpu.memref_squeeze %dma_start3A_163 : memref<1x128xf32, #tpu.memory_space<vmem>> -> memref<128xf32, #tpu.memory_space<vmem>>
      %dma_start3A_165 = tpu.memref_slice %arg13[%add3A_42] : memref<10240xf32, #tpu.memory_space<vmem_shared>> -> memref<128xf32, #tpu.memory_space<vmem_shared>>
      %dma_start3A_166 = tpu.memref_slice %arg13[%add3A_42] : memref<10240xf32, #tpu.memory_space<vmem_shared>> -> memref<128xf32, #tpu.memory_space<vmem_shared>>
      %dma_start3A_167 = arith.constant 0 : i32
      %dma_start3A_168 = tpu.memref_slice %arg9[%run_scoped3A_43, %dma_start3A_167] : memref<128x128xf32, #tpu.memory_space<vmem>> -> memref<1x128xf32, #tpu.memory_space<vmem>>
      %dma_start3A_169 = tpu.memref_squeeze %dma_start3A_168 : memref<1x128xf32, #tpu.memory_space<vmem>> -> memref<128xf32, #tpu.memory_space<vmem>>
      tpu.enqueue_dma source(%dma_start3A_169 : memref<128xf32, #tpu.memory_space<vmem>>) target(%dma_start3A_166 : memref<128xf32, #tpu.memory_space<vmem_shared>>) target_semaphore(%run_scoped3A_161 : memref<!tpu.dma_semaphore, #tpu.memory_space<semaphore_mem>>)
      %dma_wait3A_170 = arith.constant 0 : i32
      %dma_wait3A_171 = tpu.memref_slice %arg9[%run_scoped3A_43, %dma_wait3A_170] : memref<128x128xf32, #tpu.memory_space<vmem>> -> memref<1x128xf32, #tpu.memory_space<vmem>>
      %dma_wait3A_172 = tpu.memref_squeeze %dma_wait3A_171 : memref<1x128xf32, #tpu.memory_space<vmem>> -> memref<128xf32, #tpu.memory_space<vmem>>
      %dma_wait3A_173 = tpu.memref_slice %arg13[%add3A_42] : memref<10240xf32, #tpu.memory_space<vmem_shared>> -> memref<128xf32, #tpu.memory_space<vmem_shared>>
      %dma_wait3A_174 = tpu.memref_slice %arg13[%add3A_42] : memref<10240xf32, #tpu.memory_space<vmem_shared>> -> memref<128xf32, #tpu.memory_space<vmem_shared>>
      %dma_wait3A_175 = arith.constant 0 : i32
      %dma_wait3A_176 = tpu.memref_slice %arg9[%run_scoped3A_43, %dma_wait3A_175] : memref<128x128xf32, #tpu.memory_space<vmem>> -> memref<1x128xf32, #tpu.memory_space<vmem>>
      %dma_wait3A_177 = tpu.memref_squeeze %dma_wait3A_176 : memref<1x128xf32, #tpu.memory_space<vmem>> -> memref<128xf32, #tpu.memory_space<vmem>>
      tpu.wait_dma2 semaphore(%run_scoped3A_161 : memref<!tpu.dma_semaphore, #tpu.memory_space<semaphore_mem>>) src(%dma_wait3A_177 : memref<128xf32, #tpu.memory_space<vmem>>) dst(%dma_wait3A_174 : memref<128xf32, #tpu.memory_space<vmem_shared>>)
      tpu.yield
    }) : () -> ()
    %add3A_44 = arith.constant 512 : i32
    %add3A_45 = arith.addi %mul3A_24, %add3A_44 : i32
    "tpu.region"() ({
      %run_scoped3A_161 = tpu.sem_alloc : memref<!tpu.dma_semaphore, #tpu.memory_space<semaphore_mem>>
      %dma_start3A_162 = arith.constant 0 : i32
      %dma_start3A_163 = tpu.memref_slice %arg12[%add3A_45, %dma_start3A_162] : memref<10240x128xf32, #tpu.memory_space<vmem_shared>> -> memref<128x128xf32, #tpu.memory_space<vmem_shared>>
      %dma_start3A_164 = arith.constant 0 : i32
      %dma_start3A_165 = tpu.memref_slice %arg12[%add3A_45, %dma_start3A_164] : memref<10240x128xf32, #tpu.memory_space<vmem_shared>> -> memref<128x128xf32, #tpu.memory_space<vmem_shared>>
      tpu.enqueue_dma source(%arg9 : memref<128x128xf32, #tpu.memory_space<vmem>>) target(%dma_start3A_165 : memref<128x128xf32, #tpu.memory_space<vmem_shared>>) target_semaphore(%run_scoped3A_161 : memref<!tpu.dma_semaphore, #tpu.memory_space<semaphore_mem>>)
      %dma_wait3A_166 = arith.constant 0 : i32
      %dma_wait3A_167 = tpu.memref_slice %arg12[%add3A_45, %dma_wait3A_166] : memref<10240x128xf32, #tpu.memory_space<vmem_shared>> -> memref<128x128xf32, #tpu.memory_space<vmem_shared>>
      %dma_wait3A_168 = arith.constant 0 : i32
      %dma_wait3A_169 = tpu.memref_slice %arg12[%add3A_45, %dma_wait3A_168] : memref<10240x128xf32, #tpu.memory_space<vmem_shared>> -> memref<128x128xf32, #tpu.memory_space<vmem_shared>>
      tpu.wait_dma2 semaphore(%run_scoped3A_161 : memref<!tpu.dma_semaphore, #tpu.memory_space<semaphore_mem>>) src(%arg9 : memref<128x128xf32, #tpu.memory_space<vmem>>) dst(%dma_wait3A_169 : memref<128x128xf32, #tpu.memory_space<vmem_shared>>)
      tpu.yield
    }) : () -> ()
    %add3A_46 = arith.constant 512 : i32
    %add3A_47 = arith.addi %mul3A_24, %add3A_46 : i32
    %run_scoped3A_48 = arith.constant 0 : i32
    "tpu.region"() ({
      %run_scoped3A_161 = tpu.sem_alloc : memref<!tpu.dma_semaphore, #tpu.memory_space<semaphore_mem>>
      %dma_start3A_162 = arith.constant 0 : i32
      %dma_start3A_163 = tpu.memref_slice %arg9[%run_scoped3A_48, %dma_start3A_162] : memref<128x128xf32, #tpu.memory_space<vmem>> -> memref<1x128xf32, #tpu.memory_space<vmem>>
      %dma_start3A_164 = tpu.memref_squeeze %dma_start3A_163 : memref<1x128xf32, #tpu.memory_space<vmem>> -> memref<128xf32, #tpu.memory_space<vmem>>
      %dma_start3A_165 = tpu.memref_slice %arg13[%add3A_47] : memref<10240xf32, #tpu.memory_space<vmem_shared>> -> memref<128xf32, #tpu.memory_space<vmem_shared>>
      %dma_start3A_166 = tpu.memref_slice %arg13[%add3A_47] : memref<10240xf32, #tpu.memory_space<vmem_shared>> -> memref<128xf32, #tpu.memory_space<vmem_shared>>
      %dma_start3A_167 = arith.constant 0 : i32
      %dma_start3A_168 = tpu.memref_slice %arg9[%run_scoped3A_48, %dma_start3A_167] : memref<128x128xf32, #tpu.memory_space<vmem>> -> memref<1x128xf32, #tpu.memory_space<vmem>>
      %dma_start3A_169 = tpu.memref_squeeze %dma_start3A_168 : memref<1x128xf32, #tpu.memory_space<vmem>> -> memref<128xf32, #tpu.memory_space<vmem>>
      tpu.enqueue_dma source(%dma_start3A_169 : memref<128xf32, #tpu.memory_space<vmem>>) target(%dma_start3A_166 : memref<128xf32, #tpu.memory_space<vmem_shared>>) target_semaphore(%run_scoped3A_161 : memref<!tpu.dma_semaphore, #tpu.memory_space<semaphore_mem>>)
      %dma_wait3A_170 = arith.constant 0 : i32
      %dma_wait3A_171 = tpu.memref_slice %arg9[%run_scoped3A_48, %dma_wait3A_170] : memref<128x128xf32, #tpu.memory_space<vmem>> -> memref<1x128xf32, #tpu.memory_space<vmem>>
      %dma_wait3A_172 = tpu.memref_squeeze %dma_wait3A_171 : memref<1x128xf32, #tpu.memory_space<vmem>> -> memref<128xf32, #tpu.memory_space<vmem>>
      %dma_wait3A_173 = tpu.memref_slice %arg13[%add3A_47] : memref<10240xf32, #tpu.memory_space<vmem_shared>> -> memref<128xf32, #tpu.memory_space<vmem_shared>>
      %dma_wait3A_174 = tpu.memref_slice %arg13[%add3A_47] : memref<10240xf32, #tpu.memory_space<vmem_shared>> -> memref<128xf32, #tpu.memory_space<vmem_shared>>
      %dma_wait3A_175 = arith.constant 0 : i32
      %dma_wait3A_176 = tpu.memref_slice %arg9[%run_scoped3A_48, %dma_wait3A_175] : memref<128x128xf32, #tpu.memory_space<vmem>> -> memref<1x128xf32, #tpu.memory_space<vmem>>
      %dma_wait3A_177 = tpu.memref_squeeze %dma_wait3A_176 : memref<1x128xf32, #tpu.memory_space<vmem>> -> memref<128xf32, #tpu.memory_space<vmem>>
      tpu.wait_dma2 semaphore(%run_scoped3A_161 : memref<!tpu.dma_semaphore, #tpu.memory_space<semaphore_mem>>) src(%dma_wait3A_177 : memref<128xf32, #tpu.memory_space<vmem>>) dst(%dma_wait3A_174 : memref<128xf32, #tpu.memory_space<vmem_shared>>)
      tpu.yield
    }) : () -> ()
    %barrier3A = arith.constant 0 : index
    tpu.barrier barrier_id(%barrier3A)
    %eq3A = arith.constant 31 : i32
    %eq3A_49 = arith.cmpi eq, %add3A, %eq3A : i32
    %jit3A = arith.constant 20 : i32
    %jit3A_50 = arith.constant 80 : i32
    %select_n3A = arith.select %eq3A_49, %jit3A, %jit3A_50 : i32
    %dma_wait3A = arith.constant 0 : i32
    %dma_wait3A_51 = arith.constant 0 : i32
    %dma_wait3A_52 = tpu.memref_slice %arg3[%mul3A_2, %dma_wait3A, %dma_wait3A_51] : memref<320x8x128xi32, #tpu.memory_space<hbm>> -> memref<5x8x128xi32, #tpu.memory_space<hbm>>
    %dma_wait3A_53 = arith.constant 0 : i32
    %dma_wait3A_54 = arith.constant 0 : i32
    %dma_wait3A_55 = tpu.memref_slice %arg3[%mul3A_2, %dma_wait3A_53, %dma_wait3A_54] : memref<320x8x128xi32, #tpu.memory_space<hbm>> -> memref<5x8x128xi32, #tpu.memory_space<hbm>>
    tpu.wait_dma2 semaphore(%arg16 : memref<!tpu.dma_semaphore, #tpu.memory_space<semaphore_mem>>) src(%dma_wait3A_55 : memref<5x8x128xi32, #tpu.memory_space<hbm>>) dst(%arg7 : memref<5x8x128xi32, #tpu.memory_space<vmem>>)
    %dma_wait3A_56 = arith.constant 0 : i32
    %dma_wait3A_57 = arith.constant 0 : i32
    %dma_wait3A_58 = tpu.memref_slice %arg4[%mul3A_2, %dma_wait3A_56, %dma_wait3A_57] : memref<320x8x128xi32, #tpu.memory_space<hbm>> -> memref<5x8x128xi32, #tpu.memory_space<hbm>>
    %dma_wait3A_59 = arith.constant 0 : i32
    %dma_wait3A_60 = arith.constant 0 : i32
    %dma_wait3A_61 = tpu.memref_slice %arg4[%mul3A_2, %dma_wait3A_59, %dma_wait3A_60] : memref<320x8x128xi32, #tpu.memory_space<hbm>> -> memref<5x8x128xi32, #tpu.memory_space<hbm>>
    tpu.wait_dma2 semaphore(%arg16 : memref<!tpu.dma_semaphore, #tpu.memory_space<semaphore_mem>>) src(%dma_wait3A_61 : memref<5x8x128xi32, #tpu.memory_space<hbm>>) dst(%arg8 : memref<5x8x128xi32, #tpu.memory_space<vmem>>)
    %sub3A = arith.constant 0 : i32
    %sub3A_62 = arith.subi %select_n3A, %sub3A : i32
    %jit3A_63 = arith.constant 0 : i32
    %jit3A_64 = arith.constant 40 : i32
    %max3A = arith.maxsi %jit3A_63, %sub3A_62 : i32
    %min3A = arith.minsi %jit3A_64, %max3A : i32
    %gt3A = arith.constant 0 : i32
    %gt3A_65 = arith.cmpi sgt, %min3A, %gt3A : i32
    %convert_element_type3A = arith.extui %gt3A_65 : i1 to i32
    %cond3A = arith.constant 0 : i32
    %cond3A_66 = arith.cmpi ne, %convert_element_type3A, %cond3A : i32
    scf.if %cond3A_66 {
      %dma_start3A_161 = arith.constant 0 : i32
      %dma_start3A_162 = arith.constant 0 : i32
      %dma_start3A_163 = arith.constant 0 : i32
      %dma_start3A_164 = tpu.memref_slice %arg7[%dma_start3A_161, %dma_start3A_162, %dma_start3A_163] : memref<5x8x128xi32, #tpu.memory_space<vmem>> -> memref<1x1x128xi32, #tpu.memory_space<vmem>>
      %dma_start3A_165 = tpu.memref_squeeze %dma_start3A_164 : memref<1x1x128xi32, #tpu.memory_space<vmem>> -> memref<128xi32, #tpu.memory_space<vmem>>
      %dma_start3A_166 = arith.constant 0 : i32
      %dma_start3A_167 = arith.constant 0 : i32
      %dma_start3A_168 = tpu.memref_slice %arg2[%dma_start3A_166, %dma_start3A_167] : memref<10000x128xf32, #tpu.memory_space<hbm>> -> memref<10000x128xf32, #tpu.memory_space<hbm>>
      tpu.enqueue_indirect_dma source(%dma_start3A_168 : memref<10000x128xf32, #tpu.memory_space<hbm>>) target(%arg9 : memref<128x128xf32, #tpu.memory_space<vmem>>) offsets(%dma_start3A_165 : memref<128xi32, #tpu.memory_space<vmem>>) semaphore(%arg14 : memref<!tpu.dma_semaphore, #tpu.memory_space<semaphore_mem>>)
    } else {
    }
    %jit3A_67 = arith.constant 2 : i32
    %div3A = arith.divsi %min3A, %jit3A_67 : i32
    %sign3A = arith.constant 0 : i32
    %sign3A_68 = arith.cmpi sgt, %min3A, %sign3A : i32
    %sign3A_69 = arith.extui %sign3A_68 : i1 to i32
    %sign3A_70 = arith.constant 0 : i32
    %sign3A_71 = arith.cmpi slt, %min3A, %sign3A_70 : i32
    %sign3A_72 = arith.extui %sign3A_71 : i1 to i32
    %sign3A_73 = arith.subi %sign3A_69, %sign3A_72 : i32
    %sign3A_74 = arith.constant 0 : i32
    %sign3A_75 = arith.cmpi sgt, %jit3A_67, %sign3A_74 : i32
    %sign3A_76 = arith.extui %sign3A_75 : i1 to i32
    %sign3A_77 = arith.constant 0 : i32
    %sign3A_78 = arith.cmpi slt, %jit3A_67, %sign3A_77 : i32
    %sign3A_79 = arith.extui %sign3A_78 : i1 to i32
    %sign3A_80 = arith.subi %sign3A_76, %sign3A_79 : i32
    %ne3A = arith.cmpi ne, %sign3A_73, %sign3A_80 : i32
    %rem3A = arith.remsi %min3A, %jit3A_67 : i32
    %ne3A_81 = arith.constant 0 : i32
    %ne3A_82 = arith.cmpi ne, %rem3A, %ne3A_81 : i32
    %and3A = arith.andi %ne3A, %ne3A_82 : i1
    %sub3A_83 = arith.constant 1 : i32
    %sub3A_84 = arith.subi %div3A, %sub3A_83 : i32
    %select_n3A_85 = arith.select %and3A, %sub3A_84, %div3A : i32
    %while3A = arith.constant 0 : i32
    %while3A_86 = arith.subi %select_n3A_85, %while3A : i32
    %while3A_87 = arith.addi %while3A, %while3A_86 : i32
    %while3A_88 = arith.constant 1 : i32
    %while3A_89 = arith.divsi %while3A_86, %while3A_88 : i32
    %while3A_90 = arith.muli %while3A_89, %while3A_88 : i32
    %while3A_91 = arith.addi %while3A, %while3A_90 : i32
    %while3A_92 = arith.constant 1 : i32
    scf.for %while3A_161 = %while3A to %while3A_91 step %while3A_92  : i32 {
      %mul3A_162 = arith.constant 2 : i32
      %mul3A_163 = arith.muli %mul3A_162, %while3A_161 : i32
      %add3A_164 = arith.constant 1 : i32
      %add3A_165 = arith.addi %mul3A_163, %add3A_164 : i32
      %jit3A_166 = arith.constant 8 : i32
      %div3A_167 = arith.divsi %add3A_165, %jit3A_166 : i32
      %sign3A_168 = arith.constant 0 : i32
      %sign3A_169 = arith.cmpi sgt, %add3A_165, %sign3A_168 : i32
      %sign3A_170 = arith.extui %sign3A_169 : i1 to i32
      %sign3A_171 = arith.constant 0 : i32
      %sign3A_172 = arith.cmpi slt, %add3A_165, %sign3A_171 : i32
      %sign3A_173 = arith.extui %sign3A_172 : i1 to i32
      %sign3A_174 = arith.subi %sign3A_170, %sign3A_173 : i32
      %sign3A_175 = arith.constant 0 : i32
      %sign3A_176 = arith.cmpi sgt, %jit3A_166, %sign3A_175 : i32
      %sign3A_177 = arith.extui %sign3A_176 : i1 to i32
      %sign3A_178 = arith.constant 0 : i32
      %sign3A_179 = arith.cmpi slt, %jit3A_166, %sign3A_178 : i32
      %sign3A_180 = arith.extui %sign3A_179 : i1 to i32
      %sign3A_181 = arith.subi %sign3A_177, %sign3A_180 : i32
      %ne3A_182 = arith.cmpi ne, %sign3A_174, %sign3A_181 : i32
      %rem3A_183 = arith.remsi %add3A_165, %jit3A_166 : i32
      %ne3A_184 = arith.constant 0 : i32
      %ne3A_185 = arith.cmpi ne, %rem3A_183, %ne3A_184 : i32
      %and3A_186 = arith.andi %ne3A_182, %ne3A_185 : i1
      %sub3A_187 = arith.constant 1 : i32
      %sub3A_188 = arith.subi %div3A_167, %sub3A_187 : i32
      %select_n3A_189 = arith.select %and3A_186, %sub3A_188, %div3A_167 : i32
      %jit3A_190 = arith.constant 8 : i32
      %eq3A_191 = arith.constant 0 : i32
      %eq3A_192 = arith.cmpi eq, %jit3A_190, %eq3A_191 : i32
      %jit3A_193 = arith.constant 1 : i32
      %select_n3A_194 = arith.select %eq3A_192, %jit3A_193, %jit3A_190 : i32
      %rem3A_195 = arith.remsi %add3A_165, %select_n3A_194 : i32
      %ne3A_196 = arith.constant 0 : i32
      %ne3A_197 = arith.cmpi ne, %rem3A_195, %ne3A_196 : i32
      %lt3A = arith.constant 0 : i32
      %lt3A_198 = arith.cmpi slt, %rem3A_195, %lt3A : i32
      %lt3A_199 = arith.constant 0 : i32
      %lt3A_200 = arith.cmpi slt, %select_n3A_194, %lt3A_199 : i32
      %ne3A_201 = arith.xori %lt3A_198, %lt3A_200 : i1
      %and3A_202 = arith.andi %ne3A_201, %ne3A_197 : i1
      %add3A_203 = arith.addi %rem3A_195, %select_n3A_194 : i32
      %select_n3A_204 = arith.select %and3A_202, %add3A_203, %rem3A_195 : i32
      %dma_start3A_205 = arith.constant 0 : i32
      %dma_start3A_206 = tpu.memref_slice %arg7[%select_n3A_189, %select_n3A_204, %dma_start3A_205] : memref<5x8x128xi32, #tpu.memory_space<vmem>> -> memref<1x1x128xi32, #tpu.memory_space<vmem>>
      %dma_start3A_207 = tpu.memref_squeeze %dma_start3A_206 : memref<1x1x128xi32, #tpu.memory_space<vmem>> -> memref<128xi32, #tpu.memory_space<vmem>>
      %dma_start3A_208 = arith.constant 0 : i32
      %dma_start3A_209 = arith.constant 0 : i32
      %dma_start3A_210 = tpu.memref_slice %arg2[%dma_start3A_208, %dma_start3A_209] : memref<10000x128xf32, #tpu.memory_space<hbm>> -> memref<10000x128xf32, #tpu.memory_space<hbm>>
      tpu.enqueue_indirect_dma source(%dma_start3A_210 : memref<10000x128xf32, #tpu.memory_space<hbm>>) target(%arg10 : memref<128x128xf32, #tpu.memory_space<vmem>>) offsets(%dma_start3A_207 : memref<128xi32, #tpu.memory_space<vmem>>) semaphore(%arg15 : memref<!tpu.dma_semaphore, #tpu.memory_space<semaphore_mem>>)
      %dma_wait3A_211 = arith.constant 0 : i32
      %dma_wait3A_212 = arith.constant 0 : i32
      %dma_wait3A_213 = arith.constant 0 : i32
      %dma_wait3A_214 = tpu.memref_slice %arg7[%dma_wait3A_211, %dma_wait3A_212, %dma_wait3A_213] : memref<5x8x128xi32, #tpu.memory_space<vmem>> -> memref<1x1x128xi32, #tpu.memory_space<vmem>>
      %dma_wait3A_215 = tpu.memref_squeeze %dma_wait3A_214 : memref<1x1x128xi32, #tpu.memory_space<vmem>> -> memref<128xi32, #tpu.memory_space<vmem>>
      %dma_wait3A_216 = arith.constant 0 : i32
      %dma_wait3A_217 = arith.constant 0 : i32
      %dma_wait3A_218 = tpu.memref_slice %arg2[%dma_wait3A_216, %dma_wait3A_217] : memref<10000x128xf32, #tpu.memory_space<hbm>> -> memref<10000x128xf32, #tpu.memory_space<hbm>>
      tpu.wait_indirect_dma semaphore(%arg14 : memref<!tpu.dma_semaphore, #tpu.memory_space<semaphore_mem>>) src(%dma_wait3A_218 : memref<10000x128xf32, #tpu.memory_space<hbm>>) dst(%arg9 : memref<128x128xf32, #tpu.memory_space<vmem>>)
      %jit3A_219 = arith.constant 8 : i32
      %div3A_220 = arith.divsi %mul3A_163, %jit3A_219 : i32
      %sign3A_221 = arith.constant 0 : i32
      %sign3A_222 = arith.cmpi sgt, %mul3A_163, %sign3A_221 : i32
      %sign3A_223 = arith.extui %sign3A_222 : i1 to i32
      %sign3A_224 = arith.constant 0 : i32
      %sign3A_225 = arith.cmpi slt, %mul3A_163, %sign3A_224 : i32
      %sign3A_226 = arith.extui %sign3A_225 : i1 to i32
      %sign3A_227 = arith.subi %sign3A_223, %sign3A_226 : i32
      %sign3A_228 = arith.constant 0 : i32
      %sign3A_229 = arith.cmpi sgt, %jit3A_219, %sign3A_228 : i32
      %sign3A_230 = arith.extui %sign3A_229 : i1 to i32
      %sign3A_231 = arith.constant 0 : i32
      %sign3A_232 = arith.cmpi slt, %jit3A_219, %sign3A_231 : i32
      %sign3A_233 = arith.extui %sign3A_232 : i1 to i32
      %sign3A_234 = arith.subi %sign3A_230, %sign3A_233 : i32
      %ne3A_235 = arith.cmpi ne, %sign3A_227, %sign3A_234 : i32
      %rem3A_236 = arith.remsi %mul3A_163, %jit3A_219 : i32
      %ne3A_237 = arith.constant 0 : i32
      %ne3A_238 = arith.cmpi ne, %rem3A_236, %ne3A_237 : i32
      %and3A_239 = arith.andi %ne3A_235, %ne3A_238 : i1
      %sub3A_240 = arith.constant 1 : i32
      %sub3A_241 = arith.subi %div3A_220, %sub3A_240 : i32
      %select_n3A_242 = arith.select %and3A_239, %sub3A_241, %div3A_220 : i32
      %jit3A_243 = arith.constant 8 : i32
      %eq3A_244 = arith.constant 0 : i32
      %eq3A_245 = arith.cmpi eq, %jit3A_243, %eq3A_244 : i32
      %jit3A_246 = arith.constant 1 : i32
      %select_n3A_247 = arith.select %eq3A_245, %jit3A_246, %jit3A_243 : i32
      %rem3A_248 = arith.remsi %mul3A_163, %select_n3A_247 : i32
      %ne3A_249 = arith.constant 0 : i32
      %ne3A_250 = arith.cmpi ne, %rem3A_248, %ne3A_249 : i32
      %lt3A_251 = arith.constant 0 : i32
      %lt3A_252 = arith.cmpi slt, %rem3A_248, %lt3A_251 : i32
      %lt3A_253 = arith.constant 0 : i32
      %lt3A_254 = arith.cmpi slt, %select_n3A_247, %lt3A_253 : i32
      %ne3A_255 = arith.xori %lt3A_252, %lt3A_254 : i1
      %and3A_256 = arith.andi %ne3A_255, %ne3A_250 : i1
      %add3A_257 = arith.addi %rem3A_248, %select_n3A_247 : i32
      %select_n3A_258 = arith.select %and3A_256, %add3A_257, %rem3A_248 : i32
      "tpu.region"() ({
        %run_scoped3A_403 = tpu.sem_alloc : memref<!tpu.dma_semaphore, #tpu.memory_space<semaphore_mem>>
        %dma_start3A_404 = arith.constant 0 : i32
        %dma_start3A_405 = tpu.memref_slice %arg8[%select_n3A_242, %select_n3A_258, %dma_start3A_404] : memref<5x8x128xi32, #tpu.memory_space<vmem>> -> memref<1x1x128xi32, #tpu.memory_space<vmem>>
        %dma_start3A_406 = tpu.memref_squeeze %dma_start3A_405 : memref<1x1x128xi32, #tpu.memory_space<vmem>> -> memref<128xi32, #tpu.memory_space<vmem>>
        %dma_start3A_407 = arith.constant 0 : i32
        %dma_start3A_408 = arith.constant 0 : i32
        %dma_start3A_409 = tpu.memref_slice %arg12[%dma_start3A_407, %dma_start3A_408] : memref<10240x128xf32, #tpu.memory_space<vmem_shared>> -> memref<10240x128xf32, #tpu.memory_space<vmem_shared>>
        tpu.enqueue_indirect_dma source(%arg9 : memref<128x128xf32, #tpu.memory_space<vmem>>) target(%dma_start3A_409 : memref<10240x128xf32, #tpu.memory_space<vmem_shared>>) offsets(%dma_start3A_406 : memref<128xi32, #tpu.memory_space<vmem>>) semaphore(%run_scoped3A_403 : memref<!tpu.dma_semaphore, #tpu.memory_space<semaphore_mem>>) {add = true}
        %dma_wait3A_410 = arith.constant 0 : i32
        %dma_wait3A_411 = tpu.memref_slice %arg8[%select_n3A_242, %select_n3A_258, %dma_wait3A_410] : memref<5x8x128xi32, #tpu.memory_space<vmem>> -> memref<1x1x128xi32, #tpu.memory_space<vmem>>
        %dma_wait3A_412 = tpu.memref_squeeze %dma_wait3A_411 : memref<1x1x128xi32, #tpu.memory_space<vmem>> -> memref<128xi32, #tpu.memory_space<vmem>>
        %dma_wait3A_413 = arith.constant 0 : i32
        %dma_wait3A_414 = arith.constant 0 : i32
        %dma_wait3A_415 = tpu.memref_slice %arg12[%dma_wait3A_413, %dma_wait3A_414] : memref<10240x128xf32, #tpu.memory_space<vmem_shared>> -> memref<10240x128xf32, #tpu.memory_space<vmem_shared>>
        tpu.wait_indirect_dma semaphore(%run_scoped3A_403 : memref<!tpu.dma_semaphore, #tpu.memory_space<semaphore_mem>>) src(%arg9 : memref<128x128xf32, #tpu.memory_space<vmem>>) dst(%dma_wait3A_415 : memref<10240x128xf32, #tpu.memory_space<vmem_shared>>)
        tpu.yield
      }) : () -> ()
      %jit3A_259 = arith.constant 8 : i32
      %div3A_260 = arith.divsi %mul3A_163, %jit3A_259 : i32
      %sign3A_261 = arith.constant 0 : i32
      %sign3A_262 = arith.cmpi sgt, %mul3A_163, %sign3A_261 : i32
      %sign3A_263 = arith.extui %sign3A_262 : i1 to i32
      %sign3A_264 = arith.constant 0 : i32
      %sign3A_265 = arith.cmpi slt, %mul3A_163, %sign3A_264 : i32
      %sign3A_266 = arith.extui %sign3A_265 : i1 to i32
      %sign3A_267 = arith.subi %sign3A_263, %sign3A_266 : i32
      %sign3A_268 = arith.constant 0 : i32
      %sign3A_269 = arith.cmpi sgt, %jit3A_259, %sign3A_268 : i32
      %sign3A_270 = arith.extui %sign3A_269 : i1 to i32
      %sign3A_271 = arith.constant 0 : i32
      %sign3A_272 = arith.cmpi slt, %jit3A_259, %sign3A_271 : i32
      %sign3A_273 = arith.extui %sign3A_272 : i1 to i32
      %sign3A_274 = arith.subi %sign3A_270, %sign3A_273 : i32
      %ne3A_275 = arith.cmpi ne, %sign3A_267, %sign3A_274 : i32
      %rem3A_276 = arith.remsi %mul3A_163, %jit3A_259 : i32
      %ne3A_277 = arith.constant 0 : i32
      %ne3A_278 = arith.cmpi ne, %rem3A_276, %ne3A_277 : i32
      %and3A_279 = arith.andi %ne3A_275, %ne3A_278 : i1
      %sub3A_280 = arith.constant 1 : i32
      %sub3A_281 = arith.subi %div3A_260, %sub3A_280 : i32
      %select_n3A_282 = arith.select %and3A_279, %sub3A_281, %div3A_260 : i32
      %jit3A_283 = arith.constant 8 : i32
      %eq3A_284 = arith.constant 0 : i32
      %eq3A_285 = arith.cmpi eq, %jit3A_283, %eq3A_284 : i32
      %jit3A_286 = arith.constant 1 : i32
      %select_n3A_287 = arith.select %eq3A_285, %jit3A_286, %jit3A_283 : i32
      %rem3A_288 = arith.remsi %mul3A_163, %select_n3A_287 : i32
      %ne3A_289 = arith.constant 0 : i32
      %ne3A_290 = arith.cmpi ne, %rem3A_288, %ne3A_289 : i32
      %lt3A_291 = arith.constant 0 : i32
      %lt3A_292 = arith.cmpi slt, %rem3A_288, %lt3A_291 : i32
      %lt3A_293 = arith.constant 0 : i32
      %lt3A_294 = arith.cmpi slt, %select_n3A_287, %lt3A_293 : i32
      %ne3A_295 = arith.xori %lt3A_292, %lt3A_294 : i1
      %and3A_296 = arith.andi %ne3A_295, %ne3A_290 : i1
      %add3A_297 = arith.addi %rem3A_288, %select_n3A_287 : i32
      %select_n3A_298 = arith.select %and3A_296, %add3A_297, %rem3A_288 : i32
      %dma_start3A_299 = arith.constant 0 : i32
      %dma_start3A_300 = tpu.memref_slice %arg8[%select_n3A_282, %select_n3A_298, %dma_start3A_299] : memref<5x8x128xi32, #tpu.memory_space<vmem>> -> memref<1x1x128xi32, #tpu.memory_space<vmem>>
      %dma_start3A_301 = tpu.memref_squeeze %dma_start3A_300 : memref<1x1x128xi32, #tpu.memory_space<vmem>> -> memref<128xi32, #tpu.memory_space<vmem>>
      %dma_start3A_302 = arith.constant 0 : i32
      %dma_start3A_303 = tpu.memref_slice %arg13[%dma_start3A_302] : memref<10240xf32, #tpu.memory_space<vmem_shared>> -> memref<10240xf32, #tpu.memory_space<vmem_shared>>
      tpu.enqueue_indirect_dma source(%arg11 : memref<128xf32, #tpu.memory_space<vmem>>) target(%dma_start3A_303 : memref<10240xf32, #tpu.memory_space<vmem_shared>>) offsets(%dma_start3A_301 : memref<128xi32, #tpu.memory_space<vmem>>) semaphore(%arg17 : memref<!tpu.dma_semaphore, #tpu.memory_space<semaphore_mem>>) {add = true}
      %add3A_304 = arith.constant 1 : i32
      %add3A_305 = arith.addi %add3A_165, %add3A_304 : i32
      %lt3A_306 = arith.cmpi slt, %add3A_305, %min3A : i32
      %convert_element_type3A_307 = arith.extui %lt3A_306 : i1 to i32
      %cond3A_308 = arith.constant 0 : i32
      %cond3A_309 = arith.cmpi ne, %convert_element_type3A_307, %cond3A_308 : i32
      scf.if %cond3A_309 {
        %add3A_403 = arith.constant 1 : i32
        %add3A_404 = arith.addi %add3A_165, %add3A_403 : i32
        %jit3A_405 = arith.constant 8 : i32
        %div3A_406 = arith.divsi %add3A_404, %jit3A_405 : i32
        %sign3A_407 = arith.constant 0 : i32
        %sign3A_408 = arith.cmpi sgt, %add3A_404, %sign3A_407 : i32
        %sign3A_409 = arith.extui %sign3A_408 : i1 to i32
        %sign3A_410 = arith.constant 0 : i32
        %sign3A_411 = arith.cmpi slt, %add3A_404, %sign3A_410 : i32
        %sign3A_412 = arith.extui %sign3A_411 : i1 to i32
        %sign3A_413 = arith.subi %sign3A_409, %sign3A_412 : i32
        %sign3A_414 = arith.constant 0 : i32
        %sign3A_415 = arith.cmpi sgt, %jit3A_405, %sign3A_414 : i32
        %sign3A_416 = arith.extui %sign3A_415 : i1 to i32
        %sign3A_417 = arith.constant 0 : i32
        %sign3A_418 = arith.cmpi slt, %jit3A_405, %sign3A_417 : i32
        %sign3A_419 = arith.extui %sign3A_418 : i1 to i32
        %sign3A_420 = arith.subi %sign3A_416, %sign3A_419 : i32
        %ne3A_421 = arith.cmpi ne, %sign3A_413, %sign3A_420 : i32
        %rem3A_422 = arith.remsi %add3A_404, %jit3A_405 : i32
        %ne3A_423 = arith.constant 0 : i32
        %ne3A_424 = arith.cmpi ne, %rem3A_422, %ne3A_423 : i32
        %and3A_425 = arith.andi %ne3A_421, %ne3A_424 : i1
        %sub3A_426 = arith.constant 1 : i32
        %sub3A_427 = arith.subi %div3A_406, %sub3A_426 : i32
        %select_n3A_428 = arith.select %and3A_425, %sub3A_427, %div3A_406 : i32
        %jit3A_429 = arith.constant 8 : i32
        %eq3A_430 = arith.constant 0 : i32
        %eq3A_431 = arith.cmpi eq, %jit3A_429, %eq3A_430 : i32
        %jit3A_432 = arith.constant 1 : i32
        %select_n3A_433 = arith.select %eq3A_431, %jit3A_432, %jit3A_429 : i32
        %rem3A_434 = arith.remsi %add3A_404, %select_n3A_433 : i32
        %ne3A_435 = arith.constant 0 : i32
        %ne3A_436 = arith.cmpi ne, %rem3A_434, %ne3A_435 : i32
        %lt3A_437 = arith.constant 0 : i32
        %lt3A_438 = arith.cmpi slt, %rem3A_434, %lt3A_437 : i32
        %lt3A_439 = arith.constant 0 : i32
        %lt3A_440 = arith.cmpi slt, %select_n3A_433, %lt3A_439 : i32
        %ne3A_441 = arith.xori %lt3A_438, %lt3A_440 : i1
        %and3A_442 = arith.andi %ne3A_441, %ne3A_436 : i1
        %add3A_443 = arith.addi %rem3A_434, %select_n3A_433 : i32
        %select_n3A_444 = arith.select %and3A_442, %add3A_443, %rem3A_434 : i32
        %dma_start3A_445 = arith.constant 0 : i32
        %dma_start3A_446 = tpu.memref_slice %arg7[%select_n3A_428, %select_n3A_444, %dma_start3A_445] : memref<5x8x128xi32, #tpu.memory_space<vmem>> -> memref<1x1x128xi32, #tpu.memory_space<vmem>>
        %dma_start3A_447 = tpu.memref_squeeze %dma_start3A_446 : memref<1x1x128xi32, #tpu.memory_space<vmem>> -> memref<128xi32, #tpu.memory_space<vmem>>
        %dma_start3A_448 = arith.constant 0 : i32
        %dma_start3A_449 = arith.constant 0 : i32
        %dma_start3A_450 = tpu.memref_slice %arg2[%dma_start3A_448, %dma_start3A_449] : memref<10000x128xf32, #tpu.memory_space<hbm>> -> memref<10000x128xf32, #tpu.memory_space<hbm>>
        tpu.enqueue_indirect_dma source(%dma_start3A_450 : memref<10000x128xf32, #tpu.memory_space<hbm>>) target(%arg9 : memref<128x128xf32, #tpu.memory_space<vmem>>) offsets(%dma_start3A_447 : memref<128xi32, #tpu.memory_space<vmem>>) semaphore(%arg14 : memref<!tpu.dma_semaphore, #tpu.memory_space<semaphore_mem>>)
      } else {
      }
      %dma_wait3A_310 = arith.constant 0 : i32
      %dma_wait3A_311 = arith.constant 0 : i32
      %dma_wait3A_312 = arith.constant 0 : i32
      %dma_wait3A_313 = tpu.memref_slice %arg7[%dma_wait3A_310, %dma_wait3A_311, %dma_wait3A_312] : memref<5x8x128xi32, #tpu.memory_space<vmem>> -> memref<1x1x128xi32, #tpu.memory_space<vmem>>
      %dma_wait3A_314 = tpu.memref_squeeze %dma_wait3A_313 : memref<1x1x128xi32, #tpu.memory_space<vmem>> -> memref<128xi32, #tpu.memory_space<vmem>>
      %dma_wait3A_315 = arith.constant 0 : i32
      %dma_wait3A_316 = arith.constant 0 : i32
      %dma_wait3A_317 = tpu.memref_slice %arg2[%dma_wait3A_315, %dma_wait3A_316] : memref<10000x128xf32, #tpu.memory_space<hbm>> -> memref<10000x128xf32, #tpu.memory_space<hbm>>
      tpu.wait_indirect_dma semaphore(%arg15 : memref<!tpu.dma_semaphore, #tpu.memory_space<semaphore_mem>>) src(%dma_wait3A_317 : memref<10000x128xf32, #tpu.memory_space<hbm>>) dst(%arg10 : memref<128x128xf32, #tpu.memory_space<vmem>>)
      %jit3A_318 = arith.constant 8 : i32
      %div3A_319 = arith.divsi %add3A_165, %jit3A_318 : i32
      %sign3A_320 = arith.constant 0 : i32
      %sign3A_321 = arith.cmpi sgt, %add3A_165, %sign3A_320 : i32
      %sign3A_322 = arith.extui %sign3A_321 : i1 to i32
      %sign3A_323 = arith.constant 0 : i32
      %sign3A_324 = arith.cmpi slt, %add3A_165, %sign3A_323 : i32
      %sign3A_325 = arith.extui %sign3A_324 : i1 to i32
      %sign3A_326 = arith.subi %sign3A_322, %sign3A_325 : i32
      %sign3A_327 = arith.constant 0 : i32
      %sign3A_328 = arith.cmpi sgt, %jit3A_318, %sign3A_327 : i32
      %sign3A_329 = arith.extui %sign3A_328 : i1 to i32
      %sign3A_330 = arith.constant 0 : i32
      %sign3A_331 = arith.cmpi slt, %jit3A_318, %sign3A_330 : i32
      %sign3A_332 = arith.extui %sign3A_331 : i1 to i32
      %sign3A_333 = arith.subi %sign3A_329, %sign3A_332 : i32
      %ne3A_334 = arith.cmpi ne, %sign3A_326, %sign3A_333 : i32
      %rem3A_335 = arith.remsi %add3A_165, %jit3A_318 : i32
      %ne3A_336 = arith.constant 0 : i32
      %ne3A_337 = arith.cmpi ne, %rem3A_335, %ne3A_336 : i32
      %and3A_338 = arith.andi %ne3A_334, %ne3A_337 : i1
      %sub3A_339 = arith.constant 1 : i32
      %sub3A_340 = arith.subi %div3A_319, %sub3A_339 : i32
      %select_n3A_341 = arith.select %and3A_338, %sub3A_340, %div3A_319 : i32
      %jit3A_342 = arith.constant 8 : i32
      %eq3A_343 = arith.constant 0 : i32
      %eq3A_344 = arith.cmpi eq, %jit3A_342, %eq3A_343 : i32
      %jit3A_345 = arith.constant 1 : i32
      %select_n3A_346 = arith.select %eq3A_344, %jit3A_345, %jit3A_342 : i32
      %rem3A_347 = arith.remsi %add3A_165, %select_n3A_346 : i32
      %ne3A_348 = arith.constant 0 : i32
      %ne3A_349 = arith.cmpi ne, %rem3A_347, %ne3A_348 : i32
      %lt3A_350 = arith.constant 0 : i32
      %lt3A_351 = arith.cmpi slt, %rem3A_347, %lt3A_350 : i32
      %lt3A_352 = arith.constant 0 : i32
      %lt3A_353 = arith.cmpi slt, %select_n3A_346, %lt3A_352 : i32
      %ne3A_354 = arith.xori %lt3A_351, %lt3A_353 : i1
      %and3A_355 = arith.andi %ne3A_354, %ne3A_349 : i1
      %add3A_356 = arith.addi %rem3A_347, %select_n3A_346 : i32
      %select_n3A_357 = arith.select %and3A_355, %add3A_356, %rem3A_347 : i32
      "tpu.region"() ({
        %run_scoped3A_403 = tpu.sem_alloc : memref<!tpu.dma_semaphore, #tpu.memory_space<semaphore_mem>>
        %dma_start3A_404 = arith.constant 0 : i32
        %dma_start3A_405 = tpu.memref_slice %arg8[%select_n3A_341, %select_n3A_357, %dma_start3A_404] : memref<5x8x128xi32, #tpu.memory_space<vmem>> -> memref<1x1x128xi32, #tpu.memory_space<vmem>>
        %dma_start3A_406 = tpu.memref_squeeze %dma_start3A_405 : memref<1x1x128xi32, #tpu.memory_space<vmem>> -> memref<128xi32, #tpu.memory_space<vmem>>
        %dma_start3A_407 = arith.constant 0 : i32
        %dma_start3A_408 = arith.constant 0 : i32
        %dma_start3A_409 = tpu.memref_slice %arg12[%dma_start3A_407, %dma_start3A_408] : memref<10240x128xf32, #tpu.memory_space<vmem_shared>> -> memref<10240x128xf32, #tpu.memory_space<vmem_shared>>
        tpu.enqueue_indirect_dma source(%arg10 : memref<128x128xf32, #tpu.memory_space<vmem>>) target(%dma_start3A_409 : memref<10240x128xf32, #tpu.memory_space<vmem_shared>>) offsets(%dma_start3A_406 : memref<128xi32, #tpu.memory_space<vmem>>) semaphore(%run_scoped3A_403 : memref<!tpu.dma_semaphore, #tpu.memory_space<semaphore_mem>>) {add = true}
        %dma_wait3A_410 = arith.constant 0 : i32
        %dma_wait3A_411 = tpu.memref_slice %arg8[%select_n3A_341, %select_n3A_357, %dma_wait3A_410] : memref<5x8x128xi32, #tpu.memory_space<vmem>> -> memref<1x1x128xi32, #tpu.memory_space<vmem>>
        %dma_wait3A_412 = tpu.memref_squeeze %dma_wait3A_411 : memref<1x1x128xi32, #tpu.memory_space<vmem>> -> memref<128xi32, #tpu.memory_space<vmem>>
        %dma_wait3A_413 = arith.constant 0 : i32
        %dma_wait3A_414 = arith.constant 0 : i32
        %dma_wait3A_415 = tpu.memref_slice %arg12[%dma_wait3A_413, %dma_wait3A_414] : memref<10240x128xf32, #tpu.memory_space<vmem_shared>> -> memref<10240x128xf32, #tpu.memory_space<vmem_shared>>
        tpu.wait_indirect_dma semaphore(%run_scoped3A_403 : memref<!tpu.dma_semaphore, #tpu.memory_space<semaphore_mem>>) src(%arg10 : memref<128x128xf32, #tpu.memory_space<vmem>>) dst(%dma_wait3A_415 : memref<10240x128xf32, #tpu.memory_space<vmem_shared>>)
        tpu.yield
      }) : () -> ()
      %jit3A_358 = arith.constant 8 : i32
      %div3A_359 = arith.divsi %add3A_165, %jit3A_358 : i32
      %sign3A_360 = arith.constant 0 : i32
      %sign3A_361 = arith.cmpi sgt, %add3A_165, %sign3A_360 : i32
      %sign3A_362 = arith.extui %sign3A_361 : i1 to i32
      %sign3A_363 = arith.constant 0 : i32
      %sign3A_364 = arith.cmpi slt, %add3A_165, %sign3A_363 : i32
      %sign3A_365 = arith.extui %sign3A_364 : i1 to i32
      %sign3A_366 = arith.subi %sign3A_362, %sign3A_365 : i32
      %sign3A_367 = arith.constant 0 : i32
      %sign3A_368 = arith.cmpi sgt, %jit3A_358, %sign3A_367 : i32
      %sign3A_369 = arith.extui %sign3A_368 : i1 to i32
      %sign3A_370 = arith.constant 0 : i32
      %sign3A_371 = arith.cmpi slt, %jit3A_358, %sign3A_370 : i32
      %sign3A_372 = arith.extui %sign3A_371 : i1 to i32
      %sign3A_373 = arith.subi %sign3A_369, %sign3A_372 : i32
      %ne3A_374 = arith.cmpi ne, %sign3A_366, %sign3A_373 : i32
      %rem3A_375 = arith.remsi %add3A_165, %jit3A_358 : i32
      %ne3A_376 = arith.constant 0 : i32
      %ne3A_377 = arith.cmpi ne, %rem3A_375, %ne3A_376 : i32
      %and3A_378 = arith.andi %ne3A_374, %ne3A_377 : i1
      %sub3A_379 = arith.constant 1 : i32
      %sub3A_380 = arith.subi %div3A_359, %sub3A_379 : i32
      %select_n3A_381 = arith.select %and3A_378, %sub3A_380, %div3A_359 : i32
      %jit3A_382 = arith.constant 8 : i32
      %eq3A_383 = arith.constant 0 : i32
      %eq3A_384 = arith.cmpi eq, %jit3A_382, %eq3A_383 : i32
      %jit3A_385 = arith.constant 1 : i32
      %select_n3A_386 = arith.select %eq3A_384, %jit3A_385, %jit3A_382 : i32
      %rem3A_387 = arith.remsi %add3A_165, %select_n3A_386 : i32
      %ne3A_388 = arith.constant 0 : i32
      %ne3A_389 = arith.cmpi ne, %rem3A_387, %ne3A_388 : i32
      %lt3A_390 = arith.constant 0 : i32
      %lt3A_391 = arith.cmpi slt, %rem3A_387, %lt3A_390 : i32
      %lt3A_392 = arith.constant 0 : i32
      %lt3A_393 = arith.cmpi slt, %select_n3A_386, %lt3A_392 : i32
      %ne3A_394 = arith.xori %lt3A_391, %lt3A_393 : i1
      %and3A_395 = arith.andi %ne3A_394, %ne3A_389 : i1
      %add3A_396 = arith.addi %rem3A_387, %select_n3A_386 : i32
      %select_n3A_397 = arith.select %and3A_395, %add3A_396, %rem3A_387 : i32
      %dma_start3A_398 = arith.constant 0 : i32
      %dma_start3A_399 = tpu.memref_slice %arg8[%select_n3A_381, %select_n3A_397, %dma_start3A_398] : memref<5x8x128xi32, #tpu.memory_space<vmem>> -> memref<1x1x128xi32, #tpu.memory_space<vmem>>
      %dma_start3A_400 = tpu.memref_squeeze %dma_start3A_399 : memref<1x1x128xi32, #tpu.memory_space<vmem>> -> memref<128xi32, #tpu.memory_space<vmem>>
      %dma_start3A_401 = arith.constant 0 : i32
      %dma_start3A_402 = tpu.memref_slice %arg13[%dma_start3A_401] : memref<10240xf32, #tpu.memory_space<vmem_shared>> -> memref<10240xf32, #tpu.memory_space<vmem_shared>>
      tpu.enqueue_indirect_dma source(%arg11 : memref<128xf32, #tpu.memory_space<vmem>>) target(%dma_start3A_402 : memref<10240xf32, #tpu.memory_space<vmem_shared>>) offsets(%dma_start3A_400 : memref<128xi32, #tpu.memory_space<vmem>>) semaphore(%arg17 : memref<!tpu.dma_semaphore, #tpu.memory_space<semaphore_mem>>) {add = true}
    }
    %while3A_93 = arith.constant 1 : i32
    scf.for %while3A_161 = %while3A_91 to %while3A_87 step %while3A_93  : i32 {
      %mul3A_162 = arith.constant 2 : i32
      %mul3A_163 = arith.muli %mul3A_162, %while3A_161 : i32
      %add3A_164 = arith.constant 1 : i32
      %add3A_165 = arith.addi %mul3A_163, %add3A_164 : i32
      %jit3A_166 = arith.constant 8 : i32
      %div3A_167 = arith.divsi %add3A_165, %jit3A_166 : i32
      %sign3A_168 = arith.constant 0 : i32
      %sign3A_169 = arith.cmpi sgt, %add3A_165, %sign3A_168 : i32
      %sign3A_170 = arith.extui %sign3A_169 : i1 to i32
      %sign3A_171 = arith.constant 0 : i32
      %sign3A_172 = arith.cmpi slt, %add3A_165, %sign3A_171 : i32
      %sign3A_173 = arith.extui %sign3A_172 : i1 to i32
      %sign3A_174 = arith.subi %sign3A_170, %sign3A_173 : i32
      %sign3A_175 = arith.constant 0 : i32
      %sign3A_176 = arith.cmpi sgt, %jit3A_166, %sign3A_175 : i32
      %sign3A_177 = arith.extui %sign3A_176 : i1 to i32
      %sign3A_178 = arith.constant 0 : i32
      %sign3A_179 = arith.cmpi slt, %jit3A_166, %sign3A_178 : i32
      %sign3A_180 = arith.extui %sign3A_179 : i1 to i32
      %sign3A_181 = arith.subi %sign3A_177, %sign3A_180 : i32
      %ne3A_182 = arith.cmpi ne, %sign3A_174, %sign3A_181 : i32
      %rem3A_183 = arith.remsi %add3A_165, %jit3A_166 : i32
      %ne3A_184 = arith.constant 0 : i32
      %ne3A_185 = arith.cmpi ne, %rem3A_183, %ne3A_184 : i32
      %and3A_186 = arith.andi %ne3A_182, %ne3A_185 : i1
      %sub3A_187 = arith.constant 1 : i32
      %sub3A_188 = arith.subi %div3A_167, %sub3A_187 : i32
      %select_n3A_189 = arith.select %and3A_186, %sub3A_188, %div3A_167 : i32
      %jit3A_190 = arith.constant 8 : i32
      %eq3A_191 = arith.constant 0 : i32
      %eq3A_192 = arith.cmpi eq, %jit3A_190, %eq3A_191 : i32
      %jit3A_193 = arith.constant 1 : i32
      %select_n3A_194 = arith.select %eq3A_192, %jit3A_193, %jit3A_190 : i32
      %rem3A_195 = arith.remsi %add3A_165, %select_n3A_194 : i32
      %ne3A_196 = arith.constant 0 : i32
      %ne3A_197 = arith.cmpi ne, %rem3A_195, %ne3A_196 : i32
      %lt3A = arith.constant 0 : i32
      %lt3A_198 = arith.cmpi slt, %rem3A_195, %lt3A : i32
      %lt3A_199 = arith.constant 0 : i32
      %lt3A_200 = arith.cmpi slt, %select_n3A_194, %lt3A_199 : i32
      %ne3A_201 = arith.xori %lt3A_198, %lt3A_200 : i1
      %and3A_202 = arith.andi %ne3A_201, %ne3A_197 : i1
      %add3A_203 = arith.addi %rem3A_195, %select_n3A_194 : i32
      %select_n3A_204 = arith.select %and3A_202, %add3A_203, %rem3A_195 : i32
      %dma_start3A_205 = arith.constant 0 : i32
      %dma_start3A_206 = tpu.memref_slice %arg7[%select_n3A_189, %select_n3A_204, %dma_start3A_205] : memref<5x8x128xi32, #tpu.memory_space<vmem>> -> memref<1x1x128xi32, #tpu.memory_space<vmem>>
      %dma_start3A_207 = tpu.memref_squeeze %dma_start3A_206 : memref<1x1x128xi32, #tpu.memory_space<vmem>> -> memref<128xi32, #tpu.memory_space<vmem>>
      %dma_start3A_208 = arith.constant 0 : i32
      %dma_start3A_209 = arith.constant 0 : i32
      %dma_start3A_210 = tpu.memref_slice %arg2[%dma_start3A_208, %dma_start3A_209] : memref<10000x128xf32, #tpu.memory_space<hbm>> -> memref<10000x128xf32, #tpu.memory_space<hbm>>
      tpu.enqueue_indirect_dma source(%dma_start3A_210 : memref<10000x128xf32, #tpu.memory_space<hbm>>) target(%arg10 : memref<128x128xf32, #tpu.memory_space<vmem>>) offsets(%dma_start3A_207 : memref<128xi32, #tpu.memory_space<vmem>>) semaphore(%arg15 : memref<!tpu.dma_semaphore, #tpu.memory_space<semaphore_mem>>)
      %dma_wait3A_211 = arith.constant 0 : i32
      %dma_wait3A_212 = arith.constant 0 : i32
      %dma_wait3A_213 = arith.constant 0 : i32
      %dma_wait3A_214 = tpu.memref_slice %arg7[%dma_wait3A_211, %dma_wait3A_212, %dma_wait3A_213] : memref<5x8x128xi32, #tpu.memory_space<vmem>> -> memref<1x1x128xi32, #tpu.memory_space<vmem>>
      %dma_wait3A_215 = tpu.memref_squeeze %dma_wait3A_214 : memref<1x1x128xi32, #tpu.memory_space<vmem>> -> memref<128xi32, #tpu.memory_space<vmem>>
      %dma_wait3A_216 = arith.constant 0 : i32
      %dma_wait3A_217 = arith.constant 0 : i32
      %dma_wait3A_218 = tpu.memref_slice %arg2[%dma_wait3A_216, %dma_wait3A_217] : memref<10000x128xf32, #tpu.memory_space<hbm>> -> memref<10000x128xf32, #tpu.memory_space<hbm>>
      tpu.wait_indirect_dma semaphore(%arg14 : memref<!tpu.dma_semaphore, #tpu.memory_space<semaphore_mem>>) src(%dma_wait3A_218 : memref<10000x128xf32, #tpu.memory_space<hbm>>) dst(%arg9 : memref<128x128xf32, #tpu.memory_space<vmem>>)
      %jit3A_219 = arith.constant 8 : i32
      %div3A_220 = arith.divsi %mul3A_163, %jit3A_219 : i32
      %sign3A_221 = arith.constant 0 : i32
      %sign3A_222 = arith.cmpi sgt, %mul3A_163, %sign3A_221 : i32
      %sign3A_223 = arith.extui %sign3A_222 : i1 to i32
      %sign3A_224 = arith.constant 0 : i32
      %sign3A_225 = arith.cmpi slt, %mul3A_163, %sign3A_224 : i32
      %sign3A_226 = arith.extui %sign3A_225 : i1 to i32
      %sign3A_227 = arith.subi %sign3A_223, %sign3A_226 : i32
      %sign3A_228 = arith.constant 0 : i32
      %sign3A_229 = arith.cmpi sgt, %jit3A_219, %sign3A_228 : i32
      %sign3A_230 = arith.extui %sign3A_229 : i1 to i32
      %sign3A_231 = arith.constant 0 : i32
      %sign3A_232 = arith.cmpi slt, %jit3A_219, %sign3A_231 : i32
      %sign3A_233 = arith.extui %sign3A_232 : i1 to i32
      %sign3A_234 = arith.subi %sign3A_230, %sign3A_233 : i32
      %ne3A_235 = arith.cmpi ne, %sign3A_227, %sign3A_234 : i32
      %rem3A_236 = arith.remsi %mul3A_163, %jit3A_219 : i32
      %ne3A_237 = arith.constant 0 : i32
      %ne3A_238 = arith.cmpi ne, %rem3A_236, %ne3A_237 : i32
      %and3A_239 = arith.andi %ne3A_235, %ne3A_238 : i1
      %sub3A_240 = arith.constant 1 : i32
      %sub3A_241 = arith.subi %div3A_220, %sub3A_240 : i32
      %select_n3A_242 = arith.select %and3A_239, %sub3A_241, %div3A_220 : i32
      %jit3A_243 = arith.constant 8 : i32
      %eq3A_244 = arith.constant 0 : i32
      %eq3A_245 = arith.cmpi eq, %jit3A_243, %eq3A_244 : i32
      %jit3A_246 = arith.constant 1 : i32
      %select_n3A_247 = arith.select %eq3A_245, %jit3A_246, %jit3A_243 : i32
      %rem3A_248 = arith.remsi %mul3A_163, %select_n3A_247 : i32
      %ne3A_249 = arith.constant 0 : i32
      %ne3A_250 = arith.cmpi ne, %rem3A_248, %ne3A_249 : i32
      %lt3A_251 = arith.constant 0 : i32
      %lt3A_252 = arith.cmpi slt, %rem3A_248, %lt3A_251 : i32
      %lt3A_253 = arith.constant 0 : i32
      %lt3A_254 = arith.cmpi slt, %select_n3A_247, %lt3A_253 : i32
      %ne3A_255 = arith.xori %lt3A_252, %lt3A_254 : i1
      %and3A_256 = arith.andi %ne3A_255, %ne3A_250 : i1
      %add3A_257 = arith.addi %rem3A_248, %select_n3A_247 : i32
      %select_n3A_258 = arith.select %and3A_256, %add3A_257, %rem3A_248 : i32
      "tpu.region"() ({
        %run_scoped3A_403 = tpu.sem_alloc : memref<!tpu.dma_semaphore, #tpu.memory_space<semaphore_mem>>
        %dma_start3A_404 = arith.constant 0 : i32
        %dma_start3A_405 = tpu.memref_slice %arg8[%select_n3A_242, %select_n3A_258, %dma_start3A_404] : memref<5x8x128xi32, #tpu.memory_space<vmem>> -> memref<1x1x128xi32, #tpu.memory_space<vmem>>
        %dma_start3A_406 = tpu.memref_squeeze %dma_start3A_405 : memref<1x1x128xi32, #tpu.memory_space<vmem>> -> memref<128xi32, #tpu.memory_space<vmem>>
        %dma_start3A_407 = arith.constant 0 : i32
        %dma_start3A_408 = arith.constant 0 : i32
        %dma_start3A_409 = tpu.memref_slice %arg12[%dma_start3A_407, %dma_start3A_408] : memref<10240x128xf32, #tpu.memory_space<vmem_shared>> -> memref<10240x128xf32, #tpu.memory_space<vmem_shared>>
        tpu.enqueue_indirect_dma source(%arg9 : memref<128x128xf32, #tpu.memory_space<vmem>>) target(%dma_start3A_409 : memref<10240x128xf32, #tpu.memory_space<vmem_shared>>) offsets(%dma_start3A_406 : memref<128xi32, #tpu.memory_space<vmem>>) semaphore(%run_scoped3A_403 : memref<!tpu.dma_semaphore, #tpu.memory_space<semaphore_mem>>) {add = true}
        %dma_wait3A_410 = arith.constant 0 : i32
        %dma_wait3A_411 = tpu.memref_slice %arg8[%select_n3A_242, %select_n3A_258, %dma_wait3A_410] : memref<5x8x128xi32, #tpu.memory_space<vmem>> -> memref<1x1x128xi32, #tpu.memory_space<vmem>>
        %dma_wait3A_412 = tpu.memref_squeeze %dma_wait3A_411 : memref<1x1x128xi32, #tpu.memory_space<vmem>> -> memref<128xi32, #tpu.memory_space<vmem>>
        %dma_wait3A_413 = arith.constant 0 : i32
        %dma_wait3A_414 = arith.constant 0 : i32
        %dma_wait3A_415 = tpu.memref_slice %arg12[%dma_wait3A_413, %dma_wait3A_414] : memref<10240x128xf32, #tpu.memory_space<vmem_shared>> -> memref<10240x128xf32, #tpu.memory_space<vmem_shared>>
        tpu.wait_indirect_dma semaphore(%run_scoped3A_403 : memref<!tpu.dma_semaphore, #tpu.memory_space<semaphore_mem>>) src(%arg9 : memref<128x128xf32, #tpu.memory_space<vmem>>) dst(%dma_wait3A_415 : memref<10240x128xf32, #tpu.memory_space<vmem_shared>>)
        tpu.yield
      }) : () -> ()
      %jit3A_259 = arith.constant 8 : i32
      %div3A_260 = arith.divsi %mul3A_163, %jit3A_259 : i32
      %sign3A_261 = arith.constant 0 : i32
      %sign3A_262 = arith.cmpi sgt, %mul3A_163, %sign3A_261 : i32
      %sign3A_263 = arith.extui %sign3A_262 : i1 to i32
      %sign3A_264 = arith.constant 0 : i32
      %sign3A_265 = arith.cmpi slt, %mul3A_163, %sign3A_264 : i32
      %sign3A_266 = arith.extui %sign3A_265 : i1 to i32
      %sign3A_267 = arith.subi %sign3A_263, %sign3A_266 : i32
      %sign3A_268 = arith.constant 0 : i32
      %sign3A_269 = arith.cmpi sgt, %jit3A_259, %sign3A_268 : i32
      %sign3A_270 = arith.extui %sign3A_269 : i1 to i32
      %sign3A_271 = arith.constant 0 : i32
      %sign3A_272 = arith.cmpi slt, %jit3A_259, %sign3A_271 : i32
      %sign3A_273 = arith.extui %sign3A_272 : i1 to i32
      %sign3A_274 = arith.subi %sign3A_270, %sign3A_273 : i32
      %ne3A_275 = arith.cmpi ne, %sign3A_267, %sign3A_274 : i32
      %rem3A_276 = arith.remsi %mul3A_163, %jit3A_259 : i32
      %ne3A_277 = arith.constant 0 : i32
      %ne3A_278 = arith.cmpi ne, %rem3A_276, %ne3A_277 : i32
      %and3A_279 = arith.andi %ne3A_275, %ne3A_278 : i1
      %sub3A_280 = arith.constant 1 : i32
      %sub3A_281 = arith.subi %div3A_260, %sub3A_280 : i32
      %select_n3A_282 = arith.select %and3A_279, %sub3A_281, %div3A_260 : i32
      %jit3A_283 = arith.constant 8 : i32
      %eq3A_284 = arith.constant 0 : i32
      %eq3A_285 = arith.cmpi eq, %jit3A_283, %eq3A_284 : i32
      %jit3A_286 = arith.constant 1 : i32
      %select_n3A_287 = arith.select %eq3A_285, %jit3A_286, %jit3A_283 : i32
      %rem3A_288 = arith.remsi %mul3A_163, %select_n3A_287 : i32
      %ne3A_289 = arith.constant 0 : i32
      %ne3A_290 = arith.cmpi ne, %rem3A_288, %ne3A_289 : i32
      %lt3A_291 = arith.constant 0 : i32
      %lt3A_292 = arith.cmpi slt, %rem3A_288, %lt3A_291 : i32
      %lt3A_293 = arith.constant 0 : i32
      %lt3A_294 = arith.cmpi slt, %select_n3A_287, %lt3A_293 : i32
      %ne3A_295 = arith.xori %lt3A_292, %lt3A_294 : i1
      %and3A_296 = arith.andi %ne3A_295, %ne3A_290 : i1
      %add3A_297 = arith.addi %rem3A_288, %select_n3A_287 : i32
      %select_n3A_298 = arith.select %and3A_296, %add3A_297, %rem3A_288 : i32
      %dma_start3A_299 = arith.constant 0 : i32
      %dma_start3A_300 = tpu.memref_slice %arg8[%select_n3A_282, %select_n3A_298, %dma_start3A_299] : memref<5x8x128xi32, #tpu.memory_space<vmem>> -> memref<1x1x128xi32, #tpu.memory_space<vmem>>
      %dma_start3A_301 = tpu.memref_squeeze %dma_start3A_300 : memref<1x1x128xi32, #tpu.memory_space<vmem>> -> memref<128xi32, #tpu.memory_space<vmem>>
      %dma_start3A_302 = arith.constant 0 : i32
      %dma_start3A_303 = tpu.memref_slice %arg13[%dma_start3A_302] : memref<10240xf32, #tpu.memory_space<vmem_shared>> -> memref<10240xf32, #tpu.memory_space<vmem_shared>>
      tpu.enqueue_indirect_dma source(%arg11 : memref<128xf32, #tpu.memory_space<vmem>>) target(%dma_start3A_303 : memref<10240xf32, #tpu.memory_space<vmem_shared>>) offsets(%dma_start3A_301 : memref<128xi32, #tpu.memory_space<vmem>>) semaphore(%arg17 : memref<!tpu.dma_semaphore, #tpu.memory_space<semaphore_mem>>) {add = true}
      %add3A_304 = arith.constant 1 : i32
      %add3A_305 = arith.addi %add3A_165, %add3A_304 : i32
      %lt3A_306 = arith.cmpi slt, %add3A_305, %min3A : i32
      %convert_element_type3A_307 = arith.extui %lt3A_306 : i1 to i32
      %cond3A_308 = arith.constant 0 : i32
      %cond3A_309 = arith.cmpi ne, %convert_element_type3A_307, %cond3A_308 : i32
      scf.if %cond3A_309 {
        %add3A_403 = arith.constant 1 : i32
        %add3A_404 = arith.addi %add3A_165, %add3A_403 : i32
        %jit3A_405 = arith.constant 8 : i32
        %div3A_406 = arith.divsi %add3A_404, %jit3A_405 : i32
        %sign3A_407 = arith.constant 0 : i32
        %sign3A_408 = arith.cmpi sgt, %add3A_404, %sign3A_407 : i32
        %sign3A_409 = arith.extui %sign3A_408 : i1 to i32
        %sign3A_410 = arith.constant 0 : i32
        %sign3A_411 = arith.cmpi slt, %add3A_404, %sign3A_410 : i32
        %sign3A_412 = arith.extui %sign3A_411 : i1 to i32
        %sign3A_413 = arith.subi %sign3A_409, %sign3A_412 : i32
        %sign3A_414 = arith.constant 0 : i32
        %sign3A_415 = arith.cmpi sgt, %jit3A_405, %sign3A_414 : i32
        %sign3A_416 = arith.extui %sign3A_415 : i1 to i32
        %sign3A_417 = arith.constant 0 : i32
        %sign3A_418 = arith.cmpi slt, %jit3A_405, %sign3A_417 : i32
        %sign3A_419 = arith.extui %sign3A_418 : i1 to i32
        %sign3A_420 = arith.subi %sign3A_416, %sign3A_419 : i32
        %ne3A_421 = arith.cmpi ne, %sign3A_413, %sign3A_420 : i32
        %rem3A_422 = arith.remsi %add3A_404, %jit3A_405 : i32
        %ne3A_423 = arith.constant 0 : i32
        %ne3A_424 = arith.cmpi ne, %rem3A_422, %ne3A_423 : i32
        %and3A_425 = arith.andi %ne3A_421, %ne3A_424 : i1
        %sub3A_426 = arith.constant 1 : i32
        %sub3A_427 = arith.subi %div3A_406, %sub3A_426 : i32
        %select_n3A_428 = arith.select %and3A_425, %sub3A_427, %div3A_406 : i32
        %jit3A_429 = arith.constant 8 : i32
        %eq3A_430 = arith.constant 0 : i32
        %eq3A_431 = arith.cmpi eq, %jit3A_429, %eq3A_430 : i32
        %jit3A_432 = arith.constant 1 : i32
        %select_n3A_433 = arith.select %eq3A_431, %jit3A_432, %jit3A_429 : i32
        %rem3A_434 = arith.remsi %add3A_404, %select_n3A_433 : i32
        %ne3A_435 = arith.constant 0 : i32
        %ne3A_436 = arith.cmpi ne, %rem3A_434, %ne3A_435 : i32
        %lt3A_437 = arith.constant 0 : i32
        %lt3A_438 = arith.cmpi slt, %rem3A_434, %lt3A_437 : i32
        %lt3A_439 = arith.constant 0 : i32
        %lt3A_440 = arith.cmpi slt, %select_n3A_433, %lt3A_439 : i32
        %ne3A_441 = arith.xori %lt3A_438, %lt3A_440 : i1
        %and3A_442 = arith.andi %ne3A_441, %ne3A_436 : i1
        %add3A_443 = arith.addi %rem3A_434, %select_n3A_433 : i32
        %select_n3A_444 = arith.select %and3A_442, %add3A_443, %rem3A_434 : i32
        %dma_start3A_445 = arith.constant 0 : i32
        %dma_start3A_446 = tpu.memref_slice %arg7[%select_n3A_428, %select_n3A_444, %dma_start3A_445] : memref<5x8x128xi32, #tpu.memory_space<vmem>> -> memref<1x1x128xi32, #tpu.memory_space<vmem>>
        %dma_start3A_447 = tpu.memref_squeeze %dma_start3A_446 : memref<1x1x128xi32, #tpu.memory_space<vmem>> -> memref<128xi32, #tpu.memory_space<vmem>>
        %dma_start3A_448 = arith.constant 0 : i32
        %dma_start3A_449 = arith.constant 0 : i32
        %dma_start3A_450 = tpu.memref_slice %arg2[%dma_start3A_448, %dma_start3A_449] : memref<10000x128xf32, #tpu.memory_space<hbm>> -> memref<10000x128xf32, #tpu.memory_space<hbm>>
        tpu.enqueue_indirect_dma source(%dma_start3A_450 : memref<10000x128xf32, #tpu.memory_space<hbm>>) target(%arg9 : memref<128x128xf32, #tpu.memory_space<vmem>>) offsets(%dma_start3A_447 : memref<128xi32, #tpu.memory_space<vmem>>) semaphore(%arg14 : memref<!tpu.dma_semaphore, #tpu.memory_space<semaphore_mem>>)
      } else {
      }
      %dma_wait3A_310 = arith.constant 0 : i32
      %dma_wait3A_311 = arith.constant 0 : i32
      %dma_wait3A_312 = arith.constant 0 : i32
      %dma_wait3A_313 = tpu.memref_slice %arg7[%dma_wait3A_310, %dma_wait3A_311, %dma_wait3A_312] : memref<5x8x128xi32, #tpu.memory_space<vmem>> -> memref<1x1x128xi32, #tpu.memory_space<vmem>>
      %dma_wait3A_314 = tpu.memref_squeeze %dma_wait3A_313 : memref<1x1x128xi32, #tpu.memory_space<vmem>> -> memref<128xi32, #tpu.memory_space<vmem>>
      %dma_wait3A_315 = arith.constant 0 : i32
      %dma_wait3A_316 = arith.constant 0 : i32
      %dma_wait3A_317 = tpu.memref_slice %arg2[%dma_wait3A_315, %dma_wait3A_316] : memref<10000x128xf32, #tpu.memory_space<hbm>> -> memref<10000x128xf32, #tpu.memory_space<hbm>>
      tpu.wait_indirect_dma semaphore(%arg15 : memref<!tpu.dma_semaphore, #tpu.memory_space<semaphore_mem>>) src(%dma_wait3A_317 : memref<10000x128xf32, #tpu.memory_space<hbm>>) dst(%arg10 : memref<128x128xf32, #tpu.memory_space<vmem>>)
      %jit3A_318 = arith.constant 8 : i32
      %div3A_319 = arith.divsi %add3A_165, %jit3A_318 : i32
      %sign3A_320 = arith.constant 0 : i32
      %sign3A_321 = arith.cmpi sgt, %add3A_165, %sign3A_320 : i32
      %sign3A_322 = arith.extui %sign3A_321 : i1 to i32
      %sign3A_323 = arith.constant 0 : i32
      %sign3A_324 = arith.cmpi slt, %add3A_165, %sign3A_323 : i32
      %sign3A_325 = arith.extui %sign3A_324 : i1 to i32
      %sign3A_326 = arith.subi %sign3A_322, %sign3A_325 : i32
      %sign3A_327 = arith.constant 0 : i32
      %sign3A_328 = arith.cmpi sgt, %jit3A_318, %sign3A_327 : i32
      %sign3A_329 = arith.extui %sign3A_328 : i1 to i32
      %sign3A_330 = arith.constant 0 : i32
      %sign3A_331 = arith.cmpi slt, %jit3A_318, %sign3A_330 : i32
      %sign3A_332 = arith.extui %sign3A_331 : i1 to i32
      %sign3A_333 = arith.subi %sign3A_329, %sign3A_332 : i32
      %ne3A_334 = arith.cmpi ne, %sign3A_326, %sign3A_333 : i32
      %rem3A_335 = arith.remsi %add3A_165, %jit3A_318 : i32
      %ne3A_336 = arith.constant 0 : i32
      %ne3A_337 = arith.cmpi ne, %rem3A_335, %ne3A_336 : i32
      %and3A_338 = arith.andi %ne3A_334, %ne3A_337 : i1
      %sub3A_339 = arith.constant 1 : i32
      %sub3A_340 = arith.subi %div3A_319, %sub3A_339 : i32
      %select_n3A_341 = arith.select %and3A_338, %sub3A_340, %div3A_319 : i32
      %jit3A_342 = arith.constant 8 : i32
      %eq3A_343 = arith.constant 0 : i32
      %eq3A_344 = arith.cmpi eq, %jit3A_342, %eq3A_343 : i32
      %jit3A_345 = arith.constant 1 : i32
      %select_n3A_346 = arith.select %eq3A_344, %jit3A_345, %jit3A_342 : i32
      %rem3A_347 = arith.remsi %add3A_165, %select_n3A_346 : i32
      %ne3A_348 = arith.constant 0 : i32
      %ne3A_349 = arith.cmpi ne, %rem3A_347, %ne3A_348 : i32
      %lt3A_350 = arith.constant 0 : i32
      %lt3A_351 = arith.cmpi slt, %rem3A_347, %lt3A_350 : i32
      %lt3A_352 = arith.constant 0 : i32
      %lt3A_353 = arith.cmpi slt, %select_n3A_346, %lt3A_352 : i32
      %ne3A_354 = arith.xori %lt3A_351, %lt3A_353 : i1
      %and3A_355 = arith.andi %ne3A_354, %ne3A_349 : i1
      %add3A_356 = arith.addi %rem3A_347, %select_n3A_346 : i32
      %select_n3A_357 = arith.select %and3A_355, %add3A_356, %rem3A_347 : i32
      "tpu.region"() ({
        %run_scoped3A_403 = tpu.sem_alloc : memref<!tpu.dma_semaphore, #tpu.memory_space<semaphore_mem>>
        %dma_start3A_404 = arith.constant 0 : i32
        %dma_start3A_405 = tpu.memref_slice %arg8[%select_n3A_341, %select_n3A_357, %dma_start3A_404] : memref<5x8x128xi32, #tpu.memory_space<vmem>> -> memref<1x1x128xi32, #tpu.memory_space<vmem>>
        %dma_start3A_406 = tpu.memref_squeeze %dma_start3A_405 : memref<1x1x128xi32, #tpu.memory_space<vmem>> -> memref<128xi32, #tpu.memory_space<vmem>>
        %dma_start3A_407 = arith.constant 0 : i32
        %dma_start3A_408 = arith.constant 0 : i32
        %dma_start3A_409 = tpu.memref_slice %arg12[%dma_start3A_407, %dma_start3A_408] : memref<10240x128xf32, #tpu.memory_space<vmem_shared>> -> memref<10240x128xf32, #tpu.memory_space<vmem_shared>>
        tpu.enqueue_indirect_dma source(%arg10 : memref<128x128xf32, #tpu.memory_space<vmem>>) target(%dma_start3A_409 : memref<10240x128xf32, #tpu.memory_space<vmem_shared>>) offsets(%dma_start3A_406 : memref<128xi32, #tpu.memory_space<vmem>>) semaphore(%run_scoped3A_403 : memref<!tpu.dma_semaphore, #tpu.memory_space<semaphore_mem>>) {add = true}
        %dma_wait3A_410 = arith.constant 0 : i32
        %dma_wait3A_411 = tpu.memref_slice %arg8[%select_n3A_341, %select_n3A_357, %dma_wait3A_410] : memref<5x8x128xi32, #tpu.memory_space<vmem>> -> memref<1x1x128xi32, #tpu.memory_space<vmem>>
        %dma_wait3A_412 = tpu.memref_squeeze %dma_wait3A_411 : memref<1x1x128xi32, #tpu.memory_space<vmem>> -> memref<128xi32, #tpu.memory_space<vmem>>
        %dma_wait3A_413 = arith.constant 0 : i32
        %dma_wait3A_414 = arith.constant 0 : i32
        %dma_wait3A_415 = tpu.memref_slice %arg12[%dma_wait3A_413, %dma_wait3A_414] : memref<10240x128xf32, #tpu.memory_space<vmem_shared>> -> memref<10240x128xf32, #tpu.memory_space<vmem_shared>>
        tpu.wait_indirect_dma semaphore(%run_scoped3A_403 : memref<!tpu.dma_semaphore, #tpu.memory_space<semaphore_mem>>) src(%arg10 : memref<128x128xf32, #tpu.memory_space<vmem>>) dst(%dma_wait3A_415 : memref<10240x128xf32, #tpu.memory_space<vmem_shared>>)
        tpu.yield
      }) : () -> ()
      %jit3A_358 = arith.constant 8 : i32
      %div3A_359 = arith.divsi %add3A_165, %jit3A_358 : i32
      %sign3A_360 = arith.constant 0 : i32
      %sign3A_361 = arith.cmpi sgt, %add3A_165, %sign3A_360 : i32
      %sign3A_362 = arith.extui %sign3A_361 : i1 to i32
      %sign3A_363 = arith.constant 0 : i32
      %sign3A_364 = arith.cmpi slt, %add3A_165, %sign3A_363 : i32
      %sign3A_365 = arith.extui %sign3A_364 : i1 to i32
      %sign3A_366 = arith.subi %sign3A_362, %sign3A_365 : i32
      %sign3A_367 = arith.constant 0 : i32
      %sign3A_368 = arith.cmpi sgt, %jit3A_358, %sign3A_367 : i32
      %sign3A_369 = arith.extui %sign3A_368 : i1 to i32
      %sign3A_370 = arith.constant 0 : i32
      %sign3A_371 = arith.cmpi slt, %jit3A_358, %sign3A_370 : i32
      %sign3A_372 = arith.extui %sign3A_371 : i1 to i32
      %sign3A_373 = arith.subi %sign3A_369, %sign3A_372 : i32
      %ne3A_374 = arith.cmpi ne, %sign3A_366, %sign3A_373 : i32
      %rem3A_375 = arith.remsi %add3A_165, %jit3A_358 : i32
      %ne3A_376 = arith.constant 0 : i32
      %ne3A_377 = arith.cmpi ne, %rem3A_375, %ne3A_376 : i32
      %and3A_378 = arith.andi %ne3A_374, %ne3A_377 : i1
      %sub3A_379 = arith.constant 1 : i32
      %sub3A_380 = arith.subi %div3A_359, %sub3A_379 : i32
      %select_n3A_381 = arith.select %and3A_378, %sub3A_380, %div3A_359 : i32
      %jit3A_382 = arith.constant 8 : i32
      %eq3A_383 = arith.constant 0 : i32
      %eq3A_384 = arith.cmpi eq, %jit3A_382, %eq3A_383 : i32
      %jit3A_385 = arith.constant 1 : i32
      %select_n3A_386 = arith.select %eq3A_384, %jit3A_385, %jit3A_382 : i32
      %rem3A_387 = arith.remsi %add3A_165, %select_n3A_386 : i32
      %ne3A_388 = arith.constant 0 : i32
      %ne3A_389 = arith.cmpi ne, %rem3A_387, %ne3A_388 : i32
      %lt3A_390 = arith.constant 0 : i32
      %lt3A_391 = arith.cmpi slt, %rem3A_387, %lt3A_390 : i32
      %lt3A_392 = arith.constant 0 : i32
      %lt3A_393 = arith.cmpi slt, %select_n3A_386, %lt3A_392 : i32
      %ne3A_394 = arith.xori %lt3A_391, %lt3A_393 : i1
      %and3A_395 = arith.andi %ne3A_394, %ne3A_389 : i1
      %add3A_396 = arith.addi %rem3A_387, %select_n3A_386 : i32
      %select_n3A_397 = arith.select %and3A_395, %add3A_396, %rem3A_387 : i32
      %dma_start3A_398 = arith.constant 0 : i32
      %dma_start3A_399 = tpu.memref_slice %arg8[%select_n3A_381, %select_n3A_397, %dma_start3A_398] : memref<5x8x128xi32, #tpu.memory_space<vmem>> -> memref<1x1x128xi32, #tpu.memory_space<vmem>>
      %dma_start3A_400 = tpu.memref_squeeze %dma_start3A_399 : memref<1x1x128xi32, #tpu.memory_space<vmem>> -> memref<128xi32, #tpu.memory_space<vmem>>
      %dma_start3A_401 = arith.constant 0 : i32
      %dma_start3A_402 = tpu.memref_slice %arg13[%dma_start3A_401] : memref<10240xf32, #tpu.memory_space<vmem_shared>> -> memref<10240xf32, #tpu.memory_space<vmem_shared>>
      tpu.enqueue_indirect_dma source(%arg11 : memref<128xf32, #tpu.memory_space<vmem>>) target(%dma_start3A_402 : memref<10240xf32, #tpu.memory_space<vmem_shared>>) offsets(%dma_start3A_400 : memref<128xi32, #tpu.memory_space<vmem>>) semaphore(%arg17 : memref<!tpu.dma_semaphore, #tpu.memory_space<semaphore_mem>>) {add = true}
    }
    %while3A_94 = arith.constant 0 : i32
    %while3A_95 = arith.subi %min3A, %while3A_94 : i32
    %while3A_96 = arith.addi %while3A_94, %while3A_95 : i32
    %while3A_97 = arith.constant 1 : i32
    %while3A_98 = arith.divsi %while3A_95, %while3A_97 : i32
    %while3A_99 = arith.muli %while3A_98, %while3A_97 : i32
    %while3A_100 = arith.addi %while3A_94, %while3A_99 : i32
    %while3A_101 = arith.constant 1 : i32
    scf.for %while3A_161 = %while3A_94 to %while3A_100 step %while3A_101  : i32 {
      %dma_wait3A_162 = arith.constant 0 : i32
      %dma_wait3A_163 = arith.constant 0 : i32
      %dma_wait3A_164 = arith.constant 0 : i32
      %dma_wait3A_165 = tpu.memref_slice %arg8[%dma_wait3A_162, %dma_wait3A_163, %dma_wait3A_164] : memref<5x8x128xi32, #tpu.memory_space<vmem>> -> memref<1x1x128xi32, #tpu.memory_space<vmem>>
      %dma_wait3A_166 = tpu.memref_squeeze %dma_wait3A_165 : memref<1x1x128xi32, #tpu.memory_space<vmem>> -> memref<128xi32, #tpu.memory_space<vmem>>
      %dma_wait3A_167 = arith.constant 0 : i32
      %dma_wait3A_168 = tpu.memref_slice %arg13[%dma_wait3A_167] : memref<10240xf32, #tpu.memory_space<vmem_shared>> -> memref<10240xf32, #tpu.memory_space<vmem_shared>>
      tpu.wait_indirect_dma semaphore(%arg17 : memref<!tpu.dma_semaphore, #tpu.memory_space<semaphore_mem>>) src(%arg11 : memref<128xf32, #tpu.memory_space<vmem>>) dst(%dma_wait3A_168 : memref<10240xf32, #tpu.memory_space<vmem_shared>>)
    }
    %while3A_102 = arith.constant 1 : i32
    scf.for %while3A_161 = %while3A_100 to %while3A_96 step %while3A_102  : i32 {
      %dma_wait3A_162 = arith.constant 0 : i32
      %dma_wait3A_163 = arith.constant 0 : i32
      %dma_wait3A_164 = arith.constant 0 : i32
      %dma_wait3A_165 = tpu.memref_slice %arg8[%dma_wait3A_162, %dma_wait3A_163, %dma_wait3A_164] : memref<5x8x128xi32, #tpu.memory_space<vmem>> -> memref<1x1x128xi32, #tpu.memory_space<vmem>>
      %dma_wait3A_166 = tpu.memref_squeeze %dma_wait3A_165 : memref<1x1x128xi32, #tpu.memory_space<vmem>> -> memref<128xi32, #tpu.memory_space<vmem>>
      %dma_wait3A_167 = arith.constant 0 : i32
      %dma_wait3A_168 = tpu.memref_slice %arg13[%dma_wait3A_167] : memref<10240xf32, #tpu.memory_space<vmem_shared>> -> memref<10240xf32, #tpu.memory_space<vmem_shared>>
      tpu.wait_indirect_dma semaphore(%arg17 : memref<!tpu.dma_semaphore, #tpu.memory_space<semaphore_mem>>) src(%arg11 : memref<128xf32, #tpu.memory_space<vmem>>) dst(%dma_wait3A_168 : memref<10240xf32, #tpu.memory_space<vmem_shared>>)
    }
    %add3A_103 = arith.constant 5 : i32
    %add3A_104 = arith.addi %mul3A_2, %add3A_103 : i32
    "tpu.region"() ({
      %run_scoped3A_161 = tpu.sem_alloc : memref<!tpu.dma_semaphore, #tpu.memory_space<semaphore_mem>>
      %dma_start3A_162 = arith.constant 0 : i32
      %dma_start3A_163 = arith.constant 0 : i32
      %dma_start3A_164 = tpu.memref_slice %arg3[%add3A_104, %dma_start3A_162, %dma_start3A_163] : memref<320x8x128xi32, #tpu.memory_space<hbm>> -> memref<5x8x128xi32, #tpu.memory_space<hbm>>
      %dma_start3A_165 = arith.constant 0 : i32
      %dma_start3A_166 = arith.constant 0 : i32
      %dma_start3A_167 = tpu.memref_slice %arg3[%add3A_104, %dma_start3A_165, %dma_start3A_166] : memref<320x8x128xi32, #tpu.memory_space<hbm>> -> memref<5x8x128xi32, #tpu.memory_space<hbm>>
      tpu.enqueue_dma source(%dma_start3A_167 : memref<5x8x128xi32, #tpu.memory_space<hbm>>) target(%arg7 : memref<5x8x128xi32, #tpu.memory_space<vmem>>) target_semaphore(%run_scoped3A_161 : memref<!tpu.dma_semaphore, #tpu.memory_space<semaphore_mem>>)
      %dma_wait3A_168 = arith.constant 0 : i32
      %dma_wait3A_169 = arith.constant 0 : i32
      %dma_wait3A_170 = tpu.memref_slice %arg3[%add3A_104, %dma_wait3A_168, %dma_wait3A_169] : memref<320x8x128xi32, #tpu.memory_space<hbm>> -> memref<5x8x128xi32, #tpu.memory_space<hbm>>
      %dma_wait3A_171 = arith.constant 0 : i32
      %dma_wait3A_172 = arith.constant 0 : i32
      %dma_wait3A_173 = tpu.memref_slice %arg3[%add3A_104, %dma_wait3A_171, %dma_wait3A_172] : memref<320x8x128xi32, #tpu.memory_space<hbm>> -> memref<5x8x128xi32, #tpu.memory_space<hbm>>
      tpu.wait_dma2 semaphore(%run_scoped3A_161 : memref<!tpu.dma_semaphore, #tpu.memory_space<semaphore_mem>>) src(%dma_wait3A_173 : memref<5x8x128xi32, #tpu.memory_space<hbm>>) dst(%arg7 : memref<5x8x128xi32, #tpu.memory_space<vmem>>)
      tpu.yield
    }) : () -> ()
    %add3A_105 = arith.constant 5 : i32
    %add3A_106 = arith.addi %mul3A_2, %add3A_105 : i32
    "tpu.region"() ({
      %run_scoped3A_161 = tpu.sem_alloc : memref<!tpu.dma_semaphore, #tpu.memory_space<semaphore_mem>>
      %dma_start3A_162 = arith.constant 0 : i32
      %dma_start3A_163 = arith.constant 0 : i32
      %dma_start3A_164 = tpu.memref_slice %arg4[%add3A_106, %dma_start3A_162, %dma_start3A_163] : memref<320x8x128xi32, #tpu.memory_space<hbm>> -> memref<5x8x128xi32, #tpu.memory_space<hbm>>
      %dma_start3A_165 = arith.constant 0 : i32
      %dma_start3A_166 = arith.constant 0 : i32
      %dma_start3A_167 = tpu.memref_slice %arg4[%add3A_106, %dma_start3A_165, %dma_start3A_166] : memref<320x8x128xi32, #tpu.memory_space<hbm>> -> memref<5x8x128xi32, #tpu.memory_space<hbm>>
      tpu.enqueue_dma source(%dma_start3A_167 : memref<5x8x128xi32, #tpu.memory_space<hbm>>) target(%arg8 : memref<5x8x128xi32, #tpu.memory_space<vmem>>) target_semaphore(%run_scoped3A_161 : memref<!tpu.dma_semaphore, #tpu.memory_space<semaphore_mem>>)
      %dma_wait3A_168 = arith.constant 0 : i32
      %dma_wait3A_169 = arith.constant 0 : i32
      %dma_wait3A_170 = tpu.memref_slice %arg4[%add3A_106, %dma_wait3A_168, %dma_wait3A_169] : memref<320x8x128xi32, #tpu.memory_space<hbm>> -> memref<5x8x128xi32, #tpu.memory_space<hbm>>
      %dma_wait3A_171 = arith.constant 0 : i32
      %dma_wait3A_172 = arith.constant 0 : i32
      %dma_wait3A_173 = tpu.memref_slice %arg4[%add3A_106, %dma_wait3A_171, %dma_wait3A_172] : memref<320x8x128xi32, #tpu.memory_space<hbm>> -> memref<5x8x128xi32, #tpu.memory_space<hbm>>
      tpu.wait_dma2 semaphore(%run_scoped3A_161 : memref<!tpu.dma_semaphore, #tpu.memory_space<semaphore_mem>>) src(%dma_wait3A_173 : memref<5x8x128xi32, #tpu.memory_space<hbm>>) dst(%arg8 : memref<5x8x128xi32, #tpu.memory_space<vmem>>)
      tpu.yield
    }) : () -> ()
    %sub3A_107 = arith.constant 40 : i32
    %sub3A_108 = arith.subi %select_n3A, %sub3A_107 : i32
    %jit3A_109 = arith.constant 0 : i32
    %jit3A_110 = arith.constant 40 : i32
    %max3A_111 = arith.maxsi %jit3A_109, %sub3A_108 : i32
    %min3A_112 = arith.minsi %jit3A_110, %max3A_111 : i32
    %gt3A_113 = arith.constant 0 : i32
    %gt3A_114 = arith.cmpi sgt, %min3A_112, %gt3A_113 : i32
    %convert_element_type3A_115 = arith.extui %gt3A_114 : i1 to i32
    %cond3A_116 = arith.constant 0 : i32
    %cond3A_117 = arith.cmpi ne, %convert_element_type3A_115, %cond3A_116 : i32
    scf.if %cond3A_117 {
      %dma_start3A_161 = arith.constant 0 : i32
      %dma_start3A_162 = arith.constant 0 : i32
      %dma_start3A_163 = arith.constant 0 : i32
      %dma_start3A_164 = tpu.memref_slice %arg7[%dma_start3A_161, %dma_start3A_162, %dma_start3A_163] : memref<5x8x128xi32, #tpu.memory_space<vmem>> -> memref<1x1x128xi32, #tpu.memory_space<vmem>>
      %dma_start3A_165 = tpu.memref_squeeze %dma_start3A_164 : memref<1x1x128xi32, #tpu.memory_space<vmem>> -> memref<128xi32, #tpu.memory_space<vmem>>
      %dma_start3A_166 = arith.constant 0 : i32
      %dma_start3A_167 = arith.constant 0 : i32
      %dma_start3A_168 = tpu.memref_slice %arg2[%dma_start3A_166, %dma_start3A_167] : memref<10000x128xf32, #tpu.memory_space<hbm>> -> memref<10000x128xf32, #tpu.memory_space<hbm>>
      tpu.enqueue_indirect_dma source(%dma_start3A_168 : memref<10000x128xf32, #tpu.memory_space<hbm>>) target(%arg9 : memref<128x128xf32, #tpu.memory_space<vmem>>) offsets(%dma_start3A_165 : memref<128xi32, #tpu.memory_space<vmem>>) semaphore(%arg14 : memref<!tpu.dma_semaphore, #tpu.memory_space<semaphore_mem>>)
    } else {
    }
    %jit3A_118 = arith.constant 2 : i32
    %div3A_119 = arith.divsi %min3A_112, %jit3A_118 : i32
    %sign3A_120 = arith.constant 0 : i32
    %sign3A_121 = arith.cmpi sgt, %min3A_112, %sign3A_120 : i32
    %sign3A_122 = arith.extui %sign3A_121 : i1 to i32
    %sign3A_123 = arith.constant 0 : i32
    %sign3A_124 = arith.cmpi slt, %min3A_112, %sign3A_123 : i32
    %sign3A_125 = arith.extui %sign3A_124 : i1 to i32
    %sign3A_126 = arith.subi %sign3A_122, %sign3A_125 : i32
    %sign3A_127 = arith.constant 0 : i32
    %sign3A_128 = arith.cmpi sgt, %jit3A_118, %sign3A_127 : i32
    %sign3A_129 = arith.extui %sign3A_128 : i1 to i32
    %sign3A_130 = arith.constant 0 : i32
    %sign3A_131 = arith.cmpi slt, %jit3A_118, %sign3A_130 : i32
    %sign3A_132 = arith.extui %sign3A_131 : i1 to i32
    %sign3A_133 = arith.subi %sign3A_129, %sign3A_132 : i32
    %ne3A_134 = arith.cmpi ne, %sign3A_126, %sign3A_133 : i32
    %rem3A_135 = arith.remsi %min3A_112, %jit3A_118 : i32
    %ne3A_136 = arith.constant 0 : i32
    %ne3A_137 = arith.cmpi ne, %rem3A_135, %ne3A_136 : i32
    %and3A_138 = arith.andi %ne3A_134, %ne3A_137 : i1
    %sub3A_139 = arith.constant 1 : i32
    %sub3A_140 = arith.subi %div3A_119, %sub3A_139 : i32
    %select_n3A_141 = arith.select %and3A_138, %sub3A_140, %div3A_119 : i32
    %while3A_142 = arith.constant 0 : i32
    %while3A_143 = arith.subi %select_n3A_141, %while3A_142 : i32
    %while3A_144 = arith.addi %while3A_142, %while3A_143 : i32
    %while3A_145 = arith.constant 1 : i32
    %while3A_146 = arith.divsi %while3A_143, %while3A_145 : i32
    %while3A_147 = arith.muli %while3A_146, %while3A_145 : i32
    %while3A_148 = arith.addi %while3A_142, %while3A_147 : i32
    %while3A_149 = arith.constant 1 : i32
    scf.for %while3A_161 = %while3A_142 to %while3A_148 step %while3A_149  : i32 {
      %mul3A_162 = arith.constant 2 : i32
      %mul3A_163 = arith.muli %mul3A_162, %while3A_161 : i32
      %add3A_164 = arith.constant 1 : i32
      %add3A_165 = arith.addi %mul3A_163, %add3A_164 : i32
      %jit3A_166 = arith.constant 8 : i32
      %div3A_167 = arith.divsi %add3A_165, %jit3A_166 : i32
      %sign3A_168 = arith.constant 0 : i32
      %sign3A_169 = arith.cmpi sgt, %add3A_165, %sign3A_168 : i32
      %sign3A_170 = arith.extui %sign3A_169 : i1 to i32
      %sign3A_171 = arith.constant 0 : i32
      %sign3A_172 = arith.cmpi slt, %add3A_165, %sign3A_171 : i32
      %sign3A_173 = arith.extui %sign3A_172 : i1 to i32
      %sign3A_174 = arith.subi %sign3A_170, %sign3A_173 : i32
      %sign3A_175 = arith.constant 0 : i32
      %sign3A_176 = arith.cmpi sgt, %jit3A_166, %sign3A_175 : i32
      %sign3A_177 = arith.extui %sign3A_176 : i1 to i32
      %sign3A_178 = arith.constant 0 : i32
      %sign3A_179 = arith.cmpi slt, %jit3A_166, %sign3A_178 : i32
      %sign3A_180 = arith.extui %sign3A_179 : i1 to i32
      %sign3A_181 = arith.subi %sign3A_177, %sign3A_180 : i32
      %ne3A_182 = arith.cmpi ne, %sign3A_174, %sign3A_181 : i32
      %rem3A_183 = arith.remsi %add3A_165, %jit3A_166 : i32
      %ne3A_184 = arith.constant 0 : i32
      %ne3A_185 = arith.cmpi ne, %rem3A_183, %ne3A_184 : i32
      %and3A_186 = arith.andi %ne3A_182, %ne3A_185 : i1
      %sub3A_187 = arith.constant 1 : i32
      %sub3A_188 = arith.subi %div3A_167, %sub3A_187 : i32
      %select_n3A_189 = arith.select %and3A_186, %sub3A_188, %div3A_167 : i32
      %jit3A_190 = arith.constant 8 : i32
      %eq3A_191 = arith.constant 0 : i32
      %eq3A_192 = arith.cmpi eq, %jit3A_190, %eq3A_191 : i32
      %jit3A_193 = arith.constant 1 : i32
      %select_n3A_194 = arith.select %eq3A_192, %jit3A_193, %jit3A_190 : i32
      %rem3A_195 = arith.remsi %add3A_165, %select_n3A_194 : i32
      %ne3A_196 = arith.constant 0 : i32
      %ne3A_197 = arith.cmpi ne, %rem3A_195, %ne3A_196 : i32
      %lt3A = arith.constant 0 : i32
      %lt3A_198 = arith.cmpi slt, %rem3A_195, %lt3A : i32
      %lt3A_199 = arith.constant 0 : i32
      %lt3A_200 = arith.cmpi slt, %select_n3A_194, %lt3A_199 : i32
      %ne3A_201 = arith.xori %lt3A_198, %lt3A_200 : i1
      %and3A_202 = arith.andi %ne3A_201, %ne3A_197 : i1
      %add3A_203 = arith.addi %rem3A_195, %select_n3A_194 : i32
      %select_n3A_204 = arith.select %and3A_202, %add3A_203, %rem3A_195 : i32
      %dma_start3A_205 = arith.constant 0 : i32
      %dma_start3A_206 = tpu.memref_slice %arg7[%select_n3A_189, %select_n3A_204, %dma_start3A_205] : memref<5x8x128xi32, #tpu.memory_space<vmem>> -> memref<1x1x128xi32, #tpu.memory_space<vmem>>
      %dma_start3A_207 = tpu.memref_squeeze %dma_start3A_206 : memref<1x1x128xi32, #tpu.memory_space<vmem>> -> memref<128xi32, #tpu.memory_space<vmem>>
      %dma_start3A_208 = arith.constant 0 : i32
      %dma_start3A_209 = arith.constant 0 : i32
      %dma_start3A_210 = tpu.memref_slice %arg2[%dma_start3A_208, %dma_start3A_209] : memref<10000x128xf32, #tpu.memory_space<hbm>> -> memref<10000x128xf32, #tpu.memory_space<hbm>>
      tpu.enqueue_indirect_dma source(%dma_start3A_210 : memref<10000x128xf32, #tpu.memory_space<hbm>>) target(%arg10 : memref<128x128xf32, #tpu.memory_space<vmem>>) offsets(%dma_start3A_207 : memref<128xi32, #tpu.memory_space<vmem>>) semaphore(%arg15 : memref<!tpu.dma_semaphore, #tpu.memory_space<semaphore_mem>>)
      %dma_wait3A_211 = arith.constant 0 : i32
      %dma_wait3A_212 = arith.constant 0 : i32
      %dma_wait3A_213 = arith.constant 0 : i32
      %dma_wait3A_214 = tpu.memref_slice %arg7[%dma_wait3A_211, %dma_wait3A_212, %dma_wait3A_213] : memref<5x8x128xi32, #tpu.memory_space<vmem>> -> memref<1x1x128xi32, #tpu.memory_space<vmem>>
      %dma_wait3A_215 = tpu.memref_squeeze %dma_wait3A_214 : memref<1x1x128xi32, #tpu.memory_space<vmem>> -> memref<128xi32, #tpu.memory_space<vmem>>
      %dma_wait3A_216 = arith.constant 0 : i32
      %dma_wait3A_217 = arith.constant 0 : i32
      %dma_wait3A_218 = tpu.memref_slice %arg2[%dma_wait3A_216, %dma_wait3A_217] : memref<10000x128xf32, #tpu.memory_space<hbm>> -> memref<10000x128xf32, #tpu.memory_space<hbm>>
      tpu.wait_indirect_dma semaphore(%arg14 : memref<!tpu.dma_semaphore, #tpu.memory_space<semaphore_mem>>) src(%dma_wait3A_218 : memref<10000x128xf32, #tpu.memory_space<hbm>>) dst(%arg9 : memref<128x128xf32, #tpu.memory_space<vmem>>)
      %jit3A_219 = arith.constant 8 : i32
      %div3A_220 = arith.divsi %mul3A_163, %jit3A_219 : i32
      %sign3A_221 = arith.constant 0 : i32
      %sign3A_222 = arith.cmpi sgt, %mul3A_163, %sign3A_221 : i32
      %sign3A_223 = arith.extui %sign3A_222 : i1 to i32
      %sign3A_224 = arith.constant 0 : i32
      %sign3A_225 = arith.cmpi slt, %mul3A_163, %sign3A_224 : i32
      %sign3A_226 = arith.extui %sign3A_225 : i1 to i32
      %sign3A_227 = arith.subi %sign3A_223, %sign3A_226 : i32
      %sign3A_228 = arith.constant 0 : i32
      %sign3A_229 = arith.cmpi sgt, %jit3A_219, %sign3A_228 : i32
      %sign3A_230 = arith.extui %sign3A_229 : i1 to i32
      %sign3A_231 = arith.constant 0 : i32
      %sign3A_232 = arith.cmpi slt, %jit3A_219, %sign3A_231 : i32
      %sign3A_233 = arith.extui %sign3A_232 : i1 to i32
      %sign3A_234 = arith.subi %sign3A_230, %sign3A_233 : i32
      %ne3A_235 = arith.cmpi ne, %sign3A_227, %sign3A_234 : i32
      %rem3A_236 = arith.remsi %mul3A_163, %jit3A_219 : i32
      %ne3A_237 = arith.constant 0 : i32
      %ne3A_238 = arith.cmpi ne, %rem3A_236, %ne3A_237 : i32
      %and3A_239 = arith.andi %ne3A_235, %ne3A_238 : i1
      %sub3A_240 = arith.constant 1 : i32
      %sub3A_241 = arith.subi %div3A_220, %sub3A_240 : i32
      %select_n3A_242 = arith.select %and3A_239, %sub3A_241, %div3A_220 : i32
      %jit3A_243 = arith.constant 8 : i32
      %eq3A_244 = arith.constant 0 : i32
      %eq3A_245 = arith.cmpi eq, %jit3A_243, %eq3A_244 : i32
      %jit3A_246 = arith.constant 1 : i32
      %select_n3A_247 = arith.select %eq3A_245, %jit3A_246, %jit3A_243 : i32
      %rem3A_248 = arith.remsi %mul3A_163, %select_n3A_247 : i32
      %ne3A_249 = arith.constant 0 : i32
      %ne3A_250 = arith.cmpi ne, %rem3A_248, %ne3A_249 : i32
      %lt3A_251 = arith.constant 0 : i32
      %lt3A_252 = arith.cmpi slt, %rem3A_248, %lt3A_251 : i32
      %lt3A_253 = arith.constant 0 : i32
      %lt3A_254 = arith.cmpi slt, %select_n3A_247, %lt3A_253 : i32
      %ne3A_255 = arith.xori %lt3A_252, %lt3A_254 : i1
      %and3A_256 = arith.andi %ne3A_255, %ne3A_250 : i1
      %add3A_257 = arith.addi %rem3A_248, %select_n3A_247 : i32
      %select_n3A_258 = arith.select %and3A_256, %add3A_257, %rem3A_248 : i32
      "tpu.region"() ({
        %run_scoped3A_403 = tpu.sem_alloc : memref<!tpu.dma_semaphore, #tpu.memory_space<semaphore_mem>>
        %dma_start3A_404 = arith.constant 0 : i32
        %dma_start3A_405 = tpu.memref_slice %arg8[%select_n3A_242, %select_n3A_258, %dma_start3A_404] : memref<5x8x128xi32, #tpu.memory_space<vmem>> -> memref<1x1x128xi32, #tpu.memory_space<vmem>>
        %dma_start3A_406 = tpu.memref_squeeze %dma_start3A_405 : memref<1x1x128xi32, #tpu.memory_space<vmem>> -> memref<128xi32, #tpu.memory_space<vmem>>
        %dma_start3A_407 = arith.constant 0 : i32
        %dma_start3A_408 = arith.constant 0 : i32
        %dma_start3A_409 = tpu.memref_slice %arg12[%dma_start3A_407, %dma_start3A_408] : memref<10240x128xf32, #tpu.memory_space<vmem_shared>> -> memref<10240x128xf32, #tpu.memory_space<vmem_shared>>
        tpu.enqueue_indirect_dma source(%arg9 : memref<128x128xf32, #tpu.memory_space<vmem>>) target(%dma_start3A_409 : memref<10240x128xf32, #tpu.memory_space<vmem_shared>>) offsets(%dma_start3A_406 : memref<128xi32, #tpu.memory_space<vmem>>) semaphore(%run_scoped3A_403 : memref<!tpu.dma_semaphore, #tpu.memory_space<semaphore_mem>>) {add = true}
        %dma_wait3A_410 = arith.constant 0 : i32
        %dma_wait3A_411 = tpu.memref_slice %arg8[%select_n3A_242, %select_n3A_258, %dma_wait3A_410] : memref<5x8x128xi32, #tpu.memory_space<vmem>> -> memref<1x1x128xi32, #tpu.memory_space<vmem>>
        %dma_wait3A_412 = tpu.memref_squeeze %dma_wait3A_411 : memref<1x1x128xi32, #tpu.memory_space<vmem>> -> memref<128xi32, #tpu.memory_space<vmem>>
        %dma_wait3A_413 = arith.constant 0 : i32
        %dma_wait3A_414 = arith.constant 0 : i32
        %dma_wait3A_415 = tpu.memref_slice %arg12[%dma_wait3A_413, %dma_wait3A_414] : memref<10240x128xf32, #tpu.memory_space<vmem_shared>> -> memref<10240x128xf32, #tpu.memory_space<vmem_shared>>
        tpu.wait_indirect_dma semaphore(%run_scoped3A_403 : memref<!tpu.dma_semaphore, #tpu.memory_space<semaphore_mem>>) src(%arg9 : memref<128x128xf32, #tpu.memory_space<vmem>>) dst(%dma_wait3A_415 : memref<10240x128xf32, #tpu.memory_space<vmem_shared>>)
        tpu.yield
      }) : () -> ()
      %jit3A_259 = arith.constant 8 : i32
      %div3A_260 = arith.divsi %mul3A_163, %jit3A_259 : i32
      %sign3A_261 = arith.constant 0 : i32
      %sign3A_262 = arith.cmpi sgt, %mul3A_163, %sign3A_261 : i32
      %sign3A_263 = arith.extui %sign3A_262 : i1 to i32
      %sign3A_264 = arith.constant 0 : i32
      %sign3A_265 = arith.cmpi slt, %mul3A_163, %sign3A_264 : i32
      %sign3A_266 = arith.extui %sign3A_265 : i1 to i32
      %sign3A_267 = arith.subi %sign3A_263, %sign3A_266 : i32
      %sign3A_268 = arith.constant 0 : i32
      %sign3A_269 = arith.cmpi sgt, %jit3A_259, %sign3A_268 : i32
      %sign3A_270 = arith.extui %sign3A_269 : i1 to i32
      %sign3A_271 = arith.constant 0 : i32
      %sign3A_272 = arith.cmpi slt, %jit3A_259, %sign3A_271 : i32
      %sign3A_273 = arith.extui %sign3A_272 : i1 to i32
      %sign3A_274 = arith.subi %sign3A_270, %sign3A_273 : i32
      %ne3A_275 = arith.cmpi ne, %sign3A_267, %sign3A_274 : i32
      %rem3A_276 = arith.remsi %mul3A_163, %jit3A_259 : i32
      %ne3A_277 = arith.constant 0 : i32
      %ne3A_278 = arith.cmpi ne, %rem3A_276, %ne3A_277 : i32
      %and3A_279 = arith.andi %ne3A_275, %ne3A_278 : i1
      %sub3A_280 = arith.constant 1 : i32
      %sub3A_281 = arith.subi %div3A_260, %sub3A_280 : i32
      %select_n3A_282 = arith.select %and3A_279, %sub3A_281, %div3A_260 : i32
      %jit3A_283 = arith.constant 8 : i32
      %eq3A_284 = arith.constant 0 : i32
      %eq3A_285 = arith.cmpi eq, %jit3A_283, %eq3A_284 : i32
      %jit3A_286 = arith.constant 1 : i32
      %select_n3A_287 = arith.select %eq3A_285, %jit3A_286, %jit3A_283 : i32
      %rem3A_288 = arith.remsi %mul3A_163, %select_n3A_287 : i32
      %ne3A_289 = arith.constant 0 : i32
      %ne3A_290 = arith.cmpi ne, %rem3A_288, %ne3A_289 : i32
      %lt3A_291 = arith.constant 0 : i32
      %lt3A_292 = arith.cmpi slt, %rem3A_288, %lt3A_291 : i32
      %lt3A_293 = arith.constant 0 : i32
      %lt3A_294 = arith.cmpi slt, %select_n3A_287, %lt3A_293 : i32
      %ne3A_295 = arith.xori %lt3A_292, %lt3A_294 : i1
      %and3A_296 = arith.andi %ne3A_295, %ne3A_290 : i1
      %add3A_297 = arith.addi %rem3A_288, %select_n3A_287 : i32
      %select_n3A_298 = arith.select %and3A_296, %add3A_297, %rem3A_288 : i32
      %dma_start3A_299 = arith.constant 0 : i32
      %dma_start3A_300 = tpu.memref_slice %arg8[%select_n3A_282, %select_n3A_298, %dma_start3A_299] : memref<5x8x128xi32, #tpu.memory_space<vmem>> -> memref<1x1x128xi32, #tpu.memory_space<vmem>>
      %dma_start3A_301 = tpu.memref_squeeze %dma_start3A_300 : memref<1x1x128xi32, #tpu.memory_space<vmem>> -> memref<128xi32, #tpu.memory_space<vmem>>
      %dma_start3A_302 = arith.constant 0 : i32
      %dma_start3A_303 = tpu.memref_slice %arg13[%dma_start3A_302] : memref<10240xf32, #tpu.memory_space<vmem_shared>> -> memref<10240xf32, #tpu.memory_space<vmem_shared>>
      tpu.enqueue_indirect_dma source(%arg11 : memref<128xf32, #tpu.memory_space<vmem>>) target(%dma_start3A_303 : memref<10240xf32, #tpu.memory_space<vmem_shared>>) offsets(%dma_start3A_301 : memref<128xi32, #tpu.memory_space<vmem>>) semaphore(%arg17 : memref<!tpu.dma_semaphore, #tpu.memory_space<semaphore_mem>>) {add = true}
      %add3A_304 = arith.constant 1 : i32
      %add3A_305 = arith.addi %add3A_165, %add3A_304 : i32
      %lt3A_306 = arith.cmpi slt, %add3A_305, %min3A_112 : i32
      %convert_element_type3A_307 = arith.extui %lt3A_306 : i1 to i32
      %cond3A_308 = arith.constant 0 : i32
      %cond3A_309 = arith.cmpi ne, %convert_element_type3A_307, %cond3A_308 : i32
      scf.if %cond3A_309 {
        %add3A_403 = arith.constant 1 : i32
        %add3A_404 = arith.addi %add3A_165, %add3A_403 : i32
        %jit3A_405 = arith.constant 8 : i32
        %div3A_406 = arith.divsi %add3A_404, %jit3A_405 : i32
        %sign3A_407 = arith.constant 0 : i32
        %sign3A_408 = arith.cmpi sgt, %add3A_404, %sign3A_407 : i32
        %sign3A_409 = arith.extui %sign3A_408 : i1 to i32
        %sign3A_410 = arith.constant 0 : i32
        %sign3A_411 = arith.cmpi slt, %add3A_404, %sign3A_410 : i32
        %sign3A_412 = arith.extui %sign3A_411 : i1 to i32
        %sign3A_413 = arith.subi %sign3A_409, %sign3A_412 : i32
        %sign3A_414 = arith.constant 0 : i32
        %sign3A_415 = arith.cmpi sgt, %jit3A_405, %sign3A_414 : i32
        %sign3A_416 = arith.extui %sign3A_415 : i1 to i32
        %sign3A_417 = arith.constant 0 : i32
        %sign3A_418 = arith.cmpi slt, %jit3A_405, %sign3A_417 : i32
        %sign3A_419 = arith.extui %sign3A_418 : i1 to i32
        %sign3A_420 = arith.subi %sign3A_416, %sign3A_419 : i32
        %ne3A_421 = arith.cmpi ne, %sign3A_413, %sign3A_420 : i32
        %rem3A_422 = arith.remsi %add3A_404, %jit3A_405 : i32
        %ne3A_423 = arith.constant 0 : i32
        %ne3A_424 = arith.cmpi ne, %rem3A_422, %ne3A_423 : i32
        %and3A_425 = arith.andi %ne3A_421, %ne3A_424 : i1
        %sub3A_426 = arith.constant 1 : i32
        %sub3A_427 = arith.subi %div3A_406, %sub3A_426 : i32
        %select_n3A_428 = arith.select %and3A_425, %sub3A_427, %div3A_406 : i32
        %jit3A_429 = arith.constant 8 : i32
        %eq3A_430 = arith.constant 0 : i32
        %eq3A_431 = arith.cmpi eq, %jit3A_429, %eq3A_430 : i32
        %jit3A_432 = arith.constant 1 : i32
        %select_n3A_433 = arith.select %eq3A_431, %jit3A_432, %jit3A_429 : i32
        %rem3A_434 = arith.remsi %add3A_404, %select_n3A_433 : i32
        %ne3A_435 = arith.constant 0 : i32
        %ne3A_436 = arith.cmpi ne, %rem3A_434, %ne3A_435 : i32
        %lt3A_437 = arith.constant 0 : i32
        %lt3A_438 = arith.cmpi slt, %rem3A_434, %lt3A_437 : i32
        %lt3A_439 = arith.constant 0 : i32
        %lt3A_440 = arith.cmpi slt, %select_n3A_433, %lt3A_439 : i32
        %ne3A_441 = arith.xori %lt3A_438, %lt3A_440 : i1
        %and3A_442 = arith.andi %ne3A_441, %ne3A_436 : i1
        %add3A_443 = arith.addi %rem3A_434, %select_n3A_433 : i32
        %select_n3A_444 = arith.select %and3A_442, %add3A_443, %rem3A_434 : i32
        %dma_start3A_445 = arith.constant 0 : i32
        %dma_start3A_446 = tpu.memref_slice %arg7[%select_n3A_428, %select_n3A_444, %dma_start3A_445] : memref<5x8x128xi32, #tpu.memory_space<vmem>> -> memref<1x1x128xi32, #tpu.memory_space<vmem>>
        %dma_start3A_447 = tpu.memref_squeeze %dma_start3A_446 : memref<1x1x128xi32, #tpu.memory_space<vmem>> -> memref<128xi32, #tpu.memory_space<vmem>>
        %dma_start3A_448 = arith.constant 0 : i32
        %dma_start3A_449 = arith.constant 0 : i32
        %dma_start3A_450 = tpu.memref_slice %arg2[%dma_start3A_448, %dma_start3A_449] : memref<10000x128xf32, #tpu.memory_space<hbm>> -> memref<10000x128xf32, #tpu.memory_space<hbm>>
        tpu.enqueue_indirect_dma source(%dma_start3A_450 : memref<10000x128xf32, #tpu.memory_space<hbm>>) target(%arg9 : memref<128x128xf32, #tpu.memory_space<vmem>>) offsets(%dma_start3A_447 : memref<128xi32, #tpu.memory_space<vmem>>) semaphore(%arg14 : memref<!tpu.dma_semaphore, #tpu.memory_space<semaphore_mem>>)
      } else {
      }
      %dma_wait3A_310 = arith.constant 0 : i32
      %dma_wait3A_311 = arith.constant 0 : i32
      %dma_wait3A_312 = arith.constant 0 : i32
      %dma_wait3A_313 = tpu.memref_slice %arg7[%dma_wait3A_310, %dma_wait3A_311, %dma_wait3A_312] : memref<5x8x128xi32, #tpu.memory_space<vmem>> -> memref<1x1x128xi32, #tpu.memory_space<vmem>>
      %dma_wait3A_314 = tpu.memref_squeeze %dma_wait3A_313 : memref<1x1x128xi32, #tpu.memory_space<vmem>> -> memref<128xi32, #tpu.memory_space<vmem>>
      %dma_wait3A_315 = arith.constant 0 : i32
      %dma_wait3A_316 = arith.constant 0 : i32
      %dma_wait3A_317 = tpu.memref_slice %arg2[%dma_wait3A_315, %dma_wait3A_316] : memref<10000x128xf32, #tpu.memory_space<hbm>> -> memref<10000x128xf32, #tpu.memory_space<hbm>>
      tpu.wait_indirect_dma semaphore(%arg15 : memref<!tpu.dma_semaphore, #tpu.memory_space<semaphore_mem>>) src(%dma_wait3A_317 : memref<10000x128xf32, #tpu.memory_space<hbm>>) dst(%arg10 : memref<128x128xf32, #tpu.memory_space<vmem>>)
      %jit3A_318 = arith.constant 8 : i32
      %div3A_319 = arith.divsi %add3A_165, %jit3A_318 : i32
      %sign3A_320 = arith.constant 0 : i32
      %sign3A_321 = arith.cmpi sgt, %add3A_165, %sign3A_320 : i32
      %sign3A_322 = arith.extui %sign3A_321 : i1 to i32
      %sign3A_323 = arith.constant 0 : i32
      %sign3A_324 = arith.cmpi slt, %add3A_165, %sign3A_323 : i32
      %sign3A_325 = arith.extui %sign3A_324 : i1 to i32
      %sign3A_326 = arith.subi %sign3A_322, %sign3A_325 : i32
      %sign3A_327 = arith.constant 0 : i32
      %sign3A_328 = arith.cmpi sgt, %jit3A_318, %sign3A_327 : i32
      %sign3A_329 = arith.extui %sign3A_328 : i1 to i32
      %sign3A_330 = arith.constant 0 : i32
      %sign3A_331 = arith.cmpi slt, %jit3A_318, %sign3A_330 : i32
      %sign3A_332 = arith.extui %sign3A_331 : i1 to i32
      %sign3A_333 = arith.subi %sign3A_329, %sign3A_332 : i32
      %ne3A_334 = arith.cmpi ne, %sign3A_326, %sign3A_333 : i32
      %rem3A_335 = arith.remsi %add3A_165, %jit3A_318 : i32
      %ne3A_336 = arith.constant 0 : i32
      %ne3A_337 = arith.cmpi ne, %rem3A_335, %ne3A_336 : i32
      %and3A_338 = arith.andi %ne3A_334, %ne3A_337 : i1
      %sub3A_339 = arith.constant 1 : i32
      %sub3A_340 = arith.subi %div3A_319, %sub3A_339 : i32
      %select_n3A_341 = arith.select %and3A_338, %sub3A_340, %div3A_319 : i32
      %jit3A_342 = arith.constant 8 : i32
      %eq3A_343 = arith.constant 0 : i32
      %eq3A_344 = arith.cmpi eq, %jit3A_342, %eq3A_343 : i32
      %jit3A_345 = arith.constant 1 : i32
      %select_n3A_346 = arith.select %eq3A_344, %jit3A_345, %jit3A_342 : i32
      %rem3A_347 = arith.remsi %add3A_165, %select_n3A_346 : i32
      %ne3A_348 = arith.constant 0 : i32
      %ne3A_349 = arith.cmpi ne, %rem3A_347, %ne3A_348 : i32
      %lt3A_350 = arith.constant 0 : i32
      %lt3A_351 = arith.cmpi slt, %rem3A_347, %lt3A_350 : i32
      %lt3A_352 = arith.constant 0 : i32
      %lt3A_353 = arith.cmpi slt, %select_n3A_346, %lt3A_352 : i32
      %ne3A_354 = arith.xori %lt3A_351, %lt3A_353 : i1
      %and3A_355 = arith.andi %ne3A_354, %ne3A_349 : i1
      %add3A_356 = arith.addi %rem3A_347, %select_n3A_346 : i32
      %select_n3A_357 = arith.select %and3A_355, %add3A_356, %rem3A_347 : i32
      "tpu.region"() ({
        %run_scoped3A_403 = tpu.sem_alloc : memref<!tpu.dma_semaphore, #tpu.memory_space<semaphore_mem>>
        %dma_start3A_404 = arith.constant 0 : i32
        %dma_start3A_405 = tpu.memref_slice %arg8[%select_n3A_341, %select_n3A_357, %dma_start3A_404] : memref<5x8x128xi32, #tpu.memory_space<vmem>> -> memref<1x1x128xi32, #tpu.memory_space<vmem>>
        %dma_start3A_406 = tpu.memref_squeeze %dma_start3A_405 : memref<1x1x128xi32, #tpu.memory_space<vmem>> -> memref<128xi32, #tpu.memory_space<vmem>>
        %dma_start3A_407 = arith.constant 0 : i32
        %dma_start3A_408 = arith.constant 0 : i32
        %dma_start3A_409 = tpu.memref_slice %arg12[%dma_start3A_407, %dma_start3A_408] : memref<10240x128xf32, #tpu.memory_space<vmem_shared>> -> memref<10240x128xf32, #tpu.memory_space<vmem_shared>>
        tpu.enqueue_indirect_dma source(%arg10 : memref<128x128xf32, #tpu.memory_space<vmem>>) target(%dma_start3A_409 : memref<10240x128xf32, #tpu.memory_space<vmem_shared>>) offsets(%dma_start3A_406 : memref<128xi32, #tpu.memory_space<vmem>>) semaphore(%run_scoped3A_403 : memref<!tpu.dma_semaphore, #tpu.memory_space<semaphore_mem>>) {add = true}
        %dma_wait3A_410 = arith.constant 0 : i32
        %dma_wait3A_411 = tpu.memref_slice %arg8[%select_n3A_341, %select_n3A_357, %dma_wait3A_410] : memref<5x8x128xi32, #tpu.memory_space<vmem>> -> memref<1x1x128xi32, #tpu.memory_space<vmem>>
        %dma_wait3A_412 = tpu.memref_squeeze %dma_wait3A_411 : memref<1x1x128xi32, #tpu.memory_space<vmem>> -> memref<128xi32, #tpu.memory_space<vmem>>
        %dma_wait3A_413 = arith.constant 0 : i32
        %dma_wait3A_414 = arith.constant 0 : i32
        %dma_wait3A_415 = tpu.memref_slice %arg12[%dma_wait3A_413, %dma_wait3A_414] : memref<10240x128xf32, #tpu.memory_space<vmem_shared>> -> memref<10240x128xf32, #tpu.memory_space<vmem_shared>>
        tpu.wait_indirect_dma semaphore(%run_scoped3A_403 : memref<!tpu.dma_semaphore, #tpu.memory_space<semaphore_mem>>) src(%arg10 : memref<128x128xf32, #tpu.memory_space<vmem>>) dst(%dma_wait3A_415 : memref<10240x128xf32, #tpu.memory_space<vmem_shared>>)
        tpu.yield
      }) : () -> ()
      %jit3A_358 = arith.constant 8 : i32
      %div3A_359 = arith.divsi %add3A_165, %jit3A_358 : i32
      %sign3A_360 = arith.constant 0 : i32
      %sign3A_361 = arith.cmpi sgt, %add3A_165, %sign3A_360 : i32
      %sign3A_362 = arith.extui %sign3A_361 : i1 to i32
      %sign3A_363 = arith.constant 0 : i32
      %sign3A_364 = arith.cmpi slt, %add3A_165, %sign3A_363 : i32
      %sign3A_365 = arith.extui %sign3A_364 : i1 to i32
      %sign3A_366 = arith.subi %sign3A_362, %sign3A_365 : i32
      %sign3A_367 = arith.constant 0 : i32
      %sign3A_368 = arith.cmpi sgt, %jit3A_358, %sign3A_367 : i32
      %sign3A_369 = arith.extui %sign3A_368 : i1 to i32
      %sign3A_370 = arith.constant 0 : i32
      %sign3A_371 = arith.cmpi slt, %jit3A_358, %sign3A_370 : i32
      %sign3A_372 = arith.extui %sign3A_371 : i1 to i32
      %sign3A_373 = arith.subi %sign3A_369, %sign3A_372 : i32
      %ne3A_374 = arith.cmpi ne, %sign3A_366, %sign3A_373 : i32
      %rem3A_375 = arith.remsi %add3A_165, %jit3A_358 : i32
      %ne3A_376 = arith.constant 0 : i32
      %ne3A_377 = arith.cmpi ne, %rem3A_375, %ne3A_376 : i32
      %and3A_378 = arith.andi %ne3A_374, %ne3A_377 : i1
      %sub3A_379 = arith.constant 1 : i32
      %sub3A_380 = arith.subi %div3A_359, %sub3A_379 : i32
      %select_n3A_381 = arith.select %and3A_378, %sub3A_380, %div3A_359 : i32
      %jit3A_382 = arith.constant 8 : i32
      %eq3A_383 = arith.constant 0 : i32
      %eq3A_384 = arith.cmpi eq, %jit3A_382, %eq3A_383 : i32
      %jit3A_385 = arith.constant 1 : i32
      %select_n3A_386 = arith.select %eq3A_384, %jit3A_385, %jit3A_382 : i32
      %rem3A_387 = arith.remsi %add3A_165, %select_n3A_386 : i32
      %ne3A_388 = arith.constant 0 : i32
      %ne3A_389 = arith.cmpi ne, %rem3A_387, %ne3A_388 : i32
      %lt3A_390 = arith.constant 0 : i32
      %lt3A_391 = arith.cmpi slt, %rem3A_387, %lt3A_390 : i32
      %lt3A_392 = arith.constant 0 : i32
      %lt3A_393 = arith.cmpi slt, %select_n3A_386, %lt3A_392 : i32
      %ne3A_394 = arith.xori %lt3A_391, %lt3A_393 : i1
      %and3A_395 = arith.andi %ne3A_394, %ne3A_389 : i1
      %add3A_396 = arith.addi %rem3A_387, %select_n3A_386 : i32
      %select_n3A_397 = arith.select %and3A_395, %add3A_396, %rem3A_387 : i32
      %dma_start3A_398 = arith.constant 0 : i32
      %dma_start3A_399 = tpu.memref_slice %arg8[%select_n3A_381, %select_n3A_397, %dma_start3A_398] : memref<5x8x128xi32, #tpu.memory_space<vmem>> -> memref<1x1x128xi32, #tpu.memory_space<vmem>>
      %dma_start3A_400 = tpu.memref_squeeze %dma_start3A_399 : memref<1x1x128xi32, #tpu.memory_space<vmem>> -> memref<128xi32, #tpu.memory_space<vmem>>
      %dma_start3A_401 = arith.constant 0 : i32
      %dma_start3A_402 = tpu.memref_slice %arg13[%dma_start3A_401] : memref<10240xf32, #tpu.memory_space<vmem_shared>> -> memref<10240xf32, #tpu.memory_space<vmem_shared>>
      tpu.enqueue_indirect_dma source(%arg11 : memref<128xf32, #tpu.memory_space<vmem>>) target(%dma_start3A_402 : memref<10240xf32, #tpu.memory_space<vmem_shared>>) offsets(%dma_start3A_400 : memref<128xi32, #tpu.memory_space<vmem>>) semaphore(%arg17 : memref<!tpu.dma_semaphore, #tpu.memory_space<semaphore_mem>>) {add = true}
    }
    %while3A_150 = arith.constant 1 : i32
    scf.for %while3A_161 = %while3A_148 to %while3A_144 step %while3A_150  : i32 {
      %mul3A_162 = arith.constant 2 : i32
      %mul3A_163 = arith.muli %mul3A_162, %while3A_161 : i32
      %add3A_164 = arith.constant 1 : i32
      %add3A_165 = arith.addi %mul3A_163, %add3A_164 : i32
      %jit3A_166 = arith.constant 8 : i32
      %div3A_167 = arith.divsi %add3A_165, %jit3A_166 : i32
      %sign3A_168 = arith.constant 0 : i32
      %sign3A_169 = arith.cmpi sgt, %add3A_165, %sign3A_168 : i32
      %sign3A_170 = arith.extui %sign3A_169 : i1 to i32
      %sign3A_171 = arith.constant 0 : i32
      %sign3A_172 = arith.cmpi slt, %add3A_165, %sign3A_171 : i32
      %sign3A_173 = arith.extui %sign3A_172 : i1 to i32
      %sign3A_174 = arith.subi %sign3A_170, %sign3A_173 : i32
      %sign3A_175 = arith.constant 0 : i32
      %sign3A_176 = arith.cmpi sgt, %jit3A_166, %sign3A_175 : i32
      %sign3A_177 = arith.extui %sign3A_176 : i1 to i32
      %sign3A_178 = arith.constant 0 : i32
      %sign3A_179 = arith.cmpi slt, %jit3A_166, %sign3A_178 : i32
      %sign3A_180 = arith.extui %sign3A_179 : i1 to i32
      %sign3A_181 = arith.subi %sign3A_177, %sign3A_180 : i32
      %ne3A_182 = arith.cmpi ne, %sign3A_174, %sign3A_181 : i32
      %rem3A_183 = arith.remsi %add3A_165, %jit3A_166 : i32
      %ne3A_184 = arith.constant 0 : i32
      %ne3A_185 = arith.cmpi ne, %rem3A_183, %ne3A_184 : i32
      %and3A_186 = arith.andi %ne3A_182, %ne3A_185 : i1
      %sub3A_187 = arith.constant 1 : i32
      %sub3A_188 = arith.subi %div3A_167, %sub3A_187 : i32
      %select_n3A_189 = arith.select %and3A_186, %sub3A_188, %div3A_167 : i32
      %jit3A_190 = arith.constant 8 : i32
      %eq3A_191 = arith.constant 0 : i32
      %eq3A_192 = arith.cmpi eq, %jit3A_190, %eq3A_191 : i32
      %jit3A_193 = arith.constant 1 : i32
      %select_n3A_194 = arith.select %eq3A_192, %jit3A_193, %jit3A_190 : i32
      %rem3A_195 = arith.remsi %add3A_165, %select_n3A_194 : i32
      %ne3A_196 = arith.constant 0 : i32
      %ne3A_197 = arith.cmpi ne, %rem3A_195, %ne3A_196 : i32
      %lt3A = arith.constant 0 : i32
      %lt3A_198 = arith.cmpi slt, %rem3A_195, %lt3A : i32
      %lt3A_199 = arith.constant 0 : i32
      %lt3A_200 = arith.cmpi slt, %select_n3A_194, %lt3A_199 : i32
      %ne3A_201 = arith.xori %lt3A_198, %lt3A_200 : i1
      %and3A_202 = arith.andi %ne3A_201, %ne3A_197 : i1
      %add3A_203 = arith.addi %rem3A_195, %select_n3A_194 : i32
      %select_n3A_204 = arith.select %and3A_202, %add3A_203, %rem3A_195 : i32
      %dma_start3A_205 = arith.constant 0 : i32
      %dma_start3A_206 = tpu.memref_slice %arg7[%select_n3A_189, %select_n3A_204, %dma_start3A_205] : memref<5x8x128xi32, #tpu.memory_space<vmem>> -> memref<1x1x128xi32, #tpu.memory_space<vmem>>
      %dma_start3A_207 = tpu.memref_squeeze %dma_start3A_206 : memref<1x1x128xi32, #tpu.memory_space<vmem>> -> memref<128xi32, #tpu.memory_space<vmem>>
      %dma_start3A_208 = arith.constant 0 : i32
      %dma_start3A_209 = arith.constant 0 : i32
      %dma_start3A_210 = tpu.memref_slice %arg2[%dma_start3A_208, %dma_start3A_209] : memref<10000x128xf32, #tpu.memory_space<hbm>> -> memref<10000x128xf32, #tpu.memory_space<hbm>>
      tpu.enqueue_indirect_dma source(%dma_start3A_210 : memref<10000x128xf32, #tpu.memory_space<hbm>>) target(%arg10 : memref<128x128xf32, #tpu.memory_space<vmem>>) offsets(%dma_start3A_207 : memref<128xi32, #tpu.memory_space<vmem>>) semaphore(%arg15 : memref<!tpu.dma_semaphore, #tpu.memory_space<semaphore_mem>>)
      %dma_wait3A_211 = arith.constant 0 : i32
      %dma_wait3A_212 = arith.constant 0 : i32
      %dma_wait3A_213 = arith.constant 0 : i32
      %dma_wait3A_214 = tpu.memref_slice %arg7[%dma_wait3A_211, %dma_wait3A_212, %dma_wait3A_213] : memref<5x8x128xi32, #tpu.memory_space<vmem>> -> memref<1x1x128xi32, #tpu.memory_space<vmem>>
      %dma_wait3A_215 = tpu.memref_squeeze %dma_wait3A_214 : memref<1x1x128xi32, #tpu.memory_space<vmem>> -> memref<128xi32, #tpu.memory_space<vmem>>
      %dma_wait3A_216 = arith.constant 0 : i32
      %dma_wait3A_217 = arith.constant 0 : i32
      %dma_wait3A_218 = tpu.memref_slice %arg2[%dma_wait3A_216, %dma_wait3A_217] : memref<10000x128xf32, #tpu.memory_space<hbm>> -> memref<10000x128xf32, #tpu.memory_space<hbm>>
      tpu.wait_indirect_dma semaphore(%arg14 : memref<!tpu.dma_semaphore, #tpu.memory_space<semaphore_mem>>) src(%dma_wait3A_218 : memref<10000x128xf32, #tpu.memory_space<hbm>>) dst(%arg9 : memref<128x128xf32, #tpu.memory_space<vmem>>)
      %jit3A_219 = arith.constant 8 : i32
      %div3A_220 = arith.divsi %mul3A_163, %jit3A_219 : i32
      %sign3A_221 = arith.constant 0 : i32
      %sign3A_222 = arith.cmpi sgt, %mul3A_163, %sign3A_221 : i32
      %sign3A_223 = arith.extui %sign3A_222 : i1 to i32
      %sign3A_224 = arith.constant 0 : i32
      %sign3A_225 = arith.cmpi slt, %mul3A_163, %sign3A_224 : i32
      %sign3A_226 = arith.extui %sign3A_225 : i1 to i32
      %sign3A_227 = arith.subi %sign3A_223, %sign3A_226 : i32
      %sign3A_228 = arith.constant 0 : i32
      %sign3A_229 = arith.cmpi sgt, %jit3A_219, %sign3A_228 : i32
      %sign3A_230 = arith.extui %sign3A_229 : i1 to i32
      %sign3A_231 = arith.constant 0 : i32
      %sign3A_232 = arith.cmpi slt, %jit3A_219, %sign3A_231 : i32
      %sign3A_233 = arith.extui %sign3A_232 : i1 to i32
      %sign3A_234 = arith.subi %sign3A_230, %sign3A_233 : i32
      %ne3A_235 = arith.cmpi ne, %sign3A_227, %sign3A_234 : i32
      %rem3A_236 = arith.remsi %mul3A_163, %jit3A_219 : i32
      %ne3A_237 = arith.constant 0 : i32
      %ne3A_238 = arith.cmpi ne, %rem3A_236, %ne3A_237 : i32
      %and3A_239 = arith.andi %ne3A_235, %ne3A_238 : i1
      %sub3A_240 = arith.constant 1 : i32
      %sub3A_241 = arith.subi %div3A_220, %sub3A_240 : i32
      %select_n3A_242 = arith.select %and3A_239, %sub3A_241, %div3A_220 : i32
      %jit3A_243 = arith.constant 8 : i32
      %eq3A_244 = arith.constant 0 : i32
      %eq3A_245 = arith.cmpi eq, %jit3A_243, %eq3A_244 : i32
      %jit3A_246 = arith.constant 1 : i32
      %select_n3A_247 = arith.select %eq3A_245, %jit3A_246, %jit3A_243 : i32
      %rem3A_248 = arith.remsi %mul3A_163, %select_n3A_247 : i32
      %ne3A_249 = arith.constant 0 : i32
      %ne3A_250 = arith.cmpi ne, %rem3A_248, %ne3A_249 : i32
      %lt3A_251 = arith.constant 0 : i32
      %lt3A_252 = arith.cmpi slt, %rem3A_248, %lt3A_251 : i32
      %lt3A_253 = arith.constant 0 : i32
      %lt3A_254 = arith.cmpi slt, %select_n3A_247, %lt3A_253 : i32
      %ne3A_255 = arith.xori %lt3A_252, %lt3A_254 : i1
      %and3A_256 = arith.andi %ne3A_255, %ne3A_250 : i1
      %add3A_257 = arith.addi %rem3A_248, %select_n3A_247 : i32
      %select_n3A_258 = arith.select %and3A_256, %add3A_257, %rem3A_248 : i32
      "tpu.region"() ({
        %run_scoped3A_403 = tpu.sem_alloc : memref<!tpu.dma_semaphore, #tpu.memory_space<semaphore_mem>>
        %dma_start3A_404 = arith.constant 0 : i32
        %dma_start3A_405 = tpu.memref_slice %arg8[%select_n3A_242, %select_n3A_258, %dma_start3A_404] : memref<5x8x128xi32, #tpu.memory_space<vmem>> -> memref<1x1x128xi32, #tpu.memory_space<vmem>>
        %dma_start3A_406 = tpu.memref_squeeze %dma_start3A_405 : memref<1x1x128xi32, #tpu.memory_space<vmem>> -> memref<128xi32, #tpu.memory_space<vmem>>
        %dma_start3A_407 = arith.constant 0 : i32
        %dma_start3A_408 = arith.constant 0 : i32
        %dma_start3A_409 = tpu.memref_slice %arg12[%dma_start3A_407, %dma_start3A_408] : memref<10240x128xf32, #tpu.memory_space<vmem_shared>> -> memref<10240x128xf32, #tpu.memory_space<vmem_shared>>
        tpu.enqueue_indirect_dma source(%arg9 : memref<128x128xf32, #tpu.memory_space<vmem>>) target(%dma_start3A_409 : memref<10240x128xf32, #tpu.memory_space<vmem_shared>>) offsets(%dma_start3A_406 : memref<128xi32, #tpu.memory_space<vmem>>) semaphore(%run_scoped3A_403 : memref<!tpu.dma_semaphore, #tpu.memory_space<semaphore_mem>>) {add = true}
        %dma_wait3A_410 = arith.constant 0 : i32
        %dma_wait3A_411 = tpu.memref_slice %arg8[%select_n3A_242, %select_n3A_258, %dma_wait3A_410] : memref<5x8x128xi32, #tpu.memory_space<vmem>> -> memref<1x1x128xi32, #tpu.memory_space<vmem>>
        %dma_wait3A_412 = tpu.memref_squeeze %dma_wait3A_411 : memref<1x1x128xi32, #tpu.memory_space<vmem>> -> memref<128xi32, #tpu.memory_space<vmem>>
        %dma_wait3A_413 = arith.constant 0 : i32
        %dma_wait3A_414 = arith.constant 0 : i32
        %dma_wait3A_415 = tpu.memref_slice %arg12[%dma_wait3A_413, %dma_wait3A_414] : memref<10240x128xf32, #tpu.memory_space<vmem_shared>> -> memref<10240x128xf32, #tpu.memory_space<vmem_shared>>
        tpu.wait_indirect_dma semaphore(%run_scoped3A_403 : memref<!tpu.dma_semaphore, #tpu.memory_space<semaphore_mem>>) src(%arg9 : memref<128x128xf32, #tpu.memory_space<vmem>>) dst(%dma_wait3A_415 : memref<10240x128xf32, #tpu.memory_space<vmem_shared>>)
        tpu.yield
      }) : () -> ()
      %jit3A_259 = arith.constant 8 : i32
      %div3A_260 = arith.divsi %mul3A_163, %jit3A_259 : i32
      %sign3A_261 = arith.constant 0 : i32
      %sign3A_262 = arith.cmpi sgt, %mul3A_163, %sign3A_261 : i32
      %sign3A_263 = arith.extui %sign3A_262 : i1 to i32
      %sign3A_264 = arith.constant 0 : i32
      %sign3A_265 = arith.cmpi slt, %mul3A_163, %sign3A_264 : i32
      %sign3A_266 = arith.extui %sign3A_265 : i1 to i32
      %sign3A_267 = arith.subi %sign3A_263, %sign3A_266 : i32
      %sign3A_268 = arith.constant 0 : i32
      %sign3A_269 = arith.cmpi sgt, %jit3A_259, %sign3A_268 : i32
      %sign3A_270 = arith.extui %sign3A_269 : i1 to i32
      %sign3A_271 = arith.constant 0 : i32
      %sign3A_272 = arith.cmpi slt, %jit3A_259, %sign3A_271 : i32
      %sign3A_273 = arith.extui %sign3A_272 : i1 to i32
      %sign3A_274 = arith.subi %sign3A_270, %sign3A_273 : i32
      %ne3A_275 = arith.cmpi ne, %sign3A_267, %sign3A_274 : i32
      %rem3A_276 = arith.remsi %mul3A_163, %jit3A_259 : i32
      %ne3A_277 = arith.constant 0 : i32
      %ne3A_278 = arith.cmpi ne, %rem3A_276, %ne3A_277 : i32
      %and3A_279 = arith.andi %ne3A_275, %ne3A_278 : i1
      %sub3A_280 = arith.constant 1 : i32
      %sub3A_281 = arith.subi %div3A_260, %sub3A_280 : i32
      %select_n3A_282 = arith.select %and3A_279, %sub3A_281, %div3A_260 : i32
      %jit3A_283 = arith.constant 8 : i32
      %eq3A_284 = arith.constant 0 : i32
      %eq3A_285 = arith.cmpi eq, %jit3A_283, %eq3A_284 : i32
      %jit3A_286 = arith.constant 1 : i32
      %select_n3A_287 = arith.select %eq3A_285, %jit3A_286, %jit3A_283 : i32
      %rem3A_288 = arith.remsi %mul3A_163, %select_n3A_287 : i32
      %ne3A_289 = arith.constant 0 : i32
      %ne3A_290 = arith.cmpi ne, %rem3A_288, %ne3A_289 : i32
      %lt3A_291 = arith.constant 0 : i32
      %lt3A_292 = arith.cmpi slt, %rem3A_288, %lt3A_291 : i32
      %lt3A_293 = arith.constant 0 : i32
      %lt3A_294 = arith.cmpi slt, %select_n3A_287, %lt3A_293 : i32
      %ne3A_295 = arith.xori %lt3A_292, %lt3A_294 : i1
      %and3A_296 = arith.andi %ne3A_295, %ne3A_290 : i1
      %add3A_297 = arith.addi %rem3A_288, %select_n3A_287 : i32
      %select_n3A_298 = arith.select %and3A_296, %add3A_297, %rem3A_288 : i32
      %dma_start3A_299 = arith.constant 0 : i32
      %dma_start3A_300 = tpu.memref_slice %arg8[%select_n3A_282, %select_n3A_298, %dma_start3A_299] : memref<5x8x128xi32, #tpu.memory_space<vmem>> -> memref<1x1x128xi32, #tpu.memory_space<vmem>>
      %dma_start3A_301 = tpu.memref_squeeze %dma_start3A_300 : memref<1x1x128xi32, #tpu.memory_space<vmem>> -> memref<128xi32, #tpu.memory_space<vmem>>
      %dma_start3A_302 = arith.constant 0 : i32
      %dma_start3A_303 = tpu.memref_slice %arg13[%dma_start3A_302] : memref<10240xf32, #tpu.memory_space<vmem_shared>> -> memref<10240xf32, #tpu.memory_space<vmem_shared>>
      tpu.enqueue_indirect_dma source(%arg11 : memref<128xf32, #tpu.memory_space<vmem>>) target(%dma_start3A_303 : memref<10240xf32, #tpu.memory_space<vmem_shared>>) offsets(%dma_start3A_301 : memref<128xi32, #tpu.memory_space<vmem>>) semaphore(%arg17 : memref<!tpu.dma_semaphore, #tpu.memory_space<semaphore_mem>>) {add = true}
      %add3A_304 = arith.constant 1 : i32
      %add3A_305 = arith.addi %add3A_165, %add3A_304 : i32
      %lt3A_306 = arith.cmpi slt, %add3A_305, %min3A_112 : i32
      %convert_element_type3A_307 = arith.extui %lt3A_306 : i1 to i32
      %cond3A_308 = arith.constant 0 : i32
      %cond3A_309 = arith.cmpi ne, %convert_element_type3A_307, %cond3A_308 : i32
      scf.if %cond3A_309 {
        %add3A_403 = arith.constant 1 : i32
        %add3A_404 = arith.addi %add3A_165, %add3A_403 : i32
        %jit3A_405 = arith.constant 8 : i32
        %div3A_406 = arith.divsi %add3A_404, %jit3A_405 : i32
        %sign3A_407 = arith.constant 0 : i32
        %sign3A_408 = arith.cmpi sgt, %add3A_404, %sign3A_407 : i32
        %sign3A_409 = arith.extui %sign3A_408 : i1 to i32
        %sign3A_410 = arith.constant 0 : i32
        %sign3A_411 = arith.cmpi slt, %add3A_404, %sign3A_410 : i32
        %sign3A_412 = arith.extui %sign3A_411 : i1 to i32
        %sign3A_413 = arith.subi %sign3A_409, %sign3A_412 : i32
        %sign3A_414 = arith.constant 0 : i32
        %sign3A_415 = arith.cmpi sgt, %jit3A_405, %sign3A_414 : i32
        %sign3A_416 = arith.extui %sign3A_415 : i1 to i32
        %sign3A_417 = arith.constant 0 : i32
        %sign3A_418 = arith.cmpi slt, %jit3A_405, %sign3A_417 : i32
        %sign3A_419 = arith.extui %sign3A_418 : i1 to i32
        %sign3A_420 = arith.subi %sign3A_416, %sign3A_419 : i32
        %ne3A_421 = arith.cmpi ne, %sign3A_413, %sign3A_420 : i32
        %rem3A_422 = arith.remsi %add3A_404, %jit3A_405 : i32
        %ne3A_423 = arith.constant 0 : i32
        %ne3A_424 = arith.cmpi ne, %rem3A_422, %ne3A_423 : i32
        %and3A_425 = arith.andi %ne3A_421, %ne3A_424 : i1
        %sub3A_426 = arith.constant 1 : i32
        %sub3A_427 = arith.subi %div3A_406, %sub3A_426 : i32
        %select_n3A_428 = arith.select %and3A_425, %sub3A_427, %div3A_406 : i32
        %jit3A_429 = arith.constant 8 : i32
        %eq3A_430 = arith.constant 0 : i32
        %eq3A_431 = arith.cmpi eq, %jit3A_429, %eq3A_430 : i32
        %jit3A_432 = arith.constant 1 : i32
        %select_n3A_433 = arith.select %eq3A_431, %jit3A_432, %jit3A_429 : i32
        %rem3A_434 = arith.remsi %add3A_404, %select_n3A_433 : i32
        %ne3A_435 = arith.constant 0 : i32
        %ne3A_436 = arith.cmpi ne, %rem3A_434, %ne3A_435 : i32
        %lt3A_437 = arith.constant 0 : i32
        %lt3A_438 = arith.cmpi slt, %rem3A_434, %lt3A_437 : i32
        %lt3A_439 = arith.constant 0 : i32
        %lt3A_440 = arith.cmpi slt, %select_n3A_433, %lt3A_439 : i32
        %ne3A_441 = arith.xori %lt3A_438, %lt3A_440 : i1
        %and3A_442 = arith.andi %ne3A_441, %ne3A_436 : i1
        %add3A_443 = arith.addi %rem3A_434, %select_n3A_433 : i32
        %select_n3A_444 = arith.select %and3A_442, %add3A_443, %rem3A_434 : i32
        %dma_start3A_445 = arith.constant 0 : i32
        %dma_start3A_446 = tpu.memref_slice %arg7[%select_n3A_428, %select_n3A_444, %dma_start3A_445] : memref<5x8x128xi32, #tpu.memory_space<vmem>> -> memref<1x1x128xi32, #tpu.memory_space<vmem>>
        %dma_start3A_447 = tpu.memref_squeeze %dma_start3A_446 : memref<1x1x128xi32, #tpu.memory_space<vmem>> -> memref<128xi32, #tpu.memory_space<vmem>>
        %dma_start3A_448 = arith.constant 0 : i32
        %dma_start3A_449 = arith.constant 0 : i32
        %dma_start3A_450 = tpu.memref_slice %arg2[%dma_start3A_448, %dma_start3A_449] : memref<10000x128xf32, #tpu.memory_space<hbm>> -> memref<10000x128xf32, #tpu.memory_space<hbm>>
        tpu.enqueue_indirect_dma source(%dma_start3A_450 : memref<10000x128xf32, #tpu.memory_space<hbm>>) target(%arg9 : memref<128x128xf32, #tpu.memory_space<vmem>>) offsets(%dma_start3A_447 : memref<128xi32, #tpu.memory_space<vmem>>) semaphore(%arg14 : memref<!tpu.dma_semaphore, #tpu.memory_space<semaphore_mem>>)
      } else {
      }
      %dma_wait3A_310 = arith.constant 0 : i32
      %dma_wait3A_311 = arith.constant 0 : i32
      %dma_wait3A_312 = arith.constant 0 : i32
      %dma_wait3A_313 = tpu.memref_slice %arg7[%dma_wait3A_310, %dma_wait3A_311, %dma_wait3A_312] : memref<5x8x128xi32, #tpu.memory_space<vmem>> -> memref<1x1x128xi32, #tpu.memory_space<vmem>>
      %dma_wait3A_314 = tpu.memref_squeeze %dma_wait3A_313 : memref<1x1x128xi32, #tpu.memory_space<vmem>> -> memref<128xi32, #tpu.memory_space<vmem>>
      %dma_wait3A_315 = arith.constant 0 : i32
      %dma_wait3A_316 = arith.constant 0 : i32
      %dma_wait3A_317 = tpu.memref_slice %arg2[%dma_wait3A_315, %dma_wait3A_316] : memref<10000x128xf32, #tpu.memory_space<hbm>> -> memref<10000x128xf32, #tpu.memory_space<hbm>>
      tpu.wait_indirect_dma semaphore(%arg15 : memref<!tpu.dma_semaphore, #tpu.memory_space<semaphore_mem>>) src(%dma_wait3A_317 : memref<10000x128xf32, #tpu.memory_space<hbm>>) dst(%arg10 : memref<128x128xf32, #tpu.memory_space<vmem>>)
      %jit3A_318 = arith.constant 8 : i32
      %div3A_319 = arith.divsi %add3A_165, %jit3A_318 : i32
      %sign3A_320 = arith.constant 0 : i32
      %sign3A_321 = arith.cmpi sgt, %add3A_165, %sign3A_320 : i32
      %sign3A_322 = arith.extui %sign3A_321 : i1 to i32
      %sign3A_323 = arith.constant 0 : i32
      %sign3A_324 = arith.cmpi slt, %add3A_165, %sign3A_323 : i32
      %sign3A_325 = arith.extui %sign3A_324 : i1 to i32
      %sign3A_326 = arith.subi %sign3A_322, %sign3A_325 : i32
      %sign3A_327 = arith.constant 0 : i32
      %sign3A_328 = arith.cmpi sgt, %jit3A_318, %sign3A_327 : i32
      %sign3A_329 = arith.extui %sign3A_328 : i1 to i32
      %sign3A_330 = arith.constant 0 : i32
      %sign3A_331 = arith.cmpi slt, %jit3A_318, %sign3A_330 : i32
      %sign3A_332 = arith.extui %sign3A_331 : i1 to i32
      %sign3A_333 = arith.subi %sign3A_329, %sign3A_332 : i32
      %ne3A_334 = arith.cmpi ne, %sign3A_326, %sign3A_333 : i32
      %rem3A_335 = arith.remsi %add3A_165, %jit3A_318 : i32
      %ne3A_336 = arith.constant 0 : i32
      %ne3A_337 = arith.cmpi ne, %rem3A_335, %ne3A_336 : i32
      %and3A_338 = arith.andi %ne3A_334, %ne3A_337 : i1
      %sub3A_339 = arith.constant 1 : i32
      %sub3A_340 = arith.subi %div3A_319, %sub3A_339 : i32
      %select_n3A_341 = arith.select %and3A_338, %sub3A_340, %div3A_319 : i32
      %jit3A_342 = arith.constant 8 : i32
      %eq3A_343 = arith.constant 0 : i32
      %eq3A_344 = arith.cmpi eq, %jit3A_342, %eq3A_343 : i32
      %jit3A_345 = arith.constant 1 : i32
      %select_n3A_346 = arith.select %eq3A_344, %jit3A_345, %jit3A_342 : i32
      %rem3A_347 = arith.remsi %add3A_165, %select_n3A_346 : i32
      %ne3A_348 = arith.constant 0 : i32
      %ne3A_349 = arith.cmpi ne, %rem3A_347, %ne3A_348 : i32
      %lt3A_350 = arith.constant 0 : i32
      %lt3A_351 = arith.cmpi slt, %rem3A_347, %lt3A_350 : i32
      %lt3A_352 = arith.constant 0 : i32
      %lt3A_353 = arith.cmpi slt, %select_n3A_346, %lt3A_352 : i32
      %ne3A_354 = arith.xori %lt3A_351, %lt3A_353 : i1
      %and3A_355 = arith.andi %ne3A_354, %ne3A_349 : i1
      %add3A_356 = arith.addi %rem3A_347, %select_n3A_346 : i32
      %select_n3A_357 = arith.select %and3A_355, %add3A_356, %rem3A_347 : i32
      "tpu.region"() ({
        %run_scoped3A_403 = tpu.sem_alloc : memref<!tpu.dma_semaphore, #tpu.memory_space<semaphore_mem>>
        %dma_start3A_404 = arith.constant 0 : i32
        %dma_start3A_405 = tpu.memref_slice %arg8[%select_n3A_341, %select_n3A_357, %dma_start3A_404] : memref<5x8x128xi32, #tpu.memory_space<vmem>> -> memref<1x1x128xi32, #tpu.memory_space<vmem>>
        %dma_start3A_406 = tpu.memref_squeeze %dma_start3A_405 : memref<1x1x128xi32, #tpu.memory_space<vmem>> -> memref<128xi32, #tpu.memory_space<vmem>>
        %dma_start3A_407 = arith.constant 0 : i32
        %dma_start3A_408 = arith.constant 0 : i32
        %dma_start3A_409 = tpu.memref_slice %arg12[%dma_start3A_407, %dma_start3A_408] : memref<10240x128xf32, #tpu.memory_space<vmem_shared>> -> memref<10240x128xf32, #tpu.memory_space<vmem_shared>>
        tpu.enqueue_indirect_dma source(%arg10 : memref<128x128xf32, #tpu.memory_space<vmem>>) target(%dma_start3A_409 : memref<10240x128xf32, #tpu.memory_space<vmem_shared>>) offsets(%dma_start3A_406 : memref<128xi32, #tpu.memory_space<vmem>>) semaphore(%run_scoped3A_403 : memref<!tpu.dma_semaphore, #tpu.memory_space<semaphore_mem>>) {add = true}
        %dma_wait3A_410 = arith.constant 0 : i32
        %dma_wait3A_411 = tpu.memref_slice %arg8[%select_n3A_341, %select_n3A_357, %dma_wait3A_410] : memref<5x8x128xi32, #tpu.memory_space<vmem>> -> memref<1x1x128xi32, #tpu.memory_space<vmem>>
        %dma_wait3A_412 = tpu.memref_squeeze %dma_wait3A_411 : memref<1x1x128xi32, #tpu.memory_space<vmem>> -> memref<128xi32, #tpu.memory_space<vmem>>
        %dma_wait3A_413 = arith.constant 0 : i32
        %dma_wait3A_414 = arith.constant 0 : i32
        %dma_wait3A_415 = tpu.memref_slice %arg12[%dma_wait3A_413, %dma_wait3A_414] : memref<10240x128xf32, #tpu.memory_space<vmem_shared>> -> memref<10240x128xf32, #tpu.memory_space<vmem_shared>>
        tpu.wait_indirect_dma semaphore(%run_scoped3A_403 : memref<!tpu.dma_semaphore, #tpu.memory_space<semaphore_mem>>) src(%arg10 : memref<128x128xf32, #tpu.memory_space<vmem>>) dst(%dma_wait3A_415 : memref<10240x128xf32, #tpu.memory_space<vmem_shared>>)
        tpu.yield
      }) : () -> ()
      %jit3A_358 = arith.constant 8 : i32
      %div3A_359 = arith.divsi %add3A_165, %jit3A_358 : i32
      %sign3A_360 = arith.constant 0 : i32
      %sign3A_361 = arith.cmpi sgt, %add3A_165, %sign3A_360 : i32
      %sign3A_362 = arith.extui %sign3A_361 : i1 to i32
      %sign3A_363 = arith.constant 0 : i32
      %sign3A_364 = arith.cmpi slt, %add3A_165, %sign3A_363 : i32
      %sign3A_365 = arith.extui %sign3A_364 : i1 to i32
      %sign3A_366 = arith.subi %sign3A_362, %sign3A_365 : i32
      %sign3A_367 = arith.constant 0 : i32
      %sign3A_368 = arith.cmpi sgt, %jit3A_358, %sign3A_367 : i32
      %sign3A_369 = arith.extui %sign3A_368 : i1 to i32
      %sign3A_370 = arith.constant 0 : i32
      %sign3A_371 = arith.cmpi slt, %jit3A_358, %sign3A_370 : i32
      %sign3A_372 = arith.extui %sign3A_371 : i1 to i32
      %sign3A_373 = arith.subi %sign3A_369, %sign3A_372 : i32
      %ne3A_374 = arith.cmpi ne, %sign3A_366, %sign3A_373 : i32
      %rem3A_375 = arith.remsi %add3A_165, %jit3A_358 : i32
      %ne3A_376 = arith.constant 0 : i32
      %ne3A_377 = arith.cmpi ne, %rem3A_375, %ne3A_376 : i32
      %and3A_378 = arith.andi %ne3A_374, %ne3A_377 : i1
      %sub3A_379 = arith.constant 1 : i32
      %sub3A_380 = arith.subi %div3A_359, %sub3A_379 : i32
      %select_n3A_381 = arith.select %and3A_378, %sub3A_380, %div3A_359 : i32
      %jit3A_382 = arith.constant 8 : i32
      %eq3A_383 = arith.constant 0 : i32
      %eq3A_384 = arith.cmpi eq, %jit3A_382, %eq3A_383 : i32
      %jit3A_385 = arith.constant 1 : i32
      %select_n3A_386 = arith.select %eq3A_384, %jit3A_385, %jit3A_382 : i32
      %rem3A_387 = arith.remsi %add3A_165, %select_n3A_386 : i32
      %ne3A_388 = arith.constant 0 : i32
      %ne3A_389 = arith.cmpi ne, %rem3A_387, %ne3A_388 : i32
      %lt3A_390 = arith.constant 0 : i32
      %lt3A_391 = arith.cmpi slt, %rem3A_387, %lt3A_390 : i32
      %lt3A_392 = arith.constant 0 : i32
      %lt3A_393 = arith.cmpi slt, %select_n3A_386, %lt3A_392 : i32
      %ne3A_394 = arith.xori %lt3A_391, %lt3A_393 : i1
      %and3A_395 = arith.andi %ne3A_394, %ne3A_389 : i1
      %add3A_396 = arith.addi %rem3A_387, %select_n3A_386 : i32
      %select_n3A_397 = arith.select %and3A_395, %add3A_396, %rem3A_387 : i32
      %dma_start3A_398 = arith.constant 0 : i32
      %dma_start3A_399 = tpu.memref_slice %arg8[%select_n3A_381, %select_n3A_397, %dma_start3A_398] : memref<5x8x128xi32, #tpu.memory_space<vmem>> -> memref<1x1x128xi32, #tpu.memory_space<vmem>>
      %dma_start3A_400 = tpu.memref_squeeze %dma_start3A_399 : memref<1x1x128xi32, #tpu.memory_space<vmem>> -> memref<128xi32, #tpu.memory_space<vmem>>
      %dma_start3A_401 = arith.constant 0 : i32
      %dma_start3A_402 = tpu.memref_slice %arg13[%dma_start3A_401] : memref<10240xf32, #tpu.memory_space<vmem_shared>> -> memref<10240xf32, #tpu.memory_space<vmem_shared>>
      tpu.enqueue_indirect_dma source(%arg11 : memref<128xf32, #tpu.memory_space<vmem>>) target(%dma_start3A_402 : memref<10240xf32, #tpu.memory_space<vmem_shared>>) offsets(%dma_start3A_400 : memref<128xi32, #tpu.memory_space<vmem>>) semaphore(%arg17 : memref<!tpu.dma_semaphore, #tpu.memory_space<semaphore_mem>>) {add = true}
    }
    %while3A_151 = arith.constant 0 : i32
    %while3A_152 = arith.subi %min3A_112, %while3A_151 : i32
    %while3A_153 = arith.addi %while3A_151, %while3A_152 : i32
    %while3A_154 = arith.constant 1 : i32
    %while3A_155 = arith.divsi %while3A_152, %while3A_154 : i32
    %while3A_156 = arith.muli %while3A_155, %while3A_154 : i32
    %while3A_157 = arith.addi %while3A_151, %while3A_156 : i32
    %while3A_158 = arith.constant 1 : i32
    scf.for %while3A_161 = %while3A_151 to %while3A_157 step %while3A_158  : i32 {
      %dma_wait3A_162 = arith.constant 0 : i32
      %dma_wait3A_163 = arith.constant 0 : i32
      %dma_wait3A_164 = arith.constant 0 : i32
      %dma_wait3A_165 = tpu.memref_slice %arg8[%dma_wait3A_162, %dma_wait3A_163, %dma_wait3A_164] : memref<5x8x128xi32, #tpu.memory_space<vmem>> -> memref<1x1x128xi32, #tpu.memory_space<vmem>>
      %dma_wait3A_166 = tpu.memref_squeeze %dma_wait3A_165 : memref<1x1x128xi32, #tpu.memory_space<vmem>> -> memref<128xi32, #tpu.memory_space<vmem>>
      %dma_wait3A_167 = arith.constant 0 : i32
      %dma_wait3A_168 = tpu.memref_slice %arg13[%dma_wait3A_167] : memref<10240xf32, #tpu.memory_space<vmem_shared>> -> memref<10240xf32, #tpu.memory_space<vmem_shared>>
      tpu.wait_indirect_dma semaphore(%arg17 : memref<!tpu.dma_semaphore, #tpu.memory_space<semaphore_mem>>) src(%arg11 : memref<128xf32, #tpu.memory_space<vmem>>) dst(%dma_wait3A_168 : memref<10240xf32, #tpu.memory_space<vmem_shared>>)
    }
    %while3A_159 = arith.constant 1 : i32
    scf.for %while3A_161 = %while3A_157 to %while3A_153 step %while3A_159  : i32 {
      %dma_wait3A_162 = arith.constant 0 : i32
      %dma_wait3A_163 = arith.constant 0 : i32
      %dma_wait3A_164 = arith.constant 0 : i32
      %dma_wait3A_165 = tpu.memref_slice %arg8[%dma_wait3A_162, %dma_wait3A_163, %dma_wait3A_164] : memref<5x8x128xi32, #tpu.memory_space<vmem>> -> memref<1x1x128xi32, #tpu.memory_space<vmem>>
      %dma_wait3A_166 = tpu.memref_squeeze %dma_wait3A_165 : memref<1x1x128xi32, #tpu.memory_space<vmem>> -> memref<128xi32, #tpu.memory_space<vmem>>
      %dma_wait3A_167 = arith.constant 0 : i32
      %dma_wait3A_168 = tpu.memref_slice %arg13[%dma_wait3A_167] : memref<10240xf32, #tpu.memory_space<vmem_shared>> -> memref<10240xf32, #tpu.memory_space<vmem_shared>>
      tpu.wait_indirect_dma semaphore(%arg17 : memref<!tpu.dma_semaphore, #tpu.memory_space<semaphore_mem>>) src(%arg11 : memref<128xf32, #tpu.memory_space<vmem>>) dst(%dma_wait3A_168 : memref<10240xf32, #tpu.memory_space<vmem_shared>>)
    }
    %barrier3A_160 = arith.constant 0 : index
    tpu.barrier barrier_id(%barrier3A_160)
    "tpu.region"() ({
      %run_scoped3A_161 = tpu.sem_alloc : memref<!tpu.dma_semaphore, #tpu.memory_space<semaphore_mem>>
      %dma_start3A_162 = arith.constant 0 : i32
      %dma_start3A_163 = tpu.memref_slice %arg5[%arg0, %mul3A_24, %dma_start3A_162] : memref<2x10240x128xf32, #tpu.memory_space<hbm>> -> memref<1x640x128xf32, #tpu.memory_space<hbm>>
      %dma_start3A_164 = tpu.memref_squeeze %dma_start3A_163 : memref<1x640x128xf32, #tpu.memory_space<hbm>> -> memref<640x128xf32, #tpu.memory_space<hbm>>
      %dma_start3A_165 = arith.constant 0 : i32
      %dma_start3A_166 = tpu.memref_slice %arg12[%mul3A_24, %dma_start3A_165] : memref<10240x128xf32, #tpu.memory_space<vmem_shared>> -> memref<640x128xf32, #tpu.memory_space<vmem_shared>>
      tpu.enqueue_dma source(%dma_start3A_166 : memref<640x128xf32, #tpu.memory_space<vmem_shared>>) target(%dma_start3A_164 : memref<640x128xf32, #tpu.memory_space<hbm>>) target_semaphore(%run_scoped3A_161 : memref<!tpu.dma_semaphore, #tpu.memory_space<semaphore_mem>>)
      %dma_wait3A_167 = arith.constant 0 : i32
      %dma_wait3A_168 = tpu.memref_slice %arg5[%arg0, %mul3A_24, %dma_wait3A_167] : memref<2x10240x128xf32, #tpu.memory_space<hbm>> -> memref<1x640x128xf32, #tpu.memory_space<hbm>>
      %dma_wait3A_169 = tpu.memref_squeeze %dma_wait3A_168 : memref<1x640x128xf32, #tpu.memory_space<hbm>> -> memref<640x128xf32, #tpu.memory_space<hbm>>
      %dma_wait3A_170 = arith.constant 0 : i32
      %dma_wait3A_171 = tpu.memref_slice %arg12[%mul3A_24, %dma_wait3A_170] : memref<10240x128xf32, #tpu.memory_space<vmem_shared>> -> memref<640x128xf32, #tpu.memory_space<vmem_shared>>
      tpu.wait_dma2 semaphore(%run_scoped3A_161 : memref<!tpu.dma_semaphore, #tpu.memory_space<semaphore_mem>>) src(%dma_wait3A_171 : memref<640x128xf32, #tpu.memory_space<vmem_shared>>) dst(%dma_wait3A_169 : memref<640x128xf32, #tpu.memory_space<hbm>>)
      tpu.yield
    }) : () -> ()
    "tpu.region"() ({
      %run_scoped3A_161 = tpu.sem_alloc : memref<!tpu.dma_semaphore, #tpu.memory_space<semaphore_mem>>
      %dma_start3A_162 = tpu.memref_slice %arg6[%arg0, %mul3A_24] : memref<2x10240xf32, #tpu.memory_space<hbm>> -> memref<1x640xf32, #tpu.memory_space<hbm>>
      %dma_start3A_163 = tpu.memref_squeeze %dma_start3A_162 : memref<1x640xf32, #tpu.memory_space<hbm>> -> memref<640xf32, #tpu.memory_space<hbm>>
      %dma_start3A_164 = tpu.memref_slice %arg13[%mul3A_24] : memref<10240xf32, #tpu.memory_space<vmem_shared>> -> memref<640xf32, #tpu.memory_space<vmem_shared>>
      tpu.enqueue_dma source(%dma_start3A_164 : memref<640xf32, #tpu.memory_space<vmem_shared>>) target(%dma_start3A_163 : memref<640xf32, #tpu.memory_space<hbm>>) target_semaphore(%run_scoped3A_161 : memref<!tpu.dma_semaphore, #tpu.memory_space<semaphore_mem>>)
      %dma_wait3A_165 = tpu.memref_slice %arg6[%arg0, %mul3A_24] : memref<2x10240xf32, #tpu.memory_space<hbm>> -> memref<1x640xf32, #tpu.memory_space<hbm>>
      %dma_wait3A_166 = tpu.memref_squeeze %dma_wait3A_165 : memref<1x640xf32, #tpu.memory_space<hbm>> -> memref<640xf32, #tpu.memory_space<hbm>>
      %dma_wait3A_167 = tpu.memref_slice %arg13[%mul3A_24] : memref<10240xf32, #tpu.memory_space<vmem_shared>> -> memref<640xf32, #tpu.memory_space<vmem_shared>>
      tpu.wait_dma2 semaphore(%run_scoped3A_161 : memref<!tpu.dma_semaphore, #tpu.memory_space<semaphore_mem>>) src(%dma_wait3A_167 : memref<640xf32, #tpu.memory_space<vmem_shared>>) dst(%dma_wait3A_166 : memref<640xf32, #tpu.memory_space<hbm>>)
      tpu.yield
    }) : () -> ()
    return
  }
}

#map = affine_map<(d0, d1) -> (0, 0)>
#map1 = affine_map<(d0, d1) -> (0, 0, 0)>
module attributes {stable_mosaic.version = 14 : i64} {
  func.func @sage_seg_sum_d64(%arg0: i32, %arg1: i32, %arg2: memref<10000x64xf32, #tpu.memory_space<hbm>>, %arg3: memref<320x8x128xi32, #tpu.memory_space<hbm>>, %arg4: memref<320x8x128xi32, #tpu.memory_space<hbm>>, %arg5: memref<2x10240x64xf32, #tpu.memory_space<hbm>>, %arg6: memref<5x8x128xi32, #tpu.memory_space<vmem>>, %arg7: memref<5x8x128xi32, #tpu.memory_space<vmem>>, %arg8: memref<128x64xf32, #tpu.memory_space<vmem>>, %arg9: memref<128x64xf32, #tpu.memory_space<vmem>>, %arg10: memref<10240x64xf32, #tpu.memory_space<vmem_shared>>, %arg11: memref<!tpu.dma_semaphore, #tpu.memory_space<semaphore_mem>>, %arg12: memref<!tpu.dma_semaphore, #tpu.memory_space<semaphore_mem>>, %arg13: memref<!tpu.dma_semaphore, #tpu.memory_space<semaphore_mem>>) attributes {dimension_semantics = [#tpu.dimension_semantics<core_parallel>, #tpu.dimension_semantics<subcore_parallel>], iteration_bounds = array<i64: 2, 16>, scalar_prefetch = 0 : i64, scratch_operands = 8 : i64, tpu.core_type = #tpu.core_type<sc_vector_subcore>, window_params = [{transform_indices = #map}, {transform_indices = #map1}, {transform_indices = #map1}, {transform_indices = #map1}]} {
    %mul3A = arith.constant 16 : i32
    %mul3A_0 = arith.muli %arg0, %mul3A : i32
    %add3A = arith.addi %mul3A_0, %arg1 : i32
    %mul3A_1 = arith.constant 10 : i32
    %mul3A_2 = arith.muli %add3A, %mul3A_1 : i32
    %dma_start3A = arith.constant 0 : i32
    %dma_start3A_3 = arith.constant 0 : i32
    %dma_start3A_4 = tpu.memref_slice %arg3[%mul3A_2, %dma_start3A, %dma_start3A_3] : memref<320x8x128xi32, #tpu.memory_space<hbm>> -> memref<5x8x128xi32, #tpu.memory_space<hbm>>
    %dma_start3A_5 = arith.constant 0 : i32
    %dma_start3A_6 = arith.constant 0 : i32
    %dma_start3A_7 = tpu.memref_slice %arg3[%mul3A_2, %dma_start3A_5, %dma_start3A_6] : memref<320x8x128xi32, #tpu.memory_space<hbm>> -> memref<5x8x128xi32, #tpu.memory_space<hbm>>
    tpu.enqueue_dma source(%dma_start3A_7 : memref<5x8x128xi32, #tpu.memory_space<hbm>>) target(%arg6 : memref<5x8x128xi32, #tpu.memory_space<vmem>>) target_semaphore(%arg13 : memref<!tpu.dma_semaphore, #tpu.memory_space<semaphore_mem>>)
    %dma_start3A_8 = arith.constant 0 : i32
    %dma_start3A_9 = arith.constant 0 : i32
    %dma_start3A_10 = tpu.memref_slice %arg4[%mul3A_2, %dma_start3A_8, %dma_start3A_9] : memref<320x8x128xi32, #tpu.memory_space<hbm>> -> memref<5x8x128xi32, #tpu.memory_space<hbm>>
    %dma_start3A_11 = arith.constant 0 : i32
    %dma_start3A_12 = arith.constant 0 : i32
    %dma_start3A_13 = tpu.memref_slice %arg4[%mul3A_2, %dma_start3A_11, %dma_start3A_12] : memref<320x8x128xi32, #tpu.memory_space<hbm>> -> memref<5x8x128xi32, #tpu.memory_space<hbm>>
    tpu.enqueue_dma source(%dma_start3A_13 : memref<5x8x128xi32, #tpu.memory_space<hbm>>) target(%arg7 : memref<5x8x128xi32, #tpu.memory_space<vmem>>) target_semaphore(%arg13 : memref<!tpu.dma_semaphore, #tpu.memory_space<semaphore_mem>>)
    %scan3A = arith.constant 0 : i32
    %scan3A_14 = arith.constant 128 : i32
    %scan3A_15 = arith.addi %scan3A, %scan3A_14 : i32
    %scan3A_16 = arith.constant 1 : i32
    scf.for %scan3A_124 = %scan3A to %scan3A_15 step %scan3A_16  : i32 {
      %broadcast_in_dim3A = arith.constant 0.000000e+00 : f32
      %broadcast_in_dim3A_125 = vector.broadcast %broadcast_in_dim3A : f32 to vector<16xf32>
      %swap3A = arith.index_cast %scan3A_124 : i32 to index
      %swap3A_126 = arith.constant 0 : index
      %swap3A_127 = tpu.vector_load %arg8[%swap3A, %swap3A_126] {strides = array<i32>} : memref<128x64xf32, #tpu.memory_space<vmem>>, vector<1x16xf32>,
      %swap3A_128 = vector.shape_cast %swap3A_127 : vector<1x16xf32> to vector<16xf32>
      %swap3A_129 = vector.shape_cast %broadcast_in_dim3A_125 : vector<16xf32> to vector<1x16xf32>
      tpu.vector_store %arg8[%swap3A, %swap3A_126], %swap3A_129 {strides = array<i32>} : memref<128x64xf32, #tpu.memory_space<vmem>>, vector<1x16xf32>,
      %broadcast_in_dim3A_130 = arith.constant 0.000000e+00 : f32
      %broadcast_in_dim3A_131 = vector.broadcast %broadcast_in_dim3A_130 : f32 to vector<16xf32>
      %swap3A_132 = arith.index_cast %scan3A_124 : i32 to index
      %swap3A_133 = arith.constant 16 : index
      %swap3A_134 = tpu.vector_load %arg8[%swap3A_132, %swap3A_133] {strides = array<i32>} : memref<128x64xf32, #tpu.memory_space<vmem>>, vector<1x16xf32>,
      %swap3A_135 = vector.shape_cast %swap3A_134 : vector<1x16xf32> to vector<16xf32>
      %swap3A_136 = vector.shape_cast %broadcast_in_dim3A_131 : vector<16xf32> to vector<1x16xf32>
      tpu.vector_store %arg8[%swap3A_132, %swap3A_133], %swap3A_136 {strides = array<i32>} : memref<128x64xf32, #tpu.memory_space<vmem>>, vector<1x16xf32>,
      %broadcast_in_dim3A_137 = arith.constant 0.000000e+00 : f32
      %broadcast_in_dim3A_138 = vector.broadcast %broadcast_in_dim3A_137 : f32 to vector<16xf32>
      %swap3A_139 = arith.index_cast %scan3A_124 : i32 to index
      %swap3A_140 = arith.constant 32 : index
      %swap3A_141 = tpu.vector_load %arg8[%swap3A_139, %swap3A_140] {strides = array<i32>} : memref<128x64xf32, #tpu.memory_space<vmem>>, vector<1x16xf32>,
      %swap3A_142 = vector.shape_cast %swap3A_141 : vector<1x16xf32> to vector<16xf32>
      %swap3A_143 = vector.shape_cast %broadcast_in_dim3A_138 : vector<16xf32> to vector<1x16xf32>
      tpu.vector_store %arg8[%swap3A_139, %swap3A_140], %swap3A_143 {strides = array<i32>} : memref<128x64xf32, #tpu.memory_space<vmem>>, vector<1x16xf32>,
      %broadcast_in_dim3A_144 = arith.constant 0.000000e+00 : f32
      %broadcast_in_dim3A_145 = vector.broadcast %broadcast_in_dim3A_144 : f32 to vector<16xf32>
      %swap3A_146 = arith.index_cast %scan3A_124 : i32 to index
      %swap3A_147 = arith.constant 48 : index
      %swap3A_148 = tpu.vector_load %arg8[%swap3A_146, %swap3A_147] {strides = array<i32>} : memref<128x64xf32, #tpu.memory_space<vmem>>, vector<1x16xf32>,
      %swap3A_149 = vector.shape_cast %swap3A_148 : vector<1x16xf32> to vector<16xf32>
      %swap3A_150 = vector.shape_cast %broadcast_in_dim3A_145 : vector<16xf32> to vector<1x16xf32>
      tpu.vector_store %arg8[%swap3A_146, %swap3A_147], %swap3A_150 {strides = array<i32>} : memref<128x64xf32, #tpu.memory_space<vmem>>, vector<1x16xf32>,
    }
    %scan3A_17 = arith.constant 128 : i32
    %mul3A_18 = arith.constant 640 : i32
    %mul3A_19 = arith.muli %arg1, %mul3A_18 : i32
    %add3A_20 = arith.constant 0 : i32
    %add3A_21 = arith.addi %mul3A_19, %add3A_20 : i32
    "tpu.region"() ({
      %run_scoped3A = tpu.sem_alloc : memref<!tpu.dma_semaphore, #tpu.memory_space<semaphore_mem>>
      %dma_start3A_124 = arith.constant 0 : i32
      %dma_start3A_125 = tpu.memref_slice %arg10[%add3A_21, %dma_start3A_124] : memref<10240x64xf32, #tpu.memory_space<vmem_shared>> -> memref<128x64xf32, #tpu.memory_space<vmem_shared>>
      %dma_start3A_126 = arith.constant 0 : i32
      %dma_start3A_127 = tpu.memref_slice %arg10[%add3A_21, %dma_start3A_126] : memref<10240x64xf32, #tpu.memory_space<vmem_shared>> -> memref<128x64xf32, #tpu.memory_space<vmem_shared>>
      tpu.enqueue_dma source(%arg8 : memref<128x64xf32, #tpu.memory_space<vmem>>) target(%dma_start3A_127 : memref<128x64xf32, #tpu.memory_space<vmem_shared>>) target_semaphore(%run_scoped3A : memref<!tpu.dma_semaphore, #tpu.memory_space<semaphore_mem>>)
      %dma_wait3A_128 = arith.constant 0 : i32
      %dma_wait3A_129 = tpu.memref_slice %arg10[%add3A_21, %dma_wait3A_128] : memref<10240x64xf32, #tpu.memory_space<vmem_shared>> -> memref<128x64xf32, #tpu.memory_space<vmem_shared>>
      %dma_wait3A_130 = arith.constant 0 : i32
      %dma_wait3A_131 = tpu.memref_slice %arg10[%add3A_21, %dma_wait3A_130] : memref<10240x64xf32, #tpu.memory_space<vmem_shared>> -> memref<128x64xf32, #tpu.memory_space<vmem_shared>>
      tpu.wait_dma2 semaphore(%run_scoped3A : memref<!tpu.dma_semaphore, #tpu.memory_space<semaphore_mem>>) src(%arg8 : memref<128x64xf32, #tpu.memory_space<vmem>>) dst(%dma_wait3A_131 : memref<128x64xf32, #tpu.memory_space<vmem_shared>>)
      tpu.yield
    }) : () -> ()
    %add3A_22 = arith.constant 128 : i32
    %add3A_23 = arith.addi %mul3A_19, %add3A_22 : i32
    "tpu.region"() ({
      %run_scoped3A = tpu.sem_alloc : memref<!tpu.dma_semaphore, #tpu.memory_space<semaphore_mem>>
      %dma_start3A_124 = arith.constant 0 : i32
      %dma_start3A_125 = tpu.memref_slice %arg10[%add3A_23, %dma_start3A_124] : memref<10240x64xf32, #tpu.memory_space<vmem_shared>> -> memref<128x64xf32, #tpu.memory_space<vmem_shared>>
      %dma_start3A_126 = arith.constant 0 : i32
      %dma_start3A_127 = tpu.memref_slice %arg10[%add3A_23, %dma_start3A_126] : memref<10240x64xf32, #tpu.memory_space<vmem_shared>> -> memref<128x64xf32, #tpu.memory_space<vmem_shared>>
      tpu.enqueue_dma source(%arg8 : memref<128x64xf32, #tpu.memory_space<vmem>>) target(%dma_start3A_127 : memref<128x64xf32, #tpu.memory_space<vmem_shared>>) target_semaphore(%run_scoped3A : memref<!tpu.dma_semaphore, #tpu.memory_space<semaphore_mem>>)
      %dma_wait3A_128 = arith.constant 0 : i32
      %dma_wait3A_129 = tpu.memref_slice %arg10[%add3A_23, %dma_wait3A_128] : memref<10240x64xf32, #tpu.memory_space<vmem_shared>> -> memref<128x64xf32, #tpu.memory_space<vmem_shared>>
      %dma_wait3A_130 = arith.constant 0 : i32
      %dma_wait3A_131 = tpu.memref_slice %arg10[%add3A_23, %dma_wait3A_130] : memref<10240x64xf32, #tpu.memory_space<vmem_shared>> -> memref<128x64xf32, #tpu.memory_space<vmem_shared>>
      tpu.wait_dma2 semaphore(%run_scoped3A : memref<!tpu.dma_semaphore, #tpu.memory_space<semaphore_mem>>) src(%arg8 : memref<128x64xf32, #tpu.memory_space<vmem>>) dst(%dma_wait3A_131 : memref<128x64xf32, #tpu.memory_space<vmem_shared>>)
      tpu.yield
    }) : () -> ()
    %add3A_24 = arith.constant 256 : i32
    %add3A_25 = arith.addi %mul3A_19, %add3A_24 : i32
    "tpu.region"() ({
      %run_scoped3A = tpu.sem_alloc : memref<!tpu.dma_semaphore, #tpu.memory_space<semaphore_mem>>
      %dma_start3A_124 = arith.constant 0 : i32
      %dma_start3A_125 = tpu.memref_slice %arg10[%add3A_25, %dma_start3A_124] : memref<10240x64xf32, #tpu.memory_space<vmem_shared>> -> memref<128x64xf32, #tpu.memory_space<vmem_shared>>
      %dma_start3A_126 = arith.constant 0 : i32
      %dma_start3A_127 = tpu.memref_slice %arg10[%add3A_25, %dma_start3A_126] : memref<10240x64xf32, #tpu.memory_space<vmem_shared>> -> memref<128x64xf32, #tpu.memory_space<vmem_shared>>
      tpu.enqueue_dma source(%arg8 : memref<128x64xf32, #tpu.memory_space<vmem>>) target(%dma_start3A_127 : memref<128x64xf32, #tpu.memory_space<vmem_shared>>) target_semaphore(%run_scoped3A : memref<!tpu.dma_semaphore, #tpu.memory_space<semaphore_mem>>)
      %dma_wait3A_128 = arith.constant 0 : i32
      %dma_wait3A_129 = tpu.memref_slice %arg10[%add3A_25, %dma_wait3A_128] : memref<10240x64xf32, #tpu.memory_space<vmem_shared>> -> memref<128x64xf32, #tpu.memory_space<vmem_shared>>
      %dma_wait3A_130 = arith.constant 0 : i32
      %dma_wait3A_131 = tpu.memref_slice %arg10[%add3A_25, %dma_wait3A_130] : memref<10240x64xf32, #tpu.memory_space<vmem_shared>> -> memref<128x64xf32, #tpu.memory_space<vmem_shared>>
      tpu.wait_dma2 semaphore(%run_scoped3A : memref<!tpu.dma_semaphore, #tpu.memory_space<semaphore_mem>>) src(%arg8 : memref<128x64xf32, #tpu.memory_space<vmem>>) dst(%dma_wait3A_131 : memref<128x64xf32, #tpu.memory_space<vmem_shared>>)
      tpu.yield
    }) : () -> ()
    %add3A_26 = arith.constant 384 : i32
    %add3A_27 = arith.addi %mul3A_19, %add3A_26 : i32
    "tpu.region"() ({
      %run_scoped3A = tpu.sem_alloc : memref<!tpu.dma_semaphore, #tpu.memory_space<semaphore_mem>>
      %dma_start3A_124 = arith.constant 0 : i32
      %dma_start3A_125 = tpu.memref_slice %arg10[%add3A_27, %dma_start3A_124] : memref<10240x64xf32, #tpu.memory_space<vmem_shared>> -> memref<128x64xf32, #tpu.memory_space<vmem_shared>>
      %dma_start3A_126 = arith.constant 0 : i32
      %dma_start3A_127 = tpu.memref_slice %arg10[%add3A_27, %dma_start3A_126] : memref<10240x64xf32, #tpu.memory_space<vmem_shared>> -> memref<128x64xf32, #tpu.memory_space<vmem_shared>>
      tpu.enqueue_dma source(%arg8 : memref<128x64xf32, #tpu.memory_space<vmem>>) target(%dma_start3A_127 : memref<128x64xf32, #tpu.memory_space<vmem_shared>>) target_semaphore(%run_scoped3A : memref<!tpu.dma_semaphore, #tpu.memory_space<semaphore_mem>>)
      %dma_wait3A_128 = arith.constant 0 : i32
      %dma_wait3A_129 = tpu.memref_slice %arg10[%add3A_27, %dma_wait3A_128] : memref<10240x64xf32, #tpu.memory_space<vmem_shared>> -> memref<128x64xf32, #tpu.memory_space<vmem_shared>>
      %dma_wait3A_130 = arith.constant 0 : i32
      %dma_wait3A_131 = tpu.memref_slice %arg10[%add3A_27, %dma_wait3A_130] : memref<10240x64xf32, #tpu.memory_space<vmem_shared>> -> memref<128x64xf32, #tpu.memory_space<vmem_shared>>
      tpu.wait_dma2 semaphore(%run_scoped3A : memref<!tpu.dma_semaphore, #tpu.memory_space<semaphore_mem>>) src(%arg8 : memref<128x64xf32, #tpu.memory_space<vmem>>) dst(%dma_wait3A_131 : memref<128x64xf32, #tpu.memory_space<vmem_shared>>)
      tpu.yield
    }) : () -> ()
    %add3A_28 = arith.constant 512 : i32
    %add3A_29 = arith.addi %mul3A_19, %add3A_28 : i32
    "tpu.region"() ({
      %run_scoped3A = tpu.sem_alloc : memref<!tpu.dma_semaphore, #tpu.memory_space<semaphore_mem>>
      %dma_start3A_124 = arith.constant 0 : i32
      %dma_start3A_125 = tpu.memref_slice %arg10[%add3A_29, %dma_start3A_124] : memref<10240x64xf32, #tpu.memory_space<vmem_shared>> -> memref<128x64xf32, #tpu.memory_space<vmem_shared>>
      %dma_start3A_126 = arith.constant 0 : i32
      %dma_start3A_127 = tpu.memref_slice %arg10[%add3A_29, %dma_start3A_126] : memref<10240x64xf32, #tpu.memory_space<vmem_shared>> -> memref<128x64xf32, #tpu.memory_space<vmem_shared>>
      tpu.enqueue_dma source(%arg8 : memref<128x64xf32, #tpu.memory_space<vmem>>) target(%dma_start3A_127 : memref<128x64xf32, #tpu.memory_space<vmem_shared>>) target_semaphore(%run_scoped3A : memref<!tpu.dma_semaphore, #tpu.memory_space<semaphore_mem>>)
      %dma_wait3A_128 = arith.constant 0 : i32
      %dma_wait3A_129 = tpu.memref_slice %arg10[%add3A_29, %dma_wait3A_128] : memref<10240x64xf32, #tpu.memory_space<vmem_shared>> -> memref<128x64xf32, #tpu.memory_space<vmem_shared>>
      %dma_wait3A_130 = arith.constant 0 : i32
      %dma_wait3A_131 = tpu.memref_slice %arg10[%add3A_29, %dma_wait3A_130] : memref<10240x64xf32, #tpu.memory_space<vmem_shared>> -> memref<128x64xf32, #tpu.memory_space<vmem_shared>>
      tpu.wait_dma2 semaphore(%run_scoped3A : memref<!tpu.dma_semaphore, #tpu.memory_space<semaphore_mem>>) src(%arg8 : memref<128x64xf32, #tpu.memory_space<vmem>>) dst(%dma_wait3A_131 : memref<128x64xf32, #tpu.memory_space<vmem_shared>>)
      tpu.yield
    }) : () -> ()
    %barrier3A = arith.constant 0 : index
    tpu.barrier barrier_id(%barrier3A)
    %eq3A = arith.constant 31 : i32
    %eq3A_30 = arith.cmpi eq, %add3A, %eq3A : i32
    %jit3A = arith.constant 20 : i32
    %jit3A_31 = arith.constant 80 : i32
    %select_n3A = arith.select %eq3A_30, %jit3A, %jit3A_31 : i32
    %dma_wait3A = arith.constant 0 : i32
    %dma_wait3A_32 = arith.constant 0 : i32
    %dma_wait3A_33 = tpu.memref_slice %arg3[%mul3A_2, %dma_wait3A, %dma_wait3A_32] : memref<320x8x128xi32, #tpu.memory_space<hbm>> -> memref<5x8x128xi32, #tpu.memory_space<hbm>>
    %dma_wait3A_34 = arith.constant 0 : i32
    %dma_wait3A_35 = arith.constant 0 : i32
    %dma_wait3A_36 = tpu.memref_slice %arg3[%mul3A_2, %dma_wait3A_34, %dma_wait3A_35] : memref<320x8x128xi32, #tpu.memory_space<hbm>> -> memref<5x8x128xi32, #tpu.memory_space<hbm>>
    tpu.wait_dma2 semaphore(%arg13 : memref<!tpu.dma_semaphore, #tpu.memory_space<semaphore_mem>>) src(%dma_wait3A_36 : memref<5x8x128xi32, #tpu.memory_space<hbm>>) dst(%arg6 : memref<5x8x128xi32, #tpu.memory_space<vmem>>)
    %dma_wait3A_37 = arith.constant 0 : i32
    %dma_wait3A_38 = arith.constant 0 : i32
    %dma_wait3A_39 = tpu.memref_slice %arg4[%mul3A_2, %dma_wait3A_37, %dma_wait3A_38] : memref<320x8x128xi32, #tpu.memory_space<hbm>> -> memref<5x8x128xi32, #tpu.memory_space<hbm>>
    %dma_wait3A_40 = arith.constant 0 : i32
    %dma_wait3A_41 = arith.constant 0 : i32
    %dma_wait3A_42 = tpu.memref_slice %arg4[%mul3A_2, %dma_wait3A_40, %dma_wait3A_41] : memref<320x8x128xi32, #tpu.memory_space<hbm>> -> memref<5x8x128xi32, #tpu.memory_space<hbm>>
    tpu.wait_dma2 semaphore(%arg13 : memref<!tpu.dma_semaphore, #tpu.memory_space<semaphore_mem>>) src(%dma_wait3A_42 : memref<5x8x128xi32, #tpu.memory_space<hbm>>) dst(%arg7 : memref<5x8x128xi32, #tpu.memory_space<vmem>>)
    %sub3A = arith.constant 0 : i32
    %sub3A_43 = arith.subi %select_n3A, %sub3A : i32
    %jit3A_44 = arith.constant 0 : i32
    %jit3A_45 = arith.constant 40 : i32
    %max3A = arith.maxsi %jit3A_44, %sub3A_43 : i32
    %min3A = arith.minsi %jit3A_45, %max3A : i32
    %gt3A = arith.constant 0 : i32
    %gt3A_46 = arith.cmpi sgt, %min3A, %gt3A : i32
    %convert_element_type3A = arith.extui %gt3A_46 : i1 to i32
    %cond3A = arith.constant 0 : i32
    %cond3A_47 = arith.cmpi ne, %convert_element_type3A, %cond3A : i32
    scf.if %cond3A_47 {
      %dma_start3A_124 = arith.constant 0 : i32
      %dma_start3A_125 = arith.constant 0 : i32
      %dma_start3A_126 = arith.constant 0 : i32
      %dma_start3A_127 = tpu.memref_slice %arg6[%dma_start3A_124, %dma_start3A_125, %dma_start3A_126] : memref<5x8x128xi32, #tpu.memory_space<vmem>> -> memref<1x1x128xi32, #tpu.memory_space<vmem>>
      %dma_start3A_128 = tpu.memref_squeeze %dma_start3A_127 : memref<1x1x128xi32, #tpu.memory_space<vmem>> -> memref<128xi32, #tpu.memory_space<vmem>>
      %dma_start3A_129 = arith.constant 0 : i32
      %dma_start3A_130 = arith.constant 0 : i32
      %dma_start3A_131 = tpu.memref_slice %arg2[%dma_start3A_129, %dma_start3A_130] : memref<10000x64xf32, #tpu.memory_space<hbm>> -> memref<10000x64xf32, #tpu.memory_space<hbm>>
      tpu.enqueue_indirect_dma source(%dma_start3A_131 : memref<10000x64xf32, #tpu.memory_space<hbm>>) target(%arg8 : memref<128x64xf32, #tpu.memory_space<vmem>>) offsets(%dma_start3A_128 : memref<128xi32, #tpu.memory_space<vmem>>) semaphore(%arg11 : memref<!tpu.dma_semaphore, #tpu.memory_space<semaphore_mem>>)
    } else {
    }
    %jit3A_48 = arith.constant 2 : i32
    %div3A = arith.divsi %min3A, %jit3A_48 : i32
    %sign3A = arith.constant 0 : i32
    %sign3A_49 = arith.cmpi sgt, %min3A, %sign3A : i32
    %sign3A_50 = arith.extui %sign3A_49 : i1 to i32
    %sign3A_51 = arith.constant 0 : i32
    %sign3A_52 = arith.cmpi slt, %min3A, %sign3A_51 : i32
    %sign3A_53 = arith.extui %sign3A_52 : i1 to i32
    %sign3A_54 = arith.subi %sign3A_50, %sign3A_53 : i32
    %sign3A_55 = arith.constant 0 : i32
    %sign3A_56 = arith.cmpi sgt, %jit3A_48, %sign3A_55 : i32
    %sign3A_57 = arith.extui %sign3A_56 : i1 to i32
    %sign3A_58 = arith.constant 0 : i32
    %sign3A_59 = arith.cmpi slt, %jit3A_48, %sign3A_58 : i32
    %sign3A_60 = arith.extui %sign3A_59 : i1 to i32
    %sign3A_61 = arith.subi %sign3A_57, %sign3A_60 : i32
    %ne3A = arith.cmpi ne, %sign3A_54, %sign3A_61 : i32
    %rem3A = arith.remsi %min3A, %jit3A_48 : i32
    %ne3A_62 = arith.constant 0 : i32
    %ne3A_63 = arith.cmpi ne, %rem3A, %ne3A_62 : i32
    %and3A = arith.andi %ne3A, %ne3A_63 : i1
    %sub3A_64 = arith.constant 1 : i32
    %sub3A_65 = arith.subi %div3A, %sub3A_64 : i32
    %select_n3A_66 = arith.select %and3A, %sub3A_65, %div3A : i32
    %while3A = arith.constant 0 : i32
    %while3A_67 = arith.subi %select_n3A_66, %while3A : i32
    %while3A_68 = arith.addi %while3A, %while3A_67 : i32
    %while3A_69 = arith.constant 1 : i32
    %while3A_70 = arith.divsi %while3A_67, %while3A_69 : i32
    %while3A_71 = arith.muli %while3A_70, %while3A_69 : i32
    %while3A_72 = arith.addi %while3A, %while3A_71 : i32
    %while3A_73 = arith.constant 1 : i32
    scf.for %while3A_124 = %while3A to %while3A_72 step %while3A_73  : i32 {
      %mul3A_125 = arith.constant 2 : i32
      %mul3A_126 = arith.muli %mul3A_125, %while3A_124 : i32
      %add3A_127 = arith.constant 1 : i32
      %add3A_128 = arith.addi %mul3A_126, %add3A_127 : i32
      %jit3A_129 = arith.constant 8 : i32
      %div3A_130 = arith.divsi %add3A_128, %jit3A_129 : i32
      %sign3A_131 = arith.constant 0 : i32
      %sign3A_132 = arith.cmpi sgt, %add3A_128, %sign3A_131 : i32
      %sign3A_133 = arith.extui %sign3A_132 : i1 to i32
      %sign3A_134 = arith.constant 0 : i32
      %sign3A_135 = arith.cmpi slt, %add3A_128, %sign3A_134 : i32
      %sign3A_136 = arith.extui %sign3A_135 : i1 to i32
      %sign3A_137 = arith.subi %sign3A_133, %sign3A_136 : i32
      %sign3A_138 = arith.constant 0 : i32
      %sign3A_139 = arith.cmpi sgt, %jit3A_129, %sign3A_138 : i32
      %sign3A_140 = arith.extui %sign3A_139 : i1 to i32
      %sign3A_141 = arith.constant 0 : i32
      %sign3A_142 = arith.cmpi slt, %jit3A_129, %sign3A_141 : i32
      %sign3A_143 = arith.extui %sign3A_142 : i1 to i32
      %sign3A_144 = arith.subi %sign3A_140, %sign3A_143 : i32
      %ne3A_145 = arith.cmpi ne, %sign3A_137, %sign3A_144 : i32
      %rem3A_146 = arith.remsi %add3A_128, %jit3A_129 : i32
      %ne3A_147 = arith.constant 0 : i32
      %ne3A_148 = arith.cmpi ne, %rem3A_146, %ne3A_147 : i32
      %and3A_149 = arith.andi %ne3A_145, %ne3A_148 : i1
      %sub3A_150 = arith.constant 1 : i32
      %sub3A_151 = arith.subi %div3A_130, %sub3A_150 : i32
      %select_n3A_152 = arith.select %and3A_149, %sub3A_151, %div3A_130 : i32
      %jit3A_153 = arith.constant 8 : i32
      %eq3A_154 = arith.constant 0 : i32
      %eq3A_155 = arith.cmpi eq, %jit3A_153, %eq3A_154 : i32
      %jit3A_156 = arith.constant 1 : i32
      %select_n3A_157 = arith.select %eq3A_155, %jit3A_156, %jit3A_153 : i32
      %rem3A_158 = arith.remsi %add3A_128, %select_n3A_157 : i32
      %ne3A_159 = arith.constant 0 : i32
      %ne3A_160 = arith.cmpi ne, %rem3A_158, %ne3A_159 : i32
      %lt3A = arith.constant 0 : i32
      %lt3A_161 = arith.cmpi slt, %rem3A_158, %lt3A : i32
      %lt3A_162 = arith.constant 0 : i32
      %lt3A_163 = arith.cmpi slt, %select_n3A_157, %lt3A_162 : i32
      %ne3A_164 = arith.xori %lt3A_161, %lt3A_163 : i1
      %and3A_165 = arith.andi %ne3A_164, %ne3A_160 : i1
      %add3A_166 = arith.addi %rem3A_158, %select_n3A_157 : i32
      %select_n3A_167 = arith.select %and3A_165, %add3A_166, %rem3A_158 : i32
      %dma_start3A_168 = arith.constant 0 : i32
      %dma_start3A_169 = tpu.memref_slice %arg6[%select_n3A_152, %select_n3A_167, %dma_start3A_168] : memref<5x8x128xi32, #tpu.memory_space<vmem>> -> memref<1x1x128xi32, #tpu.memory_space<vmem>>
      %dma_start3A_170 = tpu.memref_squeeze %dma_start3A_169 : memref<1x1x128xi32, #tpu.memory_space<vmem>> -> memref<128xi32, #tpu.memory_space<vmem>>
      %dma_start3A_171 = arith.constant 0 : i32
      %dma_start3A_172 = arith.constant 0 : i32
      %dma_start3A_173 = tpu.memref_slice %arg2[%dma_start3A_171, %dma_start3A_172] : memref<10000x64xf32, #tpu.memory_space<hbm>> -> memref<10000x64xf32, #tpu.memory_space<hbm>>
      tpu.enqueue_indirect_dma source(%dma_start3A_173 : memref<10000x64xf32, #tpu.memory_space<hbm>>) target(%arg9 : memref<128x64xf32, #tpu.memory_space<vmem>>) offsets(%dma_start3A_170 : memref<128xi32, #tpu.memory_space<vmem>>) semaphore(%arg12 : memref<!tpu.dma_semaphore, #tpu.memory_space<semaphore_mem>>)
      %dma_wait3A_174 = arith.constant 0 : i32
      %dma_wait3A_175 = arith.constant 0 : i32
      %dma_wait3A_176 = arith.constant 0 : i32
      %dma_wait3A_177 = tpu.memref_slice %arg6[%dma_wait3A_174, %dma_wait3A_175, %dma_wait3A_176] : memref<5x8x128xi32, #tpu.memory_space<vmem>> -> memref<1x1x128xi32, #tpu.memory_space<vmem>>
      %dma_wait3A_178 = tpu.memref_squeeze %dma_wait3A_177 : memref<1x1x128xi32, #tpu.memory_space<vmem>> -> memref<128xi32, #tpu.memory_space<vmem>>
      %dma_wait3A_179 = arith.constant 0 : i32
      %dma_wait3A_180 = arith.constant 0 : i32
      %dma_wait3A_181 = tpu.memref_slice %arg2[%dma_wait3A_179, %dma_wait3A_180] : memref<10000x64xf32, #tpu.memory_space<hbm>> -> memref<10000x64xf32, #tpu.memory_space<hbm>>
      tpu.wait_indirect_dma semaphore(%arg11 : memref<!tpu.dma_semaphore, #tpu.memory_space<semaphore_mem>>) src(%dma_wait3A_181 : memref<10000x64xf32, #tpu.memory_space<hbm>>) dst(%arg8 : memref<128x64xf32, #tpu.memory_space<vmem>>)
      %jit3A_182 = arith.constant 8 : i32
      %div3A_183 = arith.divsi %mul3A_126, %jit3A_182 : i32
      %sign3A_184 = arith.constant 0 : i32
      %sign3A_185 = arith.cmpi sgt, %mul3A_126, %sign3A_184 : i32
      %sign3A_186 = arith.extui %sign3A_185 : i1 to i32
      %sign3A_187 = arith.constant 0 : i32
      %sign3A_188 = arith.cmpi slt, %mul3A_126, %sign3A_187 : i32
      %sign3A_189 = arith.extui %sign3A_188 : i1 to i32
      %sign3A_190 = arith.subi %sign3A_186, %sign3A_189 : i32
      %sign3A_191 = arith.constant 0 : i32
      %sign3A_192 = arith.cmpi sgt, %jit3A_182, %sign3A_191 : i32
      %sign3A_193 = arith.extui %sign3A_192 : i1 to i32
      %sign3A_194 = arith.constant 0 : i32
      %sign3A_195 = arith.cmpi slt, %jit3A_182, %sign3A_194 : i32
      %sign3A_196 = arith.extui %sign3A_195 : i1 to i32
      %sign3A_197 = arith.subi %sign3A_193, %sign3A_196 : i32
      %ne3A_198 = arith.cmpi ne, %sign3A_190, %sign3A_197 : i32
      %rem3A_199 = arith.remsi %mul3A_126, %jit3A_182 : i32
      %ne3A_200 = arith.constant 0 : i32
      %ne3A_201 = arith.cmpi ne, %rem3A_199, %ne3A_200 : i32
      %and3A_202 = arith.andi %ne3A_198, %ne3A_201 : i1
      %sub3A_203 = arith.constant 1 : i32
      %sub3A_204 = arith.subi %div3A_183, %sub3A_203 : i32
      %select_n3A_205 = arith.select %and3A_202, %sub3A_204, %div3A_183 : i32
      %jit3A_206 = arith.constant 8 : i32
      %eq3A_207 = arith.constant 0 : i32
      %eq3A_208 = arith.cmpi eq, %jit3A_206, %eq3A_207 : i32
      %jit3A_209 = arith.constant 1 : i32
      %select_n3A_210 = arith.select %eq3A_208, %jit3A_209, %jit3A_206 : i32
      %rem3A_211 = arith.remsi %mul3A_126, %select_n3A_210 : i32
      %ne3A_212 = arith.constant 0 : i32
      %ne3A_213 = arith.cmpi ne, %rem3A_211, %ne3A_212 : i32
      %lt3A_214 = arith.constant 0 : i32
      %lt3A_215 = arith.cmpi slt, %rem3A_211, %lt3A_214 : i32
      %lt3A_216 = arith.constant 0 : i32
      %lt3A_217 = arith.cmpi slt, %select_n3A_210, %lt3A_216 : i32
      %ne3A_218 = arith.xori %lt3A_215, %lt3A_217 : i1
      %and3A_219 = arith.andi %ne3A_218, %ne3A_213 : i1
      %add3A_220 = arith.addi %rem3A_211, %select_n3A_210 : i32
      %select_n3A_221 = arith.select %and3A_219, %add3A_220, %rem3A_211 : i32
      "tpu.region"() ({
        %run_scoped3A = tpu.sem_alloc : memref<!tpu.dma_semaphore, #tpu.memory_space<semaphore_mem>>
        %dma_start3A_276 = arith.constant 0 : i32
        %dma_start3A_277 = tpu.memref_slice %arg7[%select_n3A_205, %select_n3A_221, %dma_start3A_276] : memref<5x8x128xi32, #tpu.memory_space<vmem>> -> memref<1x1x128xi32, #tpu.memory_space<vmem>>
        %dma_start3A_278 = tpu.memref_squeeze %dma_start3A_277 : memref<1x1x128xi32, #tpu.memory_space<vmem>> -> memref<128xi32, #tpu.memory_space<vmem>>
        %dma_start3A_279 = arith.constant 0 : i32
        %dma_start3A_280 = arith.constant 0 : i32
        %dma_start3A_281 = tpu.memref_slice %arg10[%dma_start3A_279, %dma_start3A_280] : memref<10240x64xf32, #tpu.memory_space<vmem_shared>> -> memref<10240x64xf32, #tpu.memory_space<vmem_shared>>
        tpu.enqueue_indirect_dma source(%arg8 : memref<128x64xf32, #tpu.memory_space<vmem>>) target(%dma_start3A_281 : memref<10240x64xf32, #tpu.memory_space<vmem_shared>>) offsets(%dma_start3A_278 : memref<128xi32, #tpu.memory_space<vmem>>) semaphore(%run_scoped3A : memref<!tpu.dma_semaphore, #tpu.memory_space<semaphore_mem>>) {add = true}
        %dma_wait3A_282 = arith.constant 0 : i32
        %dma_wait3A_283 = tpu.memref_slice %arg7[%select_n3A_205, %select_n3A_221, %dma_wait3A_282] : memref<5x8x128xi32, #tpu.memory_space<vmem>> -> memref<1x1x128xi32, #tpu.memory_space<vmem>>
        %dma_wait3A_284 = tpu.memref_squeeze %dma_wait3A_283 : memref<1x1x128xi32, #tpu.memory_space<vmem>> -> memref<128xi32, #tpu.memory_space<vmem>>
        %dma_wait3A_285 = arith.constant 0 : i32
        %dma_wait3A_286 = arith.constant 0 : i32
        %dma_wait3A_287 = tpu.memref_slice %arg10[%dma_wait3A_285, %dma_wait3A_286] : memref<10240x64xf32, #tpu.memory_space<vmem_shared>> -> memref<10240x64xf32, #tpu.memory_space<vmem_shared>>
        tpu.wait_indirect_dma semaphore(%run_scoped3A : memref<!tpu.dma_semaphore, #tpu.memory_space<semaphore_mem>>) src(%arg8 : memref<128x64xf32, #tpu.memory_space<vmem>>) dst(%dma_wait3A_287 : memref<10240x64xf32, #tpu.memory_space<vmem_shared>>)
        tpu.yield
      }) : () -> ()
      %add3A_222 = arith.constant 1 : i32
      %add3A_223 = arith.addi %add3A_128, %add3A_222 : i32
      %lt3A_224 = arith.cmpi slt, %add3A_223, %min3A : i32
      %convert_element_type3A_225 = arith.extui %lt3A_224 : i1 to i32
      %cond3A_226 = arith.constant 0 : i32
      %cond3A_227 = arith.cmpi ne, %convert_element_type3A_225, %cond3A_226 : i32
      scf.if %cond3A_227 {
        %add3A_276 = arith.constant 1 : i32
        %add3A_277 = arith.addi %add3A_128, %add3A_276 : i32
        %jit3A_278 = arith.constant 8 : i32
        %div3A_279 = arith.divsi %add3A_277, %jit3A_278 : i32
        %sign3A_280 = arith.constant 0 : i32
        %sign3A_281 = arith.cmpi sgt, %add3A_277, %sign3A_280 : i32
        %sign3A_282 = arith.extui %sign3A_281 : i1 to i32
        %sign3A_283 = arith.constant 0 : i32
        %sign3A_284 = arith.cmpi slt, %add3A_277, %sign3A_283 : i32
        %sign3A_285 = arith.extui %sign3A_284 : i1 to i32
        %sign3A_286 = arith.subi %sign3A_282, %sign3A_285 : i32
        %sign3A_287 = arith.constant 0 : i32
        %sign3A_288 = arith.cmpi sgt, %jit3A_278, %sign3A_287 : i32
        %sign3A_289 = arith.extui %sign3A_288 : i1 to i32
        %sign3A_290 = arith.constant 0 : i32
        %sign3A_291 = arith.cmpi slt, %jit3A_278, %sign3A_290 : i32
        %sign3A_292 = arith.extui %sign3A_291 : i1 to i32
        %sign3A_293 = arith.subi %sign3A_289, %sign3A_292 : i32
        %ne3A_294 = arith.cmpi ne, %sign3A_286, %sign3A_293 : i32
        %rem3A_295 = arith.remsi %add3A_277, %jit3A_278 : i32
        %ne3A_296 = arith.constant 0 : i32
        %ne3A_297 = arith.cmpi ne, %rem3A_295, %ne3A_296 : i32
        %and3A_298 = arith.andi %ne3A_294, %ne3A_297 : i1
        %sub3A_299 = arith.constant 1 : i32
        %sub3A_300 = arith.subi %div3A_279, %sub3A_299 : i32
        %select_n3A_301 = arith.select %and3A_298, %sub3A_300, %div3A_279 : i32
        %jit3A_302 = arith.constant 8 : i32
        %eq3A_303 = arith.constant 0 : i32
        %eq3A_304 = arith.cmpi eq, %jit3A_302, %eq3A_303 : i32
        %jit3A_305 = arith.constant 1 : i32
        %select_n3A_306 = arith.select %eq3A_304, %jit3A_305, %jit3A_302 : i32
        %rem3A_307 = arith.remsi %add3A_277, %select_n3A_306 : i32
        %ne3A_308 = arith.constant 0 : i32
        %ne3A_309 = arith.cmpi ne, %rem3A_307, %ne3A_308 : i32
        %lt3A_310 = arith.constant 0 : i32
        %lt3A_311 = arith.cmpi slt, %rem3A_307, %lt3A_310 : i32
        %lt3A_312 = arith.constant 0 : i32
        %lt3A_313 = arith.cmpi slt, %select_n3A_306, %lt3A_312 : i32
        %ne3A_314 = arith.xori %lt3A_311, %lt3A_313 : i1
        %and3A_315 = arith.andi %ne3A_314, %ne3A_309 : i1
        %add3A_316 = arith.addi %rem3A_307, %select_n3A_306 : i32
        %select_n3A_317 = arith.select %and3A_315, %add3A_316, %rem3A_307 : i32
        %dma_start3A_318 = arith.constant 0 : i32
        %dma_start3A_319 = tpu.memref_slice %arg6[%select_n3A_301, %select_n3A_317, %dma_start3A_318] : memref<5x8x128xi32, #tpu.memory_space<vmem>> -> memref<1x1x128xi32, #tpu.memory_space<vmem>>
        %dma_start3A_320 = tpu.memref_squeeze %dma_start3A_319 : memref<1x1x128xi32, #tpu.memory_space<vmem>> -> memref<128xi32, #tpu.memory_space<vmem>>
        %dma_start3A_321 = arith.constant 0 : i32
        %dma_start3A_322 = arith.constant 0 : i32
        %dma_start3A_323 = tpu.memref_slice %arg2[%dma_start3A_321, %dma_start3A_322] : memref<10000x64xf32, #tpu.memory_space<hbm>> -> memref<10000x64xf32, #tpu.memory_space<hbm>>
        tpu.enqueue_indirect_dma source(%dma_start3A_323 : memref<10000x64xf32, #tpu.memory_space<hbm>>) target(%arg8 : memref<128x64xf32, #tpu.memory_space<vmem>>) offsets(%dma_start3A_320 : memref<128xi32, #tpu.memory_space<vmem>>) semaphore(%arg11 : memref<!tpu.dma_semaphore, #tpu.memory_space<semaphore_mem>>)
      } else {
      }
      %dma_wait3A_228 = arith.constant 0 : i32
      %dma_wait3A_229 = arith.constant 0 : i32
      %dma_wait3A_230 = arith.constant 0 : i32
      %dma_wait3A_231 = tpu.memref_slice %arg6[%dma_wait3A_228, %dma_wait3A_229, %dma_wait3A_230] : memref<5x8x128xi32, #tpu.memory_space<vmem>> -> memref<1x1x128xi32, #tpu.memory_space<vmem>>
      %dma_wait3A_232 = tpu.memref_squeeze %dma_wait3A_231 : memref<1x1x128xi32, #tpu.memory_space<vmem>> -> memref<128xi32, #tpu.memory_space<vmem>>
      %dma_wait3A_233 = arith.constant 0 : i32
      %dma_wait3A_234 = arith.constant 0 : i32
      %dma_wait3A_235 = tpu.memref_slice %arg2[%dma_wait3A_233, %dma_wait3A_234] : memref<10000x64xf32, #tpu.memory_space<hbm>> -> memref<10000x64xf32, #tpu.memory_space<hbm>>
      tpu.wait_indirect_dma semaphore(%arg12 : memref<!tpu.dma_semaphore, #tpu.memory_space<semaphore_mem>>) src(%dma_wait3A_235 : memref<10000x64xf32, #tpu.memory_space<hbm>>) dst(%arg9 : memref<128x64xf32, #tpu.memory_space<vmem>>)
      %jit3A_236 = arith.constant 8 : i32
      %div3A_237 = arith.divsi %add3A_128, %jit3A_236 : i32
      %sign3A_238 = arith.constant 0 : i32
      %sign3A_239 = arith.cmpi sgt, %add3A_128, %sign3A_238 : i32
      %sign3A_240 = arith.extui %sign3A_239 : i1 to i32
      %sign3A_241 = arith.constant 0 : i32
      %sign3A_242 = arith.cmpi slt, %add3A_128, %sign3A_241 : i32
      %sign3A_243 = arith.extui %sign3A_242 : i1 to i32
      %sign3A_244 = arith.subi %sign3A_240, %sign3A_243 : i32
      %sign3A_245 = arith.constant 0 : i32
      %sign3A_246 = arith.cmpi sgt, %jit3A_236, %sign3A_245 : i32
      %sign3A_247 = arith.extui %sign3A_246 : i1 to i32
      %sign3A_248 = arith.constant 0 : i32
      %sign3A_249 = arith.cmpi slt, %jit3A_236, %sign3A_248 : i32
      %sign3A_250 = arith.extui %sign3A_249 : i1 to i32
      %sign3A_251 = arith.subi %sign3A_247, %sign3A_250 : i32
      %ne3A_252 = arith.cmpi ne, %sign3A_244, %sign3A_251 : i32
      %rem3A_253 = arith.remsi %add3A_128, %jit3A_236 : i32
      %ne3A_254 = arith.constant 0 : i32
      %ne3A_255 = arith.cmpi ne, %rem3A_253, %ne3A_254 : i32
      %and3A_256 = arith.andi %ne3A_252, %ne3A_255 : i1
      %sub3A_257 = arith.constant 1 : i32
      %sub3A_258 = arith.subi %div3A_237, %sub3A_257 : i32
      %select_n3A_259 = arith.select %and3A_256, %sub3A_258, %div3A_237 : i32
      %jit3A_260 = arith.constant 8 : i32
      %eq3A_261 = arith.constant 0 : i32
      %eq3A_262 = arith.cmpi eq, %jit3A_260, %eq3A_261 : i32
      %jit3A_263 = arith.constant 1 : i32
      %select_n3A_264 = arith.select %eq3A_262, %jit3A_263, %jit3A_260 : i32
      %rem3A_265 = arith.remsi %add3A_128, %select_n3A_264 : i32
      %ne3A_266 = arith.constant 0 : i32
      %ne3A_267 = arith.cmpi ne, %rem3A_265, %ne3A_266 : i32
      %lt3A_268 = arith.constant 0 : i32
      %lt3A_269 = arith.cmpi slt, %rem3A_265, %lt3A_268 : i32
      %lt3A_270 = arith.constant 0 : i32
      %lt3A_271 = arith.cmpi slt, %select_n3A_264, %lt3A_270 : i32
      %ne3A_272 = arith.xori %lt3A_269, %lt3A_271 : i1
      %and3A_273 = arith.andi %ne3A_272, %ne3A_267 : i1
      %add3A_274 = arith.addi %rem3A_265, %select_n3A_264 : i32
      %select_n3A_275 = arith.select %and3A_273, %add3A_274, %rem3A_265 : i32
      "tpu.region"() ({
        %run_scoped3A = tpu.sem_alloc : memref<!tpu.dma_semaphore, #tpu.memory_space<semaphore_mem>>
        %dma_start3A_276 = arith.constant 0 : i32
        %dma_start3A_277 = tpu.memref_slice %arg7[%select_n3A_259, %select_n3A_275, %dma_start3A_276] : memref<5x8x128xi32, #tpu.memory_space<vmem>> -> memref<1x1x128xi32, #tpu.memory_space<vmem>>
        %dma_start3A_278 = tpu.memref_squeeze %dma_start3A_277 : memref<1x1x128xi32, #tpu.memory_space<vmem>> -> memref<128xi32, #tpu.memory_space<vmem>>
        %dma_start3A_279 = arith.constant 0 : i32
        %dma_start3A_280 = arith.constant 0 : i32
        %dma_start3A_281 = tpu.memref_slice %arg10[%dma_start3A_279, %dma_start3A_280] : memref<10240x64xf32, #tpu.memory_space<vmem_shared>> -> memref<10240x64xf32, #tpu.memory_space<vmem_shared>>
        tpu.enqueue_indirect_dma source(%arg9 : memref<128x64xf32, #tpu.memory_space<vmem>>) target(%dma_start3A_281 : memref<10240x64xf32, #tpu.memory_space<vmem_shared>>) offsets(%dma_start3A_278 : memref<128xi32, #tpu.memory_space<vmem>>) semaphore(%run_scoped3A : memref<!tpu.dma_semaphore, #tpu.memory_space<semaphore_mem>>) {add = true}
        %dma_wait3A_282 = arith.constant 0 : i32
        %dma_wait3A_283 = tpu.memref_slice %arg7[%select_n3A_259, %select_n3A_275, %dma_wait3A_282] : memref<5x8x128xi32, #tpu.memory_space<vmem>> -> memref<1x1x128xi32, #tpu.memory_space<vmem>>
        %dma_wait3A_284 = tpu.memref_squeeze %dma_wait3A_283 : memref<1x1x128xi32, #tpu.memory_space<vmem>> -> memref<128xi32, #tpu.memory_space<vmem>>
        %dma_wait3A_285 = arith.constant 0 : i32
        %dma_wait3A_286 = arith.constant 0 : i32
        %dma_wait3A_287 = tpu.memref_slice %arg10[%dma_wait3A_285, %dma_wait3A_286] : memref<10240x64xf32, #tpu.memory_space<vmem_shared>> -> memref<10240x64xf32, #tpu.memory_space<vmem_shared>>
        tpu.wait_indirect_dma semaphore(%run_scoped3A : memref<!tpu.dma_semaphore, #tpu.memory_space<semaphore_mem>>) src(%arg9 : memref<128x64xf32, #tpu.memory_space<vmem>>) dst(%dma_wait3A_287 : memref<10240x64xf32, #tpu.memory_space<vmem_shared>>)
        tpu.yield
      }) : () -> ()
    }
    %while3A_74 = arith.constant 1 : i32
    scf.for %while3A_124 = %while3A_72 to %while3A_68 step %while3A_74  : i32 {
      %mul3A_125 = arith.constant 2 : i32
      %mul3A_126 = arith.muli %mul3A_125, %while3A_124 : i32
      %add3A_127 = arith.constant 1 : i32
      %add3A_128 = arith.addi %mul3A_126, %add3A_127 : i32
      %jit3A_129 = arith.constant 8 : i32
      %div3A_130 = arith.divsi %add3A_128, %jit3A_129 : i32
      %sign3A_131 = arith.constant 0 : i32
      %sign3A_132 = arith.cmpi sgt, %add3A_128, %sign3A_131 : i32
      %sign3A_133 = arith.extui %sign3A_132 : i1 to i32
      %sign3A_134 = arith.constant 0 : i32
      %sign3A_135 = arith.cmpi slt, %add3A_128, %sign3A_134 : i32
      %sign3A_136 = arith.extui %sign3A_135 : i1 to i32
      %sign3A_137 = arith.subi %sign3A_133, %sign3A_136 : i32
      %sign3A_138 = arith.constant 0 : i32
      %sign3A_139 = arith.cmpi sgt, %jit3A_129, %sign3A_138 : i32
      %sign3A_140 = arith.extui %sign3A_139 : i1 to i32
      %sign3A_141 = arith.constant 0 : i32
      %sign3A_142 = arith.cmpi slt, %jit3A_129, %sign3A_141 : i32
      %sign3A_143 = arith.extui %sign3A_142 : i1 to i32
      %sign3A_144 = arith.subi %sign3A_140, %sign3A_143 : i32
      %ne3A_145 = arith.cmpi ne, %sign3A_137, %sign3A_144 : i32
      %rem3A_146 = arith.remsi %add3A_128, %jit3A_129 : i32
      %ne3A_147 = arith.constant 0 : i32
      %ne3A_148 = arith.cmpi ne, %rem3A_146, %ne3A_147 : i32
      %and3A_149 = arith.andi %ne3A_145, %ne3A_148 : i1
      %sub3A_150 = arith.constant 1 : i32
      %sub3A_151 = arith.subi %div3A_130, %sub3A_150 : i32
      %select_n3A_152 = arith.select %and3A_149, %sub3A_151, %div3A_130 : i32
      %jit3A_153 = arith.constant 8 : i32
      %eq3A_154 = arith.constant 0 : i32
      %eq3A_155 = arith.cmpi eq, %jit3A_153, %eq3A_154 : i32
      %jit3A_156 = arith.constant 1 : i32
      %select_n3A_157 = arith.select %eq3A_155, %jit3A_156, %jit3A_153 : i32
      %rem3A_158 = arith.remsi %add3A_128, %select_n3A_157 : i32
      %ne3A_159 = arith.constant 0 : i32
      %ne3A_160 = arith.cmpi ne, %rem3A_158, %ne3A_159 : i32
      %lt3A = arith.constant 0 : i32
      %lt3A_161 = arith.cmpi slt, %rem3A_158, %lt3A : i32
      %lt3A_162 = arith.constant 0 : i32
      %lt3A_163 = arith.cmpi slt, %select_n3A_157, %lt3A_162 : i32
      %ne3A_164 = arith.xori %lt3A_161, %lt3A_163 : i1
      %and3A_165 = arith.andi %ne3A_164, %ne3A_160 : i1
      %add3A_166 = arith.addi %rem3A_158, %select_n3A_157 : i32
      %select_n3A_167 = arith.select %and3A_165, %add3A_166, %rem3A_158 : i32
      %dma_start3A_168 = arith.constant 0 : i32
      %dma_start3A_169 = tpu.memref_slice %arg6[%select_n3A_152, %select_n3A_167, %dma_start3A_168] : memref<5x8x128xi32, #tpu.memory_space<vmem>> -> memref<1x1x128xi32, #tpu.memory_space<vmem>>
      %dma_start3A_170 = tpu.memref_squeeze %dma_start3A_169 : memref<1x1x128xi32, #tpu.memory_space<vmem>> -> memref<128xi32, #tpu.memory_space<vmem>>
      %dma_start3A_171 = arith.constant 0 : i32
      %dma_start3A_172 = arith.constant 0 : i32
      %dma_start3A_173 = tpu.memref_slice %arg2[%dma_start3A_171, %dma_start3A_172] : memref<10000x64xf32, #tpu.memory_space<hbm>> -> memref<10000x64xf32, #tpu.memory_space<hbm>>
      tpu.enqueue_indirect_dma source(%dma_start3A_173 : memref<10000x64xf32, #tpu.memory_space<hbm>>) target(%arg9 : memref<128x64xf32, #tpu.memory_space<vmem>>) offsets(%dma_start3A_170 : memref<128xi32, #tpu.memory_space<vmem>>) semaphore(%arg12 : memref<!tpu.dma_semaphore, #tpu.memory_space<semaphore_mem>>)
      %dma_wait3A_174 = arith.constant 0 : i32
      %dma_wait3A_175 = arith.constant 0 : i32
      %dma_wait3A_176 = arith.constant 0 : i32
      %dma_wait3A_177 = tpu.memref_slice %arg6[%dma_wait3A_174, %dma_wait3A_175, %dma_wait3A_176] : memref<5x8x128xi32, #tpu.memory_space<vmem>> -> memref<1x1x128xi32, #tpu.memory_space<vmem>>
      %dma_wait3A_178 = tpu.memref_squeeze %dma_wait3A_177 : memref<1x1x128xi32, #tpu.memory_space<vmem>> -> memref<128xi32, #tpu.memory_space<vmem>>
      %dma_wait3A_179 = arith.constant 0 : i32
      %dma_wait3A_180 = arith.constant 0 : i32
      %dma_wait3A_181 = tpu.memref_slice %arg2[%dma_wait3A_179, %dma_wait3A_180] : memref<10000x64xf32, #tpu.memory_space<hbm>> -> memref<10000x64xf32, #tpu.memory_space<hbm>>
      tpu.wait_indirect_dma semaphore(%arg11 : memref<!tpu.dma_semaphore, #tpu.memory_space<semaphore_mem>>) src(%dma_wait3A_181 : memref<10000x64xf32, #tpu.memory_space<hbm>>) dst(%arg8 : memref<128x64xf32, #tpu.memory_space<vmem>>)
      %jit3A_182 = arith.constant 8 : i32
      %div3A_183 = arith.divsi %mul3A_126, %jit3A_182 : i32
      %sign3A_184 = arith.constant 0 : i32
      %sign3A_185 = arith.cmpi sgt, %mul3A_126, %sign3A_184 : i32
      %sign3A_186 = arith.extui %sign3A_185 : i1 to i32
      %sign3A_187 = arith.constant 0 : i32
      %sign3A_188 = arith.cmpi slt, %mul3A_126, %sign3A_187 : i32
      %sign3A_189 = arith.extui %sign3A_188 : i1 to i32
      %sign3A_190 = arith.subi %sign3A_186, %sign3A_189 : i32
      %sign3A_191 = arith.constant 0 : i32
      %sign3A_192 = arith.cmpi sgt, %jit3A_182, %sign3A_191 : i32
      %sign3A_193 = arith.extui %sign3A_192 : i1 to i32
      %sign3A_194 = arith.constant 0 : i32
      %sign3A_195 = arith.cmpi slt, %jit3A_182, %sign3A_194 : i32
      %sign3A_196 = arith.extui %sign3A_195 : i1 to i32
      %sign3A_197 = arith.subi %sign3A_193, %sign3A_196 : i32
      %ne3A_198 = arith.cmpi ne, %sign3A_190, %sign3A_197 : i32
      %rem3A_199 = arith.remsi %mul3A_126, %jit3A_182 : i32
      %ne3A_200 = arith.constant 0 : i32
      %ne3A_201 = arith.cmpi ne, %rem3A_199, %ne3A_200 : i32
      %and3A_202 = arith.andi %ne3A_198, %ne3A_201 : i1
      %sub3A_203 = arith.constant 1 : i32
      %sub3A_204 = arith.subi %div3A_183, %sub3A_203 : i32
      %select_n3A_205 = arith.select %and3A_202, %sub3A_204, %div3A_183 : i32
      %jit3A_206 = arith.constant 8 : i32
      %eq3A_207 = arith.constant 0 : i32
      %eq3A_208 = arith.cmpi eq, %jit3A_206, %eq3A_207 : i32
      %jit3A_209 = arith.constant 1 : i32
      %select_n3A_210 = arith.select %eq3A_208, %jit3A_209, %jit3A_206 : i32
      %rem3A_211 = arith.remsi %mul3A_126, %select_n3A_210 : i32
      %ne3A_212 = arith.constant 0 : i32
      %ne3A_213 = arith.cmpi ne, %rem3A_211, %ne3A_212 : i32
      %lt3A_214 = arith.constant 0 : i32
      %lt3A_215 = arith.cmpi slt, %rem3A_211, %lt3A_214 : i32
      %lt3A_216 = arith.constant 0 : i32
      %lt3A_217 = arith.cmpi slt, %select_n3A_210, %lt3A_216 : i32
      %ne3A_218 = arith.xori %lt3A_215, %lt3A_217 : i1
      %and3A_219 = arith.andi %ne3A_218, %ne3A_213 : i1
      %add3A_220 = arith.addi %rem3A_211, %select_n3A_210 : i32
      %select_n3A_221 = arith.select %and3A_219, %add3A_220, %rem3A_211 : i32
      "tpu.region"() ({
        %run_scoped3A = tpu.sem_alloc : memref<!tpu.dma_semaphore, #tpu.memory_space<semaphore_mem>>
        %dma_start3A_276 = arith.constant 0 : i32
        %dma_start3A_277 = tpu.memref_slice %arg7[%select_n3A_205, %select_n3A_221, %dma_start3A_276] : memref<5x8x128xi32, #tpu.memory_space<vmem>> -> memref<1x1x128xi32, #tpu.memory_space<vmem>>
        %dma_start3A_278 = tpu.memref_squeeze %dma_start3A_277 : memref<1x1x128xi32, #tpu.memory_space<vmem>> -> memref<128xi32, #tpu.memory_space<vmem>>
        %dma_start3A_279 = arith.constant 0 : i32
        %dma_start3A_280 = arith.constant 0 : i32
        %dma_start3A_281 = tpu.memref_slice %arg10[%dma_start3A_279, %dma_start3A_280] : memref<10240x64xf32, #tpu.memory_space<vmem_shared>> -> memref<10240x64xf32, #tpu.memory_space<vmem_shared>>
        tpu.enqueue_indirect_dma source(%arg8 : memref<128x64xf32, #tpu.memory_space<vmem>>) target(%dma_start3A_281 : memref<10240x64xf32, #tpu.memory_space<vmem_shared>>) offsets(%dma_start3A_278 : memref<128xi32, #tpu.memory_space<vmem>>) semaphore(%run_scoped3A : memref<!tpu.dma_semaphore, #tpu.memory_space<semaphore_mem>>) {add = true}
        %dma_wait3A_282 = arith.constant 0 : i32
        %dma_wait3A_283 = tpu.memref_slice %arg7[%select_n3A_205, %select_n3A_221, %dma_wait3A_282] : memref<5x8x128xi32, #tpu.memory_space<vmem>> -> memref<1x1x128xi32, #tpu.memory_space<vmem>>
        %dma_wait3A_284 = tpu.memref_squeeze %dma_wait3A_283 : memref<1x1x128xi32, #tpu.memory_space<vmem>> -> memref<128xi32, #tpu.memory_space<vmem>>
        %dma_wait3A_285 = arith.constant 0 : i32
        %dma_wait3A_286 = arith.constant 0 : i32
        %dma_wait3A_287 = tpu.memref_slice %arg10[%dma_wait3A_285, %dma_wait3A_286] : memref<10240x64xf32, #tpu.memory_space<vmem_shared>> -> memref<10240x64xf32, #tpu.memory_space<vmem_shared>>
        tpu.wait_indirect_dma semaphore(%run_scoped3A : memref<!tpu.dma_semaphore, #tpu.memory_space<semaphore_mem>>) src(%arg8 : memref<128x64xf32, #tpu.memory_space<vmem>>) dst(%dma_wait3A_287 : memref<10240x64xf32, #tpu.memory_space<vmem_shared>>)
        tpu.yield
      }) : () -> ()
      %add3A_222 = arith.constant 1 : i32
      %add3A_223 = arith.addi %add3A_128, %add3A_222 : i32
      %lt3A_224 = arith.cmpi slt, %add3A_223, %min3A : i32
      %convert_element_type3A_225 = arith.extui %lt3A_224 : i1 to i32
      %cond3A_226 = arith.constant 0 : i32
      %cond3A_227 = arith.cmpi ne, %convert_element_type3A_225, %cond3A_226 : i32
      scf.if %cond3A_227 {
        %add3A_276 = arith.constant 1 : i32
        %add3A_277 = arith.addi %add3A_128, %add3A_276 : i32
        %jit3A_278 = arith.constant 8 : i32
        %div3A_279 = arith.divsi %add3A_277, %jit3A_278 : i32
        %sign3A_280 = arith.constant 0 : i32
        %sign3A_281 = arith.cmpi sgt, %add3A_277, %sign3A_280 : i32
        %sign3A_282 = arith.extui %sign3A_281 : i1 to i32
        %sign3A_283 = arith.constant 0 : i32
        %sign3A_284 = arith.cmpi slt, %add3A_277, %sign3A_283 : i32
        %sign3A_285 = arith.extui %sign3A_284 : i1 to i32
        %sign3A_286 = arith.subi %sign3A_282, %sign3A_285 : i32
        %sign3A_287 = arith.constant 0 : i32
        %sign3A_288 = arith.cmpi sgt, %jit3A_278, %sign3A_287 : i32
        %sign3A_289 = arith.extui %sign3A_288 : i1 to i32
        %sign3A_290 = arith.constant 0 : i32
        %sign3A_291 = arith.cmpi slt, %jit3A_278, %sign3A_290 : i32
        %sign3A_292 = arith.extui %sign3A_291 : i1 to i32
        %sign3A_293 = arith.subi %sign3A_289, %sign3A_292 : i32
        %ne3A_294 = arith.cmpi ne, %sign3A_286, %sign3A_293 : i32
        %rem3A_295 = arith.remsi %add3A_277, %jit3A_278 : i32
        %ne3A_296 = arith.constant 0 : i32
        %ne3A_297 = arith.cmpi ne, %rem3A_295, %ne3A_296 : i32
        %and3A_298 = arith.andi %ne3A_294, %ne3A_297 : i1
        %sub3A_299 = arith.constant 1 : i32
        %sub3A_300 = arith.subi %div3A_279, %sub3A_299 : i32
        %select_n3A_301 = arith.select %and3A_298, %sub3A_300, %div3A_279 : i32
        %jit3A_302 = arith.constant 8 : i32
        %eq3A_303 = arith.constant 0 : i32
        %eq3A_304 = arith.cmpi eq, %jit3A_302, %eq3A_303 : i32
        %jit3A_305 = arith.constant 1 : i32
        %select_n3A_306 = arith.select %eq3A_304, %jit3A_305, %jit3A_302 : i32
        %rem3A_307 = arith.remsi %add3A_277, %select_n3A_306 : i32
        %ne3A_308 = arith.constant 0 : i32
        %ne3A_309 = arith.cmpi ne, %rem3A_307, %ne3A_308 : i32
        %lt3A_310 = arith.constant 0 : i32
        %lt3A_311 = arith.cmpi slt, %rem3A_307, %lt3A_310 : i32
        %lt3A_312 = arith.constant 0 : i32
        %lt3A_313 = arith.cmpi slt, %select_n3A_306, %lt3A_312 : i32
        %ne3A_314 = arith.xori %lt3A_311, %lt3A_313 : i1
        %and3A_315 = arith.andi %ne3A_314, %ne3A_309 : i1
        %add3A_316 = arith.addi %rem3A_307, %select_n3A_306 : i32
        %select_n3A_317 = arith.select %and3A_315, %add3A_316, %rem3A_307 : i32
        %dma_start3A_318 = arith.constant 0 : i32
        %dma_start3A_319 = tpu.memref_slice %arg6[%select_n3A_301, %select_n3A_317, %dma_start3A_318] : memref<5x8x128xi32, #tpu.memory_space<vmem>> -> memref<1x1x128xi32, #tpu.memory_space<vmem>>
        %dma_start3A_320 = tpu.memref_squeeze %dma_start3A_319 : memref<1x1x128xi32, #tpu.memory_space<vmem>> -> memref<128xi32, #tpu.memory_space<vmem>>
        %dma_start3A_321 = arith.constant 0 : i32
        %dma_start3A_322 = arith.constant 0 : i32
        %dma_start3A_323 = tpu.memref_slice %arg2[%dma_start3A_321, %dma_start3A_322] : memref<10000x64xf32, #tpu.memory_space<hbm>> -> memref<10000x64xf32, #tpu.memory_space<hbm>>
        tpu.enqueue_indirect_dma source(%dma_start3A_323 : memref<10000x64xf32, #tpu.memory_space<hbm>>) target(%arg8 : memref<128x64xf32, #tpu.memory_space<vmem>>) offsets(%dma_start3A_320 : memref<128xi32, #tpu.memory_space<vmem>>) semaphore(%arg11 : memref<!tpu.dma_semaphore, #tpu.memory_space<semaphore_mem>>)
      } else {
      }
      %dma_wait3A_228 = arith.constant 0 : i32
      %dma_wait3A_229 = arith.constant 0 : i32
      %dma_wait3A_230 = arith.constant 0 : i32
      %dma_wait3A_231 = tpu.memref_slice %arg6[%dma_wait3A_228, %dma_wait3A_229, %dma_wait3A_230] : memref<5x8x128xi32, #tpu.memory_space<vmem>> -> memref<1x1x128xi32, #tpu.memory_space<vmem>>
      %dma_wait3A_232 = tpu.memref_squeeze %dma_wait3A_231 : memref<1x1x128xi32, #tpu.memory_space<vmem>> -> memref<128xi32, #tpu.memory_space<vmem>>
      %dma_wait3A_233 = arith.constant 0 : i32
      %dma_wait3A_234 = arith.constant 0 : i32
      %dma_wait3A_235 = tpu.memref_slice %arg2[%dma_wait3A_233, %dma_wait3A_234] : memref<10000x64xf32, #tpu.memory_space<hbm>> -> memref<10000x64xf32, #tpu.memory_space<hbm>>
      tpu.wait_indirect_dma semaphore(%arg12 : memref<!tpu.dma_semaphore, #tpu.memory_space<semaphore_mem>>) src(%dma_wait3A_235 : memref<10000x64xf32, #tpu.memory_space<hbm>>) dst(%arg9 : memref<128x64xf32, #tpu.memory_space<vmem>>)
      %jit3A_236 = arith.constant 8 : i32
      %div3A_237 = arith.divsi %add3A_128, %jit3A_236 : i32
      %sign3A_238 = arith.constant 0 : i32
      %sign3A_239 = arith.cmpi sgt, %add3A_128, %sign3A_238 : i32
      %sign3A_240 = arith.extui %sign3A_239 : i1 to i32
      %sign3A_241 = arith.constant 0 : i32
      %sign3A_242 = arith.cmpi slt, %add3A_128, %sign3A_241 : i32
      %sign3A_243 = arith.extui %sign3A_242 : i1 to i32
      %sign3A_244 = arith.subi %sign3A_240, %sign3A_243 : i32
      %sign3A_245 = arith.constant 0 : i32
      %sign3A_246 = arith.cmpi sgt, %jit3A_236, %sign3A_245 : i32
      %sign3A_247 = arith.extui %sign3A_246 : i1 to i32
      %sign3A_248 = arith.constant 0 : i32
      %sign3A_249 = arith.cmpi slt, %jit3A_236, %sign3A_248 : i32
      %sign3A_250 = arith.extui %sign3A_249 : i1 to i32
      %sign3A_251 = arith.subi %sign3A_247, %sign3A_250 : i32
      %ne3A_252 = arith.cmpi ne, %sign3A_244, %sign3A_251 : i32
      %rem3A_253 = arith.remsi %add3A_128, %jit3A_236 : i32
      %ne3A_254 = arith.constant 0 : i32
      %ne3A_255 = arith.cmpi ne, %rem3A_253, %ne3A_254 : i32
      %and3A_256 = arith.andi %ne3A_252, %ne3A_255 : i1
      %sub3A_257 = arith.constant 1 : i32
      %sub3A_258 = arith.subi %div3A_237, %sub3A_257 : i32
      %select_n3A_259 = arith.select %and3A_256, %sub3A_258, %div3A_237 : i32
      %jit3A_260 = arith.constant 8 : i32
      %eq3A_261 = arith.constant 0 : i32
      %eq3A_262 = arith.cmpi eq, %jit3A_260, %eq3A_261 : i32
      %jit3A_263 = arith.constant 1 : i32
      %select_n3A_264 = arith.select %eq3A_262, %jit3A_263, %jit3A_260 : i32
      %rem3A_265 = arith.remsi %add3A_128, %select_n3A_264 : i32
      %ne3A_266 = arith.constant 0 : i32
      %ne3A_267 = arith.cmpi ne, %rem3A_265, %ne3A_266 : i32
      %lt3A_268 = arith.constant 0 : i32
      %lt3A_269 = arith.cmpi slt, %rem3A_265, %lt3A_268 : i32
      %lt3A_270 = arith.constant 0 : i32
      %lt3A_271 = arith.cmpi slt, %select_n3A_264, %lt3A_270 : i32
      %ne3A_272 = arith.xori %lt3A_269, %lt3A_271 : i1
      %and3A_273 = arith.andi %ne3A_272, %ne3A_267 : i1
      %add3A_274 = arith.addi %rem3A_265, %select_n3A_264 : i32
      %select_n3A_275 = arith.select %and3A_273, %add3A_274, %rem3A_265 : i32
      "tpu.region"() ({
        %run_scoped3A = tpu.sem_alloc : memref<!tpu.dma_semaphore, #tpu.memory_space<semaphore_mem>>
        %dma_start3A_276 = arith.constant 0 : i32
        %dma_start3A_277 = tpu.memref_slice %arg7[%select_n3A_259, %select_n3A_275, %dma_start3A_276] : memref<5x8x128xi32, #tpu.memory_space<vmem>> -> memref<1x1x128xi32, #tpu.memory_space<vmem>>
        %dma_start3A_278 = tpu.memref_squeeze %dma_start3A_277 : memref<1x1x128xi32, #tpu.memory_space<vmem>> -> memref<128xi32, #tpu.memory_space<vmem>>
        %dma_start3A_279 = arith.constant 0 : i32
        %dma_start3A_280 = arith.constant 0 : i32
        %dma_start3A_281 = tpu.memref_slice %arg10[%dma_start3A_279, %dma_start3A_280] : memref<10240x64xf32, #tpu.memory_space<vmem_shared>> -> memref<10240x64xf32, #tpu.memory_space<vmem_shared>>
        tpu.enqueue_indirect_dma source(%arg9 : memref<128x64xf32, #tpu.memory_space<vmem>>) target(%dma_start3A_281 : memref<10240x64xf32, #tpu.memory_space<vmem_shared>>) offsets(%dma_start3A_278 : memref<128xi32, #tpu.memory_space<vmem>>) semaphore(%run_scoped3A : memref<!tpu.dma_semaphore, #tpu.memory_space<semaphore_mem>>) {add = true}
        %dma_wait3A_282 = arith.constant 0 : i32
        %dma_wait3A_283 = tpu.memref_slice %arg7[%select_n3A_259, %select_n3A_275, %dma_wait3A_282] : memref<5x8x128xi32, #tpu.memory_space<vmem>> -> memref<1x1x128xi32, #tpu.memory_space<vmem>>
        %dma_wait3A_284 = tpu.memref_squeeze %dma_wait3A_283 : memref<1x1x128xi32, #tpu.memory_space<vmem>> -> memref<128xi32, #tpu.memory_space<vmem>>
        %dma_wait3A_285 = arith.constant 0 : i32
        %dma_wait3A_286 = arith.constant 0 : i32
        %dma_wait3A_287 = tpu.memref_slice %arg10[%dma_wait3A_285, %dma_wait3A_286] : memref<10240x64xf32, #tpu.memory_space<vmem_shared>> -> memref<10240x64xf32, #tpu.memory_space<vmem_shared>>
        tpu.wait_indirect_dma semaphore(%run_scoped3A : memref<!tpu.dma_semaphore, #tpu.memory_space<semaphore_mem>>) src(%arg9 : memref<128x64xf32, #tpu.memory_space<vmem>>) dst(%dma_wait3A_287 : memref<10240x64xf32, #tpu.memory_space<vmem_shared>>)
        tpu.yield
      }) : () -> ()
    }
    %add3A_75 = arith.constant 5 : i32
    %add3A_76 = arith.addi %mul3A_2, %add3A_75 : i32
    "tpu.region"() ({
      %run_scoped3A = tpu.sem_alloc : memref<!tpu.dma_semaphore, #tpu.memory_space<semaphore_mem>>
      %dma_start3A_124 = arith.constant 0 : i32
      %dma_start3A_125 = arith.constant 0 : i32
      %dma_start3A_126 = tpu.memref_slice %arg3[%add3A_76, %dma_start3A_124, %dma_start3A_125] : memref<320x8x128xi32, #tpu.memory_space<hbm>> -> memref<5x8x128xi32, #tpu.memory_space<hbm>>
      %dma_start3A_127 = arith.constant 0 : i32
      %dma_start3A_128 = arith.constant 0 : i32
      %dma_start3A_129 = tpu.memref_slice %arg3[%add3A_76, %dma_start3A_127, %dma_start3A_128] : memref<320x8x128xi32, #tpu.memory_space<hbm>> -> memref<5x8x128xi32, #tpu.memory_space<hbm>>
      tpu.enqueue_dma source(%dma_start3A_129 : memref<5x8x128xi32, #tpu.memory_space<hbm>>) target(%arg6 : memref<5x8x128xi32, #tpu.memory_space<vmem>>) target_semaphore(%run_scoped3A : memref<!tpu.dma_semaphore, #tpu.memory_space<semaphore_mem>>)
      %dma_wait3A_130 = arith.constant 0 : i32
      %dma_wait3A_131 = arith.constant 0 : i32
      %dma_wait3A_132 = tpu.memref_slice %arg3[%add3A_76, %dma_wait3A_130, %dma_wait3A_131] : memref<320x8x128xi32, #tpu.memory_space<hbm>> -> memref<5x8x128xi32, #tpu.memory_space<hbm>>
      %dma_wait3A_133 = arith.constant 0 : i32
      %dma_wait3A_134 = arith.constant 0 : i32
      %dma_wait3A_135 = tpu.memref_slice %arg3[%add3A_76, %dma_wait3A_133, %dma_wait3A_134] : memref<320x8x128xi32, #tpu.memory_space<hbm>> -> memref<5x8x128xi32, #tpu.memory_space<hbm>>
      tpu.wait_dma2 semaphore(%run_scoped3A : memref<!tpu.dma_semaphore, #tpu.memory_space<semaphore_mem>>) src(%dma_wait3A_135 : memref<5x8x128xi32, #tpu.memory_space<hbm>>) dst(%arg6 : memref<5x8x128xi32, #tpu.memory_space<vmem>>)
      tpu.yield
    }) : () -> ()
    %add3A_77 = arith.constant 5 : i32
    %add3A_78 = arith.addi %mul3A_2, %add3A_77 : i32
    "tpu.region"() ({
      %run_scoped3A = tpu.sem_alloc : memref<!tpu.dma_semaphore, #tpu.memory_space<semaphore_mem>>
      %dma_start3A_124 = arith.constant 0 : i32
      %dma_start3A_125 = arith.constant 0 : i32
      %dma_start3A_126 = tpu.memref_slice %arg4[%add3A_78, %dma_start3A_124, %dma_start3A_125] : memref<320x8x128xi32, #tpu.memory_space<hbm>> -> memref<5x8x128xi32, #tpu.memory_space<hbm>>
      %dma_start3A_127 = arith.constant 0 : i32
      %dma_start3A_128 = arith.constant 0 : i32
      %dma_start3A_129 = tpu.memref_slice %arg4[%add3A_78, %dma_start3A_127, %dma_start3A_128] : memref<320x8x128xi32, #tpu.memory_space<hbm>> -> memref<5x8x128xi32, #tpu.memory_space<hbm>>
      tpu.enqueue_dma source(%dma_start3A_129 : memref<5x8x128xi32, #tpu.memory_space<hbm>>) target(%arg7 : memref<5x8x128xi32, #tpu.memory_space<vmem>>) target_semaphore(%run_scoped3A : memref<!tpu.dma_semaphore, #tpu.memory_space<semaphore_mem>>)
      %dma_wait3A_130 = arith.constant 0 : i32
      %dma_wait3A_131 = arith.constant 0 : i32
      %dma_wait3A_132 = tpu.memref_slice %arg4[%add3A_78, %dma_wait3A_130, %dma_wait3A_131] : memref<320x8x128xi32, #tpu.memory_space<hbm>> -> memref<5x8x128xi32, #tpu.memory_space<hbm>>
      %dma_wait3A_133 = arith.constant 0 : i32
      %dma_wait3A_134 = arith.constant 0 : i32
      %dma_wait3A_135 = tpu.memref_slice %arg4[%add3A_78, %dma_wait3A_133, %dma_wait3A_134] : memref<320x8x128xi32, #tpu.memory_space<hbm>> -> memref<5x8x128xi32, #tpu.memory_space<hbm>>
      tpu.wait_dma2 semaphore(%run_scoped3A : memref<!tpu.dma_semaphore, #tpu.memory_space<semaphore_mem>>) src(%dma_wait3A_135 : memref<5x8x128xi32, #tpu.memory_space<hbm>>) dst(%arg7 : memref<5x8x128xi32, #tpu.memory_space<vmem>>)
      tpu.yield
    }) : () -> ()
    %sub3A_79 = arith.constant 40 : i32
    %sub3A_80 = arith.subi %select_n3A, %sub3A_79 : i32
    %jit3A_81 = arith.constant 0 : i32
    %jit3A_82 = arith.constant 40 : i32
    %max3A_83 = arith.maxsi %jit3A_81, %sub3A_80 : i32
    %min3A_84 = arith.minsi %jit3A_82, %max3A_83 : i32
    %gt3A_85 = arith.constant 0 : i32
    %gt3A_86 = arith.cmpi sgt, %min3A_84, %gt3A_85 : i32
    %convert_element_type3A_87 = arith.extui %gt3A_86 : i1 to i32
    %cond3A_88 = arith.constant 0 : i32
    %cond3A_89 = arith.cmpi ne, %convert_element_type3A_87, %cond3A_88 : i32
    scf.if %cond3A_89 {
      %dma_start3A_124 = arith.constant 0 : i32
      %dma_start3A_125 = arith.constant 0 : i32
      %dma_start3A_126 = arith.constant 0 : i32
      %dma_start3A_127 = tpu.memref_slice %arg6[%dma_start3A_124, %dma_start3A_125, %dma_start3A_126] : memref<5x8x128xi32, #tpu.memory_space<vmem>> -> memref<1x1x128xi32, #tpu.memory_space<vmem>>
      %dma_start3A_128 = tpu.memref_squeeze %dma_start3A_127 : memref<1x1x128xi32, #tpu.memory_space<vmem>> -> memref<128xi32, #tpu.memory_space<vmem>>
      %dma_start3A_129 = arith.constant 0 : i32
      %dma_start3A_130 = arith.constant 0 : i32
      %dma_start3A_131 = tpu.memref_slice %arg2[%dma_start3A_129, %dma_start3A_130] : memref<10000x64xf32, #tpu.memory_space<hbm>> -> memref<10000x64xf32, #tpu.memory_space<hbm>>
      tpu.enqueue_indirect_dma source(%dma_start3A_131 : memref<10000x64xf32, #tpu.memory_space<hbm>>) target(%arg8 : memref<128x64xf32, #tpu.memory_space<vmem>>) offsets(%dma_start3A_128 : memref<128xi32, #tpu.memory_space<vmem>>) semaphore(%arg11 : memref<!tpu.dma_semaphore, #tpu.memory_space<semaphore_mem>>)
    } else {
    }
    %jit3A_90 = arith.constant 2 : i32
    %div3A_91 = arith.divsi %min3A_84, %jit3A_90 : i32
    %sign3A_92 = arith.constant 0 : i32
    %sign3A_93 = arith.cmpi sgt, %min3A_84, %sign3A_92 : i32
    %sign3A_94 = arith.extui %sign3A_93 : i1 to i32
    %sign3A_95 = arith.constant 0 : i32
    %sign3A_96 = arith.cmpi slt, %min3A_84, %sign3A_95 : i32
    %sign3A_97 = arith.extui %sign3A_96 : i1 to i32
    %sign3A_98 = arith.subi %sign3A_94, %sign3A_97 : i32
    %sign3A_99 = arith.constant 0 : i32
    %sign3A_100 = arith.cmpi sgt, %jit3A_90, %sign3A_99 : i32
    %sign3A_101 = arith.extui %sign3A_100 : i1 to i32
    %sign3A_102 = arith.constant 0 : i32
    %sign3A_103 = arith.cmpi slt, %jit3A_90, %sign3A_102 : i32
    %sign3A_104 = arith.extui %sign3A_103 : i1 to i32
    %sign3A_105 = arith.subi %sign3A_101, %sign3A_104 : i32
    %ne3A_106 = arith.cmpi ne, %sign3A_98, %sign3A_105 : i32
    %rem3A_107 = arith.remsi %min3A_84, %jit3A_90 : i32
    %ne3A_108 = arith.constant 0 : i32
    %ne3A_109 = arith.cmpi ne, %rem3A_107, %ne3A_108 : i32
    %and3A_110 = arith.andi %ne3A_106, %ne3A_109 : i1
    %sub3A_111 = arith.constant 1 : i32
    %sub3A_112 = arith.subi %div3A_91, %sub3A_111 : i32
    %select_n3A_113 = arith.select %and3A_110, %sub3A_112, %div3A_91 : i32
    %while3A_114 = arith.constant 0 : i32
    %while3A_115 = arith.subi %select_n3A_113, %while3A_114 : i32
    %while3A_116 = arith.addi %while3A_114, %while3A_115 : i32
    %while3A_117 = arith.constant 1 : i32
    %while3A_118 = arith.divsi %while3A_115, %while3A_117 : i32
    %while3A_119 = arith.muli %while3A_118, %while3A_117 : i32
    %while3A_120 = arith.addi %while3A_114, %while3A_119 : i32
    %while3A_121 = arith.constant 1 : i32
    scf.for %while3A_124 = %while3A_114 to %while3A_120 step %while3A_121  : i32 {
      %mul3A_125 = arith.constant 2 : i32
      %mul3A_126 = arith.muli %mul3A_125, %while3A_124 : i32
      %add3A_127 = arith.constant 1 : i32
      %add3A_128 = arith.addi %mul3A_126, %add3A_127 : i32
      %jit3A_129 = arith.constant 8 : i32
      %div3A_130 = arith.divsi %add3A_128, %jit3A_129 : i32
      %sign3A_131 = arith.constant 0 : i32
      %sign3A_132 = arith.cmpi sgt, %add3A_128, %sign3A_131 : i32
      %sign3A_133 = arith.extui %sign3A_132 : i1 to i32
      %sign3A_134 = arith.constant 0 : i32
      %sign3A_135 = arith.cmpi slt, %add3A_128, %sign3A_134 : i32
      %sign3A_136 = arith.extui %sign3A_135 : i1 to i32
      %sign3A_137 = arith.subi %sign3A_133, %sign3A_136 : i32
      %sign3A_138 = arith.constant 0 : i32
      %sign3A_139 = arith.cmpi sgt, %jit3A_129, %sign3A_138 : i32
      %sign3A_140 = arith.extui %sign3A_139 : i1 to i32
      %sign3A_141 = arith.constant 0 : i32
      %sign3A_142 = arith.cmpi slt, %jit3A_129, %sign3A_141 : i32
      %sign3A_143 = arith.extui %sign3A_142 : i1 to i32
      %sign3A_144 = arith.subi %sign3A_140, %sign3A_143 : i32
      %ne3A_145 = arith.cmpi ne, %sign3A_137, %sign3A_144 : i32
      %rem3A_146 = arith.remsi %add3A_128, %jit3A_129 : i32
      %ne3A_147 = arith.constant 0 : i32
      %ne3A_148 = arith.cmpi ne, %rem3A_146, %ne3A_147 : i32
      %and3A_149 = arith.andi %ne3A_145, %ne3A_148 : i1
      %sub3A_150 = arith.constant 1 : i32
      %sub3A_151 = arith.subi %div3A_130, %sub3A_150 : i32
      %select_n3A_152 = arith.select %and3A_149, %sub3A_151, %div3A_130 : i32
      %jit3A_153 = arith.constant 8 : i32
      %eq3A_154 = arith.constant 0 : i32
      %eq3A_155 = arith.cmpi eq, %jit3A_153, %eq3A_154 : i32
      %jit3A_156 = arith.constant 1 : i32
      %select_n3A_157 = arith.select %eq3A_155, %jit3A_156, %jit3A_153 : i32
      %rem3A_158 = arith.remsi %add3A_128, %select_n3A_157 : i32
      %ne3A_159 = arith.constant 0 : i32
      %ne3A_160 = arith.cmpi ne, %rem3A_158, %ne3A_159 : i32
      %lt3A = arith.constant 0 : i32
      %lt3A_161 = arith.cmpi slt, %rem3A_158, %lt3A : i32
      %lt3A_162 = arith.constant 0 : i32
      %lt3A_163 = arith.cmpi slt, %select_n3A_157, %lt3A_162 : i32
      %ne3A_164 = arith.xori %lt3A_161, %lt3A_163 : i1
      %and3A_165 = arith.andi %ne3A_164, %ne3A_160 : i1
      %add3A_166 = arith.addi %rem3A_158, %select_n3A_157 : i32
      %select_n3A_167 = arith.select %and3A_165, %add3A_166, %rem3A_158 : i32
      %dma_start3A_168 = arith.constant 0 : i32
      %dma_start3A_169 = tpu.memref_slice %arg6[%select_n3A_152, %select_n3A_167, %dma_start3A_168] : memref<5x8x128xi32, #tpu.memory_space<vmem>> -> memref<1x1x128xi32, #tpu.memory_space<vmem>>
      %dma_start3A_170 = tpu.memref_squeeze %dma_start3A_169 : memref<1x1x128xi32, #tpu.memory_space<vmem>> -> memref<128xi32, #tpu.memory_space<vmem>>
      %dma_start3A_171 = arith.constant 0 : i32
      %dma_start3A_172 = arith.constant 0 : i32
      %dma_start3A_173 = tpu.memref_slice %arg2[%dma_start3A_171, %dma_start3A_172] : memref<10000x64xf32, #tpu.memory_space<hbm>> -> memref<10000x64xf32, #tpu.memory_space<hbm>>
      tpu.enqueue_indirect_dma source(%dma_start3A_173 : memref<10000x64xf32, #tpu.memory_space<hbm>>) target(%arg9 : memref<128x64xf32, #tpu.memory_space<vmem>>) offsets(%dma_start3A_170 : memref<128xi32, #tpu.memory_space<vmem>>) semaphore(%arg12 : memref<!tpu.dma_semaphore, #tpu.memory_space<semaphore_mem>>)
      %dma_wait3A_174 = arith.constant 0 : i32
      %dma_wait3A_175 = arith.constant 0 : i32
      %dma_wait3A_176 = arith.constant 0 : i32
      %dma_wait3A_177 = tpu.memref_slice %arg6[%dma_wait3A_174, %dma_wait3A_175, %dma_wait3A_176] : memref<5x8x128xi32, #tpu.memory_space<vmem>> -> memref<1x1x128xi32, #tpu.memory_space<vmem>>
      %dma_wait3A_178 = tpu.memref_squeeze %dma_wait3A_177 : memref<1x1x128xi32, #tpu.memory_space<vmem>> -> memref<128xi32, #tpu.memory_space<vmem>>
      %dma_wait3A_179 = arith.constant 0 : i32
      %dma_wait3A_180 = arith.constant 0 : i32
      %dma_wait3A_181 = tpu.memref_slice %arg2[%dma_wait3A_179, %dma_wait3A_180] : memref<10000x64xf32, #tpu.memory_space<hbm>> -> memref<10000x64xf32, #tpu.memory_space<hbm>>
      tpu.wait_indirect_dma semaphore(%arg11 : memref<!tpu.dma_semaphore, #tpu.memory_space<semaphore_mem>>) src(%dma_wait3A_181 : memref<10000x64xf32, #tpu.memory_space<hbm>>) dst(%arg8 : memref<128x64xf32, #tpu.memory_space<vmem>>)
      %jit3A_182 = arith.constant 8 : i32
      %div3A_183 = arith.divsi %mul3A_126, %jit3A_182 : i32
      %sign3A_184 = arith.constant 0 : i32
      %sign3A_185 = arith.cmpi sgt, %mul3A_126, %sign3A_184 : i32
      %sign3A_186 = arith.extui %sign3A_185 : i1 to i32
      %sign3A_187 = arith.constant 0 : i32
      %sign3A_188 = arith.cmpi slt, %mul3A_126, %sign3A_187 : i32
      %sign3A_189 = arith.extui %sign3A_188 : i1 to i32
      %sign3A_190 = arith.subi %sign3A_186, %sign3A_189 : i32
      %sign3A_191 = arith.constant 0 : i32
      %sign3A_192 = arith.cmpi sgt, %jit3A_182, %sign3A_191 : i32
      %sign3A_193 = arith.extui %sign3A_192 : i1 to i32
      %sign3A_194 = arith.constant 0 : i32
      %sign3A_195 = arith.cmpi slt, %jit3A_182, %sign3A_194 : i32
      %sign3A_196 = arith.extui %sign3A_195 : i1 to i32
      %sign3A_197 = arith.subi %sign3A_193, %sign3A_196 : i32
      %ne3A_198 = arith.cmpi ne, %sign3A_190, %sign3A_197 : i32
      %rem3A_199 = arith.remsi %mul3A_126, %jit3A_182 : i32
      %ne3A_200 = arith.constant 0 : i32
      %ne3A_201 = arith.cmpi ne, %rem3A_199, %ne3A_200 : i32
      %and3A_202 = arith.andi %ne3A_198, %ne3A_201 : i1
      %sub3A_203 = arith.constant 1 : i32
      %sub3A_204 = arith.subi %div3A_183, %sub3A_203 : i32
      %select_n3A_205 = arith.select %and3A_202, %sub3A_204, %div3A_183 : i32
      %jit3A_206 = arith.constant 8 : i32
      %eq3A_207 = arith.constant 0 : i32
      %eq3A_208 = arith.cmpi eq, %jit3A_206, %eq3A_207 : i32
      %jit3A_209 = arith.constant 1 : i32
      %select_n3A_210 = arith.select %eq3A_208, %jit3A_209, %jit3A_206 : i32
      %rem3A_211 = arith.remsi %mul3A_126, %select_n3A_210 : i32
      %ne3A_212 = arith.constant 0 : i32
      %ne3A_213 = arith.cmpi ne, %rem3A_211, %ne3A_212 : i32
      %lt3A_214 = arith.constant 0 : i32
      %lt3A_215 = arith.cmpi slt, %rem3A_211, %lt3A_214 : i32
      %lt3A_216 = arith.constant 0 : i32
      %lt3A_217 = arith.cmpi slt, %select_n3A_210, %lt3A_216 : i32
      %ne3A_218 = arith.xori %lt3A_215, %lt3A_217 : i1
      %and3A_219 = arith.andi %ne3A_218, %ne3A_213 : i1
      %add3A_220 = arith.addi %rem3A_211, %select_n3A_210 : i32
      %select_n3A_221 = arith.select %and3A_219, %add3A_220, %rem3A_211 : i32
      "tpu.region"() ({
        %run_scoped3A = tpu.sem_alloc : memref<!tpu.dma_semaphore, #tpu.memory_space<semaphore_mem>>
        %dma_start3A_276 = arith.constant 0 : i32
        %dma_start3A_277 = tpu.memref_slice %arg7[%select_n3A_205, %select_n3A_221, %dma_start3A_276] : memref<5x8x128xi32, #tpu.memory_space<vmem>> -> memref<1x1x128xi32, #tpu.memory_space<vmem>>
        %dma_start3A_278 = tpu.memref_squeeze %dma_start3A_277 : memref<1x1x128xi32, #tpu.memory_space<vmem>> -> memref<128xi32, #tpu.memory_space<vmem>>
        %dma_start3A_279 = arith.constant 0 : i32
        %dma_start3A_280 = arith.constant 0 : i32
        %dma_start3A_281 = tpu.memref_slice %arg10[%dma_start3A_279, %dma_start3A_280] : memref<10240x64xf32, #tpu.memory_space<vmem_shared>> -> memref<10240x64xf32, #tpu.memory_space<vmem_shared>>
        tpu.enqueue_indirect_dma source(%arg8 : memref<128x64xf32, #tpu.memory_space<vmem>>) target(%dma_start3A_281 : memref<10240x64xf32, #tpu.memory_space<vmem_shared>>) offsets(%dma_start3A_278 : memref<128xi32, #tpu.memory_space<vmem>>) semaphore(%run_scoped3A : memref<!tpu.dma_semaphore, #tpu.memory_space<semaphore_mem>>) {add = true}
        %dma_wait3A_282 = arith.constant 0 : i32
        %dma_wait3A_283 = tpu.memref_slice %arg7[%select_n3A_205, %select_n3A_221, %dma_wait3A_282] : memref<5x8x128xi32, #tpu.memory_space<vmem>> -> memref<1x1x128xi32, #tpu.memory_space<vmem>>
        %dma_wait3A_284 = tpu.memref_squeeze %dma_wait3A_283 : memref<1x1x128xi32, #tpu.memory_space<vmem>> -> memref<128xi32, #tpu.memory_space<vmem>>
        %dma_wait3A_285 = arith.constant 0 : i32
        %dma_wait3A_286 = arith.constant 0 : i32
        %dma_wait3A_287 = tpu.memref_slice %arg10[%dma_wait3A_285, %dma_wait3A_286] : memref<10240x64xf32, #tpu.memory_space<vmem_shared>> -> memref<10240x64xf32, #tpu.memory_space<vmem_shared>>
        tpu.wait_indirect_dma semaphore(%run_scoped3A : memref<!tpu.dma_semaphore, #tpu.memory_space<semaphore_mem>>) src(%arg8 : memref<128x64xf32, #tpu.memory_space<vmem>>) dst(%dma_wait3A_287 : memref<10240x64xf32, #tpu.memory_space<vmem_shared>>)
        tpu.yield
      }) : () -> ()
      %add3A_222 = arith.constant 1 : i32
      %add3A_223 = arith.addi %add3A_128, %add3A_222 : i32
      %lt3A_224 = arith.cmpi slt, %add3A_223, %min3A_84 : i32
      %convert_element_type3A_225 = arith.extui %lt3A_224 : i1 to i32
      %cond3A_226 = arith.constant 0 : i32
      %cond3A_227 = arith.cmpi ne, %convert_element_type3A_225, %cond3A_226 : i32
      scf.if %cond3A_227 {
        %add3A_276 = arith.constant 1 : i32
        %add3A_277 = arith.addi %add3A_128, %add3A_276 : i32
        %jit3A_278 = arith.constant 8 : i32
        %div3A_279 = arith.divsi %add3A_277, %jit3A_278 : i32
        %sign3A_280 = arith.constant 0 : i32
        %sign3A_281 = arith.cmpi sgt, %add3A_277, %sign3A_280 : i32
        %sign3A_282 = arith.extui %sign3A_281 : i1 to i32
        %sign3A_283 = arith.constant 0 : i32
        %sign3A_284 = arith.cmpi slt, %add3A_277, %sign3A_283 : i32
        %sign3A_285 = arith.extui %sign3A_284 : i1 to i32
        %sign3A_286 = arith.subi %sign3A_282, %sign3A_285 : i32
        %sign3A_287 = arith.constant 0 : i32
        %sign3A_288 = arith.cmpi sgt, %jit3A_278, %sign3A_287 : i32
        %sign3A_289 = arith.extui %sign3A_288 : i1 to i32
        %sign3A_290 = arith.constant 0 : i32
        %sign3A_291 = arith.cmpi slt, %jit3A_278, %sign3A_290 : i32
        %sign3A_292 = arith.extui %sign3A_291 : i1 to i32
        %sign3A_293 = arith.subi %sign3A_289, %sign3A_292 : i32
        %ne3A_294 = arith.cmpi ne, %sign3A_286, %sign3A_293 : i32
        %rem3A_295 = arith.remsi %add3A_277, %jit3A_278 : i32
        %ne3A_296 = arith.constant 0 : i32
        %ne3A_297 = arith.cmpi ne, %rem3A_295, %ne3A_296 : i32
        %and3A_298 = arith.andi %ne3A_294, %ne3A_297 : i1
        %sub3A_299 = arith.constant 1 : i32
        %sub3A_300 = arith.subi %div3A_279, %sub3A_299 : i32
        %select_n3A_301 = arith.select %and3A_298, %sub3A_300, %div3A_279 : i32
        %jit3A_302 = arith.constant 8 : i32
        %eq3A_303 = arith.constant 0 : i32
        %eq3A_304 = arith.cmpi eq, %jit3A_302, %eq3A_303 : i32
        %jit3A_305 = arith.constant 1 : i32
        %select_n3A_306 = arith.select %eq3A_304, %jit3A_305, %jit3A_302 : i32
        %rem3A_307 = arith.remsi %add3A_277, %select_n3A_306 : i32
        %ne3A_308 = arith.constant 0 : i32
        %ne3A_309 = arith.cmpi ne, %rem3A_307, %ne3A_308 : i32
        %lt3A_310 = arith.constant 0 : i32
        %lt3A_311 = arith.cmpi slt, %rem3A_307, %lt3A_310 : i32
        %lt3A_312 = arith.constant 0 : i32
        %lt3A_313 = arith.cmpi slt, %select_n3A_306, %lt3A_312 : i32
        %ne3A_314 = arith.xori %lt3A_311, %lt3A_313 : i1
        %and3A_315 = arith.andi %ne3A_314, %ne3A_309 : i1
        %add3A_316 = arith.addi %rem3A_307, %select_n3A_306 : i32
        %select_n3A_317 = arith.select %and3A_315, %add3A_316, %rem3A_307 : i32
        %dma_start3A_318 = arith.constant 0 : i32
        %dma_start3A_319 = tpu.memref_slice %arg6[%select_n3A_301, %select_n3A_317, %dma_start3A_318] : memref<5x8x128xi32, #tpu.memory_space<vmem>> -> memref<1x1x128xi32, #tpu.memory_space<vmem>>
        %dma_start3A_320 = tpu.memref_squeeze %dma_start3A_319 : memref<1x1x128xi32, #tpu.memory_space<vmem>> -> memref<128xi32, #tpu.memory_space<vmem>>
        %dma_start3A_321 = arith.constant 0 : i32
        %dma_start3A_322 = arith.constant 0 : i32
        %dma_start3A_323 = tpu.memref_slice %arg2[%dma_start3A_321, %dma_start3A_322] : memref<10000x64xf32, #tpu.memory_space<hbm>> -> memref<10000x64xf32, #tpu.memory_space<hbm>>
        tpu.enqueue_indirect_dma source(%dma_start3A_323 : memref<10000x64xf32, #tpu.memory_space<hbm>>) target(%arg8 : memref<128x64xf32, #tpu.memory_space<vmem>>) offsets(%dma_start3A_320 : memref<128xi32, #tpu.memory_space<vmem>>) semaphore(%arg11 : memref<!tpu.dma_semaphore, #tpu.memory_space<semaphore_mem>>)
      } else {
      }
      %dma_wait3A_228 = arith.constant 0 : i32
      %dma_wait3A_229 = arith.constant 0 : i32
      %dma_wait3A_230 = arith.constant 0 : i32
      %dma_wait3A_231 = tpu.memref_slice %arg6[%dma_wait3A_228, %dma_wait3A_229, %dma_wait3A_230] : memref<5x8x128xi32, #tpu.memory_space<vmem>> -> memref<1x1x128xi32, #tpu.memory_space<vmem>>
      %dma_wait3A_232 = tpu.memref_squeeze %dma_wait3A_231 : memref<1x1x128xi32, #tpu.memory_space<vmem>> -> memref<128xi32, #tpu.memory_space<vmem>>
      %dma_wait3A_233 = arith.constant 0 : i32
      %dma_wait3A_234 = arith.constant 0 : i32
      %dma_wait3A_235 = tpu.memref_slice %arg2[%dma_wait3A_233, %dma_wait3A_234] : memref<10000x64xf32, #tpu.memory_space<hbm>> -> memref<10000x64xf32, #tpu.memory_space<hbm>>
      tpu.wait_indirect_dma semaphore(%arg12 : memref<!tpu.dma_semaphore, #tpu.memory_space<semaphore_mem>>) src(%dma_wait3A_235 : memref<10000x64xf32, #tpu.memory_space<hbm>>) dst(%arg9 : memref<128x64xf32, #tpu.memory_space<vmem>>)
      %jit3A_236 = arith.constant 8 : i32
      %div3A_237 = arith.divsi %add3A_128, %jit3A_236 : i32
      %sign3A_238 = arith.constant 0 : i32
      %sign3A_239 = arith.cmpi sgt, %add3A_128, %sign3A_238 : i32
      %sign3A_240 = arith.extui %sign3A_239 : i1 to i32
      %sign3A_241 = arith.constant 0 : i32
      %sign3A_242 = arith.cmpi slt, %add3A_128, %sign3A_241 : i32
      %sign3A_243 = arith.extui %sign3A_242 : i1 to i32
      %sign3A_244 = arith.subi %sign3A_240, %sign3A_243 : i32
      %sign3A_245 = arith.constant 0 : i32
      %sign3A_246 = arith.cmpi sgt, %jit3A_236, %sign3A_245 : i32
      %sign3A_247 = arith.extui %sign3A_246 : i1 to i32
      %sign3A_248 = arith.constant 0 : i32
      %sign3A_249 = arith.cmpi slt, %jit3A_236, %sign3A_248 : i32
      %sign3A_250 = arith.extui %sign3A_249 : i1 to i32
      %sign3A_251 = arith.subi %sign3A_247, %sign3A_250 : i32
      %ne3A_252 = arith.cmpi ne, %sign3A_244, %sign3A_251 : i32
      %rem3A_253 = arith.remsi %add3A_128, %jit3A_236 : i32
      %ne3A_254 = arith.constant 0 : i32
      %ne3A_255 = arith.cmpi ne, %rem3A_253, %ne3A_254 : i32
      %and3A_256 = arith.andi %ne3A_252, %ne3A_255 : i1
      %sub3A_257 = arith.constant 1 : i32
      %sub3A_258 = arith.subi %div3A_237, %sub3A_257 : i32
      %select_n3A_259 = arith.select %and3A_256, %sub3A_258, %div3A_237 : i32
      %jit3A_260 = arith.constant 8 : i32
      %eq3A_261 = arith.constant 0 : i32
      %eq3A_262 = arith.cmpi eq, %jit3A_260, %eq3A_261 : i32
      %jit3A_263 = arith.constant 1 : i32
      %select_n3A_264 = arith.select %eq3A_262, %jit3A_263, %jit3A_260 : i32
      %rem3A_265 = arith.remsi %add3A_128, %select_n3A_264 : i32
      %ne3A_266 = arith.constant 0 : i32
      %ne3A_267 = arith.cmpi ne, %rem3A_265, %ne3A_266 : i32
      %lt3A_268 = arith.constant 0 : i32
      %lt3A_269 = arith.cmpi slt, %rem3A_265, %lt3A_268 : i32
      %lt3A_270 = arith.constant 0 : i32
      %lt3A_271 = arith.cmpi slt, %select_n3A_264, %lt3A_270 : i32
      %ne3A_272 = arith.xori %lt3A_269, %lt3A_271 : i1
      %and3A_273 = arith.andi %ne3A_272, %ne3A_267 : i1
      %add3A_274 = arith.addi %rem3A_265, %select_n3A_264 : i32
      %select_n3A_275 = arith.select %and3A_273, %add3A_274, %rem3A_265 : i32
      "tpu.region"() ({
        %run_scoped3A = tpu.sem_alloc : memref<!tpu.dma_semaphore, #tpu.memory_space<semaphore_mem>>
        %dma_start3A_276 = arith.constant 0 : i32
        %dma_start3A_277 = tpu.memref_slice %arg7[%select_n3A_259, %select_n3A_275, %dma_start3A_276] : memref<5x8x128xi32, #tpu.memory_space<vmem>> -> memref<1x1x128xi32, #tpu.memory_space<vmem>>
        %dma_start3A_278 = tpu.memref_squeeze %dma_start3A_277 : memref<1x1x128xi32, #tpu.memory_space<vmem>> -> memref<128xi32, #tpu.memory_space<vmem>>
        %dma_start3A_279 = arith.constant 0 : i32
        %dma_start3A_280 = arith.constant 0 : i32
        %dma_start3A_281 = tpu.memref_slice %arg10[%dma_start3A_279, %dma_start3A_280] : memref<10240x64xf32, #tpu.memory_space<vmem_shared>> -> memref<10240x64xf32, #tpu.memory_space<vmem_shared>>
        tpu.enqueue_indirect_dma source(%arg9 : memref<128x64xf32, #tpu.memory_space<vmem>>) target(%dma_start3A_281 : memref<10240x64xf32, #tpu.memory_space<vmem_shared>>) offsets(%dma_start3A_278 : memref<128xi32, #tpu.memory_space<vmem>>) semaphore(%run_scoped3A : memref<!tpu.dma_semaphore, #tpu.memory_space<semaphore_mem>>) {add = true}
        %dma_wait3A_282 = arith.constant 0 : i32
        %dma_wait3A_283 = tpu.memref_slice %arg7[%select_n3A_259, %select_n3A_275, %dma_wait3A_282] : memref<5x8x128xi32, #tpu.memory_space<vmem>> -> memref<1x1x128xi32, #tpu.memory_space<vmem>>
        %dma_wait3A_284 = tpu.memref_squeeze %dma_wait3A_283 : memref<1x1x128xi32, #tpu.memory_space<vmem>> -> memref<128xi32, #tpu.memory_space<vmem>>
        %dma_wait3A_285 = arith.constant 0 : i32
        %dma_wait3A_286 = arith.constant 0 : i32
        %dma_wait3A_287 = tpu.memref_slice %arg10[%dma_wait3A_285, %dma_wait3A_286] : memref<10240x64xf32, #tpu.memory_space<vmem_shared>> -> memref<10240x64xf32, #tpu.memory_space<vmem_shared>>
        tpu.wait_indirect_dma semaphore(%run_scoped3A : memref<!tpu.dma_semaphore, #tpu.memory_space<semaphore_mem>>) src(%arg9 : memref<128x64xf32, #tpu.memory_space<vmem>>) dst(%dma_wait3A_287 : memref<10240x64xf32, #tpu.memory_space<vmem_shared>>)
        tpu.yield
      }) : () -> ()
    }
    %while3A_122 = arith.constant 1 : i32
    scf.for %while3A_124 = %while3A_120 to %while3A_116 step %while3A_122  : i32 {
      %mul3A_125 = arith.constant 2 : i32
      %mul3A_126 = arith.muli %mul3A_125, %while3A_124 : i32
      %add3A_127 = arith.constant 1 : i32
      %add3A_128 = arith.addi %mul3A_126, %add3A_127 : i32
      %jit3A_129 = arith.constant 8 : i32
      %div3A_130 = arith.divsi %add3A_128, %jit3A_129 : i32
      %sign3A_131 = arith.constant 0 : i32
      %sign3A_132 = arith.cmpi sgt, %add3A_128, %sign3A_131 : i32
      %sign3A_133 = arith.extui %sign3A_132 : i1 to i32
      %sign3A_134 = arith.constant 0 : i32
      %sign3A_135 = arith.cmpi slt, %add3A_128, %sign3A_134 : i32
      %sign3A_136 = arith.extui %sign3A_135 : i1 to i32
      %sign3A_137 = arith.subi %sign3A_133, %sign3A_136 : i32
      %sign3A_138 = arith.constant 0 : i32
      %sign3A_139 = arith.cmpi sgt, %jit3A_129, %sign3A_138 : i32
      %sign3A_140 = arith.extui %sign3A_139 : i1 to i32
      %sign3A_141 = arith.constant 0 : i32
      %sign3A_142 = arith.cmpi slt, %jit3A_129, %sign3A_141 : i32
      %sign3A_143 = arith.extui %sign3A_142 : i1 to i32
      %sign3A_144 = arith.subi %sign3A_140, %sign3A_143 : i32
      %ne3A_145 = arith.cmpi ne, %sign3A_137, %sign3A_144 : i32
      %rem3A_146 = arith.remsi %add3A_128, %jit3A_129 : i32
      %ne3A_147 = arith.constant 0 : i32
      %ne3A_148 = arith.cmpi ne, %rem3A_146, %ne3A_147 : i32
      %and3A_149 = arith.andi %ne3A_145, %ne3A_148 : i1
      %sub3A_150 = arith.constant 1 : i32
      %sub3A_151 = arith.subi %div3A_130, %sub3A_150 : i32
      %select_n3A_152 = arith.select %and3A_149, %sub3A_151, %div3A_130 : i32
      %jit3A_153 = arith.constant 8 : i32
      %eq3A_154 = arith.constant 0 : i32
      %eq3A_155 = arith.cmpi eq, %jit3A_153, %eq3A_154 : i32
      %jit3A_156 = arith.constant 1 : i32
      %select_n3A_157 = arith.select %eq3A_155, %jit3A_156, %jit3A_153 : i32
      %rem3A_158 = arith.remsi %add3A_128, %select_n3A_157 : i32
      %ne3A_159 = arith.constant 0 : i32
      %ne3A_160 = arith.cmpi ne, %rem3A_158, %ne3A_159 : i32
      %lt3A = arith.constant 0 : i32
      %lt3A_161 = arith.cmpi slt, %rem3A_158, %lt3A : i32
      %lt3A_162 = arith.constant 0 : i32
      %lt3A_163 = arith.cmpi slt, %select_n3A_157, %lt3A_162 : i32
      %ne3A_164 = arith.xori %lt3A_161, %lt3A_163 : i1
      %and3A_165 = arith.andi %ne3A_164, %ne3A_160 : i1
      %add3A_166 = arith.addi %rem3A_158, %select_n3A_157 : i32
      %select_n3A_167 = arith.select %and3A_165, %add3A_166, %rem3A_158 : i32
      %dma_start3A_168 = arith.constant 0 : i32
      %dma_start3A_169 = tpu.memref_slice %arg6[%select_n3A_152, %select_n3A_167, %dma_start3A_168] : memref<5x8x128xi32, #tpu.memory_space<vmem>> -> memref<1x1x128xi32, #tpu.memory_space<vmem>>
      %dma_start3A_170 = tpu.memref_squeeze %dma_start3A_169 : memref<1x1x128xi32, #tpu.memory_space<vmem>> -> memref<128xi32, #tpu.memory_space<vmem>>
      %dma_start3A_171 = arith.constant 0 : i32
      %dma_start3A_172 = arith.constant 0 : i32
      %dma_start3A_173 = tpu.memref_slice %arg2[%dma_start3A_171, %dma_start3A_172] : memref<10000x64xf32, #tpu.memory_space<hbm>> -> memref<10000x64xf32, #tpu.memory_space<hbm>>
      tpu.enqueue_indirect_dma source(%dma_start3A_173 : memref<10000x64xf32, #tpu.memory_space<hbm>>) target(%arg9 : memref<128x64xf32, #tpu.memory_space<vmem>>) offsets(%dma_start3A_170 : memref<128xi32, #tpu.memory_space<vmem>>) semaphore(%arg12 : memref<!tpu.dma_semaphore, #tpu.memory_space<semaphore_mem>>)
      %dma_wait3A_174 = arith.constant 0 : i32
      %dma_wait3A_175 = arith.constant 0 : i32
      %dma_wait3A_176 = arith.constant 0 : i32
      %dma_wait3A_177 = tpu.memref_slice %arg6[%dma_wait3A_174, %dma_wait3A_175, %dma_wait3A_176] : memref<5x8x128xi32, #tpu.memory_space<vmem>> -> memref<1x1x128xi32, #tpu.memory_space<vmem>>
      %dma_wait3A_178 = tpu.memref_squeeze %dma_wait3A_177 : memref<1x1x128xi32, #tpu.memory_space<vmem>> -> memref<128xi32, #tpu.memory_space<vmem>>
      %dma_wait3A_179 = arith.constant 0 : i32
      %dma_wait3A_180 = arith.constant 0 : i32
      %dma_wait3A_181 = tpu.memref_slice %arg2[%dma_wait3A_179, %dma_wait3A_180] : memref<10000x64xf32, #tpu.memory_space<hbm>> -> memref<10000x64xf32, #tpu.memory_space<hbm>>
      tpu.wait_indirect_dma semaphore(%arg11 : memref<!tpu.dma_semaphore, #tpu.memory_space<semaphore_mem>>) src(%dma_wait3A_181 : memref<10000x64xf32, #tpu.memory_space<hbm>>) dst(%arg8 : memref<128x64xf32, #tpu.memory_space<vmem>>)
      %jit3A_182 = arith.constant 8 : i32
      %div3A_183 = arith.divsi %mul3A_126, %jit3A_182 : i32
      %sign3A_184 = arith.constant 0 : i32
      %sign3A_185 = arith.cmpi sgt, %mul3A_126, %sign3A_184 : i32
      %sign3A_186 = arith.extui %sign3A_185 : i1 to i32
      %sign3A_187 = arith.constant 0 : i32
      %sign3A_188 = arith.cmpi slt, %mul3A_126, %sign3A_187 : i32
      %sign3A_189 = arith.extui %sign3A_188 : i1 to i32
      %sign3A_190 = arith.subi %sign3A_186, %sign3A_189 : i32
      %sign3A_191 = arith.constant 0 : i32
      %sign3A_192 = arith.cmpi sgt, %jit3A_182, %sign3A_191 : i32
      %sign3A_193 = arith.extui %sign3A_192 : i1 to i32
      %sign3A_194 = arith.constant 0 : i32
      %sign3A_195 = arith.cmpi slt, %jit3A_182, %sign3A_194 : i32
      %sign3A_196 = arith.extui %sign3A_195 : i1 to i32
      %sign3A_197 = arith.subi %sign3A_193, %sign3A_196 : i32
      %ne3A_198 = arith.cmpi ne, %sign3A_190, %sign3A_197 : i32
      %rem3A_199 = arith.remsi %mul3A_126, %jit3A_182 : i32
      %ne3A_200 = arith.constant 0 : i32
      %ne3A_201 = arith.cmpi ne, %rem3A_199, %ne3A_200 : i32
      %and3A_202 = arith.andi %ne3A_198, %ne3A_201 : i1
      %sub3A_203 = arith.constant 1 : i32
      %sub3A_204 = arith.subi %div3A_183, %sub3A_203 : i32
      %select_n3A_205 = arith.select %and3A_202, %sub3A_204, %div3A_183 : i32
      %jit3A_206 = arith.constant 8 : i32
      %eq3A_207 = arith.constant 0 : i32
      %eq3A_208 = arith.cmpi eq, %jit3A_206, %eq3A_207 : i32
      %jit3A_209 = arith.constant 1 : i32
      %select_n3A_210 = arith.select %eq3A_208, %jit3A_209, %jit3A_206 : i32
      %rem3A_211 = arith.remsi %mul3A_126, %select_n3A_210 : i32
      %ne3A_212 = arith.constant 0 : i32
      %ne3A_213 = arith.cmpi ne, %rem3A_211, %ne3A_212 : i32
      %lt3A_214 = arith.constant 0 : i32
      %lt3A_215 = arith.cmpi slt, %rem3A_211, %lt3A_214 : i32
      %lt3A_216 = arith.constant 0 : i32
      %lt3A_217 = arith.cmpi slt, %select_n3A_210, %lt3A_216 : i32
      %ne3A_218 = arith.xori %lt3A_215, %lt3A_217 : i1
      %and3A_219 = arith.andi %ne3A_218, %ne3A_213 : i1
      %add3A_220 = arith.addi %rem3A_211, %select_n3A_210 : i32
      %select_n3A_221 = arith.select %and3A_219, %add3A_220, %rem3A_211 : i32
      "tpu.region"() ({
        %run_scoped3A = tpu.sem_alloc : memref<!tpu.dma_semaphore, #tpu.memory_space<semaphore_mem>>
        %dma_start3A_276 = arith.constant 0 : i32
        %dma_start3A_277 = tpu.memref_slice %arg7[%select_n3A_205, %select_n3A_221, %dma_start3A_276] : memref<5x8x128xi32, #tpu.memory_space<vmem>> -> memref<1x1x128xi32, #tpu.memory_space<vmem>>
        %dma_start3A_278 = tpu.memref_squeeze %dma_start3A_277 : memref<1x1x128xi32, #tpu.memory_space<vmem>> -> memref<128xi32, #tpu.memory_space<vmem>>
        %dma_start3A_279 = arith.constant 0 : i32
        %dma_start3A_280 = arith.constant 0 : i32
        %dma_start3A_281 = tpu.memref_slice %arg10[%dma_start3A_279, %dma_start3A_280] : memref<10240x64xf32, #tpu.memory_space<vmem_shared>> -> memref<10240x64xf32, #tpu.memory_space<vmem_shared>>
        tpu.enqueue_indirect_dma source(%arg8 : memref<128x64xf32, #tpu.memory_space<vmem>>) target(%dma_start3A_281 : memref<10240x64xf32, #tpu.memory_space<vmem_shared>>) offsets(%dma_start3A_278 : memref<128xi32, #tpu.memory_space<vmem>>) semaphore(%run_scoped3A : memref<!tpu.dma_semaphore, #tpu.memory_space<semaphore_mem>>) {add = true}
        %dma_wait3A_282 = arith.constant 0 : i32
        %dma_wait3A_283 = tpu.memref_slice %arg7[%select_n3A_205, %select_n3A_221, %dma_wait3A_282] : memref<5x8x128xi32, #tpu.memory_space<vmem>> -> memref<1x1x128xi32, #tpu.memory_space<vmem>>
        %dma_wait3A_284 = tpu.memref_squeeze %dma_wait3A_283 : memref<1x1x128xi32, #tpu.memory_space<vmem>> -> memref<128xi32, #tpu.memory_space<vmem>>
        %dma_wait3A_285 = arith.constant 0 : i32
        %dma_wait3A_286 = arith.constant 0 : i32
        %dma_wait3A_287 = tpu.memref_slice %arg10[%dma_wait3A_285, %dma_wait3A_286] : memref<10240x64xf32, #tpu.memory_space<vmem_shared>> -> memref<10240x64xf32, #tpu.memory_space<vmem_shared>>
        tpu.wait_indirect_dma semaphore(%run_scoped3A : memref<!tpu.dma_semaphore, #tpu.memory_space<semaphore_mem>>) src(%arg8 : memref<128x64xf32, #tpu.memory_space<vmem>>) dst(%dma_wait3A_287 : memref<10240x64xf32, #tpu.memory_space<vmem_shared>>)
        tpu.yield
      }) : () -> ()
      %add3A_222 = arith.constant 1 : i32
      %add3A_223 = arith.addi %add3A_128, %add3A_222 : i32
      %lt3A_224 = arith.cmpi slt, %add3A_223, %min3A_84 : i32
      %convert_element_type3A_225 = arith.extui %lt3A_224 : i1 to i32
      %cond3A_226 = arith.constant 0 : i32
      %cond3A_227 = arith.cmpi ne, %convert_element_type3A_225, %cond3A_226 : i32
      scf.if %cond3A_227 {
        %add3A_276 = arith.constant 1 : i32
        %add3A_277 = arith.addi %add3A_128, %add3A_276 : i32
        %jit3A_278 = arith.constant 8 : i32
        %div3A_279 = arith.divsi %add3A_277, %jit3A_278 : i32
        %sign3A_280 = arith.constant 0 : i32
        %sign3A_281 = arith.cmpi sgt, %add3A_277, %sign3A_280 : i32
        %sign3A_282 = arith.extui %sign3A_281 : i1 to i32
        %sign3A_283 = arith.constant 0 : i32
        %sign3A_284 = arith.cmpi slt, %add3A_277, %sign3A_283 : i32
        %sign3A_285 = arith.extui %sign3A_284 : i1 to i32
        %sign3A_286 = arith.subi %sign3A_282, %sign3A_285 : i32
        %sign3A_287 = arith.constant 0 : i32
        %sign3A_288 = arith.cmpi sgt, %jit3A_278, %sign3A_287 : i32
        %sign3A_289 = arith.extui %sign3A_288 : i1 to i32
        %sign3A_290 = arith.constant 0 : i32
        %sign3A_291 = arith.cmpi slt, %jit3A_278, %sign3A_290 : i32
        %sign3A_292 = arith.extui %sign3A_291 : i1 to i32
        %sign3A_293 = arith.subi %sign3A_289, %sign3A_292 : i32
        %ne3A_294 = arith.cmpi ne, %sign3A_286, %sign3A_293 : i32
        %rem3A_295 = arith.remsi %add3A_277, %jit3A_278 : i32
        %ne3A_296 = arith.constant 0 : i32
        %ne3A_297 = arith.cmpi ne, %rem3A_295, %ne3A_296 : i32
        %and3A_298 = arith.andi %ne3A_294, %ne3A_297 : i1
        %sub3A_299 = arith.constant 1 : i32
        %sub3A_300 = arith.subi %div3A_279, %sub3A_299 : i32
        %select_n3A_301 = arith.select %and3A_298, %sub3A_300, %div3A_279 : i32
        %jit3A_302 = arith.constant 8 : i32
        %eq3A_303 = arith.constant 0 : i32
        %eq3A_304 = arith.cmpi eq, %jit3A_302, %eq3A_303 : i32
        %jit3A_305 = arith.constant 1 : i32
        %select_n3A_306 = arith.select %eq3A_304, %jit3A_305, %jit3A_302 : i32
        %rem3A_307 = arith.remsi %add3A_277, %select_n3A_306 : i32
        %ne3A_308 = arith.constant 0 : i32
        %ne3A_309 = arith.cmpi ne, %rem3A_307, %ne3A_308 : i32
        %lt3A_310 = arith.constant 0 : i32
        %lt3A_311 = arith.cmpi slt, %rem3A_307, %lt3A_310 : i32
        %lt3A_312 = arith.constant 0 : i32
        %lt3A_313 = arith.cmpi slt, %select_n3A_306, %lt3A_312 : i32
        %ne3A_314 = arith.xori %lt3A_311, %lt3A_313 : i1
        %and3A_315 = arith.andi %ne3A_314, %ne3A_309 : i1
        %add3A_316 = arith.addi %rem3A_307, %select_n3A_306 : i32
        %select_n3A_317 = arith.select %and3A_315, %add3A_316, %rem3A_307 : i32
        %dma_start3A_318 = arith.constant 0 : i32
        %dma_start3A_319 = tpu.memref_slice %arg6[%select_n3A_301, %select_n3A_317, %dma_start3A_318] : memref<5x8x128xi32, #tpu.memory_space<vmem>> -> memref<1x1x128xi32, #tpu.memory_space<vmem>>
        %dma_start3A_320 = tpu.memref_squeeze %dma_start3A_319 : memref<1x1x128xi32, #tpu.memory_space<vmem>> -> memref<128xi32, #tpu.memory_space<vmem>>
        %dma_start3A_321 = arith.constant 0 : i32
        %dma_start3A_322 = arith.constant 0 : i32
        %dma_start3A_323 = tpu.memref_slice %arg2[%dma_start3A_321, %dma_start3A_322] : memref<10000x64xf32, #tpu.memory_space<hbm>> -> memref<10000x64xf32, #tpu.memory_space<hbm>>
        tpu.enqueue_indirect_dma source(%dma_start3A_323 : memref<10000x64xf32, #tpu.memory_space<hbm>>) target(%arg8 : memref<128x64xf32, #tpu.memory_space<vmem>>) offsets(%dma_start3A_320 : memref<128xi32, #tpu.memory_space<vmem>>) semaphore(%arg11 : memref<!tpu.dma_semaphore, #tpu.memory_space<semaphore_mem>>)
      } else {
      }
      %dma_wait3A_228 = arith.constant 0 : i32
      %dma_wait3A_229 = arith.constant 0 : i32
      %dma_wait3A_230 = arith.constant 0 : i32
      %dma_wait3A_231 = tpu.memref_slice %arg6[%dma_wait3A_228, %dma_wait3A_229, %dma_wait3A_230] : memref<5x8x128xi32, #tpu.memory_space<vmem>> -> memref<1x1x128xi32, #tpu.memory_space<vmem>>
      %dma_wait3A_232 = tpu.memref_squeeze %dma_wait3A_231 : memref<1x1x128xi32, #tpu.memory_space<vmem>> -> memref<128xi32, #tpu.memory_space<vmem>>
      %dma_wait3A_233 = arith.constant 0 : i32
      %dma_wait3A_234 = arith.constant 0 : i32
      %dma_wait3A_235 = tpu.memref_slice %arg2[%dma_wait3A_233, %dma_wait3A_234] : memref<10000x64xf32, #tpu.memory_space<hbm>> -> memref<10000x64xf32, #tpu.memory_space<hbm>>
      tpu.wait_indirect_dma semaphore(%arg12 : memref<!tpu.dma_semaphore, #tpu.memory_space<semaphore_mem>>) src(%dma_wait3A_235 : memref<10000x64xf32, #tpu.memory_space<hbm>>) dst(%arg9 : memref<128x64xf32, #tpu.memory_space<vmem>>)
      %jit3A_236 = arith.constant 8 : i32
      %div3A_237 = arith.divsi %add3A_128, %jit3A_236 : i32
      %sign3A_238 = arith.constant 0 : i32
      %sign3A_239 = arith.cmpi sgt, %add3A_128, %sign3A_238 : i32
      %sign3A_240 = arith.extui %sign3A_239 : i1 to i32
      %sign3A_241 = arith.constant 0 : i32
      %sign3A_242 = arith.cmpi slt, %add3A_128, %sign3A_241 : i32
      %sign3A_243 = arith.extui %sign3A_242 : i1 to i32
      %sign3A_244 = arith.subi %sign3A_240, %sign3A_243 : i32
      %sign3A_245 = arith.constant 0 : i32
      %sign3A_246 = arith.cmpi sgt, %jit3A_236, %sign3A_245 : i32
      %sign3A_247 = arith.extui %sign3A_246 : i1 to i32
      %sign3A_248 = arith.constant 0 : i32
      %sign3A_249 = arith.cmpi slt, %jit3A_236, %sign3A_248 : i32
      %sign3A_250 = arith.extui %sign3A_249 : i1 to i32
      %sign3A_251 = arith.subi %sign3A_247, %sign3A_250 : i32
      %ne3A_252 = arith.cmpi ne, %sign3A_244, %sign3A_251 : i32
      %rem3A_253 = arith.remsi %add3A_128, %jit3A_236 : i32
      %ne3A_254 = arith.constant 0 : i32
      %ne3A_255 = arith.cmpi ne, %rem3A_253, %ne3A_254 : i32
      %and3A_256 = arith.andi %ne3A_252, %ne3A_255 : i1
      %sub3A_257 = arith.constant 1 : i32
      %sub3A_258 = arith.subi %div3A_237, %sub3A_257 : i32
      %select_n3A_259 = arith.select %and3A_256, %sub3A_258, %div3A_237 : i32
      %jit3A_260 = arith.constant 8 : i32
      %eq3A_261 = arith.constant 0 : i32
      %eq3A_262 = arith.cmpi eq, %jit3A_260, %eq3A_261 : i32
      %jit3A_263 = arith.constant 1 : i32
      %select_n3A_264 = arith.select %eq3A_262, %jit3A_263, %jit3A_260 : i32
      %rem3A_265 = arith.remsi %add3A_128, %select_n3A_264 : i32
      %ne3A_266 = arith.constant 0 : i32
      %ne3A_267 = arith.cmpi ne, %rem3A_265, %ne3A_266 : i32
      %lt3A_268 = arith.constant 0 : i32
      %lt3A_269 = arith.cmpi slt, %rem3A_265, %lt3A_268 : i32
      %lt3A_270 = arith.constant 0 : i32
      %lt3A_271 = arith.cmpi slt, %select_n3A_264, %lt3A_270 : i32
      %ne3A_272 = arith.xori %lt3A_269, %lt3A_271 : i1
      %and3A_273 = arith.andi %ne3A_272, %ne3A_267 : i1
      %add3A_274 = arith.addi %rem3A_265, %select_n3A_264 : i32
      %select_n3A_275 = arith.select %and3A_273, %add3A_274, %rem3A_265 : i32
      "tpu.region"() ({
        %run_scoped3A = tpu.sem_alloc : memref<!tpu.dma_semaphore, #tpu.memory_space<semaphore_mem>>
        %dma_start3A_276 = arith.constant 0 : i32
        %dma_start3A_277 = tpu.memref_slice %arg7[%select_n3A_259, %select_n3A_275, %dma_start3A_276] : memref<5x8x128xi32, #tpu.memory_space<vmem>> -> memref<1x1x128xi32, #tpu.memory_space<vmem>>
        %dma_start3A_278 = tpu.memref_squeeze %dma_start3A_277 : memref<1x1x128xi32, #tpu.memory_space<vmem>> -> memref<128xi32, #tpu.memory_space<vmem>>
        %dma_start3A_279 = arith.constant 0 : i32
        %dma_start3A_280 = arith.constant 0 : i32
        %dma_start3A_281 = tpu.memref_slice %arg10[%dma_start3A_279, %dma_start3A_280] : memref<10240x64xf32, #tpu.memory_space<vmem_shared>> -> memref<10240x64xf32, #tpu.memory_space<vmem_shared>>
        tpu.enqueue_indirect_dma source(%arg9 : memref<128x64xf32, #tpu.memory_space<vmem>>) target(%dma_start3A_281 : memref<10240x64xf32, #tpu.memory_space<vmem_shared>>) offsets(%dma_start3A_278 : memref<128xi32, #tpu.memory_space<vmem>>) semaphore(%run_scoped3A : memref<!tpu.dma_semaphore, #tpu.memory_space<semaphore_mem>>) {add = true}
        %dma_wait3A_282 = arith.constant 0 : i32
        %dma_wait3A_283 = tpu.memref_slice %arg7[%select_n3A_259, %select_n3A_275, %dma_wait3A_282] : memref<5x8x128xi32, #tpu.memory_space<vmem>> -> memref<1x1x128xi32, #tpu.memory_space<vmem>>
        %dma_wait3A_284 = tpu.memref_squeeze %dma_wait3A_283 : memref<1x1x128xi32, #tpu.memory_space<vmem>> -> memref<128xi32, #tpu.memory_space<vmem>>
        %dma_wait3A_285 = arith.constant 0 : i32
        %dma_wait3A_286 = arith.constant 0 : i32
        %dma_wait3A_287 = tpu.memref_slice %arg10[%dma_wait3A_285, %dma_wait3A_286] : memref<10240x64xf32, #tpu.memory_space<vmem_shared>> -> memref<10240x64xf32, #tpu.memory_space<vmem_shared>>
        tpu.wait_indirect_dma semaphore(%run_scoped3A : memref<!tpu.dma_semaphore, #tpu.memory_space<semaphore_mem>>) src(%arg9 : memref<128x64xf32, #tpu.memory_space<vmem>>) dst(%dma_wait3A_287 : memref<10240x64xf32, #tpu.memory_space<vmem_shared>>)
        tpu.yield
      }) : () -> ()
    }
    %barrier3A_123 = arith.constant 0 : index
    tpu.barrier barrier_id(%barrier3A_123)
    "tpu.region"() ({
      %run_scoped3A = tpu.sem_alloc : memref<!tpu.dma_semaphore, #tpu.memory_space<semaphore_mem>>
      %dma_start3A_124 = arith.constant 0 : i32
      %dma_start3A_125 = tpu.memref_slice %arg5[%arg0, %mul3A_19, %dma_start3A_124] : memref<2x10240x64xf32, #tpu.memory_space<hbm>> -> memref<1x640x64xf32, #tpu.memory_space<hbm>>
      %dma_start3A_126 = tpu.memref_squeeze %dma_start3A_125 : memref<1x640x64xf32, #tpu.memory_space<hbm>> -> memref<640x64xf32, #tpu.memory_space<hbm>>
      %dma_start3A_127 = arith.constant 0 : i32
      %dma_start3A_128 = tpu.memref_slice %arg10[%mul3A_19, %dma_start3A_127] : memref<10240x64xf32, #tpu.memory_space<vmem_shared>> -> memref<640x64xf32, #tpu.memory_space<vmem_shared>>
      tpu.enqueue_dma source(%dma_start3A_128 : memref<640x64xf32, #tpu.memory_space<vmem_shared>>) target(%dma_start3A_126 : memref<640x64xf32, #tpu.memory_space<hbm>>) target_semaphore(%run_scoped3A : memref<!tpu.dma_semaphore, #tpu.memory_space<semaphore_mem>>)
      %dma_wait3A_129 = arith.constant 0 : i32
      %dma_wait3A_130 = tpu.memref_slice %arg5[%arg0, %mul3A_19, %dma_wait3A_129] : memref<2x10240x64xf32, #tpu.memory_space<hbm>> -> memref<1x640x64xf32, #tpu.memory_space<hbm>>
      %dma_wait3A_131 = tpu.memref_squeeze %dma_wait3A_130 : memref<1x640x64xf32, #tpu.memory_space<hbm>> -> memref<640x64xf32, #tpu.memory_space<hbm>>
      %dma_wait3A_132 = arith.constant 0 : i32
      %dma_wait3A_133 = tpu.memref_slice %arg10[%mul3A_19, %dma_wait3A_132] : memref<10240x64xf32, #tpu.memory_space<vmem_shared>> -> memref<640x64xf32, #tpu.memory_space<vmem_shared>>
      tpu.wait_dma2 semaphore(%run_scoped3A : memref<!tpu.dma_semaphore, #tpu.memory_space<semaphore_mem>>) src(%dma_wait3A_133 : memref<640x64xf32, #tpu.memory_space<vmem_shared>>) dst(%dma_wait3A_131 : memref<640x64xf32, #tpu.memory_space<hbm>>)
      tpu.yield
    }) : () -> ()
    return
  }
}

module attributes {stable_mosaic.version = 14 : i64} {
  func.func @_layer1_tc(%arg0: i32, %arg1: memref<2x2000x128xf32, #tpu.memory_space<vmem>>, %arg2: memref<2x2000x1xf32, #tpu.memory_space<vmem>>, %arg3: memref<2000x128xf32, #tpu.memory_space<vmem>>, %arg4: memref<128x256xf32, #tpu.memory_space<vmem>>, %arg5: memref<1x256xf32, #tpu.memory_space<vmem>>, %arg6: memref<128x256xf32, #tpu.memory_space<vmem>>, %arg7: memref<256x64xf32, #tpu.memory_space<vmem>>, %arg8: memref<1x64xf32, #tpu.memory_space<vmem>>, %arg9: memref<256x64xf32, #tpu.memory_space<vmem>>, %arg10: memref<2000x64xf32, #tpu.memory_space<vmem>>, %arg11: memref<2000x64xf32, #tpu.memory_space<vmem>>) attributes {dimension_semantics = [#tpu.dimension_semantics<arbitrary>], iteration_bounds = array<i64: 5>, scalar_prefetch = 0 : i64, scratch_operands = 0 : i64, tpu.core_type = #tpu.core_type<tc>, window_params = [{transform_indices = @transform_0, window_bounds = array<i64: 2, 2000, 128>}, {transform_indices = @transform_1, window_bounds = array<i64: 2, 2000, 1>}, {transform_indices = @transform_2, window_bounds = array<i64: 2000, 128>}, {pipeline_mode = #tpu.pipeline_mode<synchronous>, transform_indices = @transform_3, window_bounds = array<i64: 128, 256>}, {pipeline_mode = #tpu.pipeline_mode<synchronous>, transform_indices = @transform_4, window_bounds = array<i64: 1, 256>}, {pipeline_mode = #tpu.pipeline_mode<synchronous>, transform_indices = @transform_5, window_bounds = array<i64: 128, 256>}, {pipeline_mode = #tpu.pipeline_mode<synchronous>, transform_indices = @transform_6, window_bounds = array<i64: 256, 64>}, {pipeline_mode = #tpu.pipeline_mode<synchronous>, transform_indices = @transform_7, window_bounds = array<i64: 1, 64>}, {pipeline_mode = #tpu.pipeline_mode<synchronous>, transform_indices = @transform_8, window_bounds = array<i64: 256, 64>}, {transform_indices = @transform_9, window_bounds = array<i64: 2000, 64>}, {transform_indices = @transform_10, window_bounds = array<i64: 2000, 64>}]} {
    %get3A = arith.constant 0 : index
    %get3A_0 = arith.constant 0 : index
    %get3A_1 = arith.constant 0 : index
    %get3A_2 = vector.load %arg2[%get3A, %get3A_0, %get3A_1] : memref<2x2000x1xf32, #tpu.memory_space<vmem>>, vector<1x2000x1xf32>
    %get3A_3 = vector.shape_cast %get3A_2 : vector<1x2000x1xf32> to vector<2000x1xf32>
    %get3A_4 = arith.constant 1 : index
    %get3A_5 = arith.constant 0 : index
    %get3A_6 = arith.constant 0 : index
    %get3A_7 = vector.load %arg2[%get3A_4, %get3A_5, %get3A_6] : memref<2x2000x1xf32, #tpu.memory_space<vmem>>, vector<1x2000x1xf32>
    %get3A_8 = vector.shape_cast %get3A_7 : vector<1x2000x1xf32> to vector<2000x1xf32>
    %add3A = arith.addf %get3A_3, %get3A_8 : vector<2000x1xf32>
    %get3A_9 = arith.constant 0 : index
    %get3A_10 = arith.constant 0 : index
    %get3A_11 = arith.constant 0 : index
    %get3A_12 = vector.load %arg1[%get3A_9, %get3A_10, %get3A_11] : memref<2x2000x128xf32, #tpu.memory_space<vmem>>, vector<1x2000x128xf32>
    %get3A_13 = vector.shape_cast %get3A_12 : vector<1x2000x128xf32> to vector<2000x128xf32>
    %get3A_14 = arith.constant 1 : index
    %get3A_15 = arith.constant 0 : index
    %get3A_16 = arith.constant 0 : index
    %get3A_17 = vector.load %arg1[%get3A_14, %get3A_15, %get3A_16] : memref<2x2000x128xf32, #tpu.memory_space<vmem>>, vector<1x2000x128xf32>
    %get3A_18 = vector.shape_cast %get3A_17 : vector<1x2000x128xf32> to vector<2000x128xf32>
    %add3A_19 = arith.addf %get3A_13, %get3A_18 : vector<2000x128xf32>
    %max3A = arith.constant 1.000000e+00 : f32
    %max3A_20 = vector.broadcast %max3A : f32 to vector<2000x1xf32>
    %max3A_21 = arith.maximumf %add3A, %max3A_20 : vector<2000x1xf32>
    %div3A = arith.constant 1.000000e+00 : f32
    %div3A_22 = vector.broadcast %div3A : f32 to vector<2000x1xf32>
    %div3A_23 = arith.divf %div3A_22, %max3A_21 : vector<2000x1xf32>
    %mul3A = vector.broadcast %div3A_23 : vector<2000x1xf32> to vector<2000x128xf32>
    %mul3A_24 = arith.mulf %add3A_19, %mul3A : vector<2000x128xf32>
    %get3A_25 = arith.constant 0 : index
    %get3A_26 = arith.constant 0 : index
    %get3A_27 = vector.load %arg4[%get3A_25, %get3A_26] : memref<128x256xf32, #tpu.memory_space<vmem>>, vector<128x256xf32>
    %dot_general3A = arith.constant dense<0.000000e+00> : vector<2000x256xf32>
    %dot_general3A_28 = tpu.matmul %mul3A_24, %get3A_27, %dot_general3A {dimension_numbers = #tpu.dot_dimension_numbers<[1], [0], [0], [1], [0, 0, 1, 1], [], []>, transpose_lhs_hint = false} : vector<2000x128xf32>, vector<128x256xf32>, vector<2000x256xf32> -> vector<2000x256xf32>
    %get3A_29 = arith.constant 0 : index
    %get3A_30 = arith.constant 0 : index
    %get3A_31 = vector.load %arg3[%get3A_29, %get3A_30] : memref<2000x128xf32, #tpu.memory_space<vmem>>, vector<2000x128xf32>
    %get3A_32 = arith.constant 0 : index
    %get3A_33 = arith.constant 0 : index
    %get3A_34 = vector.load %arg6[%get3A_32, %get3A_33] : memref<128x256xf32, #tpu.memory_space<vmem>>, vector<128x256xf32>
    %dot_general3A_35 = arith.constant dense<0.000000e+00> : vector<2000x256xf32>
    %dot_general3A_36 = tpu.matmul %get3A_31, %get3A_34, %dot_general3A_35 {dimension_numbers = #tpu.dot_dimension_numbers<[1], [0], [0], [1], [0, 0, 1, 1], [], []>, transpose_lhs_hint = false} : vector<2000x128xf32>, vector<128x256xf32>, vector<2000x256xf32> -> vector<2000x256xf32>
    %add3A_37 = arith.addf %dot_general3A_28, %dot_general3A_36 : vector<2000x256xf32>
    %get3A_38 = arith.constant 0 : index
    %get3A_39 = arith.constant 0 : index
    %get3A_40 = vector.load %arg5[%get3A_38, %get3A_39] : memref<1x256xf32, #tpu.memory_space<vmem>>, vector<1x256xf32>
    %add3A_41 = vector.broadcast %get3A_40 : vector<1x256xf32> to vector<2000x256xf32>
    %add3A_42 = arith.addf %add3A_37, %add3A_41 : vector<2000x256xf32>
    %max3A_43 = arith.constant 0.000000e+00 : f32
    %max3A_44 = vector.broadcast %max3A_43 : f32 to vector<2000x256xf32>
    %max3A_45 = arith.maximumf %add3A_42, %max3A_44 : vector<2000x256xf32>
    %get3A_46 = arith.constant 0 : index
    %get3A_47 = arith.constant 0 : index
    %get3A_48 = vector.load %arg7[%get3A_46, %get3A_47] : memref<256x64xf32, #tpu.memory_space<vmem>>, vector<256x64xf32>
    %dot_general3A_49 = arith.constant dense<0.000000e+00> : vector<2000x64xf32>
    %dot_general3A_50 = tpu.matmul %max3A_45, %get3A_48, %dot_general3A_49 {dimension_numbers = #tpu.dot_dimension_numbers<[1], [0], [0], [1], [0, 0, 1, 1], [], []>, transpose_lhs_hint = false} : vector<2000x256xf32>, vector<256x64xf32>, vector<2000x64xf32> -> vector<2000x64xf32>
    %swap3A = arith.constant 0 : index
    %swap3A_51 = arith.constant 0 : index
    %swap3A_52 = vector.load %arg10[%swap3A, %swap3A_51] : memref<2000x64xf32, #tpu.memory_space<vmem>>, vector<2000x64xf32>
    tpu.vector_store %arg10[%swap3A, %swap3A_51], %dot_general3A_50 {strides = array<i32>} : memref<2000x64xf32, #tpu.memory_space<vmem>>, vector<2000x64xf32>,
    %get3A_53 = arith.constant 0 : index
    %get3A_54 = arith.constant 0 : index
    %get3A_55 = vector.load %arg9[%get3A_53, %get3A_54] : memref<256x64xf32, #tpu.memory_space<vmem>>, vector<256x64xf32>
    %dot_general3A_56 = arith.constant dense<0.000000e+00> : vector<2000x64xf32>
    %dot_general3A_57 = tpu.matmul %max3A_45, %get3A_55, %dot_general3A_56 {dimension_numbers = #tpu.dot_dimension_numbers<[1], [0], [0], [1], [0, 0, 1, 1], [], []>, transpose_lhs_hint = false} : vector<2000x256xf32>, vector<256x64xf32>, vector<2000x64xf32> -> vector<2000x64xf32>
    %get3A_58 = arith.constant 0 : index
    %get3A_59 = arith.constant 0 : index
    %get3A_60 = vector.load %arg8[%get3A_58, %get3A_59] : memref<1x64xf32, #tpu.memory_space<vmem>>, vector<1x64xf32>
    %add3A_61 = vector.broadcast %get3A_60 : vector<1x64xf32> to vector<2000x64xf32>
    %add3A_62 = arith.addf %dot_general3A_57, %add3A_61 : vector<2000x64xf32>
    %swap3A_63 = arith.constant 0 : index
    %swap3A_64 = arith.constant 0 : index
    %swap3A_65 = vector.load %arg11[%swap3A_63, %swap3A_64] : memref<2000x64xf32, #tpu.memory_space<vmem>>, vector<2000x64xf32>
    tpu.vector_store %arg11[%swap3A_63, %swap3A_64], %add3A_62 {strides = array<i32>} : memref<2000x64xf32, #tpu.memory_space<vmem>>, vector<2000x64xf32>,
    return
  }
  func.func @transform_0(%arg0: i32) -> (i32, i32, i32) {
    %c0_i32 = arith.constant 0 : i32
    %c0_i32_0 = arith.constant 0 : i32
    %c0_i32_1 = arith.constant 0 : i32
    return %c0_i32, %arg0, %c0_i32_0 : i32, i32, i32
  }
  func.func @transform_1(%arg0: i32) -> (i32, i32, i32) {
    %c0_i32 = arith.constant 0 : i32
    %c0_i32_0 = arith.constant 0 : i32
    %c0_i32_1 = arith.constant 0 : i32
    return %c0_i32, %arg0, %c0_i32_0 : i32, i32, i32
  }
  func.func @transform_2(%arg0: i32) -> (i32, i32) {
    %c0_i32 = arith.constant 0 : i32
    %c0_i32_0 = arith.constant 0 : i32
    return %arg0, %c0_i32 : i32, i32
  }
  func.func @transform_3(%arg0: i32) -> (i32, i32) {
    %c0_i32 = arith.constant 0 : i32
    %c0_i32_0 = arith.constant 0 : i32
    %c0_i32_1 = arith.constant 0 : i32
    return %c0_i32, %c0_i32_0 : i32, i32
  }
  func.func @transform_4(%arg0: i32) -> (i32, i32) {
    %c0_i32 = arith.constant 0 : i32
    %c0_i32_0 = arith.constant 0 : i32
    %c0_i32_1 = arith.constant 0 : i32
    return %c0_i32, %c0_i32_0 : i32, i32
  }
  func.func @transform_5(%arg0: i32) -> (i32, i32) {
    %c0_i32 = arith.constant 0 : i32
    %c0_i32_0 = arith.constant 0 : i32
    %c0_i32_1 = arith.constant 0 : i32
    return %c0_i32, %c0_i32_0 : i32, i32
  }
  func.func @transform_6(%arg0: i32) -> (i32, i32) {
    %c0_i32 = arith.constant 0 : i32
    %c0_i32_0 = arith.constant 0 : i32
    %c0_i32_1 = arith.constant 0 : i32
    return %c0_i32, %c0_i32_0 : i32, i32
  }
  func.func @transform_7(%arg0: i32) -> (i32, i32) {
    %c0_i32 = arith.constant 0 : i32
    %c0_i32_0 = arith.constant 0 : i32
    %c0_i32_1 = arith.constant 0 : i32
    return %c0_i32, %c0_i32_0 : i32, i32
  }
  func.func @transform_8(%arg0: i32) -> (i32, i32) {
    %c0_i32 = arith.constant 0 : i32
    %c0_i32_0 = arith.constant 0 : i32
    %c0_i32_1 = arith.constant 0 : i32
    return %c0_i32, %c0_i32_0 : i32, i32
  }
  func.func @transform_9(%arg0: i32) -> (i32, i32) {
    %c0_i32 = arith.constant 0 : i32
    %c0_i32_0 = arith.constant 0 : i32
    return %arg0, %c0_i32 : i32, i32
  }
  func.func @transform_10(%arg0: i32) -> (i32, i32) {
    %c0_i32 = arith.constant 0 : i32
    %c0_i32_0 = arith.constant 0 : i32
    return %arg0, %c0_i32 : i32, i32
  }
}

module attributes {stable_mosaic.version = 14 : i64} {
  func.func @_layer2_tc(%arg0: i32, %arg1: memref<2x2000x64xf32, #tpu.memory_space<vmem>>, %arg2: memref<2x2000x1xf32, #tpu.memory_space<vmem>>, %arg3: memref<2000x64xf32, #tpu.memory_space<vmem>>, %arg4: memref<2000x64xf32, #tpu.memory_space<vmem>>) attributes {dimension_semantics = [#tpu.dimension_semantics<arbitrary>], iteration_bounds = array<i64: 5>, scalar_prefetch = 0 : i64, scratch_operands = 0 : i64, tpu.core_type = #tpu.core_type<tc>, window_params = [{transform_indices = @transform_0, window_bounds = array<i64: 2, 2000, 64>}, {transform_indices = @transform_1, window_bounds = array<i64: 2, 2000, 1>}, {transform_indices = @transform_2, window_bounds = array<i64: 2000, 64>}, {transform_indices = @transform_3, window_bounds = array<i64: 2000, 64>}]} {
    %get3A = arith.constant 0 : index
    %get3A_0 = arith.constant 0 : index
    %get3A_1 = arith.constant 0 : index
    %get3A_2 = vector.load %arg2[%get3A, %get3A_0, %get3A_1] : memref<2x2000x1xf32, #tpu.memory_space<vmem>>, vector<1x2000x1xf32>
    %get3A_3 = vector.shape_cast %get3A_2 : vector<1x2000x1xf32> to vector<2000x1xf32>
    %get3A_4 = arith.constant 1 : index
    %get3A_5 = arith.constant 0 : index
    %get3A_6 = arith.constant 0 : index
    %get3A_7 = vector.load %arg2[%get3A_4, %get3A_5, %get3A_6] : memref<2x2000x1xf32, #tpu.memory_space<vmem>>, vector<1x2000x1xf32>
    %get3A_8 = vector.shape_cast %get3A_7 : vector<1x2000x1xf32> to vector<2000x1xf32>
    %add3A = arith.addf %get3A_3, %get3A_8 : vector<2000x1xf32>
    %get3A_9 = arith.constant 0 : index
    %get3A_10 = arith.constant 0 : index
    %get3A_11 = arith.constant 0 : index
    %get3A_12 = vector.load %arg1[%get3A_9, %get3A_10, %get3A_11] : memref<2x2000x64xf32, #tpu.memory_space<vmem>>, vector<1x2000x64xf32>
    %get3A_13 = vector.shape_cast %get3A_12 : vector<1x2000x64xf32> to vector<2000x64xf32>
    %get3A_14 = arith.constant 1 : index
    %get3A_15 = arith.constant 0 : index
    %get3A_16 = arith.constant 0 : index
    %get3A_17 = vector.load %arg1[%get3A_14, %get3A_15, %get3A_16] : memref<2x2000x64xf32, #tpu.memory_space<vmem>>, vector<1x2000x64xf32>
    %get3A_18 = vector.shape_cast %get3A_17 : vector<1x2000x64xf32> to vector<2000x64xf32>
    %add3A_19 = arith.addf %get3A_13, %get3A_18 : vector<2000x64xf32>
    %max3A = arith.constant 1.000000e+00 : f32
    %max3A_20 = vector.broadcast %max3A : f32 to vector<2000x1xf32>
    %max3A_21 = arith.maximumf %add3A, %max3A_20 : vector<2000x1xf32>
    %div3A = arith.constant 1.000000e+00 : f32
    %div3A_22 = vector.broadcast %div3A : f32 to vector<2000x1xf32>
    %div3A_23 = arith.divf %div3A_22, %max3A_21 : vector<2000x1xf32>
    %mul3A = vector.broadcast %div3A_23 : vector<2000x1xf32> to vector<2000x64xf32>
    %mul3A_24 = arith.mulf %add3A_19, %mul3A : vector<2000x64xf32>
    %get3A_25 = arith.constant 0 : index
    %get3A_26 = arith.constant 0 : index
    %get3A_27 = vector.load %arg3[%get3A_25, %get3A_26] : memref<2000x64xf32, #tpu.memory_space<vmem>>, vector<2000x64xf32>
    %add3A_28 = arith.addf %mul3A_24, %get3A_27 : vector<2000x64xf32>
    %reduce_max3A = arith.constant dense<0xFF800000> : vector<2000xf32>
    %reduce_max3A_29 = vector.multi_reduction <maximumf>, %add3A_28, %reduce_max3A [1] : vector<2000x64xf32> to vector<2000xf32>
    %broadcast_in_dim3A = vector.shape_cast %reduce_max3A_29 : vector<2000xf32> to vector<2000x1xf32>
    %sub3A = vector.broadcast %broadcast_in_dim3A : vector<2000x1xf32> to vector<2000x64xf32>
    %sub3A_30 = arith.subf %add3A_28, %sub3A : vector<2000x64xf32>
    %exp3A = math.exp %sub3A_30 : vector<2000x64xf32>
    %reduce_sum3A = arith.constant dense<0.000000e+00> : vector<2000xf32>
    %reduce_sum3A_31 = vector.multi_reduction <add>, %exp3A, %reduce_sum3A [1] : vector<2000x64xf32> to vector<2000xf32>
    %broadcast_in_dim3A_32 = vector.shape_cast %reduce_sum3A_31 : vector<2000xf32> to vector<2000x1xf32>
    %sub3A_33 = vector.broadcast %broadcast_in_dim3A : vector<2000x1xf32> to vector<2000x64xf32>
    %sub3A_34 = arith.subf %add3A_28, %sub3A_33 : vector<2000x64xf32>
    %log3A = math.log %broadcast_in_dim3A_32 : vector<2000x1xf32>
    %sub3A_35 = vector.broadcast %log3A : vector<2000x1xf32> to vector<2000x64xf32>
    %sub3A_36 = arith.subf %sub3A_34, %sub3A_35 : vector<2000x64xf32>
    %swap3A = arith.constant 0 : index
    %swap3A_37 = arith.constant 0 : index
    %swap3A_38 = vector.load %arg4[%swap3A, %swap3A_37] : memref<2000x64xf32, #tpu.memory_space<vmem>>, vector<2000x64xf32>
    tpu.vector_store %arg4[%swap3A, %swap3A_37], %sub3A_36 {strides = array<i32>} : memref<2000x64xf32, #tpu.memory_space<vmem>>, vector<2000x64xf32>,
    return
  }
  func.func @transform_0(%arg0: i32) -> (i32, i32, i32) {
    %c0_i32 = arith.constant 0 : i32
    %c0_i32_0 = arith.constant 0 : i32
    %c0_i32_1 = arith.constant 0 : i32
    return %c0_i32, %arg0, %c0_i32_0 : i32, i32, i32
  }
  func.func @transform_1(%arg0: i32) -> (i32, i32, i32) {
    %c0_i32 = arith.constant 0 : i32
    %c0_i32_0 = arith.constant 0 : i32
    %c0_i32_1 = arith.constant 0 : i32
    return %c0_i32, %arg0, %c0_i32_0 : i32, i32, i32
  }
  func.func @transform_2(%arg0: i32) -> (i32, i32) {
    %c0_i32 = arith.constant 0 : i32
    %c0_i32_0 = arith.constant 0 : i32
    return %arg0, %c0_i32 : i32, i32
  }
  func.func @transform_3(%arg0: i32) -> (i32, i32) {
    %c0_i32 = arith.constant 0 : i32
    %c0_i32_0 = arith.constant 0 : i32
    return %arg0, %c0_i32 : i32, i32
  }
}

</mosaic_0001>

<sc_bundles>
// kernel: sage_seg_sum_d128.3.cloned.1.call-start
scs
__scs_entry_jumppad:
0x0: {  	(pc) =	sbr.rel $0x88, $3  }
0x1: {  	(tag) =	ssettag $0x0;
	lr =	simm.s32 $0x1  }
0x2: {  	[smem:$0x3F99] =	sst lr;
	_ =	strace $0xD0000000  }
0x3: {  	_ = 	snop  }
0x4: {  	_ = 	snop  }
0x5: {  	_ = 	snop  }
0x6: {  	_ = 	snop  }
0x7: {  	_ = 	snop  }
__scs_overlays_trampoline_lowered:
0x8: {  	[smem:$0x3FA8] =	sst s0  }
0x9: {  	[smem:$0x3FA9] =	sst s1  }
0xa: {  	[smem:$0x3FAA] =	sst s2  }
0xb: {  	[smem:$0x3FAB] =	sst s3  }
0xc: {  	[smem:$0x3FAC] =	sst s4  }
0xd: {  	[smem:$0x3FAD] =	sst s5  }
0xe: {  	[smem:$0x3FAE] =	sst s6  }
0xf: {  	[smem:$0x3FAF] =	sst s7  }
0x10: {  	[smem:$0x3FB0] =	sst s8  }
0x11: {  	[smem:$0x3FB1] =	sst s9;
	s0 =	simm.s32 @!p0 $0x0  }
0x12: {  	s1 =	sld [smem:$0x3F97];
	s0 =	simm.s32 @p0 $0x1  }
0x13: {  	[smem:$0x3FB2] =	sst s0;
	s0 =	simm.s32 @!p1 $0x0  }
0x14: {  	s2 =	sld [smem:$0x3F96];
	s0 =	simm.s32 @p1 $0x1  }
0x15: {  	[smem:$0x3FB3] =	sst s0;
	s0 =	simm.s32 @!p2 $0x0  }
0x16: {  	s3 =	sld [smem:$0x3FDB];
	s0 =	simm.s32 @p2 $0x1  }
0x17: {  	s4 =	simm.s32 $0x1BF5;
	[smem:$0x3FB5] =	sst s0  }
0x18: {  	s0 =	sld [smem:$0x3F98];
	_ =	swait.ge [sflag:s4], $0x0  }
0x19: {  	s7 =	sld [smem:$0x3F99]  }
0x1a: {  	s8 =	sadd.s32 $0xFFFFE003, lr  }
0x1b: {  	s9 =	sadd.s32 $0xFFFFFEF7, lr;
	s5 =	simm.s32 $0xFFFFFFFF;
	p2 =	slt.u32 s8, $0xFFFFF086  }
0x1c: {  	p1 =	slt.u32 s9, $0xF7A;
	s5 =	simm.s32 @!p2 $0x0  }
0x1d: {  	s5 =	simm.s32 @p1 $0x1;
	p0 =	seq.s32 s7, s2  }
0x1e: {  	s7 =	smul.u32 @!p0 $0xF7A, s2;
	p2 =	seq.s32 @!p0 s5, $0x0  }
0x1f: {  	s9 =	smul.u32 $0xF7A, s1;
	s8 =	simm.s32 @!p0 $0x1BF5;
	p2 =	por !p2, p0  }
0x20: {  	[sflag:s8] =	ssyncset.s32 @!p0 $0xFFFFF086;
	s6 =	sadd.s32 @!p0 s3, s7;
	s7 =	simm.s32 @!p0 $0x108  }
0x21: {  	s3 =	sadd.s32 s3, s9;
	s6 =	sadd.s32 @!p0 $0x88, s6;
	s7 =	simm.s32 @p2 $0x1082  }
0x22: {  	[simem:s7], [sflag:s8] =	dma.local @!p0 [hbm:s6], $0xF7A  }
0x23: {  	s9 =	sor.u32 $0xD0000000, s2;
	s6 =	simm.s32 $0x108;
	_ =	swait.ge @!p0 [sflag:s8], $0x0  }
0x24: {  	s3 =	sadd.s32 $0x88, s3;
	s6 =	simm.s32 @!p1 $0x1082;
	[sflag:s4] =	ssyncset.s32 $0xFFFFF086  }
0x25: {  	[simem:s6], [sflag:s4] =	dma.local [hbm:s3], $0xF7A  }
0x26: {  	[smem:$0x3F99] =	sst s1;
	(tag) =	ssettag s2;
	_ =	strace s9  }
0x27: {  	s1 =	sld [smem:$0x3FA9]  }
0x28: {  	s2 =	sld [smem:$0x3FAA]  }
0x29: {  	s4 =	sld [smem:$0x3FAC]  }
0x2a: {  	p0 =	seq.s32 s5, $0x0;
	s5 =	sld [smem:$0x3FAD]  }
0x2b: {  	s6 =	sld [smem:$0x3FAE]  }
0x2c: {  	s7 =	sld [smem:$0x3FAF]  }
0x2d: {  	s3 =	simm.s32 $0x108;
	s8 =	sld [smem:$0x3FB0]  }
0x2e: {  	s3 =	simm.s32 @!p0 $0x1082;
	s9 =	sld [smem:$0x3FB1]  }
0x2f: {  	lr =	sadd.s32 s0, s3;
	s0 =	sld [smem:$0x3FA8]  }
0x30: {  	s3 =	sld [smem:$0x3FAB]  }
0x31: {  	[smem:$0x3FB4] =	sst s10  }
0x32: {  	s10 =	sld [smem:$0x3FB2];
	_ =	sdelay $0x3  }
0x33: {  	p0 =	seq.s32 s10, $0x1;
	s10 =	sld [smem:$0x3FB4];
	_ =	sdelay $0x3  }
0x34: {  	[smem:$0x3FB4] =	sst s10  }
0x35: {  	s10 =	sld [smem:$0x3FB3];
	_ =	sdelay $0x3  }
0x36: {  	p1 =	seq.s32 s10, $0x1;
	s10 =	sld [smem:$0x3FB4];
	_ =	sdelay $0x3  }
0x37: {  	[smem:$0x3FB4] =	sst s10  }
0x38: {  	s10 =	sld [smem:$0x3FB5]  }
0x39: {  	_ = 	snop;
	(pc) =	sbr.ind lr, $3  }
0x3a: {  	_ = 	snop  }
0x3b: {  	_ = 	snop  }
0x3c: {  	p2 =	seq.s32 s10, $0x1;
	s10 =	sld [smem:$0x3FB4]  }
0x3d: {  	_ =	shalt  }
0x3e: {  	_ =	shalt  }
0x3f: {  	_ =	shalt  }
0x40: {  	_ =	shalt  }
0x41: {  	_ =	shalt  }
0x42: {  	_ =	shalt  }
0x43: {  	_ =	shalt  }
0x44: {  	_ =	shalt  }
0x45: {  	_ =	shalt  }
0x46: {  	_ =	shalt  }
0x47: {  	_ =	shalt  }
0x48: {  	_ =	shalt  }
0x49: {  	_ =	shalt  }
0x4a: {  	_ =	shalt  }
0x4b: {  	_ =	shalt  }
0x4c: {  	_ =	shalt  }
0x4d: {  	_ =	shalt  }
0x4e: {  	_ =	shalt  }
0x4f: {  	_ =	shalt  }
0x50: {  	_ =	shalt  }
0x51: {  	_ =	shalt  }
0x52: {  	_ =	shalt  }
0x53: {  	_ =	shalt  }
0x54: {  	_ =	shalt  }
0x55: {  	_ =	shalt  }
0x56: {  	_ =	shalt  }
0x57: {  	_ =	shalt  }
0x58: {  	_ =	shalt  }
0x59: {  	_ =	shalt  }
0x5a: {  	_ =	shalt  }
0x5b: {  	_ =	shalt  }
0x5c: {  	_ =	shalt  }
0x5d: {  	_ =	shalt  }
0x5e: {  	_ =	shalt  }
0x5f: {  	_ =	shalt  }
0x60: {  	_ =	shalt  }
0x61: {  	_ =	shalt  }
0x62: {  	_ =	shalt  }
0x63: {  	_ =	shalt  }
0x64: {  	_ =	shalt  }
0x65: {  	_ =	shalt  }
0x66: {  	_ =	shalt  }
0x67: {  	_ =	shalt  }
0x68: {  	_ =	shalt  }
0x69: {  	_ =	shalt  }
0x6a: {  	_ =	shalt  }
0x6b: {  	_ =	shalt  }
0x6c: {  	_ =	shalt  }
0x6d: {  	_ =	shalt  }
0x6e: {  	_ =	shalt  }
0x6f: {  	_ =	shalt  }
0x70: {  	_ =	shalt  }
0x71: {  	_ =	shalt  }
0x72: {  	_ =	shalt  }
0x73: {  	_ =	shalt  }
0x74: {  	_ =	shalt  }
0x75: {  	_ =	shalt  }
0x76: {  	_ =	shalt  }
0x77: {  	_ =	shalt  }
0x78: {  	_ =	shalt  }
0x79: {  	_ =	shalt  }
0x7a: {  	_ =	shalt  }
0x7b: {  	_ =	shalt  }
0x7c: {  	_ =	shalt  }
0x7d: {  	_ =	shalt  }
0x7e: {  	_ =	shalt  }
0x7f: {  	_ =	shalt  }
0x80: {  	_ =	shalt  }
0x81: {  	_ =	shalt  }
0x82: {  	_ =	shalt  }
0x83: {  	_ =	shalt  }
0x84: {  	_ =	shalt  }
0x85: {  	_ =	shalt  }
0x86: {  	_ =	shalt  }
0x87: {  	_ =	shalt  }
.Lfunc_end0:
.L_simem_size_0:
called_computation_lowered:
.L_overlay_start_0:
0x88: {  	s2 =	sld [smem:$0x3FD9]  }
0x89: {  	s3 =	sld [smem:$0x3FFE];
	_ =	sdelay $0x1  }
0x8a: {  	s1 =	srdreg.scid  }
0x8b: {  	s0 =	sand.u32 $0x1, s1  }
0x8c: {  	s17 =	sshll.u32 s0, $0xA;
	s2 =	sadd.s32 s3, s2  }
0x8d: {  	s2 =	sadd.s32 s2, s17  }
0x8e: {  	[smem:$0x3FC0] =	sst s2  }
0x8f: {  	_ = 	snop  }
0x90: {  	s2 =	sld [smem:$0x3FC9]  }
0x91: {  	s18 =	sld [smem:$0x3FD0];
	(tm) =	ssettm $0x1  }
0x92: {  	s4 =	sld [smem:$0x3FFB];
	_ =	sdelay $0x3  }
0x93: {  	_ =	strace s4  }
0x94: {  	s4 =	sld [smem:$0x3FFC];
	_ =	sdelay $0x3  }
0x95: {  	_ =	strace s4  }
0x96: {  	s4 =	sld [smem:$0x3FFD];
	_ =	sdelay $0x3  }
0x97: {  	_ =	strace s4  }
0x98: {  	_ =	strace $0x8FFFFFFF  }
0x99: {  	s19 =	sld [smem:$0x3FDB];
	_ =	sdelay $0x1  }
0x9a: {  	s5 =	simm.s32 $_scs_section_size  }
0x9b: {  	s6 =	simm.s32 $_size__tile_overlayer_lowered;
	s7 =	simm.s32 $_tile_overlayer_lowered  }
0x9c: {  	s22 =	simm.s32 $0x1BFF;
	s21 =	sshll.u32 s7, $0x1;
	s4 =	sadd.s32 s5, s19  }
0x9d: {  	s8 =	simm.s32 $0x0;
	s20 =	sshll.u32 s6, $0x1;
	s6 =	sadd.s32 s21, s4  }
0x9e: {  	[timem:s8], [sflag:s22] =	dma.local [hbm:s6], s20  }
0x9f: {  	_ =	swait.ge [sflag:s22], s20  }
0xa0: {  	s5 =	ssub.s32 $0x0, s20;
	[sflag:s22] =	ssyncset.done $0x0  }
0xa1: {  	[sflag:s22] =	ssyncadd.s32 s5;
	_ =	sdelay $0x1  }
0xa2: {  	s23 =	simm.s32 $0x1B8B  }
0xa3: {  	_ =	swait.ge [sflag:s23], $0x1  }
0xa4: {  	[sflag:s23] =	ssyncset.done $0x0  }
0xa5: {  	s25 =	simm.s32 $0x1B8E;
	s24 =	sld [smem:$0x3FFE];
	[sflag:s23] =	ssyncadd.s32 $0xFFFFFFFF  }
0xa6: {  	s26 =	simm.s32 $execute0_lowered;
	[smem:$0x3FD2] =	sst s25  }
0xa7: {  	s6 =	sshll.u32 s26, $0x1;
	_ =	strace $0x80000046;
	[dreg:$0x1] =	wrdreg $0xFFFFFFFF  }
0xa8: {  	s28 =	simm.s32 $_size_execute0_lowered;
	s4 =	sadd.s32 s4, s6;
	[dreg:$0x0] =	wrdreg $0x0  }
0xa9: {  	s6 =	sshll.u32 s28, $0x1;
	[dreg:$0x2] =	wrdreg s4  }
0xaa: {  	[dreg:$0x3] =	wrdreg s6  }
0xab: {  	[dreg:$0x4] =	wrdreg $0xC0  }
0xac: {  	_ =	task [dreg:s8], $0x5FFFF  }
0xad: {  	[dreg:$0x1] =	wrdreg $0xFFFFFFFF  }
0xae: {  	[dreg:$0x0] =	wrdreg $0x60  }
0xaf: {  	[dreg:$0x2] =	wrdreg s2  }
0xb0: {  	[dreg:$0x3] =	wrdreg s24  }
0xb1: {  	[dreg:$0x4] =	wrdreg s18  }
0xb2: {  	[dreg:$0x5] =	wrdreg $0xA8800  }
0xb3: {  	[dreg:$0x6] =	wrdreg $0x1E8800  }
0xb4: {  	[dreg:$0x7] =	wrdreg $0x9  }
0xb5: {  	_ =	task.clear_ibuf [dreg:s8], $0x8FFFF;
	_ =	strace $0x90000046  }
0xb6: {  	s29 =	simm.s32 $0x9;
	_ =	strace $0x80000048  }
0xb7: {  	_ =	swait.ge [sflag:s29], $0x1  }
0xb8: {  	[sflag:s29] =	ssyncadd.s32 $0xFFFFFFFF  }
0xb9: {  	_ =	strace $0x90000048  }
0xba: {  	_ =	sfence  }
0xbb: {  	s30 =	sld [smem:$0x0];
	_ =	sdelay $0x2  }
0xbc: {  	s31 =	sshll.u32 s1, $0xD;
	s1 =	sshrl.u32 s1, $0x2  }
0xbd: {  	s3 =	sand.u32 $0x4000, s31;
	s1 =	sadd.s32 s1, s30  }
0xbe: {  	s0 =	sor.u32 s3, s0;
	s1 =	sshll.u32 s1, $0x11  }
0xbf: {  	s0 =	sor.u32 s1, s0  }
0xc0: {  	s0 =	sadd.s32 $0x8F2B, s0  }
0xc1: {  	[sflag:s0] =	ssyncadd.remote.s32 $0x1  }
0xc2: {  	_ =	sfence.sel $0xFFFF  }
0xc3: {  	[dreg:$0x0] =	wrdreg $0xFFFFFFFF;
	(pc) =	sbr.abs _section_cstart, $3  }
0xc4: {  	[dreg:$0x1] =	wrdreg $0xFFFFFFFF  }
0xc5: {  	_ =	task.clear_ibuf [dreg:s8], $0x2FFFF;
	_ =	strace $0x9FFFFFFF  }
0xc6: {  	(tm) =	ssettm $0x7FFFFFFF  }
0xc7: {  	_ =	shalt  }
tec
execute0_lowered:
.L_overlay_start_1:
0x0: {  	(tag) =	ssettag $0x1  }
0x1: {  	s1 =	rddreg [dreg:$0x0]  }
0x2: {  	s0 =	rddreg [dreg:$0x1]  }
0x3: {  	s4 =	rddreg [dreg:$0x2]  }
0x4: {  	s2 =	rddreg [dreg:$0x3]  }
0x5: {  	s3 =	rddreg [dreg:$0x4];
	s5 =	srdreg.scid  }
0x6: {  	s18 =	stileid.u32;
	s28 =	simm.s32 $0x2800;
	s29 =	simm.s32 $0x5  }
0x7: {  	s30 =	simm.s32 $0x3;
	s31 =	simm.s32 $0x80;
	s8 =	smul.u32 $0x14000, s18  }
0x8: {  	s6 =	sand.u32 $0x1, s5;
	s5 =	simm.s32 $0x0;
	s13 =	smul.u32 $0x50000, s18  }
0x9: {  	s10 =	sadd.s32 $0xC400, s0;
	s12 =	sadd.s32 $0x2400, s0;
	s14 =	smul.u32 $0x280, s18  }
0xa: {  	s7 =	smul.u32 $0x140000, s6;
	[smem:$0x7FF] =	sst s5;
	s9 =	sshll.u32 s6, $0x4  }
0xb: {  	s17 =	ssub.s32 $0x2, s6;
	s6 =	sshll.u32 s6, $0x7;
	_ =	strace $0x80000047  }
0xc: {  	s11 =	sor.u32 s18, s9;
	s19 =	sshrl.u32 s17, $0x1;
	s21 =	sshrl.u32 s13, $0x2  }
0xd: {  	s22 =	sadd.s32 $0x80, s14;
	s9 =	sadd.s32 s14, s3;
	s7 =	sadd.s32 s8, s7  }
0xe: {  	s16 =	smul.u32 $0x500, s11;
	s15 =	sshll.u32 s22, $0x7;
	s13 =	sadd.s32 s22, s3  }
0xf: {  	p0 =	seq.s32 s11, $0x1F;
	s7 =	sshrl.u32 s7, $0x3;
	s15 =	sadd.s32 s15, s2  }
0x10: {  	[dreg:$0xb] =	wrdreg s13;
	s0 =	sadd.s32 s7, s0;
	s7 =	ssub.s32 s17, s19  }
0x11: {  	s20 =	sadd.s32 s10, s16;
	s8 =	sadd.s32 s12, s16;
	[dreg:$0xa] =	wrdreg s15  }
0x12: {  	s16 =	sadd.s32 $0x100, s14;
	s17 =	sadd.s32 $0x180, s14;
	[dreg:$0x8] =	wrdreg s20  }
0x13: {  	s19 =	smul.u32 $0x500, s18;
	s14 =	sadd.s32 $0x200, s14;
	[dreg:$0x9] =	wrdreg s8  }
0x14: {  	s8 =	sadd.s32 s21, s2;
	s23 =	sshll.u32 s16, $0x7;
	s25 =	sshll.u32 s17, $0x7  }
0x15: {  	s26 =	sadd.s32 s16, s3;
	s16 =	smul.u32 $0x2800, s11;
	s11 =	simm.s32 $0x14  }
0x16: {  	s24 =	sadd.s32 s23, s2;
	[dreg:$0xd] =	wrdreg s26;
	s13 =	sadd.s32 s25, s2  }
0x17: {  	s11 =	simm.s32 @!p0 $0x50;
	s6 =	sor.u32 s6, s19;
	[dreg:$0xc] =	wrdreg s24  }
0x18: {  	s26 =	sadd.s32 s17, s3;
	[dreg:$0xe] =	wrdreg s13;
	s13 =	sshrl.u32 s16, $0x3  }
0x19: {  	s20 =	smax.u32 s11, $0x28;
	s6 =	sshrl.u32 s6, $0x3;
	s18 =	smin.u32 s11, $0x28  }
0x1a: {  	s24 =	sshll.u32 s14, $0x7;
	[dreg:$0x12] =	wrdreg s26;
	s26 =	simm.s32 $0x1400  }
0x1b: {  	s11 =	simm.s32 $0x0;
	s13 =	sadd.s32 $0x280, s13;
	s16 =	sadd.s32 $0xFFFFFFD8, s20  }
0x1c: {  	s4 =	sadd.s32 s4, s6;
	s25 =	sshrl.u32 s18, $0x1;
	s6 =	sadd.s32 s24, s2  }
0x1d: {  	s10 =	sadd.s32 s10, s13;
	s21 =	sadd.s32 s12, s13;
	[dreg:$0x11] =	wrdreg s4  }
0x1e: {  	s22 =	sshrl.u32 s16, $0x1;
	[dreg:$0x13] =	wrdreg s6;
	s4 =	sadd.s32 $0xFFFFFFFF, s25  }
.Ltmp0:
0x1f: {  	s24 =	smax.u32 s16, $0x1;
	s25 =	smax.u32 s7, $0x1;
	(pc) =	sbr.rel .LBB2_1-.Ltmp0, $4  }
0x20: {  	s6 =	simm.s32 $0xA800;
	s7 =	simm.s32 $0x2;
	[dreg:$0xf] =	wrdreg s10  }
0x21: {  	[dreg:$0x10] =	wrdreg s21;
	s23 =	smax.u32 s22, $0x1;
	s22 =	sadd.s32 s14, s3  }
0x22: {  	[dreg:$0x6] =	wrdreg s4;
	s4 =	simm.s32 $0x1;
	s10 =	simm.s32 $0x4  }
0x23: {  	v0 =	vimm.f32 $0.0e+00;
	v1 =	vimm.f32 $1.000000000e+00;
	[dreg:$0x7] =	wrdreg s23;
	s23 =	sadd.s32 $0x16400, s0;
	s0 =	simm.s32 $0x6800  }
.LBB2_12:
0x24: {  	[sflag:s10] =	ssyncadd.s32 $0xFFFFFF80  }
.LBB2_13:
0x25: {  	s12 =	stileid.u32  }
0x26: {  	[bflag:$0x0] =	sbarrier.arrive $0xFFFF;
	s12 =	sshll.u32 s12, $0x6  }
0x27: {  	s13 =	sshrl.u32 s8, $0x3;
	s21 =	sshrl.u32 s9, $0x3;
	s12 =	sor.u32 $0x1C05, s12  }
0x28: {  	[hbm:s23], [sflag:s12] =	dma.local [spmem:s13], $0x2800  }
0x29: {  	s15 =	simm.s32 $0x20;
	s11 =	sadd.s32 $0x1, s11;
	_ =	swait.ge [sflag:s29], $0x2800  }
0x2a: {  	s17 =	simm.s32 $0x10;
	p1 =	sne.s32 s11, s25;
	[sflag:s29] =	ssyncset.done $0x0  }
.Ltmp1:
0x2b: {  	s14 =	rddreg [dreg:$0x11];
	[sflag:s29] =	ssyncadd.s32 $0xFFFFD800;
	(pc) =	sbr.rel @!p1 .LBB2_14-.Ltmp1, $4  }
0x2c: {  	[hbm:s14@s15], [sflag:s12] =	dma.strided [spmem:s21@s17], $0x50, s4, $0x10   }
0x2d: {  	_ =	swait.ge [sflag:s29], $0x50  }
0x2e: {  	[sflag:s29] =	ssyncset.done $0x0  }
0x2f: {  	[sflag:s29] =	ssyncadd.s32 $0xFFFFFFB0  }
.LBB2_1:
0x30: {  	s12 =	rddreg [dreg:$0x8]  }
0x31: {  	[tilespmem:s5], [sflag:$0x3] =	stream.linear.gather [hbm4b:s12+s5], $0x1400, $0x38;
	[tilespmem:$0x1EB00] =	vst v63  }
0x32: {  	s21 =	rddreg [dreg:$0x9];
	s13 =	simm.s32 $0x200;
	s12 =	simm.s32 $0x0  }
0x33: {  	[tilespmem:s26], [sflag:$0x3] =	stream.linear.gather [hbm4b:s21+s5], $0x1400, $0x38;
	[tilespmem:$0x1EB00] =	vst v63  }
.LBB2_2:
0x34: {  	p1 =	sne.s32 s13, $0xFE00;
	[tilespmem:s12+$0x2870] =	vst v0  }
0x35: {  	[tilespmem:s12+$0x2800] =	vst v0  }
0x36: {  	[tilespmem:s12+$0x2810] =	vst v0  }
.Ltmp2:
0x37: {  	[tilespmem:s12+$0x2820] =	vst v0;
	(pc) =	sbr.rel @p1 .LBB2_2-.Ltmp2, $4  }
0x38: {  	[tilespmem:s12+$0x2830] =	vst v0  }
0x39: {  	[tilespmem:s12+$0x2840] =	vst v0  }
0x3a: {  	[tilespmem:s12+$0x2850] =	vst v0  }
0x3b: {  	[tilespmem:s12+$0x2860] =	vst v0;
	s12 =	sshra.s32 s13, $0x2;
	s13 =	sadd.s32 $0x200, s13  }
0x3c: {  	[tilespmem:s12+$0x2870] =	vst v0  }
0x3d: {  	[tilespmem:s12+$0x2800] =	vst v0  }
0x3e: {  	[tilespmem:s12+$0x2810] =	vst v0  }
0x3f: {  	[tilespmem:s12+$0x2820] =	vst v0  }
0x40: {  	[tilespmem:s12+$0x2830] =	vst v0  }
0x41: {  	[tilespmem:s12+$0x2840] =	vst v0  }
0x42: {  	[tilespmem:s12+$0x2850] =	vst v0  }
0x43: {  	[tilespmem:s12+$0x2860] =	vst v0  }
0x44: {  	[tilespmem:$0xA800] =	vst v1  }
0x45: {  	[tilespmem:$0xA810] =	vst v1  }
0x46: {  	[tilespmem:$0xA820] =	vst v1  }
0x47: {  	[tilespmem:$0xA830] =	vst v1  }
0x48: {  	[tilespmem:$0xA840] =	vst v1  }
0x49: {  	[tilespmem:$0xA850] =	vst v1  }
0x4a: {  	[tilespmem:$0xA860] =	vst v1  }
0x4b: {  	[tilespmem:$0xA870] =	vst v1  }
0x4c: {  	[spmem:s8] =	stream.linear.scatter [tilespmem:s28], [sflag:$0x5], $0x4000, $0x38;
	[tilespmem:$0x1EB00] =	vst v63  }
0x4d: {  	_ =	swait.ge [sflag:s29], $0x4000  }
0x4e: {  	[sflag:s29] =	ssyncset.done $0x0  }
0x4f: {  	[sflag:s29] =	ssyncadd.s32 $0xFFFFC000  }
0x50: {  	[spmem:s9] =	stream.linear.scatter [tilespmem:s28], [sflag:$0x5], $0x80, $0x38;
	[tilespmem:$0x1EB00] =	vst v63  }
0x51: {  	_ =	swait.ge [sflag:s29], $0x80  }
0x52: {  	[sflag:s29] =	ssyncset.done $0x0  }
0x53: {  	s13 =	rddreg [dreg:$0xa];
	[sflag:s29] =	ssyncadd.s32 $0xFFFFFF80  }
0x54: {  	[spmem:s13] =	stream.linear.scatter [tilespmem:s28], [sflag:$0x5], $0x4000, $0x38;
	[tilespmem:$0x1EB00] =	vst v63  }
0x55: {  	_ =	swait.ge [sflag:s29], $0x4000  }
0x56: {  	[sflag:s29] =	ssyncset.done $0x0  }
0x57: {  	s14 =	rddreg [dreg:$0xb];
	[sflag:s29] =	ssyncadd.s32 $0xFFFFC000  }
0x58: {  	[spmem:s14] =	stream.linear.scatter [tilespmem:s28], [sflag:$0x5], $0x80, $0x38;
	[tilespmem:$0x1EB00] =	vst v63  }
0x59: {  	_ =	swait.ge [sflag:s29], $0x80  }
0x5a: {  	[sflag:s29] =	ssyncset.done $0x0  }
0x5b: {  	s15 =	rddreg [dreg:$0xc];
	[sflag:s29] =	ssyncadd.s32 $0xFFFFFF80  }
0x5c: {  	[spmem:s15] =	stream.linear.scatter [tilespmem:s28], [sflag:$0x5], $0x4000, $0x38;
	[tilespmem:$0x1EB00] =	vst v63  }
0x5d: {  	_ =	swait.ge [sflag:s29], $0x4000  }
0x5e: {  	[sflag:s29] =	ssyncset.done $0x0  }
0x5f: {  	s17 =	rddreg [dreg:$0xd];
	[sflag:s29] =	ssyncadd.s32 $0xFFFFC000  }
0x60: {  	[spmem:s17] =	stream.linear.scatter [tilespmem:s28], [sflag:$0x5], $0x80, $0x38;
	[tilespmem:$0x1EB00] =	vst v63  }
0x61: {  	_ =	swait.ge [sflag:s29], $0x80  }
0x62: {  	[sflag:s29] =	ssyncset.done $0x0  }
0x63: {  	s19 =	rddreg [dreg:$0xe];
	[sflag:s29] =	ssyncadd.s32 $0xFFFFFF80  }
0x64: {  	[spmem:s19] =	stream.linear.scatter [tilespmem:s28], [sflag:$0x5], $0x4000, $0x38;
	[tilespmem:$0x1EB00] =	vst v63  }
0x65: {  	_ =	swait.ge [sflag:s29], $0x4000  }
0x66: {  	[sflag:s29] =	ssyncset.done $0x0  }
0x67: {  	s20 =	rddreg [dreg:$0x12];
	[sflag:s29] =	ssyncadd.s32 $0xFFFFC000  }
0x68: {  	[spmem:s20] =	stream.linear.scatter [tilespmem:s28], [sflag:$0x5], $0x80, $0x38;
	[tilespmem:$0x1EB00] =	vst v63  }
0x69: {  	_ =	swait.ge [sflag:s29], $0x80  }
0x6a: {  	[sflag:s29] =	ssyncset.done $0x0  }
0x6b: {  	s21 =	rddreg [dreg:$0x13];
	[sflag:s29] =	ssyncadd.s32 $0xFFFFFF80  }
0x6c: {  	[spmem:s21] =	stream.linear.scatter [tilespmem:s28], [sflag:$0x5], $0x4000, $0x38;
	[tilespmem:$0x1EB00] =	vst v63  }
0x6d: {  	_ =	swait.ge [sflag:s29], $0x4000  }
0x6e: {  	[sflag:s29] =	ssyncset.done $0x0  }
0x6f: {  	[sflag:s29] =	ssyncadd.s32 $0xFFFFC000  }
0x70: {  	[spmem:s22] =	stream.linear.scatter [tilespmem:s28], [sflag:$0x5], $0x80, $0x38;
	[tilespmem:$0x1EB00] =	vst v63  }
0x71: {  	_ =	swait.ge [sflag:s29], $0x80  }
0x72: {  	[sflag:s29] =	ssyncset.done $0x0  }
0x73: {  	[sflag:s29] =	ssyncadd.s32 $0xFFFFFF80  }
0x74: {  	[bflag:$0x0] =	sbarrier.arrive $0xFFFF  }
0x75: {  	_ =	swait.ge [sflag:s30], $0x1400  }
0x76: {  	[sflag:s30] =	ssyncset.done $0x0  }
0x77: {  	[sflag:s30] =	ssyncadd.s32 $0xFFFFEC00  }
0x78: {  	_ =	swait.ge [sflag:s30], $0x1400  }
0x79: {  	s12 =	simm.s32 $0x0;
	s13 =	simm.s32 $0x400;
	[sflag:s30] =	ssyncset.done $0x0  }
0x7a: {  	s14 =	simm.s32 $0x0;
	s17 =	simm.s32 $0x2;
	[sflag:s30] =	ssyncadd.s32 $0xFFFFEC00  }
0x7b: {  	[tilespmem:s28], [sflag:$0x1] =	stream.indirect.gather [hbm4b:s1+s31], $0x80, s12, s31, $0xb8;
	[tilespmem:$0x1EB00] =	vst v63  }
.LBB2_4:
0x7c: {  	s20 =	sadd.s32 $0xFFFFFFFE, s17  }
0x7d: {  	s15 =	smov.u32 s17;
	s19 =	sshrl.u32 s14, $0x2;
	s17 =	sshra.s32 s20, $0x1F  }
0x7e: {  	s17 =	sadd.s32 s17, s19  }
0x7f: {  	s20 =	sand.u32 $0x300, s12;
	s17 =	sshll.u32 s17, $0xA  }
0x80: {  	s17 =	sor.u32 s17, s20  }
0x81: {  	s19 =	sshll.u32 s19, $0xC;
	s17 =	sor.u32 $0x80, s17  }
0x82: {  	[tilespmem:s0], [sflag:$0x2] =	stream.indirect.gather [hbm4b:s1+s31], $0x80, s17, s31, $0xb8;
	[tilespmem:$0x1EB00] =	vst v63  }
0x83: {  	s19 =	sshra.s32 s19, $0x2;
	_ =	swait.ge [sflag:s4], $0x4000  }
0x84: {  	s19 =	sor.u32 s20, s19;
	[sflag:s4] =	ssyncset.done $0x0  }
0x85: {  	s19 =	sadd.s32 $0x1400, s19;
	[sflag:s4] =	ssyncadd.s32 $0xFFFFC000  }
0x86: {  	[spmem:s2] =	stream.indirect.scatter.add.f32 [tilespmem:s28], [sflag:$0x5], $0x80, s19, s31, $0xb8;
	[tilespmem:$0x1EB00] =	vst v63  }
0x87: {  	_ =	swait.ge [sflag:s29], $0x4000  }
0x88: {  	[sflag:s29] =	ssyncset.done $0x0  }
0x89: {  	p1 =	sge.u32 s15, s18;
	[sflag:s29] =	ssyncadd.s32 $0xFFFFC000  }
0x8a: {  	[spmem:s3] =	stream.indirect.scatter.add.f32 [tilespmem:s6], [sflag:$0x4], $0x1, s19, s31, $0xb8;
	[tilespmem:$0x1EB00] =	vst v63  }
0x8b: {  	s20 =	sand.u32 @!p1 $0x7FFFF000, s13;
	s19 =	sadd.s32 @!p1 $0x100, s12  }
0x8c: {  	s20 =	sshrl.u32 @!p1 s20, $0x2;
	s19 =	sand.u32 @!p1 $0x300, s19  }
0x8d: {  	s21 =	simm.s32 @!p1 $0x2800;
	s19 =	sor.u32 @!p1 s19, s20;
	s20 =	simm.s32 @!p1 $0x80  }
0x8e: {  	[tilespmem:s21], [sflag:$0x1] =	stream.indirect.gather @!p1 [hbm4b:s1+s20], $0x80, s19, s20, $0xb8;
	[tilespmem:$0x1EB00] =	vst v63  }
0x8f: {  	_ =	swait.ge [sflag:s7], $0x4000  }
0x90: {  	[sflag:s7] =	ssyncset.done $0x0  }
0x91: {  	s17 =	sadd.s32 $0x1400, s17;
	[sflag:s7] =	ssyncadd.s32 $0xFFFFC000  }
0x92: {  	[spmem:s2] =	stream.indirect.scatter.add.f32 [tilespmem:s0], [sflag:$0x5], $0x80, s17, s31, $0xb8;
	[tilespmem:$0x1EB00] =	vst v63  }
0x93: {  	_ =	swait.ge [sflag:s29], $0x4000  }
0x94: {  	s14 =	sadd.s32 $0x1, s14;
	s21 =	rddreg [dreg:$0x6]  }
0x95: {  	p1 =	sne.s32 s21, s14  }
.Ltmp3:
0x96: {  	_ = 	snop;
	(pc) =	sbr.rel @p1 .LBB2_4-.Ltmp3, $4  }
0x97: {  	[sflag:s29] =	ssyncset.done $0x0  }
0x98: {  	[sflag:s29] =	ssyncadd.s32 $0xFFFFC000  }
0x99: {  	[spmem:s3] =	stream.indirect.scatter.add.f32 [tilespmem:s6], [sflag:$0x4], $0x1, s17, s31, $0xb8;
	[tilespmem:$0x1EB00] =	vst v63  }
0x9a: {  	s13 =	sadd.s32 $0x400, s13;
	s12 =	sadd.s32 $0x100, s12;
	s17 =	sadd.s32 $0x2, s15  }
0x9b: {  	s14 =	sshrl.u32 s14, $0x2;
	s15 =	sshra.s32 s15, $0x1F  }
0x9c: {  	s15 =	sadd.s32 s15, s14  }
0x9d: {  	s19 =	sand.u32 $0x300, s12;
	s15 =	sshll.u32 s15, $0xA  }
0x9e: {  	s15 =	sor.u32 s15, s19  }
0x9f: {  	s14 =	sshll.u32 s14, $0xC;
	s15 =	sor.u32 $0x80, s15  }
0xa0: {  	[tilespmem:s0], [sflag:$0x2] =	stream.indirect.gather [hbm4b:s1+s31], $0x80, s15, s31, $0xb8;
	[tilespmem:$0x1EB00] =	vst v63  }
0xa1: {  	s14 =	sshra.s32 s14, $0x2;
	_ =	swait.ge [sflag:s4], $0x4000  }
0xa2: {  	s14 =	sor.u32 s19, s14;
	[sflag:s4] =	ssyncset.done $0x0  }
0xa3: {  	s14 =	sadd.s32 $0x1400, s14;
	[sflag:s4] =	ssyncadd.s32 $0xFFFFC000  }
0xa4: {  	[spmem:s2] =	stream.indirect.scatter.add.f32 [tilespmem:s28], [sflag:$0x5], $0x80, s14, s31, $0xb8;
	[tilespmem:$0x1EB00] =	vst v63  }
0xa5: {  	p1 =	sge.u32 s17, s18;
	_ =	swait.ge [sflag:s29], $0x4000  }
0xa6: {  	s12 =	sadd.s32 @!p1 $0x100, s12;
	s13 =	sand.u32 @!p1 $0x7FFFF000, s13;
	[sflag:s29] =	ssyncset.done $0x0  }
0xa7: {  	s12 =	sand.u32 @!p1 $0x300, s12;
	s13 =	sshrl.u32 @!p1 s13, $0x2;
	[sflag:s29] =	ssyncadd.s32 $0xFFFFC000  }
0xa8: {  	[spmem:s3] =	stream.indirect.scatter.add.f32 [tilespmem:s6], [sflag:$0x4], $0x1, s14, s31, $0xb8;
	[tilespmem:$0x1EB00] =	vst v63  }
0xa9: {  	s12 =	sor.u32 @!p1 s12, s13;
	s13 =	simm.s32 @!p1 $0x80;
	s14 =	simm.s32 @!p1 $0x2800  }
0xaa: {  	[tilespmem:s14], [sflag:$0x1] =	stream.indirect.gather @!p1 [hbm4b:s1+s13], $0x80, s12, s13, $0xb8;
	[tilespmem:$0x1EB00] =	vst v63  }
0xab: {  	_ =	swait.ge [sflag:s7], $0x4000  }
0xac: {  	[sflag:s7] =	ssyncset.done $0x0  }
0xad: {  	s21 =	sadd.s32 $0x1400, s15;
	[sflag:s7] =	ssyncadd.s32 $0xFFFFC000  }
0xae: {  	[spmem:s2] =	stream.indirect.scatter.add.f32 [tilespmem:s0], [sflag:$0x5], $0x80, s21, s31, $0xb8;
	[tilespmem:$0x1EB00] =	vst v63  }
0xaf: {  	p1 =	sne.s32 s18, $0x1;
	_ =	swait.ge [sflag:s29], $0x4000  }
.Ltmp4:
0xb0: {  	[sflag:s29] =	ssyncset.done $0x0;
	(pc) =	sbr.rel @!p1 .LBB2_7-.Ltmp4, $4  }
0xb1: {  	[sflag:s29] =	ssyncadd.s32 $0xFFFFC000  }
0xb2: {  	[spmem:s3] =	stream.indirect.scatter.add.f32 [tilespmem:s6], [sflag:$0x4], $0x1, s21, s31, $0xb8;
	[tilespmem:$0x1EB00] =	vst v63  }
0xb3: {  	_ =	swait.ge [sflag:s10], $0x80  }
0xb4: {  	s12 =	sadd.s32 $0xFFFFFFFF, s18;
	[sflag:s10] =	ssyncset.done $0x0  }
.LBB2_6:
0xb5: {  	p1 =	sne.s32 s12, $0x1;
	s12 =	sadd.s32 $0xFFFFFFFF, s12;
	[sflag:s10] =	ssyncadd.s32 $0xFFFFFF80  }
.Ltmp5:
0xb6: {  	(pc) =	sbr.rel @p1 .LBB2_6-.Ltmp5, $3  }
0xb7: {  	_ =	sdelay $0x1  }
0xb8: {  	_ =	swait.ge [sflag:s10], $0x80  }
0xb9: {  	[sflag:s10] =	ssyncset.done $0x0  }
.LBB2_7:
0xba: {  	[sflag:s10] =	ssyncadd.s32 $0xFFFFFF80;
	s12 =	rddreg [dreg:$0xf]  }
0xbb: {  	[tilespmem:s5], [sflag:$0x5] =	stream.linear.gather [hbm4b:s12+s5], $0x1400, $0x38;
	[tilespmem:$0x1EB00] =	vst v63  }
0xbc: {  	_ =	swait.ge [sflag:s29], $0x1400  }
0xbd: {  	[sflag:s29] =	ssyncset.done $0x0  }
.Ltmp6:
0xbe: {  	s21 =	rddreg [dreg:$0x10];
	[sflag:s29] =	ssyncadd.s32 $0xFFFFEC00;
	(pc) =	sbr.rel @p0 .LBB2_13-.Ltmp6, $4  }
0xbf: {  	[tilespmem:s26], [sflag:$0x5] =	stream.linear.gather [hbm4b:s21+s5], $0x1400, $0x38;
	[tilespmem:$0x1EB00] =	vst v63  }
0xc0: {  	_ =	swait.ge [sflag:s29], $0x1400  }
0xc1: {  	[sflag:s29] =	ssyncset.done $0x0  }
0xc2: {  	[sflag:s29] =	ssyncadd.s32 $0xFFFFEC00  }
0xc3: {  	s12 =	simm.s32 $0x0  }
0xc4: {  	s13 =	simm.s32 $0x400;
	s14 =	simm.s32 $0x0;
	s15 =	simm.s32 $0x0  }
0xc5: {  	[tilespmem:s28], [sflag:$0x1] =	stream.indirect.gather [hbm4b:s1+s31], $0x80, s12, s31, $0xb8;
	[tilespmem:$0x1EB00] =	vst v63  }
.LBB2_9:
0xc6: {  	s17 =	sshrl.u32 s15, $0x2;
	s19 =	sshra.s32 s12, $0x1F  }
0xc7: {  	s19 =	sadd.s32 s19, s17  }
0xc8: {  	s20 =	sand.u32 $0x300, s14;
	s19 =	sshll.u32 s19, $0xA  }
0xc9: {  	s19 =	sor.u32 s19, s20  }
0xca: {  	s17 =	sshll.u32 s17, $0xC;
	s19 =	sor.u32 $0x80, s19  }
0xcb: {  	[tilespmem:s0], [sflag:$0x2] =	stream.indirect.gather [hbm4b:s1+s31], $0x80, s19, s31, $0xb8;
	[tilespmem:$0x1EB00] =	vst v63  }
0xcc: {  	s17 =	sshra.s32 s17, $0x2;
	_ =	swait.ge [sflag:s4], $0x4000  }
0xcd: {  	s17 =	sor.u32 s20, s17;
	[sflag:s4] =	ssyncset.done $0x0  }
0xce: {  	s17 =	sadd.s32 $0x1400, s17;
	[sflag:s4] =	ssyncadd.s32 $0xFFFFC000  }
0xcf: {  	[spmem:s2] =	stream.indirect.scatter.add.f32 [tilespmem:s28], [sflag:$0x5], $0x80, s17, s31, $0xb8;
	[tilespmem:$0x1EB00] =	vst v63  }
0xd0: {  	_ =	swait.ge [sflag:s29], $0x4000  }
0xd1: {  	s12 =	sadd.s32 $0x2, s12;
	[sflag:s29] =	ssyncset.done $0x0  }
0xd2: {  	p1 =	sge.u32 s12, s16;
	[sflag:s29] =	ssyncadd.s32 $0xFFFFC000  }
0xd3: {  	[spmem:s3] =	stream.indirect.scatter.add.f32 [tilespmem:s6], [sflag:$0x4], $0x1, s17, s31, $0xb8;
	[tilespmem:$0x1EB00] =	vst v63  }
0xd4: {  	s20 =	sand.u32 @!p1 $0x7FFFF000, s13;
	s17 =	sadd.s32 @!p1 $0x100, s14  }
0xd5: {  	s20 =	sshrl.u32 @!p1 s20, $0x2;
	s17 =	sand.u32 @!p1 $0x300, s17  }
0xd6: {  	s21 =	simm.s32 @!p1 $0x2800;
	s17 =	sor.u32 @!p1 s17, s20;
	s20 =	simm.s32 @!p1 $0x80  }
0xd7: {  	[tilespmem:s21], [sflag:$0x1] =	stream.indirect.gather @!p1 [hbm4b:s1+s20], $0x80, s17, s20, $0xb8;
	[tilespmem:$0x1EB00] =	vst v63  }
0xd8: {  	_ =	swait.ge [sflag:s7], $0x4000  }
0xd9: {  	[sflag:s7] =	ssyncset.done $0x0  }
0xda: {  	s20 =	sadd.s32 $0x1400, s19;
	[sflag:s7] =	ssyncadd.s32 $0xFFFFC000  }
0xdb: {  	[spmem:s2] =	stream.indirect.scatter.add.f32 [tilespmem:s0], [sflag:$0x5], $0x80, s20, s31, $0xb8;
	[tilespmem:$0x1EB00] =	vst v63  }
0xdc: {  	_ =	swait.ge [sflag:s29], $0x4000  }
0xdd: {  	s15 =	sadd.s32 $0x1, s15;
	s21 =	rddreg [dreg:$0x7]  }
0xde: {  	p1 =	sne.s32 s21, s15  }
.Ltmp7:
0xdf: {  	_ = 	snop;
	(pc) =	sbr.rel @p1 .LBB2_9-.Ltmp7, $4  }
0xe0: {  	_ = 	snop  }
0xe1: {  	[sflag:s29] =	ssyncset.done $0x0  }
0xe2: {  	s13 =	sadd.s32 $0x400, s13;
	s14 =	sadd.s32 $0x100, s14;
	[sflag:s29] =	ssyncadd.s32 $0xFFFFC000  }
0xe3: {  	[spmem:s3] =	stream.indirect.scatter.add.f32 [tilespmem:s6], [sflag:$0x4], $0x1, s20, s31, $0xb8;
	[tilespmem:$0x1EB00] =	vst v63  }
0xe4: {  	p1 =	sne.s32 s24, $0x1  }
.Ltmp8:
0xe5: {  	_ = 	snop;
	(pc) =	sbr.rel @!p1 .LBB2_12-.Ltmp8, $3  }
0xe6: {  	_ =	sdelay $0x1  }
0xe7: {  	_ =	swait.ge [sflag:s10], $0x80  }
0xe8: {  	s12 =	sadd.s32 $0xFFFFFFFF, s24;
	[sflag:s10] =	ssyncset.done $0x0  }
.LBB2_11:
0xe9: {  	p1 =	sne.s32 s12, $0x1;
	s12 =	sadd.s32 $0xFFFFFFFF, s12;
	[sflag:s10] =	ssyncadd.s32 $0xFFFFFF80  }
.Ltmp9:
0xea: {  	(pc) =	sbr.rel @p1 .LBB2_11-.Ltmp9, $3  }
0xeb: {  	_ =	sdelay $0x1  }
0xec: {  	_ =	swait.ge [sflag:s10], $0x80  }
0xed: {  	[sflag:s10] =	ssyncset.done $0x0  }
.Ltmp10:
0xee: {  	_ = 	snop;
	(pc) =	sbr.rel .LBB2_12-.Ltmp10, $1  }
0xef: {  	_ =	sdelay $0x3  }
.LBB2_14:
0xf0: {  	_ =	sfence.sel $0x180000  }
0xf1: {  	[bflag:$0x0] =	sbarrier.arrive $0xFFFF  }
0xf2: {  	_ =	strace $0x90000047  }
0xf3: {  	s0 =	stileid.u32;
	[bflag:$0x2] =	sbarrier.arrive $0xFFFF  }
0xf4: {  	p0 =	sne.s32 s0, $0x0;
	s0 =	rddreg [dreg:$0x5]  }
0xf5: {  	s0 =	sadd.s32 @!p0 $0x100000, s0  }
0xf6: {  	[sflag:s0] =	ssyncadd.tile.s32 @!p0 $0x1;
	_ =	shalt  }
.Lfunc_end2:
_tile_overlayer_lowered:
.L_overlay_start_2:
0xf7: {  	(tag) =	ssettag $0x2  }
0xf8: {  	s0 =	rddreg [dreg:$0x0];
	s2 =	stileid.u32  }
0xf9: {  	s1 =	rddreg [dreg:$0x1];
	p0 =	sne.s32 s2, $0x0  }
0xfa: {  	s3 =	rddreg [dreg:$0x2];
	[bflag:$0x3] =	sbarrier.arrive $0xFFFF;
	s2 =	simm.s32 @!p0 $0x1C05  }
0xfb: {  	[timem:s3], [sflag:s2] =	dma.local @!p0 [hbm:s0], s1  }
0xfc: {  	s0 =	simm.s32 @!p0 $0x5  }
0xfd: {  	_ =	swait.ge @!p0 [sflag:s0], s1  }
0xfe: {  	s1 =	ssub.s32 @!p0 $0x0, s1;
	[sflag:s0] =	ssyncset.done @!p0 $0x0  }
0xff: {  	[sflag:s0] =	ssyncadd.s32 @!p0 s1  }
0x100: {  	[bflag:$0x3] =	sbarrier.arrive $0xFFFF  }
0x101: {  	_ =	shalt  }

// kernel: sage_seg_sum_d64.3.cloned.1.call-start
scs
__scs_entry_jumppad:
0x0: {  	(pc) =	sbr.rel $0x88, $3  }
0x1: {  	(tag) =	ssettag $0x0;
	lr =	simm.s32 $0x1  }
0x2: {  	[smem:$0x3F99] =	sst lr;
	_ =	strace $0xD0000000  }
0x3: {  	_ = 	snop  }
0x4: {  	_ = 	snop  }
0x5: {  	_ = 	snop  }
0x6: {  	_ = 	snop  }
0x7: {  	_ = 	snop  }
__scs_overlays_trampoline_lowered:
0x8: {  	[smem:$0x3FA8] =	sst s0  }
0x9: {  	[smem:$0x3FA9] =	sst s1  }
0xa: {  	[smem:$0x3FAA] =	sst s2  }
0xb: {  	[smem:$0x3FAB] =	sst s3  }
0xc: {  	[smem:$0x3FAC] =	sst s4  }
0xd: {  	[smem:$0x3FAD] =	sst s5  }
0xe: {  	[smem:$0x3FAE] =	sst s6  }
0xf: {  	[smem:$0x3FAF] =	sst s7  }
0x10: {  	[smem:$0x3FB0] =	sst s8  }
0x11: {  	[smem:$0x3FB1] =	sst s9;
	s0 =	simm.s32 @!p0 $0x0  }
0x12: {  	s1 =	sld [smem:$0x3F97];
	s0 =	simm.s32 @p0 $0x1  }
0x13: {  	[smem:$0x3FB2] =	sst s0;
	s0 =	simm.s32 @!p1 $0x0  }
0x14: {  	s2 =	sld [smem:$0x3F96];
	s0 =	simm.s32 @p1 $0x1  }
0x15: {  	[smem:$0x3FB3] =	sst s0;
	s0 =	simm.s32 @!p2 $0x0  }
0x16: {  	s3 =	sld [smem:$0x3FDB];
	s0 =	simm.s32 @p2 $0x1  }
0x17: {  	s4 =	simm.s32 $0x1BF5;
	[smem:$0x3FB5] =	sst s0  }
0x18: {  	s0 =	sld [smem:$0x3F98];
	_ =	swait.ge [sflag:s4], $0x0  }
0x19: {  	s7 =	sld [smem:$0x3F99]  }
0x1a: {  	s8 =	sadd.s32 $0xFFFFE003, lr  }
0x1b: {  	s9 =	sadd.s32 $0xFFFFFEF7, lr;
	s5 =	simm.s32 $0xFFFFFFFF;
	p2 =	slt.u32 s8, $0xFFFFF086  }
0x1c: {  	p1 =	slt.u32 s9, $0xF7A;
	s5 =	simm.s32 @!p2 $0x0  }
0x1d: {  	s5 =	simm.s32 @p1 $0x1;
	p0 =	seq.s32 s7, s2  }
0x1e: {  	s7 =	smul.u32 @!p0 $0xF7A, s2;
	p2 =	seq.s32 @!p0 s5, $0x0  }
0x1f: {  	s9 =	smul.u32 $0xF7A, s1;
	s8 =	simm.s32 @!p0 $0x1BF5;
	p2 =	por !p2, p0  }
0x20: {  	[sflag:s8] =	ssyncset.s32 @!p0 $0xFFFFF086;
	s6 =	sadd.s32 @!p0 s3, s7;
	s7 =	simm.s32 @!p0 $0x108  }
0x21: {  	s3 =	sadd.s32 s3, s9;
	s6 =	sadd.s32 @!p0 $0x88, s6;
	s7 =	simm.s32 @p2 $0x1082  }
0x22: {  	[simem:s7], [sflag:s8] =	dma.local @!p0 [hbm:s6], $0xF7A  }
0x23: {  	s9 =	sor.u32 $0xD0000000, s2;
	s6 =	simm.s32 $0x108;
	_ =	swait.ge @!p0 [sflag:s8], $0x0  }
0x24: {  	s3 =	sadd.s32 $0x88, s3;
	s6 =	simm.s32 @!p1 $0x1082;
	[sflag:s4] =	ssyncset.s32 $0xFFFFF086  }
0x25: {  	[simem:s6], [sflag:s4] =	dma.local [hbm:s3], $0xF7A  }
0x26: {  	[smem:$0x3F99] =	sst s1;
	(tag) =	ssettag s2;
	_ =	strace s9  }
0x27: {  	s1 =	sld [smem:$0x3FA9]  }
0x28: {  	s2 =	sld [smem:$0x3FAA]  }
0x29: {  	s4 =	sld [smem:$0x3FAC]  }
0x2a: {  	p0 =	seq.s32 s5, $0x0;
	s5 =	sld [smem:$0x3FAD]  }
0x2b: {  	s6 =	sld [smem:$0x3FAE]  }
0x2c: {  	s7 =	sld [smem:$0x3FAF]  }
0x2d: {  	s3 =	simm.s32 $0x108;
	s8 =	sld [smem:$0x3FB0]  }
0x2e: {  	s3 =	simm.s32 @!p0 $0x1082;
	s9 =	sld [smem:$0x3FB1]  }
0x2f: {  	lr =	sadd.s32 s0, s3;
	s0 =	sld [smem:$0x3FA8]  }
0x30: {  	s3 =	sld [smem:$0x3FAB]  }
0x31: {  	[smem:$0x3FB4] =	sst s10  }
0x32: {  	s10 =	sld [smem:$0x3FB2];
	_ =	sdelay $0x3  }
0x33: {  	p0 =	seq.s32 s10, $0x1;
	s10 =	sld [smem:$0x3FB4];
	_ =	sdelay $0x3  }
0x34: {  	[smem:$0x3FB4] =	sst s10  }
0x35: {  	s10 =	sld [smem:$0x3FB3];
	_ =	sdelay $0x3  }
0x36: {  	p1 =	seq.s32 s10, $0x1;
	s10 =	sld [smem:$0x3FB4];
	_ =	sdelay $0x3  }
0x37: {  	[smem:$0x3FB4] =	sst s10  }
0x38: {  	s10 =	sld [smem:$0x3FB5]  }
0x39: {  	_ = 	snop;
	(pc) =	sbr.ind lr, $3  }
0x3a: {  	_ = 	snop  }
0x3b: {  	_ = 	snop  }
0x3c: {  	p2 =	seq.s32 s10, $0x1;
	s10 =	sld [smem:$0x3FB4]  }
0x3d: {  	_ =	shalt  }
0x3e: {  	_ =	shalt  }
0x3f: {  	_ =	shalt  }
0x40: {  	_ =	shalt  }
0x41: {  	_ =	shalt  }
0x42: {  	_ =	shalt  }
0x43: {  	_ =	shalt  }
0x44: {  	_ =	shalt  }
0x45: {  	_ =	shalt  }
0x46: {  	_ =	shalt  }
0x47: {  	_ =	shalt  }
0x48: {  	_ =	shalt  }
0x49: {  	_ =	shalt  }
0x4a: {  	_ =	shalt  }
0x4b: {  	_ =	shalt  }
0x4c: {  	_ =	shalt  }
0x4d: {  	_ =	shalt  }
0x4e: {  	_ =	shalt  }
0x4f: {  	_ =	shalt  }
0x50: {  	_ =	shalt  }
0x51: {  	_ =	shalt  }
0x52: {  	_ =	shalt  }
0x53: {  	_ =	shalt  }
0x54: {  	_ =	shalt  }
0x55: {  	_ =	shalt  }
0x56: {  	_ =	shalt  }
0x57: {  	_ =	shalt  }
0x58: {  	_ =	shalt  }
0x59: {  	_ =	shalt  }
0x5a: {  	_ =	shalt  }
0x5b: {  	_ =	shalt  }
0x5c: {  	_ =	shalt  }
0x5d: {  	_ =	shalt  }
0x5e: {  	_ =	shalt  }
0x5f: {  	_ =	shalt  }
0x60: {  	_ =	shalt  }
0x61: {  	_ =	shalt  }
0x62: {  	_ =	shalt  }
0x63: {  	_ =	shalt  }
0x64: {  	_ =	shalt  }
0x65: {  	_ =	shalt  }
0x66: {  	_ =	shalt  }
0x67: {  	_ =	shalt  }
0x68: {  	_ =	shalt  }
0x69: {  	_ =	shalt  }
0x6a: {  	_ =	shalt  }
0x6b: {  	_ =	shalt  }
0x6c: {  	_ =	shalt  }
0x6d: {  	_ =	shalt  }
0x6e: {  	_ =	shalt  }
0x6f: {  	_ =	shalt  }
0x70: {  	_ =	shalt  }
0x71: {  	_ =	shalt  }
0x72: {  	_ =	shalt  }
0x73: {  	_ =	shalt  }
0x74: {  	_ =	shalt  }
0x75: {  	_ =	shalt  }
0x76: {  	_ =	shalt  }
0x77: {  	_ =	shalt  }
0x78: {  	_ =	shalt  }
0x79: {  	_ =	shalt  }
0x7a: {  	_ =	shalt  }
0x7b: {  	_ =	shalt  }
0x7c: {  	_ =	shalt  }
0x7d: {  	_ =	shalt  }
0x7e: {  	_ =	shalt  }
0x7f: {  	_ =	shalt  }
0x80: {  	_ =	shalt  }
0x81: {  	_ =	shalt  }
0x82: {  	_ =	shalt  }
0x83: {  	_ =	shalt  }
0x84: {  	_ =	shalt  }
0x85: {  	_ =	shalt  }
0x86: {  	_ =	shalt  }
0x87: {  	_ =	shalt  }
.Lfunc_end0:
.L_simem_size_0:
called_computation.1_lowered:
.L_overlay_start_0:
0x88: {  	s2 =	sld [smem:$0x3FD9]  }
0x89: {  	s3 =	sld [smem:$0x3FFE];
	_ =	sdelay $0x1  }
0x8a: {  	s1 =	srdreg.scid  }
0x8b: {  	s0 =	sand.u32 $0x1, s1  }
0x8c: {  	s17 =	sshll.u32 s0, $0xA;
	s2 =	sadd.s32 s3, s2  }
0x8d: {  	s2 =	sadd.s32 s2, s17  }
0x8e: {  	[smem:$0x3FC0] =	sst s2  }
0x8f: {  	_ = 	snop  }
0x90: {  	s2 =	sld [smem:$0x3FD0];
	(tm) =	ssettm $0x1  }
0x91: {  	s18 =	sld [smem:$0x3FFB];
	_ =	sdelay $0x3  }
0x92: {  	_ =	strace s18  }
0x93: {  	s3 =	sld [smem:$0x3FFC];
	_ =	sdelay $0x3  }
0x94: {  	_ =	strace s3  }
0x95: {  	s3 =	sld [smem:$0x3FFD];
	_ =	sdelay $0x3  }
0x96: {  	_ =	strace s3  }
0x97: {  	_ =	strace $0x8FFFFFFF  }
0x98: {  	s19 =	sld [smem:$0x3FDB];
	_ =	sdelay $0x1  }
0x99: {  	s4 =	simm.s32 $_scs_section_size  }
0x9a: {  	s5 =	simm.s32 $_size__tile_overlayer_lowered;
	s6 =	simm.s32 $_tile_overlayer_lowered  }
0x9b: {  	s22 =	simm.s32 $0x1BFF;
	s21 =	sshll.u32 s6, $0x1;
	s3 =	sadd.s32 s4, s19  }
0x9c: {  	s7 =	simm.s32 $0x0;
	s20 =	sshll.u32 s5, $0x1;
	s5 =	sadd.s32 s21, s3  }
0x9d: {  	[timem:s7], [sflag:s22] =	dma.local [hbm:s5], s20  }
0x9e: {  	_ =	swait.ge [sflag:s22], s20  }
0x9f: {  	s4 =	ssub.s32 $0x0, s20;
	[sflag:s22] =	ssyncset.done $0x0  }
0xa0: {  	[sflag:s22] =	ssyncadd.s32 s4;
	_ =	sdelay $0x1  }
0xa1: {  	s23 =	simm.s32 $0x1B8B  }
0xa2: {  	_ =	swait.ge [sflag:s23], $0x1  }
0xa3: {  	[sflag:s23] =	ssyncset.done $0x0  }
0xa4: {  	s25 =	simm.s32 $0x1B8E;
	s24 =	sld [smem:$0x3FFE];
	[sflag:s23] =	ssyncadd.s32 $0xFFFFFFFF  }
0xa5: {  	s26 =	simm.s32 $execute0_lowered;
	[smem:$0x3FD2] =	sst s25  }
0xa6: {  	s5 =	sshll.u32 s26, $0x1;
	_ =	strace $0x80000049;
	[dreg:$0x1] =	wrdreg $0xFFFFFFFF  }
0xa7: {  	s28 =	simm.s32 $_size_execute0_lowered;
	s3 =	sadd.s32 s3, s5;
	[dreg:$0x0] =	wrdreg $0x0  }
0xa8: {  	s5 =	sshll.u32 s28, $0x1;
	[dreg:$0x2] =	wrdreg s3  }
0xa9: {  	[dreg:$0x3] =	wrdreg s5  }
0xaa: {  	[dreg:$0x4] =	wrdreg $0xC0  }
0xab: {  	_ =	task [dreg:s7], $0x5FFFF  }
0xac: {  	[dreg:$0x1] =	wrdreg $0xFFFFFFFF  }
0xad: {  	[dreg:$0x0] =	wrdreg $0x60  }
0xae: {  	[dreg:$0x2] =	wrdreg s2  }
0xaf: {  	[dreg:$0x3] =	wrdreg s24  }
0xb0: {  	[dreg:$0x4] =	wrdreg $0x68000  }
0xb1: {  	[dreg:$0x5] =	wrdreg $0x9  }
0xb2: {  	_ =	task.clear_ibuf [dreg:s7], $0x6FFFF;
	_ =	strace $0x90000049  }
0xb3: {  	s29 =	simm.s32 $0x9;
	_ =	strace $0x8000004B  }
0xb4: {  	_ =	swait.ge [sflag:s29], $0x1  }
0xb5: {  	[sflag:s29] =	ssyncadd.s32 $0xFFFFFFFF  }
0xb6: {  	_ =	strace $0x9000004B  }
0xb7: {  	_ =	sfence  }
0xb8: {  	s30 =	sld [smem:$0x0];
	_ =	sdelay $0x2  }
0xb9: {  	s31 =	sshll.u32 s1, $0xD;
	s1 =	sshrl.u32 s1, $0x2  }
0xba: {  	s3 =	sand.u32 $0x4000, s31;
	s1 =	sadd.s32 s1, s30  }
0xbb: {  	s0 =	sor.u32 s3, s0;
	s1 =	sshll.u32 s1, $0x11  }
0xbc: {  	s0 =	sor.u32 s1, s0  }
0xbd: {  	s0 =	sadd.s32 $0x8F2B, s0  }
0xbe: {  	[sflag:s0] =	ssyncadd.remote.s32 $0x1  }
0xbf: {  	_ =	sfence.sel $0xFFFF  }
0xc0: {  	[dreg:$0x0] =	wrdreg $0xFFFFFFFF;
	(pc) =	sbr.abs _section_cstart, $3  }
0xc1: {  	[dreg:$0x1] =	wrdreg $0xFFFFFFFF  }
0xc2: {  	_ =	task.clear_ibuf [dreg:s7], $0x2FFFF;
	_ =	strace $0x9FFFFFFF  }
0xc3: {  	(tm) =	ssettm $0x7FFFFFFF  }
tec
execute0_lowered:
.L_overlay_start_1:
0x0: {  	(tag) =	ssettag $0x1  }
0x1: {  	s1 =	rddreg [dreg:$0x0]  }
0x2: {  	s0 =	rddreg [dreg:$0x1]  }
0x3: {  	s3 =	rddreg [dreg:$0x2]  }
0x4: {  	s4 =	simm.s32 $0x0;
	s5 =	srdreg.scid;
	s2 =	stileid.u32  }
0x5: {  	s13 =	simm.s32 $0x14;
	s20 =	simm.s32 $0x4;
	s21 =	simm.s32 $0x3  }
0x6: {  	s22 =	simm.s32 $0x80;
	s23 =	simm.s32 $0x4800;
	s24 =	simm.s32 $0x1  }
0x7: {  	[smem:$0x7FF] =	sst s4;
	s5 =	sand.u32 $0x1, s5;
	s7 =	smul.u32 $0xA000, s2  }
0x8: {  	s14 =	sadd.s32 $0xC400, s0;
	s15 =	sadd.s32 $0x2400, s0;
	s11 =	smul.u32 $0x28000, s2  }
0x9: {  	s6 =	smul.u32 $0xA0000, s5;
	s8 =	sshll.u32 s5, $0x4;
	s5 =	ssub.s32 $0x2, s5  }
0xa: {  	_ =	strace $0x8000004A;
	s9 =	sor.u32 s2, s8;
	s10 =	sshrl.u32 s5, $0x1  }
0xb: {  	s28 =	sshrl.u32 s11, $0x2;
	s6 =	sadd.s32 s7, s6;
	s8 =	smul.u32 $0x500, s9  }
0xc: {  	s17 =	ssub.s32 s5, s10;
	s7 =	sadd.s32 s7, s3;
	s11 =	sadd.s32 s28, s3  }
0xd: {  	p0 =	seq.s32 s9, $0x1F;
	s12 =	smul.u32 $0x2800, s9;
	s6 =	sshrl.u32 s6, $0x3  }
0xe: {  	s13 =	simm.s32 @!p0 $0x50;
	s9 =	sadd.s32 $0x4000, s11;
	s10 =	sadd.s32 $0x6000, s11  }
0xf: {  	s17 =	smax.u32 s17, $0x1;
	s0 =	sadd.s32 s6, s0;
	s25 =	sadd.s32 s14, s8  }
0x10: {  	s26 =	sadd.s32 s15, s8;
	s8 =	sadd.s32 $0x2000, s11;
	s16 =	smax.u32 s13, $0x28  }
0x11: {  	s11 =	sadd.s32 $0x8000, s11;
	s18 =	sshrl.u32 s12, $0x3;
	[dreg:$0x6] =	wrdreg s25  }
0x12: {  	s13 =	smin.u32 s13, $0x28;
	[dreg:$0x7] =	wrdreg s26;
	s12 =	sadd.s32 $0xFFFFFFD8, s16  }
.Ltmp0:
0x13: {  	s29 =	sadd.s32 $0x280, s18;
	s19 =	sshrl.u32 s13, $0x1;
	(pc) =	sbr.rel .LBB2_1-.Ltmp0, $4  }
0x14: {  	s16 =	sadd.s32 $0x16400, s0;
	s25 =	simm.s32 $0x2;
	s26 =	simm.s32 $0x0  }
0x15: {  	s30 =	sshrl.u32 s12, $0x1;
	s14 =	sadd.s32 s14, s29;
	s31 =	sadd.s32 $0xFFFFFFFF, s19  }
0x16: {  	s15 =	sadd.s32 s15, s29;
	s18 =	smax.u32 s30, $0x1;
	[dreg:$0x4] =	wrdreg s31  }
0x17: {  	v0 =	vimm.f32 $0.0e+00;
	s19 =	simm.s32 $0x2800;
	[dreg:$0x5] =	wrdreg s18;
	s18 =	simm.s32 $0x1400  }
.LBB2_8:
0x18: {  	s0 =	stileid.u32;
	s26 =	sadd.s32 $0x1, s26  }
0x19: {  	[bflag:$0x0] =	sbarrier.arrive $0xFFFF;
	s0 =	sshll.u32 s0, $0x6;
	p1 =	sne.s32 s26, s17  }
.Ltmp1:
0x1a: {  	s2 =	sshrl.u32 s7, $0x3;
	s0 =	sor.u32 $0x1C04, s0;
	(pc) =	sbr.rel @!p1 .LBB2_9-.Ltmp1, $4  }
0x1b: {  	[hbm:s16], [sflag:s0] =	dma.local [spmem:s2], $0x1400  }
0x1c: {  	_ =	swait.ge [sflag:s20], $0x1400  }
0x1d: {  	[sflag:s20] =	ssyncset.done $0x0  }
0x1e: {  	[sflag:s20] =	ssyncadd.s32 $0xFFFFEC00  }
.LBB2_1:
0x1f: {  	s0 =	rddreg [dreg:$0x6]  }
0x20: {  	[tilespmem:s4], [sflag:$0x3] =	stream.linear.gather [hbm4b:s0+s4], $0x1400, $0x38;
	[tilespmem:$0x10800] =	vst v63  }
0x21: {  	s31 =	rddreg [dreg:$0x7];
	s28 =	simm.s32 $0x100;
	s0 =	simm.s32 $0x0  }
0x22: {  	[tilespmem:s18], [sflag:$0x3] =	stream.linear.gather [hbm4b:s31+s4], $0x1400, $0x38;
	[tilespmem:$0x10800] =	vst v63  }
.LBB2_2:
0x23: {  	p1 =	sne.s32 s28, $0x7F00;
	[tilespmem:s0+$0x2830] =	vst v0;
	s29 =	smov.u32 s28;
	s28 =	sadd.s32 $0x100, s28  }
.Ltmp2:
0x24: {  	[tilespmem:s0+$0x2820] =	vst v0;
	(pc) =	sbr.rel @p1 .LBB2_2-.Ltmp2, $3  }
0x25: {  	[tilespmem:s0+$0x2800] =	vst v0  }
0x26: {  	[tilespmem:s0+$0x2810] =	vst v0;
	_ =	sdelay $0x1  }
0x27: {  	s0 =	sshra.s32 s29, $0x2  }
0x28: {  	[tilespmem:s0+$0x2830] =	vst v0  }
0x29: {  	[tilespmem:s0+$0x2820] =	vst v0  }
0x2a: {  	[tilespmem:s0+$0x2800] =	vst v0  }
0x2b: {  	[tilespmem:s0+$0x2810] =	vst v0  }
0x2c: {  	[spmem:s7] =	stream.linear.scatter [tilespmem:s19], [sflag:$0x4], $0x2000, $0x38;
	[tilespmem:$0x10800] =	vst v63  }
0x2d: {  	_ =	swait.ge [sflag:s20], $0x2000  }
0x2e: {  	[sflag:s20] =	ssyncset.done $0x0  }
0x2f: {  	[sflag:s20] =	ssyncadd.s32 $0xFFFFE000  }
0x30: {  	[spmem:s8] =	stream.linear.scatter [tilespmem:s19], [sflag:$0x4], $0x2000, $0x38;
	[tilespmem:$0x10800] =	vst v63  }
0x31: {  	_ =	swait.ge [sflag:s20], $0x2000  }
0x32: {  	[sflag:s20] =	ssyncset.done $0x0  }
0x33: {  	[sflag:s20] =	ssyncadd.s32 $0xFFFFE000  }
0x34: {  	[spmem:s9] =	stream.linear.scatter [tilespmem:s19], [sflag:$0x4], $0x2000, $0x38;
	[tilespmem:$0x10800] =	vst v63  }
0x35: {  	_ =	swait.ge [sflag:s20], $0x2000  }
0x36: {  	[sflag:s20] =	ssyncset.done $0x0  }
0x37: {  	[sflag:s20] =	ssyncadd.s32 $0xFFFFE000  }
0x38: {  	[spmem:s10] =	stream.linear.scatter [tilespmem:s19], [sflag:$0x4], $0x2000, $0x38;
	[tilespmem:$0x10800] =	vst v63  }
0x39: {  	_ =	swait.ge [sflag:s20], $0x2000  }
0x3a: {  	[sflag:s20] =	ssyncset.done $0x0  }
0x3b: {  	[sflag:s20] =	ssyncadd.s32 $0xFFFFE000  }
0x3c: {  	[spmem:s11] =	stream.linear.scatter [tilespmem:s19], [sflag:$0x4], $0x2000, $0x38;
	[tilespmem:$0x10800] =	vst v63  }
0x3d: {  	_ =	swait.ge [sflag:s20], $0x2000  }
0x3e: {  	[sflag:s20] =	ssyncset.done $0x0  }
0x3f: {  	[sflag:s20] =	ssyncadd.s32 $0xFFFFE000  }
0x40: {  	[bflag:$0x0] =	sbarrier.arrive $0xFFFF  }
0x41: {  	_ =	swait.ge [sflag:s21], $0x1400  }
0x42: {  	[sflag:s21] =	ssyncset.done $0x0  }
0x43: {  	[sflag:s21] =	ssyncadd.s32 $0xFFFFEC00  }
0x44: {  	_ =	swait.ge [sflag:s21], $0x1400  }
0x45: {  	s28 =	simm.s32 $0x0;
	s29 =	simm.s32 $0x400;
	[sflag:s21] =	ssyncset.done $0x0  }
0x46: {  	s31 =	simm.s32 $0x2;
	s30 =	simm.s32 $0x0;
	[sflag:s21] =	ssyncadd.s32 $0xFFFFEC00  }
0x47: {  	[tilespmem:s19], [sflag:$0x1] =	stream.indirect.gather [hbm4b:s1+s22], $0x40, s28, s22, $0xb8;
	[tilespmem:$0x10800] =	vst v63  }
.LBB2_4:
0x48: {  	s0 =	smov.u32 s31;
	s31 =	sadd.s32 $0xFFFFFFFE, s31  }
0x49: {  	s2 =	sshrl.u32 s30, $0x2;
	s31 =	sshra.s32 s31, $0x1F  }
0x4a: {  	s31 =	sadd.s32 s31, s2  }
0x4b: {  	s5 =	sand.u32 $0x300, s28;
	s31 =	sshll.u32 s31, $0xA  }
0x4c: {  	s31 =	sor.u32 s31, s5  }
0x4d: {  	s2 =	sshll.u32 s2, $0xC;
	s31 =	sor.u32 $0x80, s31  }
0x4e: {  	[tilespmem:s23], [sflag:$0x2] =	stream.indirect.gather [hbm4b:s1+s22], $0x40, s31, s22, $0xb8;
	[tilespmem:$0x10800] =	vst v63  }
0x4f: {  	s2 =	sshra.s32 s2, $0x2;
	_ =	swait.ge [sflag:s24], $0x2000  }
0x50: {  	p1 =	sge.u32 s0, s13;
	s2 =	sor.u32 s5, s2;
	[sflag:s24] =	ssyncset.done $0x0  }
0x51: {  	s6 =	simm.s32 @!p1 $0x2800;
	s2 =	sadd.s32 $0x1400, s2;
	[sflag:s24] =	ssyncadd.s32 $0xFFFFE000  }
0x52: {  	[spmem:s3] =	stream.indirect.scatter.add.f32 [tilespmem:s19], [sflag:$0x4], $0x40, s2, s22, $0xb8;
	[tilespmem:$0x10800] =	vst v63  }
0x53: {  	s5 =	sand.u32 @!p1 $0x7FFFF000, s29;
	s2 =	sadd.s32 @!p1 $0x100, s28;
	_ =	swait.ge [sflag:s20], $0x2000  }
0x54: {  	s5 =	sshrl.u32 @!p1 s5, $0x2;
	s2 =	sand.u32 @!p1 $0x300, s2;
	[sflag:s20] =	ssyncset.done $0x0  }
0x55: {  	s2 =	sor.u32 @!p1 s2, s5;
	s5 =	simm.s32 @!p1 $0x80;
	[sflag:s20] =	ssyncadd.s32 $0xFFFFE000  }
0x56: {  	[tilespmem:s6], [sflag:$0x1] =	stream.indirect.gather @!p1 [hbm4b:s1+s5], $0x40, s2, s5, $0xb8;
	[tilespmem:$0x10800] =	vst v63  }
0x57: {  	_ =	swait.ge [sflag:s25], $0x2000  }
0x58: {  	[sflag:s25] =	ssyncset.done $0x0  }
0x59: {  	s5 =	sadd.s32 $0x1400, s31;
	[sflag:s25] =	ssyncadd.s32 $0xFFFFE000  }
0x5a: {  	[spmem:s3] =	stream.indirect.scatter.add.f32 [tilespmem:s23], [sflag:$0x4], $0x40, s5, s22, $0xb8;
	[tilespmem:$0x10800] =	vst v63  }
0x5b: {  	_ =	swait.ge [sflag:s20], $0x2000  }
0x5c: {  	s30 =	sadd.s32 $0x1, s30;
	s6 =	rddreg [dreg:$0x4]  }
0x5d: {  	p1 =	sne.s32 s6, s30  }
.Ltmp3:
0x5e: {  	_ = 	snop;
	(pc) =	sbr.rel @p1 .LBB2_4-.Ltmp3, $3  }
0x5f: {  	_ =	sdelay $0x1  }
0x60: {  	s29 =	sadd.s32 $0x400, s29;
	[sflag:s20] =	ssyncset.done $0x0  }
0x61: {  	s28 =	sadd.s32 $0x100, s28;
	s31 =	sadd.s32 $0x2, s0;
	[sflag:s20] =	ssyncadd.s32 $0xFFFFE000  }
0x62: {  	s2 =	sshrl.u32 s30, $0x2;
	s0 =	sshra.s32 s0, $0x1F  }
0x63: {  	s0 =	sadd.s32 s0, s2  }
0x64: {  	s5 =	sand.u32 $0x300, s28;
	s0 =	sshll.u32 s0, $0xA  }
0x65: {  	s0 =	sor.u32 s0, s5  }
0x66: {  	s2 =	sshll.u32 s2, $0xC;
	s0 =	sor.u32 $0x80, s0  }
0x67: {  	[tilespmem:s23], [sflag:$0x2] =	stream.indirect.gather [hbm4b:s1+s22], $0x40, s0, s22, $0xb8;
	[tilespmem:$0x10800] =	vst v63  }
0x68: {  	s2 =	sshra.s32 s2, $0x2;
	_ =	swait.ge [sflag:s24], $0x2000  }
0x69: {  	p1 =	sge.u32 s31, s13;
	s2 =	sor.u32 s5, s2;
	[sflag:s24] =	ssyncset.done $0x0  }
0x6a: {  	s6 =	simm.s32 @!p1 $0x2800;
	s2 =	sadd.s32 $0x1400, s2;
	[sflag:s24] =	ssyncadd.s32 $0xFFFFE000  }
0x6b: {  	[spmem:s3] =	stream.indirect.scatter.add.f32 [tilespmem:s19], [sflag:$0x4], $0x40, s2, s22, $0xb8;
	[tilespmem:$0x10800] =	vst v63  }
0x6c: {  	s5 =	sand.u32 @!p1 $0x7FFFF000, s29;
	s2 =	sadd.s32 @!p1 $0x100, s28;
	_ =	swait.ge [sflag:s20], $0x2000  }
0x6d: {  	s5 =	sshrl.u32 @!p1 s5, $0x2;
	s2 =	sand.u32 @!p1 $0x300, s2;
	[sflag:s20] =	ssyncset.done $0x0  }
0x6e: {  	s2 =	sor.u32 @!p1 s2, s5;
	s5 =	simm.s32 @!p1 $0x80;
	[sflag:s20] =	ssyncadd.s32 $0xFFFFE000  }
0x6f: {  	[tilespmem:s6], [sflag:$0x1] =	stream.indirect.gather @!p1 [hbm4b:s1+s5], $0x40, s2, s5, $0xb8;
	[tilespmem:$0x10800] =	vst v63  }
0x70: {  	_ =	swait.ge [sflag:s25], $0x2000  }
0x71: {  	[sflag:s25] =	ssyncset.done $0x0  }
0x72: {  	s0 =	sadd.s32 $0x1400, s0;
	[sflag:s25] =	ssyncadd.s32 $0xFFFFE000  }
0x73: {  	[spmem:s3] =	stream.indirect.scatter.add.f32 [tilespmem:s23], [sflag:$0x4], $0x40, s0, s22, $0xb8;
	[tilespmem:$0x10800] =	vst v63  }
0x74: {  	_ =	swait.ge [sflag:s20], $0x2000  }
0x75: {  	[sflag:s20] =	ssyncset.done $0x0  }
0x76: {  	[sflag:s20] =	ssyncadd.s32 $0xFFFFE000  }
0x77: {  	[tilespmem:s4], [sflag:$0x4] =	stream.linear.gather [hbm4b:s14+s4], $0x1400, $0x38;
	[tilespmem:$0x10800] =	vst v63  }
0x78: {  	_ =	swait.ge [sflag:s20], $0x1400  }
0x79: {  	[sflag:s20] =	ssyncset.done $0x0  }
.Ltmp4:
0x7a: {  	[sflag:s20] =	ssyncadd.s32 $0xFFFFEC00;
	(pc) =	sbr.rel @p0 .LBB2_8-.Ltmp4, $4  }
0x7b: {  	[tilespmem:s18], [sflag:$0x4] =	stream.linear.gather [hbm4b:s15+s4], $0x1400, $0x38;
	[tilespmem:$0x10800] =	vst v63  }
0x7c: {  	_ =	swait.ge [sflag:s20], $0x1400  }
0x7d: {  	[sflag:s20] =	ssyncset.done $0x0  }
0x7e: {  	[sflag:s20] =	ssyncadd.s32 $0xFFFFEC00  }
0x7f: {  	s28 =	simm.s32 $0x0  }
0x80: {  	s29 =	simm.s32 $0x400;
	s30 =	simm.s32 $0x0;
	s31 =	simm.s32 $0x0  }
0x81: {  	[tilespmem:s19], [sflag:$0x1] =	stream.indirect.gather [hbm4b:s1+s22], $0x40, s28, s22, $0xb8;
	[tilespmem:$0x10800] =	vst v63  }
.LBB2_7:
0x82: {  	s0 =	sshrl.u32 s31, $0x2;
	s2 =	sshra.s32 s28, $0x1F  }
0x83: {  	s2 =	sadd.s32 s2, s0  }
0x84: {  	s5 =	sand.u32 $0x300, s30;
	s2 =	sshll.u32 s2, $0xA  }
0x85: {  	s2 =	sor.u32 s2, s5  }
0x86: {  	s0 =	sshll.u32 s0, $0xC;
	s2 =	sor.u32 $0x80, s2  }
0x87: {  	[tilespmem:s23], [sflag:$0x2] =	stream.indirect.gather [hbm4b:s1+s22], $0x40, s2, s22, $0xb8;
	[tilespmem:$0x10800] =	vst v63  }
0x88: {  	s28 =	sadd.s32 $0x2, s28;
	s0 =	sshra.s32 s0, $0x2;
	_ =	swait.ge [sflag:s24], $0x2000  }
0x89: {  	p1 =	sge.u32 s28, s12;
	s0 =	sor.u32 s5, s0;
	[sflag:s24] =	ssyncset.done $0x0  }
0x8a: {  	s6 =	simm.s32 @!p1 $0x2800;
	s0 =	sadd.s32 $0x1400, s0;
	[sflag:s24] =	ssyncadd.s32 $0xFFFFE000  }
0x8b: {  	[spmem:s3] =	stream.indirect.scatter.add.f32 [tilespmem:s19], [sflag:$0x4], $0x40, s0, s22, $0xb8;
	[tilespmem:$0x10800] =	vst v63  }
0x8c: {  	s5 =	sand.u32 @!p1 $0x7FFFF000, s29;
	s0 =	sadd.s32 @!p1 $0x100, s30;
	_ =	swait.ge [sflag:s20], $0x2000  }
0x8d: {  	s5 =	sshrl.u32 @!p1 s5, $0x2;
	s0 =	sand.u32 @!p1 $0x300, s0;
	[sflag:s20] =	ssyncset.done $0x0  }
0x8e: {  	s0 =	sor.u32 @!p1 s0, s5;
	s5 =	simm.s32 @!p1 $0x80;
	[sflag:s20] =	ssyncadd.s32 $0xFFFFE000  }
0x8f: {  	[tilespmem:s6], [sflag:$0x1] =	stream.indirect.gather @!p1 [hbm4b:s1+s5], $0x40, s0, s5, $0xb8;
	[tilespmem:$0x10800] =	vst v63  }
0x90: {  	_ =	swait.ge [sflag:s25], $0x2000  }
0x91: {  	[sflag:s25] =	ssyncset.done $0x0  }
0x92: {  	s5 =	sadd.s32 $0x1400, s2;
	[sflag:s25] =	ssyncadd.s32 $0xFFFFE000  }
0x93: {  	[spmem:s3] =	stream.indirect.scatter.add.f32 [tilespmem:s23], [sflag:$0x4], $0x40, s5, s22, $0xb8;
	[tilespmem:$0x10800] =	vst v63  }
0x94: {  	_ =	swait.ge [sflag:s20], $0x2000  }
0x95: {  	s31 =	sadd.s32 $0x1, s31;
	s6 =	rddreg [dreg:$0x5]  }
0x96: {  	p1 =	sne.s32 s6, s31  }
.Ltmp5:
0x97: {  	_ = 	snop;
	(pc) =	sbr.rel @p1 .LBB2_7-.Ltmp5, $3  }
0x98: {  	_ =	sdelay $0x1  }
0x99: {  	[sflag:s20] =	ssyncset.done $0x0  }
0x9a: {  	s29 =	sadd.s32 $0x400, s29;
	s30 =	sadd.s32 $0x100, s30;
	[sflag:s20] =	ssyncadd.s32 $0xFFFFE000  }
.Ltmp6:
0x9b: {  	_ = 	snop;
	(pc) =	sbr.rel .LBB2_8-.Ltmp6, $1  }
0x9c: {  	_ =	sdelay $0x3  }
.LBB2_9:
0x9d: {  	_ =	sfence.sel $0x180000  }
0x9e: {  	[bflag:$0x0] =	sbarrier.arrive $0xFFFF  }
0x9f: {  	_ =	strace $0x9000004A  }
0xa0: {  	s0 =	stileid.u32;
	[bflag:$0x2] =	sbarrier.arrive $0xFFFF  }
0xa1: {  	p0 =	sne.s32 s0, $0x0;
	s0 =	rddreg [dreg:$0x3]  }
0xa2: {  	s0 =	sadd.s32 @!p0 $0x100000, s0  }
0xa3: {  	[sflag:s0] =	ssyncadd.tile.s32 @!p0 $0x1;
	_ =	shalt  }
.Lfunc_end2:
_tile_overlayer_lowered:
.L_overlay_start_2:
0xa4: {  	(tag) =	ssettag $0x2  }
0xa5: {  	s0 =	rddreg [dreg:$0x0];
	s2 =	stileid.u32  }
0xa6: {  	s1 =	rddreg [dreg:$0x1];
	p0 =	sne.s32 s2, $0x0  }
0xa7: {  	s3 =	rddreg [dreg:$0x2];
	[bflag:$0x3] =	sbarrier.arrive $0xFFFF;
	s2 =	simm.s32 @!p0 $0x1C04  }
0xa8: {  	[timem:s3], [sflag:s2] =	dma.local @!p0 [hbm:s0], s1  }
0xa9: {  	s0 =	simm.s32 @!p0 $0x4  }
0xaa: {  	_ =	swait.ge @!p0 [sflag:s0], s1  }
0xab: {  	s1 =	ssub.s32 @!p0 $0x0, s1;
	[sflag:s0] =	ssyncset.done @!p0 $0x0  }
0xac: {  	[sflag:s0] =	ssyncadd.s32 @!p0 s1  }
0xad: {  	[bflag:$0x3] =	sbarrier.arrive $0xFFFF  }
0xae: {  	_ =	shalt  }

</sc_bundles>
